<compile_context>
chip_gen: v7x
topology: tpu7x:2x2x1
jax: 0.10.2.dev20260603
libtpu: 0.0.44.dev20260713+nightly
codegen_flags: <defaults>
</compile_context>

<pallas_src>
import functools

import jax
import jax.numpy as jnp
from jax import lax
from jax.experimental import pallas as pl
from jax.experimental.pallas import tpu as pltpu
from jax.experimental.pallas import tpu_sc as plsc

BT = 128
NC, NS = 2, 16
NW = NC * NS


def _sc_dispatch(hidden, slot_of_token, tkw, t_pad):
    T, D = hidden.shape
    chunk = t_pad // NW
    n_tok_vecs = T // 16
    mesh = plsc.VectorSubcoreMesh(core_axis_name="c", subcore_axis_name="s")

    @functools.partial(
        pl.kernel,
        mesh=mesh,
        out_type=(
            jax.ShapeDtypeStruct((t_pad, D), jnp.float32),
            jax.ShapeDtypeStruct((t_pad, 1), jnp.float32),
        ),
        scratch_types=[
            pltpu.VMEM((T,), jnp.int32),
            pltpu.VMEM((T,), jnp.float32),
            pltpu.VMEM((chunk,), jnp.int32),
            pltpu.VMEM((chunk, 1), jnp.float32),
            pltpu.VMEM((chunk, D), jnp.float32),
            pltpu.SemaphoreType.DMA,
        ],
        compiler_params=pltpu.CompilerParams(needs_layout_passes=False),
    )
    def dispatch_k(hid_hbm, slots_hbm, tkw_hbm, xout_hbm, wout_hbm,
                   slots_v, tkw_v, idx_v, w_v, rows_v, sem):
        wid = lax.axis_index("s") * NC + lax.axis_index("c")
        base = wid * chunk
        pltpu.sync_copy(slots_hbm, slots_v)
        pltpu.sync_copy(tkw_hbm, tkw_v)
        lane = lax.iota(jnp.int32, 16)
        zeros16 = jnp.zeros((16,), jnp.float32)
        zcol = jnp.zeros((16,), jnp.int32)
        for j in range(chunk // 16):
            idx_v[pl.ds(j * 16, 16)] = lax.rem(base + j * 16 + lane, T)
            plsc.store_scatter(w_v, [j * 16 + lane, zcol], zeros16)
        for j in range(n_tok_vecs):
            s = slots_v[pl.ds(j * 16, 16)]
            m = (s >= base) & (s < base + chunk)
            loc = jnp.where(m, s - base, 0)
            plsc.store_scatter(idx_v, [loc], j * 16 + lane, mask=m)
            plsc.store_scatter(w_v, [loc, zcol], tkw_v[pl.ds(j * 16, 16)],
                               mask=m)
        pltpu.async_copy(hid_hbm.at[idx_v], rows_v, sem).wait()
        pltpu.sync_copy(rows_v, xout_hbm.at[pl.ds(base, chunk)])
        pltpu.sync_copy(w_v, wout_hbm.at[pl.ds(base, chunk)])

    return dispatch_k(hidden, slot_of_token, tkw)


def _sc_row_gather(table, idx, out_rows):
    D = table.shape[1]
    b_per_w = out_rows // NW
    chunk_rows = b_per_w
    n_chunks = 1
    mesh = plsc.VectorSubcoreMesh(core_axis_name="c", subcore_axis_name="s")

    @functools.partial(
        pl.kernel,
        mesh=mesh,
        out_type=jax.ShapeDtypeStruct((out_rows, D), jnp.float32),
        scratch_types=[
            pltpu.VMEM((chunk_rows,), jnp.int32),
            pltpu.VMEM((chunk_rows, D), jnp.float32),
            pltpu.SemaphoreType.DMA,
        ],
    )
    def gather_k(table_hbm, idx_hbm, out_hbm, idx_v, rows_v, sem):
        wid = lax.axis_index("s") * NC + lax.axis_index("c")
        base = wid * b_per_w
        for c in range(n_chunks):
            off = base + c * chunk_rows
            pltpu.sync_copy(idx_hbm.at[pl.ds(off, chunk_rows)], idx_v)
            pltpu.async_copy(table_hbm.at[idx_v], rows_v, sem).wait()
            pltpu.sync_copy(rows_v, out_hbm.at[pl.ds(off, chunk_rows)])

    return gather_k(table, idx)


def _moe_mlp_body(be_ref, bv_ref, bx_ref, x_ref, gu_ref, dn_ref, w_ref, o_ref):
    b = pl.program_id(0)
    inter = dn_ref.shape[2]

    @pl.when(bv_ref[b] == 1)
    def _():
        x = x_ref[...]
        gu = gu_ref[0]
        acc = lax.dot_general(x, gu, (((1,), (1,)), ((), ())),
                              preferred_element_type=jnp.float32)
        g = acc[:, :inter]
        u = acc[:, inter:]
        h = (g * jax.nn.sigmoid(g)) * u
        dn = dn_ref[0]
        y = lax.dot_general(h, dn, (((1,), (1,)), ((), ())),
                            preferred_element_type=jnp.float32)
        o_ref[...] = y * w_ref[...]


def _grouped_mlp(x_pad, gate_up_proj, down_proj, w_slot, block_expert,
                 block_valid, block_xidx):
    T_pad, H = x_pad.shape
    E, two_i, _ = gate_up_proj.shape
    inter = two_i // 2
    nb = T_pad // BT

    grid_spec = pltpu.PrefetchScalarGridSpec(
        num_scalar_prefetch=3,
        grid=(nb,),
        in_specs=[
            pl.BlockSpec((BT, H), lambda b, be, bv, bx: (bx[b], 0)),
            pl.BlockSpec((1, two_i, H), lambda b, be, bv, bx: (be[b], 0, 0)),
            pl.BlockSpec((1, H, inter), lambda b, be, bv, bx: (be[b], 0, 0)),
            pl.BlockSpec((BT, 1), lambda b, be, bv, bx: (bx[b], 0)),
        ],
        out_specs=pl.BlockSpec((BT, H), lambda b, be, bv, bx: (bx[b], 0)),
    )
    return pl.pallas_call(
        _moe_mlp_body,
        grid_spec=grid_spec,
        out_shape=jax.ShapeDtypeStruct((T_pad, H), jnp.float32),
    )(block_expert, block_valid, block_xidx, x_pad, gate_up_proj, down_proj,
      w_slot)


def _routing_body(tki_ref, slot_ref, be_ref, bv_ref, bx_ref):
    T = tki_ref.shape[0]
    E = 16
    nb = bx_ref.shape[0]
    e = tki_ref[...]
    eids = lax.broadcasted_iota(jnp.int32, (T, E), 1)
    onehot = (e == eids).astype(jnp.int32)
    row = lax.broadcasted_iota(jnp.int32, (T, E), 0)
    occ = onehot
    k = 1
    while k < T:
        sh = pltpu.roll(occ, k, 0)
        occ = occ + jnp.where(row >= k, sh, 0)
        k *= 2
    rank = jnp.sum(onehot * occ, axis=1) - 1
    counts = occ[T - 1:T, :]
    aligned = ((counts + BT - 1) // BT) * BT
    col = lax.broadcasted_iota(jnp.int32, (1, E), 1)
    ends = aligned
    k = 1
    while k < E:
        sh = pltpu.roll(ends, k, 1)
        ends = ends + jnp.where(col >= k, sh, 0)
        k *= 2
    starts = ends - aligned
    total_used = jnp.sum(jnp.where(col == E - 1, ends, 0))
    slot_ref[...] = jnp.sum(onehot * starts, axis=1) + rank

    bstarts = lax.broadcasted_iota(jnp.int32, (nb, E), 0) * BT
    ends_b = jnp.broadcast_to(ends, (nb, E))
    owner = jnp.minimum(jnp.sum((ends_b <= bstarts).astype(jnp.int32), axis=1),
                        E - 1)
    bids = lax.iota(jnp.int32, nb)
    valid = (bids * BT < total_used).astype(jnp.int32)
    last_owner = jnp.minimum(
        jnp.sum((ends <= total_used - 1).astype(jnp.int32)), E - 1)
    n_valid = total_used // BT
    be_ref[...] = jnp.where(valid == 1, owner, last_owner)
    bv_ref[...] = valid
    bx_ref[...] = jnp.where(valid == 1, bids, n_valid - 1)


def _routing_metadata_pallas(top_k_index, num_experts, t_pad):
    T = top_k_index.shape[0]
    nb = t_pad // BT
    return pl.pallas_call(
        _routing_body,
        out_shape=(
            jax.ShapeDtypeStruct((T,), jnp.int32),
            jax.ShapeDtypeStruct((nb,), jnp.int32),
            jax.ShapeDtypeStruct((nb,), jnp.int32),
            jax.ShapeDtypeStruct((nb,), jnp.int32),
        ),
    )(top_k_index)


def _routing_metadata(top_k_index, top_k_weights, num_experts, t_pad):
    T = top_k_index.shape[0]
    e = top_k_index[:, 0].astype(jnp.int32)
    eids = jnp.arange(num_experts, dtype=jnp.int32)
    onehot = (e[:, None] == eids[None, :]).astype(jnp.int32)
    occ = jnp.cumsum(onehot, axis=0)
    rank = jnp.sum(onehot * occ, axis=1) - 1
    counts = occ[-1]
    aligned = ((counts + BT - 1) // BT) * BT
    ends = jnp.cumsum(aligned)
    starts = ends - aligned
    total_used = ends[-1]

    slot_of_token = jnp.sum(onehot * starts[None, :], axis=1) + rank

    nb = t_pad // BT
    bstarts = jnp.arange(nb, dtype=jnp.int32) * BT
    owner = jnp.minimum(
        jnp.sum((ends[None, :] <= bstarts[:, None]).astype(jnp.int32), axis=1),
        num_experts - 1)
    valid = (bstarts < total_used).astype(jnp.int32)
    last_owner = jnp.minimum(
        jnp.sum((ends <= total_used - 1).astype(jnp.int32)),
        num_experts - 1)
    block_expert = jnp.where(valid == 1, owner, last_owner).astype(jnp.int32)
    n_valid = total_used // BT
    block_xidx = jnp.where(valid == 1, jnp.arange(nb, dtype=jnp.int32),
                           n_valid - 1).astype(jnp.int32)
    return slot_of_token, block_expert, valid, block_xidx


def kernel(hidden_states, top_k_index, top_k_weights, gate_up_proj, down_proj):
    T, H = hidden_states.shape
    E = gate_up_proj.shape[0]
    t_pad = T + E * BT

    slot_of_token, block_expert, block_valid, block_xidx = (
        _routing_metadata_pallas(top_k_index.astype(jnp.int32), E, t_pad))

    x_pad, w_flat = _sc_dispatch(hidden_states, slot_of_token,
                                 top_k_weights[:, 0], t_pad)
    y_pad = _grouped_mlp(x_pad, gate_up_proj, down_proj, w_flat,
                         block_expert, block_valid, block_xidx)
    return _sc_row_gather(y_pad, slot_of_token, T)

# --- scband reference (transcript-rebuilt; emitter-appended) ---
"""Pipeline reference for scband-moe-experts-22986664968196 (READ-ONLY COPY).

The authoritative reference and input builder live on the scoring server;
editing this copy changes nothing except your own understanding.
"""

import jax, jax.numpy as jnp
import numpy as np


def setup_inputs(seed: int = 0) -> dict:
    key = jax.random.key(seed)
    k1, k2, k3, k4, k5 = jax.random.split(key, 5)
    T, H, I, E, K = 2048, 768, 256, 16, 1
    hidden_states = jax.random.normal(k1, (T, H), dtype=jnp.float32)
    top_k_index = jax.random.randint(k2, (T, K), 0, E)
    top_k_weights = jax.random.uniform(k3, (T, K), dtype=jnp.float32)
    gate_up_proj = jax.random.normal(k4, (E, 2 * I, H), dtype=jnp.float32) * 0.02
    down_proj = jax.random.normal(k5, (E, H, I), dtype=jnp.float32) * 0.02
    return {
        'hidden_states': hidden_states,
        'top_k_index': top_k_index,
        'top_k_weights': top_k_weights,
        'gate_up_proj': gate_up_proj,
        'down_proj': down_proj,
    }


def reference(hidden_states, top_k_index, top_k_weights, gate_up_proj, down_proj):
    # Mathematically equivalent to the torch per-expert gather/index_add loop:
    # for each expert e, the combine weight of token t is
    #   sum_k top_k_weights[t, k] * [top_k_index[t, k] == e]
    # and the expert MLP is SwiGLU: silu(x @ gate.T) * (x @ up.T) @ down.T.
    num_experts = gate_up_proj.shape[0]
    inter = down_proj.shape[2]
    out = jnp.zeros_like(hidden_states)
    for e in range(num_experts):
        w_e = jnp.sum(jnp.where(top_k_index == e, top_k_weights, 0.0), axis=-1)  # [T]
        gu = hidden_states @ gate_up_proj[e].T  # [T, 2*inter]
        gate = gu[:, :inter]
        up = gu[:, inter:]
        h = jax.nn.silu(gate) * up
        h = h @ down_proj[e].T  # [T, H]
        out = out + h * w_e[:, None]
    return out

if __name__ == "__main__":
    import jax
    _d = setup_inputs()
    print(jax.jit(kernel)(*tuple(_d.values())))

</pallas_src>

<mosaic_0001>
#map = affine_map<(d0, d1) -> (0, 0)>
#map1 = affine_map<(d0, d1) -> (0)>
module attributes {stable_mosaic.version = 14 : i64} {
  func.func @gather_k(%arg0: i32, %arg1: i32, %arg2: memref<4096x768xf32, #tpu.memory_space<hbm>>, %arg3: memref<2048xi32, #tpu.memory_space<hbm>>, %arg4: memref<2048x768xf32, #tpu.memory_space<hbm>>, %arg5: memref<64xi32, #tpu.memory_space<vmem>>, %arg6: memref<64x768xf32, #tpu.memory_space<vmem>>, %arg7: memref<!tpu.dma_semaphore, #tpu.memory_space<semaphore_mem>>) attributes {dimension_semantics = [#tpu.dimension_semantics<core_parallel>, #tpu.dimension_semantics<subcore_parallel>], iteration_bounds = array<i64: 2, 16>, scalar_prefetch = 0 : i64, scratch_operands = 3 : i64, tpu.core_type = #tpu.core_type<sc_vector_subcore>, window_params = [{transform_indices = #map}, {transform_indices = #map1}, {transform_indices = #map}]} {
    %mul3A = arith.constant 2 : i32
    %mul3A_0 = arith.muli %arg1, %mul3A : i32
    %add3A = arith.addi %mul3A_0, %arg0 : i32
    %mul3A_1 = arith.constant 64 : i32
    %mul3A_2 = arith.muli %add3A, %mul3A_1 : i32
    %add3A_3 = arith.constant 0 : i32
    %add3A_4 = arith.addi %mul3A_2, %add3A_3 : i32
    "tpu.region"() ({
      %run_scoped3A = tpu.sem_alloc : memref<!tpu.dma_semaphore, #tpu.memory_space<semaphore_mem>>
      %dma_start3A_9 = tpu.memref_slice %arg3[%add3A_4] : memref<2048xi32, #tpu.memory_space<hbm>> -> memref<64xi32, #tpu.memory_space<hbm>>
      %dma_start3A_10 = tpu.memref_slice %arg3[%add3A_4] : memref<2048xi32, #tpu.memory_space<hbm>> -> memref<64xi32, #tpu.memory_space<hbm>>
      tpu.enqueue_dma source(%dma_start3A_10 : memref<64xi32, #tpu.memory_space<hbm>>) target(%arg5 : memref<64xi32, #tpu.memory_space<vmem>>) target_semaphore(%run_scoped3A : memref<!tpu.dma_semaphore, #tpu.memory_space<semaphore_mem>>)
      %dma_wait3A_11 = tpu.memref_slice %arg3[%add3A_4] : memref<2048xi32, #tpu.memory_space<hbm>> -> memref<64xi32, #tpu.memory_space<hbm>>
      %dma_wait3A_12 = tpu.memref_slice %arg3[%add3A_4] : memref<2048xi32, #tpu.memory_space<hbm>> -> memref<64xi32, #tpu.memory_space<hbm>>
      tpu.wait_dma2 semaphore(%run_scoped3A : memref<!tpu.dma_semaphore, #tpu.memory_space<semaphore_mem>>) src(%dma_wait3A_12 : memref<64xi32, #tpu.memory_space<hbm>>) dst(%arg5 : memref<64xi32, #tpu.memory_space<vmem>>)
      tpu.yield
    }) : () -> ()
    %dma_start3A = arith.constant 0 : i32
    %dma_start3A_5 = arith.constant 0 : i32
    %dma_start3A_6 = tpu.memref_slice %arg2[%dma_start3A, %dma_start3A_5] : memref<4096x768xf32, #tpu.memory_space<hbm>> -> memref<4096x768xf32, #tpu.memory_space<hbm>>
    tpu.enqueue_indirect_dma source(%dma_start3A_6 : memref<4096x768xf32, #tpu.memory_space<hbm>>) target(%arg6 : memref<64x768xf32, #tpu.memory_space<vmem>>) offsets(%arg5 : memref<64xi32, #tpu.memory_space<vmem>>) semaphore(%arg7 : memref<!tpu.dma_semaphore, #tpu.memory_space<semaphore_mem>>)
    %dma_wait3A = arith.constant 0 : i32
    %dma_wait3A_7 = arith.constant 0 : i32
    %dma_wait3A_8 = tpu.memref_slice %arg2[%dma_wait3A, %dma_wait3A_7] : memref<4096x768xf32, #tpu.memory_space<hbm>> -> memref<4096x768xf32, #tpu.memory_space<hbm>>
    tpu.wait_indirect_dma semaphore(%arg7 : memref<!tpu.dma_semaphore, #tpu.memory_space<semaphore_mem>>) src(%dma_wait3A_8 : memref<4096x768xf32, #tpu.memory_space<hbm>>) dst(%arg6 : memref<64x768xf32, #tpu.memory_space<vmem>>)
    "tpu.region"() ({
      %run_scoped3A = tpu.sem_alloc : memref<!tpu.dma_semaphore, #tpu.memory_space<semaphore_mem>>
      %dma_start3A_9 = arith.constant 0 : i32
      %dma_start3A_10 = tpu.memref_slice %arg4[%add3A_4, %dma_start3A_9] : memref<2048x768xf32, #tpu.memory_space<hbm>> -> memref<64x768xf32, #tpu.memory_space<hbm>>
      %dma_start3A_11 = arith.constant 0 : i32
      %dma_start3A_12 = tpu.memref_slice %arg4[%add3A_4, %dma_start3A_11] : memref<2048x768xf32, #tpu.memory_space<hbm>> -> memref<64x768xf32, #tpu.memory_space<hbm>>
      tpu.enqueue_dma source(%arg6 : memref<64x768xf32, #tpu.memory_space<vmem>>) target(%dma_start3A_12 : memref<64x768xf32, #tpu.memory_space<hbm>>) target_semaphore(%run_scoped3A : memref<!tpu.dma_semaphore, #tpu.memory_space<semaphore_mem>>)
      %dma_wait3A_13 = arith.constant 0 : i32
      %dma_wait3A_14 = tpu.memref_slice %arg4[%add3A_4, %dma_wait3A_13] : memref<2048x768xf32, #tpu.memory_space<hbm>> -> memref<64x768xf32, #tpu.memory_space<hbm>>
      %dma_wait3A_15 = arith.constant 0 : i32
      %dma_wait3A_16 = tpu.memref_slice %arg4[%add3A_4, %dma_wait3A_15] : memref<2048x768xf32, #tpu.memory_space<hbm>> -> memref<64x768xf32, #tpu.memory_space<hbm>>
      tpu.wait_dma2 semaphore(%run_scoped3A : memref<!tpu.dma_semaphore, #tpu.memory_space<semaphore_mem>>) src(%arg6 : memref<64x768xf32, #tpu.memory_space<vmem>>) dst(%dma_wait3A_16 : memref<64x768xf32, #tpu.memory_space<hbm>>)
      tpu.yield
    }) : () -> ()
    return
  }
}

#map = affine_map<(d0, d1) -> (0, 0)>
#map1 = affine_map<(d0, d1) -> (0)>
module attributes {stable_mosaic.version = 14 : i64} {
  func.func @dispatch_k(%arg0: i32, %arg1: i32, %arg2: memref<2048x768xf32, #tpu.memory_space<hbm>>, %arg3: memref<2048xi32, #tpu.memory_space<hbm>>, %arg4: memref<2048xf32, #tpu.memory_space<hbm>>, %arg5: memref<4096x768xf32, #tpu.memory_space<hbm>>, %arg6: memref<4096x1xf32, #tpu.memory_space<hbm>>, %arg7: memref<2048xi32, #tpu.memory_space<vmem>>, %arg8: memref<2048xf32, #tpu.memory_space<vmem>>, %arg9: memref<128xi32, #tpu.memory_space<vmem>>, %arg10: memref<128x1xf32, #tpu.memory_space<vmem>>, %arg11: memref<128x768xf32, #tpu.memory_space<vmem>>, %arg12: memref<!tpu.dma_semaphore, #tpu.memory_space<semaphore_mem>>) attributes {dimension_semantics = [#tpu.dimension_semantics<core_parallel>, #tpu.dimension_semantics<subcore_parallel>], iteration_bounds = array<i64: 2, 16>, scalar_prefetch = 0 : i64, scratch_operands = 6 : i64, tpu.core_type = #tpu.core_type<sc_vector_subcore>, window_params = [{transform_indices = #map}, {transform_indices = #map1}, {transform_indices = #map1}, {transform_indices = #map}, {transform_indices = #map}]} {
    %mul3A = arith.constant 2 : i32
    %mul3A_0 = arith.muli %arg1, %mul3A : i32
    %add3A = arith.addi %mul3A_0, %arg0 : i32
    %mul3A_1 = arith.constant 128 : i32
    %mul3A_2 = arith.muli %add3A, %mul3A_1 : i32
    "tpu.region"() ({
      %run_scoped3A = tpu.sem_alloc : memref<!tpu.dma_semaphore, #tpu.memory_space<semaphore_mem>>
      tpu.enqueue_dma source(%arg3 : memref<2048xi32, #tpu.memory_space<hbm>>) target(%arg7 : memref<2048xi32, #tpu.memory_space<vmem>>) target_semaphore(%run_scoped3A : memref<!tpu.dma_semaphore, #tpu.memory_space<semaphore_mem>>)
      tpu.wait_dma2 semaphore(%run_scoped3A : memref<!tpu.dma_semaphore, #tpu.memory_space<semaphore_mem>>) src(%arg3 : memref<2048xi32, #tpu.memory_space<hbm>>) dst(%arg7 : memref<2048xi32, #tpu.memory_space<vmem>>)
      tpu.yield
    }) : () -> ()
    "tpu.region"() ({
      %run_scoped3A = tpu.sem_alloc : memref<!tpu.dma_semaphore, #tpu.memory_space<semaphore_mem>>
      tpu.enqueue_dma source(%arg4 : memref<2048xf32, #tpu.memory_space<hbm>>) target(%arg8 : memref<2048xf32, #tpu.memory_space<vmem>>) target_semaphore(%run_scoped3A : memref<!tpu.dma_semaphore, #tpu.memory_space<semaphore_mem>>)
      tpu.wait_dma2 semaphore(%run_scoped3A : memref<!tpu.dma_semaphore, #tpu.memory_space<semaphore_mem>>) src(%arg4 : memref<2048xf32, #tpu.memory_space<hbm>>) dst(%arg8 : memref<2048xf32, #tpu.memory_space<vmem>>)
      tpu.yield
    }) : () -> ()
    %iota3A = tpu.iota {dimensions = array<i32: 0>} : vector<16xi32>
    %broadcast_in_dim3A = arith.constant 0.000000e+00 : f32
    %broadcast_in_dim3A_3 = vector.broadcast %broadcast_in_dim3A : f32 to vector<16xf32>
    %broadcast_in_dim3A_4 = arith.constant 0 : i32
    %broadcast_in_dim3A_5 = vector.broadcast %broadcast_in_dim3A_4 : i32 to vector<16xi32>
    %add3A_6 = arith.constant 0 : i32
    %add3A_7 = arith.addi %mul3A_2, %add3A_6 : i32
    %add3A_8 = vector.broadcast %add3A_7 : i32 to vector<16xi32>
    %add3A_9 = arith.addi %add3A_8, %iota3A : vector<16xi32>
    %rem3A = arith.constant 2048 : i32
    %rem3A_10 = vector.broadcast %rem3A : i32 to vector<16xi32>
    %rem3A_11 = arith.remsi %add3A_9, %rem3A_10 : vector<16xi32>
    %swap3A = arith.constant 0 : index
    %swap3A_12 = tpu.vector_load %arg9[%swap3A] {strides = array<i32>} : memref<128xi32, #tpu.memory_space<vmem>>, vector<16xi32>,
    tpu.vector_store %arg9[%swap3A], %rem3A_11 {strides = array<i32>} : memref<128xi32, #tpu.memory_space<vmem>>, vector<16xi32>,
    %add3A_13 = arith.constant 0 : i32
    %add3A_14 = vector.broadcast %add3A_13 : i32 to vector<16xi32>
    %add3A_15 = arith.addi %add3A_14, %iota3A : vector<16xi32>
    tpu.vector_store_idx %arg10[%add3A_15, %broadcast_in_dim3A_5], %broadcast_in_dim3A_3 : memref<128x1xf32, #tpu.memory_space<vmem>>[vector<16xi32>, vector<16xi32>], vector<16xf32>,
    %add3A_16 = arith.constant 16 : i32
    %add3A_17 = arith.addi %mul3A_2, %add3A_16 : i32
    %add3A_18 = vector.broadcast %add3A_17 : i32 to vector<16xi32>
    %add3A_19 = arith.addi %add3A_18, %iota3A : vector<16xi32>
    %rem3A_20 = arith.constant 2048 : i32
    %rem3A_21 = vector.broadcast %rem3A_20 : i32 to vector<16xi32>
    %rem3A_22 = arith.remsi %add3A_19, %rem3A_21 : vector<16xi32>
    %swap3A_23 = arith.constant 16 : index
    %swap3A_24 = tpu.vector_load %arg9[%swap3A_23] {strides = array<i32>} : memref<128xi32, #tpu.memory_space<vmem>>, vector<16xi32>,
    tpu.vector_store %arg9[%swap3A_23], %rem3A_22 {strides = array<i32>} : memref<128xi32, #tpu.memory_space<vmem>>, vector<16xi32>,
    %add3A_25 = arith.constant 16 : i32
    %add3A_26 = vector.broadcast %add3A_25 : i32 to vector<16xi32>
    %add3A_27 = arith.addi %add3A_26, %iota3A : vector<16xi32>
    tpu.vector_store_idx %arg10[%add3A_27, %broadcast_in_dim3A_5], %broadcast_in_dim3A_3 : memref<128x1xf32, #tpu.memory_space<vmem>>[vector<16xi32>, vector<16xi32>], vector<16xf32>,
    %add3A_28 = arith.constant 32 : i32
    %add3A_29 = arith.addi %mul3A_2, %add3A_28 : i32
    %add3A_30 = vector.broadcast %add3A_29 : i32 to vector<16xi32>
    %add3A_31 = arith.addi %add3A_30, %iota3A : vector<16xi32>
    %rem3A_32 = arith.constant 2048 : i32
    %rem3A_33 = vector.broadcast %rem3A_32 : i32 to vector<16xi32>
    %rem3A_34 = arith.remsi %add3A_31, %rem3A_33 : vector<16xi32>
    %swap3A_35 = arith.constant 32 : index
    %swap3A_36 = tpu.vector_load %arg9[%swap3A_35] {strides = array<i32>} : memref<128xi32, #tpu.memory_space<vmem>>, vector<16xi32>,
    tpu.vector_store %arg9[%swap3A_35], %rem3A_34 {strides = array<i32>} : memref<128xi32, #tpu.memory_space<vmem>>, vector<16xi32>,
    %add3A_37 = arith.constant 32 : i32
    %add3A_38 = vector.broadcast %add3A_37 : i32 to vector<16xi32>
    %add3A_39 = arith.addi %add3A_38, %iota3A : vector<16xi32>
    tpu.vector_store_idx %arg10[%add3A_39, %broadcast_in_dim3A_5], %broadcast_in_dim3A_3 : memref<128x1xf32, #tpu.memory_space<vmem>>[vector<16xi32>, vector<16xi32>], vector<16xf32>,
    %add3A_40 = arith.constant 48 : i32
    %add3A_41 = arith.addi %mul3A_2, %add3A_40 : i32
    %add3A_42 = vector.broadcast %add3A_41 : i32 to vector<16xi32>
    %add3A_43 = arith.addi %add3A_42, %iota3A : vector<16xi32>
    %rem3A_44 = arith.constant 2048 : i32
    %rem3A_45 = vector.broadcast %rem3A_44 : i32 to vector<16xi32>
    %rem3A_46 = arith.remsi %add3A_43, %rem3A_45 : vector<16xi32>
    %swap3A_47 = arith.constant 48 : index
    %swap3A_48 = tpu.vector_load %arg9[%swap3A_47] {strides = array<i32>} : memref<128xi32, #tpu.memory_space<vmem>>, vector<16xi32>,
    tpu.vector_store %arg9[%swap3A_47], %rem3A_46 {strides = array<i32>} : memref<128xi32, #tpu.memory_space<vmem>>, vector<16xi32>,
    %add3A_49 = arith.constant 48 : i32
    %add3A_50 = vector.broadcast %add3A_49 : i32 to vector<16xi32>
    %add3A_51 = arith.addi %add3A_50, %iota3A : vector<16xi32>
    tpu.vector_store_idx %arg10[%add3A_51, %broadcast_in_dim3A_5], %broadcast_in_dim3A_3 : memref<128x1xf32, #tpu.memory_space<vmem>>[vector<16xi32>, vector<16xi32>], vector<16xf32>,
    %add3A_52 = arith.constant 64 : i32
    %add3A_53 = arith.addi %mul3A_2, %add3A_52 : i32
    %add3A_54 = vector.broadcast %add3A_53 : i32 to vector<16xi32>
    %add3A_55 = arith.addi %add3A_54, %iota3A : vector<16xi32>
    %rem3A_56 = arith.constant 2048 : i32
    %rem3A_57 = vector.broadcast %rem3A_56 : i32 to vector<16xi32>
    %rem3A_58 = arith.remsi %add3A_55, %rem3A_57 : vector<16xi32>
    %swap3A_59 = arith.constant 64 : index
    %swap3A_60 = tpu.vector_load %arg9[%swap3A_59] {strides = array<i32>} : memref<128xi32, #tpu.memory_space<vmem>>, vector<16xi32>,
    tpu.vector_store %arg9[%swap3A_59], %rem3A_58 {strides = array<i32>} : memref<128xi32, #tpu.memory_space<vmem>>, vector<16xi32>,
    %add3A_61 = arith.constant 64 : i32
    %add3A_62 = vector.broadcast %add3A_61 : i32 to vector<16xi32>
    %add3A_63 = arith.addi %add3A_62, %iota3A : vector<16xi32>
    tpu.vector_store_idx %arg10[%add3A_63, %broadcast_in_dim3A_5], %broadcast_in_dim3A_3 : memref<128x1xf32, #tpu.memory_space<vmem>>[vector<16xi32>, vector<16xi32>], vector<16xf32>,
    %add3A_64 = arith.constant 80 : i32
    %add3A_65 = arith.addi %mul3A_2, %add3A_64 : i32
    %add3A_66 = vector.broadcast %add3A_65 : i32 to vector<16xi32>
    %add3A_67 = arith.addi %add3A_66, %iota3A : vector<16xi32>
    %rem3A_68 = arith.constant 2048 : i32
    %rem3A_69 = vector.broadcast %rem3A_68 : i32 to vector<16xi32>
    %rem3A_70 = arith.remsi %add3A_67, %rem3A_69 : vector<16xi32>
    %swap3A_71 = arith.constant 80 : index
    %swap3A_72 = tpu.vector_load %arg9[%swap3A_71] {strides = array<i32>} : memref<128xi32, #tpu.memory_space<vmem>>, vector<16xi32>,
    tpu.vector_store %arg9[%swap3A_71], %rem3A_70 {strides = array<i32>} : memref<128xi32, #tpu.memory_space<vmem>>, vector<16xi32>,
    %add3A_73 = arith.constant 80 : i32
    %add3A_74 = vector.broadcast %add3A_73 : i32 to vector<16xi32>
    %add3A_75 = arith.addi %add3A_74, %iota3A : vector<16xi32>
    tpu.vector_store_idx %arg10[%add3A_75, %broadcast_in_dim3A_5], %broadcast_in_dim3A_3 : memref<128x1xf32, #tpu.memory_space<vmem>>[vector<16xi32>, vector<16xi32>], vector<16xf32>,
    %add3A_76 = arith.constant 96 : i32
    %add3A_77 = arith.addi %mul3A_2, %add3A_76 : i32
    %add3A_78 = vector.broadcast %add3A_77 : i32 to vector<16xi32>
    %add3A_79 = arith.addi %add3A_78, %iota3A : vector<16xi32>
    %rem3A_80 = arith.constant 2048 : i32
    %rem3A_81 = vector.broadcast %rem3A_80 : i32 to vector<16xi32>
    %rem3A_82 = arith.remsi %add3A_79, %rem3A_81 : vector<16xi32>
    %swap3A_83 = arith.constant 96 : index
    %swap3A_84 = tpu.vector_load %arg9[%swap3A_83] {strides = array<i32>} : memref<128xi32, #tpu.memory_space<vmem>>, vector<16xi32>,
    tpu.vector_store %arg9[%swap3A_83], %rem3A_82 {strides = array<i32>} : memref<128xi32, #tpu.memory_space<vmem>>, vector<16xi32>,
    %add3A_85 = arith.constant 96 : i32
    %add3A_86 = vector.broadcast %add3A_85 : i32 to vector<16xi32>
    %add3A_87 = arith.addi %add3A_86, %iota3A : vector<16xi32>
    tpu.vector_store_idx %arg10[%add3A_87, %broadcast_in_dim3A_5], %broadcast_in_dim3A_3 : memref<128x1xf32, #tpu.memory_space<vmem>>[vector<16xi32>, vector<16xi32>], vector<16xf32>,
    %add3A_88 = arith.constant 112 : i32
    %add3A_89 = arith.addi %mul3A_2, %add3A_88 : i32
    %add3A_90 = vector.broadcast %add3A_89 : i32 to vector<16xi32>
    %add3A_91 = arith.addi %add3A_90, %iota3A : vector<16xi32>
    %rem3A_92 = arith.constant 2048 : i32
    %rem3A_93 = vector.broadcast %rem3A_92 : i32 to vector<16xi32>
    %rem3A_94 = arith.remsi %add3A_91, %rem3A_93 : vector<16xi32>
    %swap3A_95 = arith.constant 112 : index
    %swap3A_96 = tpu.vector_load %arg9[%swap3A_95] {strides = array<i32>} : memref<128xi32, #tpu.memory_space<vmem>>, vector<16xi32>,
    tpu.vector_store %arg9[%swap3A_95], %rem3A_94 {strides = array<i32>} : memref<128xi32, #tpu.memory_space<vmem>>, vector<16xi32>,
    %add3A_97 = arith.constant 112 : i32
    %add3A_98 = vector.broadcast %add3A_97 : i32 to vector<16xi32>
    %add3A_99 = arith.addi %add3A_98, %iota3A : vector<16xi32>
    tpu.vector_store_idx %arg10[%add3A_99, %broadcast_in_dim3A_5], %broadcast_in_dim3A_3 : memref<128x1xf32, #tpu.memory_space<vmem>>[vector<16xi32>, vector<16xi32>], vector<16xf32>,
    %get3A = arith.constant 0 : index
    %get3A_100 = tpu.vector_load %arg7[%get3A] {strides = array<i32>} : memref<2048xi32, #tpu.memory_space<vmem>>, vector<16xi32>,
    %ge3A = vector.broadcast %mul3A_2 : i32 to vector<16xi32>
    %ge3A_101 = arith.cmpi sge, %get3A_100, %ge3A : vector<16xi32>
    %add3A_102 = arith.constant 128 : i32
    %add3A_103 = arith.addi %mul3A_2, %add3A_102 : i32
    %lt3A = vector.broadcast %add3A_103 : i32 to vector<16xi32>
    %lt3A_104 = arith.cmpi slt, %get3A_100, %lt3A : vector<16xi32>
    %and3A = arith.andi %ge3A_101, %lt3A_104 : vector<16xi1>
    %sub3A = vector.broadcast %mul3A_2 : i32 to vector<16xi32>
    %sub3A_105 = arith.subi %get3A_100, %sub3A : vector<16xi32>
    %jit3A = arith.constant 0 : i32
    %broadcast_in_dim3A_106 = vector.broadcast %jit3A : i32 to vector<16xi32>
    %select_n3A = arith.select %and3A, %sub3A_105, %broadcast_in_dim3A_106 : vector<16xi1>, vector<16xi32>
    %add3A_107 = arith.constant 0 : i32
    %add3A_108 = vector.broadcast %add3A_107 : i32 to vector<16xi32>
    %add3A_109 = arith.addi %add3A_108, %iota3A : vector<16xi32>
    tpu.vector_store_idx %arg9[%select_n3A], %add3A_109 masked %and3A : memref<128xi32, #tpu.memory_space<vmem>>[vector<16xi32>], vector<16xi32>, vector<16xi1>
    %get3A_110 = arith.constant 0 : index
    %get3A_111 = tpu.vector_load %arg8[%get3A_110] {strides = array<i32>} : memref<2048xf32, #tpu.memory_space<vmem>>, vector<16xf32>,
    tpu.vector_store_idx %arg10[%select_n3A, %broadcast_in_dim3A_5], %get3A_111 masked %and3A : memref<128x1xf32, #tpu.memory_space<vmem>>[vector<16xi32>, vector<16xi32>], vector<16xf32>, vector<16xi1>
    %get3A_112 = arith.constant 16 : index
    %get3A_113 = tpu.vector_load %arg7[%get3A_112] {strides = array<i32>} : memref<2048xi32, #tpu.memory_space<vmem>>, vector<16xi32>,
    %ge3A_114 = vector.broadcast %mul3A_2 : i32 to vector<16xi32>
    %ge3A_115 = arith.cmpi sge, %get3A_113, %ge3A_114 : vector<16xi32>
    %add3A_116 = arith.constant 128 : i32
    %add3A_117 = arith.addi %mul3A_2, %add3A_116 : i32
    %lt3A_118 = vector.broadcast %add3A_117 : i32 to vector<16xi32>
    %lt3A_119 = arith.cmpi slt, %get3A_113, %lt3A_118 : vector<16xi32>
    %and3A_120 = arith.andi %ge3A_115, %lt3A_119 : vector<16xi1>
    %sub3A_121 = vector.broadcast %mul3A_2 : i32 to vector<16xi32>
    %sub3A_122 = arith.subi %get3A_113, %sub3A_121 : vector<16xi32>
    %jit3A_123 = arith.constant 0 : i32
    %broadcast_in_dim3A_124 = vector.broadcast %jit3A_123 : i32 to vector<16xi32>
    %select_n3A_125 = arith.select %and3A_120, %sub3A_122, %broadcast_in_dim3A_124 : vector<16xi1>, vector<16xi32>
    %add3A_126 = arith.constant 16 : i32
    %add3A_127 = vector.broadcast %add3A_126 : i32 to vector<16xi32>
    %add3A_128 = arith.addi %add3A_127, %iota3A : vector<16xi32>
    tpu.vector_store_idx %arg9[%select_n3A_125], %add3A_128 masked %and3A_120 : memref<128xi32, #tpu.memory_space<vmem>>[vector<16xi32>], vector<16xi32>, vector<16xi1>
    %get3A_129 = arith.constant 16 : index
    %get3A_130 = tpu.vector_load %arg8[%get3A_129] {strides = array<i32>} : memref<2048xf32, #tpu.memory_space<vmem>>, vector<16xf32>,
    tpu.vector_store_idx %arg10[%select_n3A_125, %broadcast_in_dim3A_5], %get3A_130 masked %and3A_120 : memref<128x1xf32, #tpu.memory_space<vmem>>[vector<16xi32>, vector<16xi32>], vector<16xf32>, vector<16xi1>
    %get3A_131 = arith.constant 32 : index
    %get3A_132 = tpu.vector_load %arg7[%get3A_131] {strides = array<i32>} : memref<2048xi32, #tpu.memory_space<vmem>>, vector<16xi32>,
    %ge3A_133 = vector.broadcast %mul3A_2 : i32 to vector<16xi32>
    %ge3A_134 = arith.cmpi sge, %get3A_132, %ge3A_133 : vector<16xi32>
    %add3A_135 = arith.constant 128 : i32
    %add3A_136 = arith.addi %mul3A_2, %add3A_135 : i32
    %lt3A_137 = vector.broadcast %add3A_136 : i32 to vector<16xi32>
    %lt3A_138 = arith.cmpi slt, %get3A_132, %lt3A_137 : vector<16xi32>
    %and3A_139 = arith.andi %ge3A_134, %lt3A_138 : vector<16xi1>
    %sub3A_140 = vector.broadcast %mul3A_2 : i32 to vector<16xi32>
    %sub3A_141 = arith.subi %get3A_132, %sub3A_140 : vector<16xi32>
    %jit3A_142 = arith.constant 0 : i32
    %broadcast_in_dim3A_143 = vector.broadcast %jit3A_142 : i32 to vector<16xi32>
    %select_n3A_144 = arith.select %and3A_139, %sub3A_141, %broadcast_in_dim3A_143 : vector<16xi1>, vector<16xi32>
    %add3A_145 = arith.constant 32 : i32
    %add3A_146 = vector.broadcast %add3A_145 : i32 to vector<16xi32>
    %add3A_147 = arith.addi %add3A_146, %iota3A : vector<16xi32>
    tpu.vector_store_idx %arg9[%select_n3A_144], %add3A_147 masked %and3A_139 : memref<128xi32, #tpu.memory_space<vmem>>[vector<16xi32>], vector<16xi32>, vector<16xi1>
    %get3A_148 = arith.constant 32 : index
    %get3A_149 = tpu.vector_load %arg8[%get3A_148] {strides = array<i32>} : memref<2048xf32, #tpu.memory_space<vmem>>, vector<16xf32>,
    tpu.vector_store_idx %arg10[%select_n3A_144, %broadcast_in_dim3A_5], %get3A_149 masked %and3A_139 : memref<128x1xf32, #tpu.memory_space<vmem>>[vector<16xi32>, vector<16xi32>], vector<16xf32>, vector<16xi1>
    %get3A_150 = arith.constant 48 : index
    %get3A_151 = tpu.vector_load %arg7[%get3A_150] {strides = array<i32>} : memref<2048xi32, #tpu.memory_space<vmem>>, vector<16xi32>,
    %ge3A_152 = vector.broadcast %mul3A_2 : i32 to vector<16xi32>
    %ge3A_153 = arith.cmpi sge, %get3A_151, %ge3A_152 : vector<16xi32>
    %add3A_154 = arith.constant 128 : i32
    %add3A_155 = arith.addi %mul3A_2, %add3A_154 : i32
    %lt3A_156 = vector.broadcast %add3A_155 : i32 to vector<16xi32>
    %lt3A_157 = arith.cmpi slt, %get3A_151, %lt3A_156 : vector<16xi32>
    %and3A_158 = arith.andi %ge3A_153, %lt3A_157 : vector<16xi1>
    %sub3A_159 = vector.broadcast %mul3A_2 : i32 to vector<16xi32>
    %sub3A_160 = arith.subi %get3A_151, %sub3A_159 : vector<16xi32>
    %jit3A_161 = arith.constant 0 : i32
    %broadcast_in_dim3A_162 = vector.broadcast %jit3A_161 : i32 to vector<16xi32>
    %select_n3A_163 = arith.select %and3A_158, %sub3A_160, %broadcast_in_dim3A_162 : vector<16xi1>, vector<16xi32>
    %add3A_164 = arith.constant 48 : i32
    %add3A_165 = vector.broadcast %add3A_164 : i32 to vector<16xi32>
    %add3A_166 = arith.addi %add3A_165, %iota3A : vector<16xi32>
    tpu.vector_store_idx %arg9[%select_n3A_163], %add3A_166 masked %and3A_158 : memref<128xi32, #tpu.memory_space<vmem>>[vector<16xi32>], vector<16xi32>, vector<16xi1>
    %get3A_167 = arith.constant 48 : index
    %get3A_168 = tpu.vector_load %arg8[%get3A_167] {strides = array<i32>} : memref<2048xf32, #tpu.memory_space<vmem>>, vector<16xf32>,
    tpu.vector_store_idx %arg10[%select_n3A_163, %broadcast_in_dim3A_5], %get3A_168 masked %and3A_158 : memref<128x1xf32, #tpu.memory_space<vmem>>[vector<16xi32>, vector<16xi32>], vector<16xf32>, vector<16xi1>
    %get3A_169 = arith.constant 64 : index
    %get3A_170 = tpu.vector_load %arg7[%get3A_169] {strides = array<i32>} : memref<2048xi32, #tpu.memory_space<vmem>>, vector<16xi32>,
    %ge3A_171 = vector.broadcast %mul3A_2 : i32 to vector<16xi32>
    %ge3A_172 = arith.cmpi sge, %get3A_170, %ge3A_171 : vector<16xi32>
    %add3A_173 = arith.constant 128 : i32
    %add3A_174 = arith.addi %mul3A_2, %add3A_173 : i32
    %lt3A_175 = vector.broadcast %add3A_174 : i32 to vector<16xi32>
    %lt3A_176 = arith.cmpi slt, %get3A_170, %lt3A_175 : vector<16xi32>
    %and3A_177 = arith.andi %ge3A_172, %lt3A_176 : vector<16xi1>
    %sub3A_178 = vector.broadcast %mul3A_2 : i32 to vector<16xi32>
    %sub3A_179 = arith.subi %get3A_170, %sub3A_178 : vector<16xi32>
    %jit3A_180 = arith.constant 0 : i32
    %broadcast_in_dim3A_181 = vector.broadcast %jit3A_180 : i32 to vector<16xi32>
    %select_n3A_182 = arith.select %and3A_177, %sub3A_179, %broadcast_in_dim3A_181 : vector<16xi1>, vector<16xi32>
    %add3A_183 = arith.constant 64 : i32
    %add3A_184 = vector.broadcast %add3A_183 : i32 to vector<16xi32>
    %add3A_185 = arith.addi %add3A_184, %iota3A : vector<16xi32>
    tpu.vector_store_idx %arg9[%select_n3A_182], %add3A_185 masked %and3A_177 : memref<128xi32, #tpu.memory_space<vmem>>[vector<16xi32>], vector<16xi32>, vector<16xi1>
    %get3A_186 = arith.constant 64 : index
    %get3A_187 = tpu.vector_load %arg8[%get3A_186] {strides = array<i32>} : memref<2048xf32, #tpu.memory_space<vmem>>, vector<16xf32>,
    tpu.vector_store_idx %arg10[%select_n3A_182, %broadcast_in_dim3A_5], %get3A_187 masked %and3A_177 : memref<128x1xf32, #tpu.memory_space<vmem>>[vector<16xi32>, vector<16xi32>], vector<16xf32>, vector<16xi1>
    %get3A_188 = arith.constant 80 : index
    %get3A_189 = tpu.vector_load %arg7[%get3A_188] {strides = array<i32>} : memref<2048xi32, #tpu.memory_space<vmem>>, vector<16xi32>,
    %ge3A_190 = vector.broadcast %mul3A_2 : i32 to vector<16xi32>
    %ge3A_191 = arith.cmpi sge, %get3A_189, %ge3A_190 : vector<16xi32>
    %add3A_192 = arith.constant 128 : i32
    %add3A_193 = arith.addi %mul3A_2, %add3A_192 : i32
    %lt3A_194 = vector.broadcast %add3A_193 : i32 to vector<16xi32>
    %lt3A_195 = arith.cmpi slt, %get3A_189, %lt3A_194 : vector<16xi32>
    %and3A_196 = arith.andi %ge3A_191, %lt3A_195 : vector<16xi1>
    %sub3A_197 = vector.broadcast %mul3A_2 : i32 to vector<16xi32>
    %sub3A_198 = arith.subi %get3A_189, %sub3A_197 : vector<16xi32>
    %jit3A_199 = arith.constant 0 : i32
    %broadcast_in_dim3A_200 = vector.broadcast %jit3A_199 : i32 to vector<16xi32>
    %select_n3A_201 = arith.select %and3A_196, %sub3A_198, %broadcast_in_dim3A_200 : vector<16xi1>, vector<16xi32>
    %add3A_202 = arith.constant 80 : i32
    %add3A_203 = vector.broadcast %add3A_202 : i32 to vector<16xi32>
    %add3A_204 = arith.addi %add3A_203, %iota3A : vector<16xi32>
    tpu.vector_store_idx %arg9[%select_n3A_201], %add3A_204 masked %and3A_196 : memref<128xi32, #tpu.memory_space<vmem>>[vector<16xi32>], vector<16xi32>, vector<16xi1>
    %get3A_205 = arith.constant 80 : index
    %get3A_206 = tpu.vector_load %arg8[%get3A_205] {strides = array<i32>} : memref<2048xf32, #tpu.memory_space<vmem>>, vector<16xf32>,
    tpu.vector_store_idx %arg10[%select_n3A_201, %broadcast_in_dim3A_5], %get3A_206 masked %and3A_196 : memref<128x1xf32, #tpu.memory_space<vmem>>[vector<16xi32>, vector<16xi32>], vector<16xf32>, vector<16xi1>
    %get3A_207 = arith.constant 96 : index
    %get3A_208 = tpu.vector_load %arg7[%get3A_207] {strides = array<i32>} : memref<2048xi32, #tpu.memory_space<vmem>>, vector<16xi32>,
    %ge3A_209 = vector.broadcast %mul3A_2 : i32 to vector<16xi32>
    %ge3A_210 = arith.cmpi sge, %get3A_208, %ge3A_209 : vector<16xi32>
    %add3A_211 = arith.constant 128 : i32
    %add3A_212 = arith.addi %mul3A_2, %add3A_211 : i32
    %lt3A_213 = vector.broadcast %add3A_212 : i32 to vector<16xi32>
    %lt3A_214 = arith.cmpi slt, %get3A_208, %lt3A_213 : vector<16xi32>
    %and3A_215 = arith.andi %ge3A_210, %lt3A_214 : vector<16xi1>
    %sub3A_216 = vector.broadcast %mul3A_2 : i32 to vector<16xi32>
    %sub3A_217 = arith.subi %get3A_208, %sub3A_216 : vector<16xi32>
    %jit3A_218 = arith.constant 0 : i32
    %broadcast_in_dim3A_219 = vector.broadcast %jit3A_218 : i32 to vector<16xi32>
    %select_n3A_220 = arith.select %and3A_215, %sub3A_217, %broadcast_in_dim3A_219 : vector<16xi1>, vector<16xi32>
    %add3A_221 = arith.constant 96 : i32
    %add3A_222 = vector.broadcast %add3A_221 : i32 to vector<16xi32>
    %add3A_223 = arith.addi %add3A_222, %iota3A : vector<16xi32>
    tpu.vector_store_idx %arg9[%select_n3A_220], %add3A_223 masked %and3A_215 : memref<128xi32, #tpu.memory_space<vmem>>[vector<16xi32>], vector<16xi32>, vector<16xi1>
    %get3A_224 = arith.constant 96 : index
    %get3A_225 = tpu.vector_load %arg8[%get3A_224] {strides = array<i32>} : memref<2048xf32, #tpu.memory_space<vmem>>, vector<16xf32>,
    tpu.vector_store_idx %arg10[%select_n3A_220, %broadcast_in_dim3A_5], %get3A_225 masked %and3A_215 : memref<128x1xf32, #tpu.memory_space<vmem>>[vector<16xi32>, vector<16xi32>], vector<16xf32>, vector<16xi1>
    %get3A_226 = arith.constant 112 : index
    %get3A_227 = tpu.vector_load %arg7[%get3A_226] {strides = array<i32>} : memref<2048xi32, #tpu.memory_space<vmem>>, vector<16xi32>,
    %ge3A_228 = vector.broadcast %mul3A_2 : i32 to vector<16xi32>
    %ge3A_229 = arith.cmpi sge, %get3A_227, %ge3A_228 : vector<16xi32>
    %add3A_230 = arith.constant 128 : i32
    %add3A_231 = arith.addi %mul3A_2, %add3A_230 : i32
    %lt3A_232 = vector.broadcast %add3A_231 : i32 to vector<16xi32>
    %lt3A_233 = arith.cmpi slt, %get3A_227, %lt3A_232 : vector<16xi32>
    %and3A_234 = arith.andi %ge3A_229, %lt3A_233 : vector<16xi1>
    %sub3A_235 = vector.broadcast %mul3A_2 : i32 to vector<16xi32>
    %sub3A_236 = arith.subi %get3A_227, %sub3A_235 : vector<16xi32>
    %jit3A_237 = arith.constant 0 : i32
    %broadcast_in_dim3A_238 = vector.broadcast %jit3A_237 : i32 to vector<16xi32>
    %select_n3A_239 = arith.select %and3A_234, %sub3A_236, %broadcast_in_dim3A_238 : vector<16xi1>, vector<16xi32>
    %add3A_240 = arith.constant 112 : i32
    %add3A_241 = vector.broadcast %add3A_240 : i32 to vector<16xi32>
    %add3A_242 = arith.addi %add3A_241, %iota3A : vector<16xi32>
    tpu.vector_store_idx %arg9[%select_n3A_239], %add3A_242 masked %and3A_234 : memref<128xi32, #tpu.memory_space<vmem>>[vector<16xi32>], vector<16xi32>, vector<16xi1>
    %get3A_243 = arith.constant 112 : index
    %get3A_244 = tpu.vector_load %arg8[%get3A_243] {strides = array<i32>} : memref<2048xf32, #tpu.memory_space<vmem>>, vector<16xf32>,
    tpu.vector_store_idx %arg10[%select_n3A_239, %broadcast_in_dim3A_5], %get3A_244 masked %and3A_234 : memref<128x1xf32, #tpu.memory_space<vmem>>[vector<16xi32>, vector<16xi32>], vector<16xf32>, vector<16xi1>
    %get3A_245 = arith.constant 128 : index
    %get3A_246 = tpu.vector_load %arg7[%get3A_245] {strides = array<i32>} : memref<2048xi32, #tpu.memory_space<vmem>>, vector<16xi32>,
    %ge3A_247 = vector.broadcast %mul3A_2 : i32 to vector<16xi32>
    %ge3A_248 = arith.cmpi sge, %get3A_246, %ge3A_247 : vector<16xi32>
    %add3A_249 = arith.constant 128 : i32
    %add3A_250 = arith.addi %mul3A_2, %add3A_249 : i32
    %lt3A_251 = vector.broadcast %add3A_250 : i32 to vector<16xi32>
    %lt3A_252 = arith.cmpi slt, %get3A_246, %lt3A_251 : vector<16xi32>
    %and3A_253 = arith.andi %ge3A_248, %lt3A_252 : vector<16xi1>
    %sub3A_254 = vector.broadcast %mul3A_2 : i32 to vector<16xi32>
    %sub3A_255 = arith.subi %get3A_246, %sub3A_254 : vector<16xi32>
    %jit3A_256 = arith.constant 0 : i32
    %broadcast_in_dim3A_257 = vector.broadcast %jit3A_256 : i32 to vector<16xi32>
    %select_n3A_258 = arith.select %and3A_253, %sub3A_255, %broadcast_in_dim3A_257 : vector<16xi1>, vector<16xi32>
    %add3A_259 = arith.constant 128 : i32
    %add3A_260 = vector.broadcast %add3A_259 : i32 to vector<16xi32>
    %add3A_261 = arith.addi %add3A_260, %iota3A : vector<16xi32>
    tpu.vector_store_idx %arg9[%select_n3A_258], %add3A_261 masked %and3A_253 : memref<128xi32, #tpu.memory_space<vmem>>[vector<16xi32>], vector<16xi32>, vector<16xi1>
    %get3A_262 = arith.constant 128 : index
    %get3A_263 = tpu.vector_load %arg8[%get3A_262] {strides = array<i32>} : memref<2048xf32, #tpu.memory_space<vmem>>, vector<16xf32>,
    tpu.vector_store_idx %arg10[%select_n3A_258, %broadcast_in_dim3A_5], %get3A_263 masked %and3A_253 : memref<128x1xf32, #tpu.memory_space<vmem>>[vector<16xi32>, vector<16xi32>], vector<16xf32>, vector<16xi1>
    %get3A_264 = arith.constant 144 : index
    %get3A_265 = tpu.vector_load %arg7[%get3A_264] {strides = array<i32>} : memref<2048xi32, #tpu.memory_space<vmem>>, vector<16xi32>,
    %ge3A_266 = vector.broadcast %mul3A_2 : i32 to vector<16xi32>
    %ge3A_267 = arith.cmpi sge, %get3A_265, %ge3A_266 : vector<16xi32>
    %add3A_268 = arith.constant 128 : i32
    %add3A_269 = arith.addi %mul3A_2, %add3A_268 : i32
    %lt3A_270 = vector.broadcast %add3A_269 : i32 to vector<16xi32>
    %lt3A_271 = arith.cmpi slt, %get3A_265, %lt3A_270 : vector<16xi32>
    %and3A_272 = arith.andi %ge3A_267, %lt3A_271 : vector<16xi1>
    %sub3A_273 = vector.broadcast %mul3A_2 : i32 to vector<16xi32>
    %sub3A_274 = arith.subi %get3A_265, %sub3A_273 : vector<16xi32>
    %jit3A_275 = arith.constant 0 : i32
    %broadcast_in_dim3A_276 = vector.broadcast %jit3A_275 : i32 to vector<16xi32>
    %select_n3A_277 = arith.select %and3A_272, %sub3A_274, %broadcast_in_dim3A_276 : vector<16xi1>, vector<16xi32>
    %add3A_278 = arith.constant 144 : i32
    %add3A_279 = vector.broadcast %add3A_278 : i32 to vector<16xi32>
    %add3A_280 = arith.addi %add3A_279, %iota3A : vector<16xi32>
    tpu.vector_store_idx %arg9[%select_n3A_277], %add3A_280 masked %and3A_272 : memref<128xi32, #tpu.memory_space<vmem>>[vector<16xi32>], vector<16xi32>, vector<16xi1>
    %get3A_281 = arith.constant 144 : index
    %get3A_282 = tpu.vector_load %arg8[%get3A_281] {strides = array<i32>} : memref<2048xf32, #tpu.memory_space<vmem>>, vector<16xf32>,
    tpu.vector_store_idx %arg10[%select_n3A_277, %broadcast_in_dim3A_5], %get3A_282 masked %and3A_272 : memref<128x1xf32, #tpu.memory_space<vmem>>[vector<16xi32>, vector<16xi32>], vector<16xf32>, vector<16xi1>
    %get3A_283 = arith.constant 160 : index
    %get3A_284 = tpu.vector_load %arg7[%get3A_283] {strides = array<i32>} : memref<2048xi32, #tpu.memory_space<vmem>>, vector<16xi32>,
    %ge3A_285 = vector.broadcast %mul3A_2 : i32 to vector<16xi32>
    %ge3A_286 = arith.cmpi sge, %get3A_284, %ge3A_285 : vector<16xi32>
    %add3A_287 = arith.constant 128 : i32
    %add3A_288 = arith.addi %mul3A_2, %add3A_287 : i32
    %lt3A_289 = vector.broadcast %add3A_288 : i32 to vector<16xi32>
    %lt3A_290 = arith.cmpi slt, %get3A_284, %lt3A_289 : vector<16xi32>
    %and3A_291 = arith.andi %ge3A_286, %lt3A_290 : vector<16xi1>
    %sub3A_292 = vector.broadcast %mul3A_2 : i32 to vector<16xi32>
    %sub3A_293 = arith.subi %get3A_284, %sub3A_292 : vector<16xi32>
    %jit3A_294 = arith.constant 0 : i32
    %broadcast_in_dim3A_295 = vector.broadcast %jit3A_294 : i32 to vector<16xi32>
    %select_n3A_296 = arith.select %and3A_291, %sub3A_293, %broadcast_in_dim3A_295 : vector<16xi1>, vector<16xi32>
    %add3A_297 = arith.constant 160 : i32
    %add3A_298 = vector.broadcast %add3A_297 : i32 to vector<16xi32>
    %add3A_299 = arith.addi %add3A_298, %iota3A : vector<16xi32>
    tpu.vector_store_idx %arg9[%select_n3A_296], %add3A_299 masked %and3A_291 : memref<128xi32, #tpu.memory_space<vmem>>[vector<16xi32>], vector<16xi32>, vector<16xi1>
    %get3A_300 = arith.constant 160 : index
    %get3A_301 = tpu.vector_load %arg8[%get3A_300] {strides = array<i32>} : memref<2048xf32, #tpu.memory_space<vmem>>, vector<16xf32>,
    tpu.vector_store_idx %arg10[%select_n3A_296, %broadcast_in_dim3A_5], %get3A_301 masked %and3A_291 : memref<128x1xf32, #tpu.memory_space<vmem>>[vector<16xi32>, vector<16xi32>], vector<16xf32>, vector<16xi1>
    %get3A_302 = arith.constant 176 : index
    %get3A_303 = tpu.vector_load %arg7[%get3A_302] {strides = array<i32>} : memref<2048xi32, #tpu.memory_space<vmem>>, vector<16xi32>,
    %ge3A_304 = vector.broadcast %mul3A_2 : i32 to vector<16xi32>
    %ge3A_305 = arith.cmpi sge, %get3A_303, %ge3A_304 : vector<16xi32>
    %add3A_306 = arith.constant 128 : i32
    %add3A_307 = arith.addi %mul3A_2, %add3A_306 : i32
    %lt3A_308 = vector.broadcast %add3A_307 : i32 to vector<16xi32>
    %lt3A_309 = arith.cmpi slt, %get3A_303, %lt3A_308 : vector<16xi32>
    %and3A_310 = arith.andi %ge3A_305, %lt3A_309 : vector<16xi1>
    %sub3A_311 = vector.broadcast %mul3A_2 : i32 to vector<16xi32>
    %sub3A_312 = arith.subi %get3A_303, %sub3A_311 : vector<16xi32>
    %jit3A_313 = arith.constant 0 : i32
    %broadcast_in_dim3A_314 = vector.broadcast %jit3A_313 : i32 to vector<16xi32>
    %select_n3A_315 = arith.select %and3A_310, %sub3A_312, %broadcast_in_dim3A_314 : vector<16xi1>, vector<16xi32>
    %add3A_316 = arith.constant 176 : i32
    %add3A_317 = vector.broadcast %add3A_316 : i32 to vector<16xi32>
    %add3A_318 = arith.addi %add3A_317, %iota3A : vector<16xi32>
    tpu.vector_store_idx %arg9[%select_n3A_315], %add3A_318 masked %and3A_310 : memref<128xi32, #tpu.memory_space<vmem>>[vector<16xi32>], vector<16xi32>, vector<16xi1>
    %get3A_319 = arith.constant 176 : index
    %get3A_320 = tpu.vector_load %arg8[%get3A_319] {strides = array<i32>} : memref<2048xf32, #tpu.memory_space<vmem>>, vector<16xf32>,
    tpu.vector_store_idx %arg10[%select_n3A_315, %broadcast_in_dim3A_5], %get3A_320 masked %and3A_310 : memref<128x1xf32, #tpu.memory_space<vmem>>[vector<16xi32>, vector<16xi32>], vector<16xf32>, vector<16xi1>
    %get3A_321 = arith.constant 192 : index
    %get3A_322 = tpu.vector_load %arg7[%get3A_321] {strides = array<i32>} : memref<2048xi32, #tpu.memory_space<vmem>>, vector<16xi32>,
    %ge3A_323 = vector.broadcast %mul3A_2 : i32 to vector<16xi32>
    %ge3A_324 = arith.cmpi sge, %get3A_322, %ge3A_323 : vector<16xi32>
    %add3A_325 = arith.constant 128 : i32
    %add3A_326 = arith.addi %mul3A_2, %add3A_325 : i32
    %lt3A_327 = vector.broadcast %add3A_326 : i32 to vector<16xi32>
    %lt3A_328 = arith.cmpi slt, %get3A_322, %lt3A_327 : vector<16xi32>
    %and3A_329 = arith.andi %ge3A_324, %lt3A_328 : vector<16xi1>
    %sub3A_330 = vector.broadcast %mul3A_2 : i32 to vector<16xi32>
    %sub3A_331 = arith.subi %get3A_322, %sub3A_330 : vector<16xi32>
    %jit3A_332 = arith.constant 0 : i32
    %broadcast_in_dim3A_333 = vector.broadcast %jit3A_332 : i32 to vector<16xi32>
    %select_n3A_334 = arith.select %and3A_329, %sub3A_331, %broadcast_in_dim3A_333 : vector<16xi1>, vector<16xi32>
    %add3A_335 = arith.constant 192 : i32
    %add3A_336 = vector.broadcast %add3A_335 : i32 to vector<16xi32>
    %add3A_337 = arith.addi %add3A_336, %iota3A : vector<16xi32>
    tpu.vector_store_idx %arg9[%select_n3A_334], %add3A_337 masked %and3A_329 : memref<128xi32, #tpu.memory_space<vmem>>[vector<16xi32>], vector<16xi32>, vector<16xi1>
    %get3A_338 = arith.constant 192 : index
    %get3A_339 = tpu.vector_load %arg8[%get3A_338] {strides = array<i32>} : memref<2048xf32, #tpu.memory_space<vmem>>, vector<16xf32>,
    tpu.vector_store_idx %arg10[%select_n3A_334, %broadcast_in_dim3A_5], %get3A_339 masked %and3A_329 : memref<128x1xf32, #tpu.memory_space<vmem>>[vector<16xi32>, vector<16xi32>], vector<16xf32>, vector<16xi1>
    %get3A_340 = arith.constant 208 : index
    %get3A_341 = tpu.vector_load %arg7[%get3A_340] {strides = array<i32>} : memref<2048xi32, #tpu.memory_space<vmem>>, vector<16xi32>,
    %ge3A_342 = vector.broadcast %mul3A_2 : i32 to vector<16xi32>
    %ge3A_343 = arith.cmpi sge, %get3A_341, %ge3A_342 : vector<16xi32>
    %add3A_344 = arith.constant 128 : i32
    %add3A_345 = arith.addi %mul3A_2, %add3A_344 : i32
    %lt3A_346 = vector.broadcast %add3A_345 : i32 to vector<16xi32>
    %lt3A_347 = arith.cmpi slt, %get3A_341, %lt3A_346 : vector<16xi32>
    %and3A_348 = arith.andi %ge3A_343, %lt3A_347 : vector<16xi1>
    %sub3A_349 = vector.broadcast %mul3A_2 : i32 to vector<16xi32>
    %sub3A_350 = arith.subi %get3A_341, %sub3A_349 : vector<16xi32>
    %jit3A_351 = arith.constant 0 : i32
    %broadcast_in_dim3A_352 = vector.broadcast %jit3A_351 : i32 to vector<16xi32>
    %select_n3A_353 = arith.select %and3A_348, %sub3A_350, %broadcast_in_dim3A_352 : vector<16xi1>, vector<16xi32>
    %add3A_354 = arith.constant 208 : i32
    %add3A_355 = vector.broadcast %add3A_354 : i32 to vector<16xi32>
    %add3A_356 = arith.addi %add3A_355, %iota3A : vector<16xi32>
    tpu.vector_store_idx %arg9[%select_n3A_353], %add3A_356 masked %and3A_348 : memref<128xi32, #tpu.memory_space<vmem>>[vector<16xi32>], vector<16xi32>, vector<16xi1>
    %get3A_357 = arith.constant 208 : index
    %get3A_358 = tpu.vector_load %arg8[%get3A_357] {strides = array<i32>} : memref<2048xf32, #tpu.memory_space<vmem>>, vector<16xf32>,
    tpu.vector_store_idx %arg10[%select_n3A_353, %broadcast_in_dim3A_5], %get3A_358 masked %and3A_348 : memref<128x1xf32, #tpu.memory_space<vmem>>[vector<16xi32>, vector<16xi32>], vector<16xf32>, vector<16xi1>
    %get3A_359 = arith.constant 224 : index
    %get3A_360 = tpu.vector_load %arg7[%get3A_359] {strides = array<i32>} : memref<2048xi32, #tpu.memory_space<vmem>>, vector<16xi32>,
    %ge3A_361 = vector.broadcast %mul3A_2 : i32 to vector<16xi32>
    %ge3A_362 = arith.cmpi sge, %get3A_360, %ge3A_361 : vector<16xi32>
    %add3A_363 = arith.constant 128 : i32
    %add3A_364 = arith.addi %mul3A_2, %add3A_363 : i32
    %lt3A_365 = vector.broadcast %add3A_364 : i32 to vector<16xi32>
    %lt3A_366 = arith.cmpi slt, %get3A_360, %lt3A_365 : vector<16xi32>
    %and3A_367 = arith.andi %ge3A_362, %lt3A_366 : vector<16xi1>
    %sub3A_368 = vector.broadcast %mul3A_2 : i32 to vector<16xi32>
    %sub3A_369 = arith.subi %get3A_360, %sub3A_368 : vector<16xi32>
    %jit3A_370 = arith.constant 0 : i32
    %broadcast_in_dim3A_371 = vector.broadcast %jit3A_370 : i32 to vector<16xi32>
    %select_n3A_372 = arith.select %and3A_367, %sub3A_369, %broadcast_in_dim3A_371 : vector<16xi1>, vector<16xi32>
    %add3A_373 = arith.constant 224 : i32
    %add3A_374 = vector.broadcast %add3A_373 : i32 to vector<16xi32>
    %add3A_375 = arith.addi %add3A_374, %iota3A : vector<16xi32>
    tpu.vector_store_idx %arg9[%select_n3A_372], %add3A_375 masked %and3A_367 : memref<128xi32, #tpu.memory_space<vmem>>[vector<16xi32>], vector<16xi32>, vector<16xi1>
    %get3A_376 = arith.constant 224 : index
    %get3A_377 = tpu.vector_load %arg8[%get3A_376] {strides = array<i32>} : memref<2048xf32, #tpu.memory_space<vmem>>, vector<16xf32>,
    tpu.vector_store_idx %arg10[%select_n3A_372, %broadcast_in_dim3A_5], %get3A_377 masked %and3A_367 : memref<128x1xf32, #tpu.memory_space<vmem>>[vector<16xi32>, vector<16xi32>], vector<16xf32>, vector<16xi1>
    %get3A_378 = arith.constant 240 : index
    %get3A_379 = tpu.vector_load %arg7[%get3A_378] {strides = array<i32>} : memref<2048xi32, #tpu.memory_space<vmem>>, vector<16xi32>,
    %ge3A_380 = vector.broadcast %mul3A_2 : i32 to vector<16xi32>
    %ge3A_381 = arith.cmpi sge, %get3A_379, %ge3A_380 : vector<16xi32>
    %add3A_382 = arith.constant 128 : i32
    %add3A_383 = arith.addi %mul3A_2, %add3A_382 : i32
    %lt3A_384 = vector.broadcast %add3A_383 : i32 to vector<16xi32>
    %lt3A_385 = arith.cmpi slt, %get3A_379, %lt3A_384 : vector<16xi32>
    %and3A_386 = arith.andi %ge3A_381, %lt3A_385 : vector<16xi1>
    %sub3A_387 = vector.broadcast %mul3A_2 : i32 to vector<16xi32>
    %sub3A_388 = arith.subi %get3A_379, %sub3A_387 : vector<16xi32>
    %jit3A_389 = arith.constant 0 : i32
    %broadcast_in_dim3A_390 = vector.broadcast %jit3A_389 : i32 to vector<16xi32>
    %select_n3A_391 = arith.select %and3A_386, %sub3A_388, %broadcast_in_dim3A_390 : vector<16xi1>, vector<16xi32>
    %add3A_392 = arith.constant 240 : i32
    %add3A_393 = vector.broadcast %add3A_392 : i32 to vector<16xi32>
    %add3A_394 = arith.addi %add3A_393, %iota3A : vector<16xi32>
    tpu.vector_store_idx %arg9[%select_n3A_391], %add3A_394 masked %and3A_386 : memref<128xi32, #tpu.memory_space<vmem>>[vector<16xi32>], vector<16xi32>, vector<16xi1>
    %get3A_395 = arith.constant 240 : index
    %get3A_396 = tpu.vector_load %arg8[%get3A_395] {strides = array<i32>} : memref<2048xf32, #tpu.memory_space<vmem>>, vector<16xf32>,
    tpu.vector_store_idx %arg10[%select_n3A_391, %broadcast_in_dim3A_5], %get3A_396 masked %and3A_386 : memref<128x1xf32, #tpu.memory_space<vmem>>[vector<16xi32>, vector<16xi32>], vector<16xf32>, vector<16xi1>
    %get3A_397 = arith.constant 256 : index
    %get3A_398 = tpu.vector_load %arg7[%get3A_397] {strides = array<i32>} : memref<2048xi32, #tpu.memory_space<vmem>>, vector<16xi32>,
    %ge3A_399 = vector.broadcast %mul3A_2 : i32 to vector<16xi32>
    %ge3A_400 = arith.cmpi sge, %get3A_398, %ge3A_399 : vector<16xi32>
    %add3A_401 = arith.constant 128 : i32
    %add3A_402 = arith.addi %mul3A_2, %add3A_401 : i32
    %lt3A_403 = vector.broadcast %add3A_402 : i32 to vector<16xi32>
    %lt3A_404 = arith.cmpi slt, %get3A_398, %lt3A_403 : vector<16xi32>
    %and3A_405 = arith.andi %ge3A_400, %lt3A_404 : vector<16xi1>
    %sub3A_406 = vector.broadcast %mul3A_2 : i32 to vector<16xi32>
    %sub3A_407 = arith.subi %get3A_398, %sub3A_406 : vector<16xi32>
    %jit3A_408 = arith.constant 0 : i32
    %broadcast_in_dim3A_409 = vector.broadcast %jit3A_408 : i32 to vector<16xi32>
    %select_n3A_410 = arith.select %and3A_405, %sub3A_407, %broadcast_in_dim3A_409 : vector<16xi1>, vector<16xi32>
    %add3A_411 = arith.constant 256 : i32
    %add3A_412 = vector.broadcast %add3A_411 : i32 to vector<16xi32>
    %add3A_413 = arith.addi %add3A_412, %iota3A : vector<16xi32>
    tpu.vector_store_idx %arg9[%select_n3A_410], %add3A_413 masked %and3A_405 : memref<128xi32, #tpu.memory_space<vmem>>[vector<16xi32>], vector<16xi32>, vector<16xi1>
    %get3A_414 = arith.constant 256 : index
    %get3A_415 = tpu.vector_load %arg8[%get3A_414] {strides = array<i32>} : memref<2048xf32, #tpu.memory_space<vmem>>, vector<16xf32>,
    tpu.vector_store_idx %arg10[%select_n3A_410, %broadcast_in_dim3A_5], %get3A_415 masked %and3A_405 : memref<128x1xf32, #tpu.memory_space<vmem>>[vector<16xi32>, vector<16xi32>], vector<16xf32>, vector<16xi1>
    %get3A_416 = arith.constant 272 : index
    %get3A_417 = tpu.vector_load %arg7[%get3A_416] {strides = array<i32>} : memref<2048xi32, #tpu.memory_space<vmem>>, vector<16xi32>,
    %ge3A_418 = vector.broadcast %mul3A_2 : i32 to vector<16xi32>
    %ge3A_419 = arith.cmpi sge, %get3A_417, %ge3A_418 : vector<16xi32>
    %add3A_420 = arith.constant 128 : i32
    %add3A_421 = arith.addi %mul3A_2, %add3A_420 : i32
    %lt3A_422 = vector.broadcast %add3A_421 : i32 to vector<16xi32>
    %lt3A_423 = arith.cmpi slt, %get3A_417, %lt3A_422 : vector<16xi32>
    %and3A_424 = arith.andi %ge3A_419, %lt3A_423 : vector<16xi1>
    %sub3A_425 = vector.broadcast %mul3A_2 : i32 to vector<16xi32>
    %sub3A_426 = arith.subi %get3A_417, %sub3A_425 : vector<16xi32>
    %jit3A_427 = arith.constant 0 : i32
    %broadcast_in_dim3A_428 = vector.broadcast %jit3A_427 : i32 to vector<16xi32>
    %select_n3A_429 = arith.select %and3A_424, %sub3A_426, %broadcast_in_dim3A_428 : vector<16xi1>, vector<16xi32>
    %add3A_430 = arith.constant 272 : i32
    %add3A_431 = vector.broadcast %add3A_430 : i32 to vector<16xi32>
    %add3A_432 = arith.addi %add3A_431, %iota3A : vector<16xi32>
    tpu.vector_store_idx %arg9[%select_n3A_429], %add3A_432 masked %and3A_424 : memref<128xi32, #tpu.memory_space<vmem>>[vector<16xi32>], vector<16xi32>, vector<16xi1>
    %get3A_433 = arith.constant 272 : index
    %get3A_434 = tpu.vector_load %arg8[%get3A_433] {strides = array<i32>} : memref<2048xf32, #tpu.memory_space<vmem>>, vector<16xf32>,
    tpu.vector_store_idx %arg10[%select_n3A_429, %broadcast_in_dim3A_5], %get3A_434 masked %and3A_424 : memref<128x1xf32, #tpu.memory_space<vmem>>[vector<16xi32>, vector<16xi32>], vector<16xf32>, vector<16xi1>
    %get3A_435 = arith.constant 288 : index
    %get3A_436 = tpu.vector_load %arg7[%get3A_435] {strides = array<i32>} : memref<2048xi32, #tpu.memory_space<vmem>>, vector<16xi32>,
    %ge3A_437 = vector.broadcast %mul3A_2 : i32 to vector<16xi32>
    %ge3A_438 = arith.cmpi sge, %get3A_436, %ge3A_437 : vector<16xi32>
    %add3A_439 = arith.constant 128 : i32
    %add3A_440 = arith.addi %mul3A_2, %add3A_439 : i32
    %lt3A_441 = vector.broadcast %add3A_440 : i32 to vector<16xi32>
    %lt3A_442 = arith.cmpi slt, %get3A_436, %lt3A_441 : vector<16xi32>
    %and3A_443 = arith.andi %ge3A_438, %lt3A_442 : vector<16xi1>
    %sub3A_444 = vector.broadcast %mul3A_2 : i32 to vector<16xi32>
    %sub3A_445 = arith.subi %get3A_436, %sub3A_444 : vector<16xi32>
    %jit3A_446 = arith.constant 0 : i32
    %broadcast_in_dim3A_447 = vector.broadcast %jit3A_446 : i32 to vector<16xi32>
    %select_n3A_448 = arith.select %and3A_443, %sub3A_445, %broadcast_in_dim3A_447 : vector<16xi1>, vector<16xi32>
    %add3A_449 = arith.constant 288 : i32
    %add3A_450 = vector.broadcast %add3A_449 : i32 to vector<16xi32>
    %add3A_451 = arith.addi %add3A_450, %iota3A : vector<16xi32>
    tpu.vector_store_idx %arg9[%select_n3A_448], %add3A_451 masked %and3A_443 : memref<128xi32, #tpu.memory_space<vmem>>[vector<16xi32>], vector<16xi32>, vector<16xi1>
    %get3A_452 = arith.constant 288 : index
    %get3A_453 = tpu.vector_load %arg8[%get3A_452] {strides = array<i32>} : memref<2048xf32, #tpu.memory_space<vmem>>, vector<16xf32>,
    tpu.vector_store_idx %arg10[%select_n3A_448, %broadcast_in_dim3A_5], %get3A_453 masked %and3A_443 : memref<128x1xf32, #tpu.memory_space<vmem>>[vector<16xi32>, vector<16xi32>], vector<16xf32>, vector<16xi1>
    %get3A_454 = arith.constant 304 : index
    %get3A_455 = tpu.vector_load %arg7[%get3A_454] {strides = array<i32>} : memref<2048xi32, #tpu.memory_space<vmem>>, vector<16xi32>,
    %ge3A_456 = vector.broadcast %mul3A_2 : i32 to vector<16xi32>
    %ge3A_457 = arith.cmpi sge, %get3A_455, %ge3A_456 : vector<16xi32>
    %add3A_458 = arith.constant 128 : i32
    %add3A_459 = arith.addi %mul3A_2, %add3A_458 : i32
    %lt3A_460 = vector.broadcast %add3A_459 : i32 to vector<16xi32>
    %lt3A_461 = arith.cmpi slt, %get3A_455, %lt3A_460 : vector<16xi32>
    %and3A_462 = arith.andi %ge3A_457, %lt3A_461 : vector<16xi1>
    %sub3A_463 = vector.broadcast %mul3A_2 : i32 to vector<16xi32>
    %sub3A_464 = arith.subi %get3A_455, %sub3A_463 : vector<16xi32>
    %jit3A_465 = arith.constant 0 : i32
    %broadcast_in_dim3A_466 = vector.broadcast %jit3A_465 : i32 to vector<16xi32>
    %select_n3A_467 = arith.select %and3A_462, %sub3A_464, %broadcast_in_dim3A_466 : vector<16xi1>, vector<16xi32>
    %add3A_468 = arith.constant 304 : i32
    %add3A_469 = vector.broadcast %add3A_468 : i32 to vector<16xi32>
    %add3A_470 = arith.addi %add3A_469, %iota3A : vector<16xi32>
    tpu.vector_store_idx %arg9[%select_n3A_467], %add3A_470 masked %and3A_462 : memref<128xi32, #tpu.memory_space<vmem>>[vector<16xi32>], vector<16xi32>, vector<16xi1>
    %get3A_471 = arith.constant 304 : index
    %get3A_472 = tpu.vector_load %arg8[%get3A_471] {strides = array<i32>} : memref<2048xf32, #tpu.memory_space<vmem>>, vector<16xf32>,
    tpu.vector_store_idx %arg10[%select_n3A_467, %broadcast_in_dim3A_5], %get3A_472 masked %and3A_462 : memref<128x1xf32, #tpu.memory_space<vmem>>[vector<16xi32>, vector<16xi32>], vector<16xf32>, vector<16xi1>
    %get3A_473 = arith.constant 320 : index
    %get3A_474 = tpu.vector_load %arg7[%get3A_473] {strides = array<i32>} : memref<2048xi32, #tpu.memory_space<vmem>>, vector<16xi32>,
    %ge3A_475 = vector.broadcast %mul3A_2 : i32 to vector<16xi32>
    %ge3A_476 = arith.cmpi sge, %get3A_474, %ge3A_475 : vector<16xi32>
    %add3A_477 = arith.constant 128 : i32
    %add3A_478 = arith.addi %mul3A_2, %add3A_477 : i32
    %lt3A_479 = vector.broadcast %add3A_478 : i32 to vector<16xi32>
    %lt3A_480 = arith.cmpi slt, %get3A_474, %lt3A_479 : vector<16xi32>
    %and3A_481 = arith.andi %ge3A_476, %lt3A_480 : vector<16xi1>
    %sub3A_482 = vector.broadcast %mul3A_2 : i32 to vector<16xi32>
    %sub3A_483 = arith.subi %get3A_474, %sub3A_482 : vector<16xi32>
    %jit3A_484 = arith.constant 0 : i32
    %broadcast_in_dim3A_485 = vector.broadcast %jit3A_484 : i32 to vector<16xi32>
    %select_n3A_486 = arith.select %and3A_481, %sub3A_483, %broadcast_in_dim3A_485 : vector<16xi1>, vector<16xi32>
    %add3A_487 = arith.constant 320 : i32
    %add3A_488 = vector.broadcast %add3A_487 : i32 to vector<16xi32>
    %add3A_489 = arith.addi %add3A_488, %iota3A : vector<16xi32>
    tpu.vector_store_idx %arg9[%select_n3A_486], %add3A_489 masked %and3A_481 : memref<128xi32, #tpu.memory_space<vmem>>[vector<16xi32>], vector<16xi32>, vector<16xi1>
    %get3A_490 = arith.constant 320 : index
    %get3A_491 = tpu.vector_load %arg8[%get3A_490] {strides = array<i32>} : memref<2048xf32, #tpu.memory_space<vmem>>, vector<16xf32>,
    tpu.vector_store_idx %arg10[%select_n3A_486, %broadcast_in_dim3A_5], %get3A_491 masked %and3A_481 : memref<128x1xf32, #tpu.memory_space<vmem>>[vector<16xi32>, vector<16xi32>], vector<16xf32>, vector<16xi1>
    %get3A_492 = arith.constant 336 : index
    %get3A_493 = tpu.vector_load %arg7[%get3A_492] {strides = array<i32>} : memref<2048xi32, #tpu.memory_space<vmem>>, vector<16xi32>,
    %ge3A_494 = vector.broadcast %mul3A_2 : i32 to vector<16xi32>
    %ge3A_495 = arith.cmpi sge, %get3A_493, %ge3A_494 : vector<16xi32>
    %add3A_496 = arith.constant 128 : i32
    %add3A_497 = arith.addi %mul3A_2, %add3A_496 : i32
    %lt3A_498 = vector.broadcast %add3A_497 : i32 to vector<16xi32>
    %lt3A_499 = arith.cmpi slt, %get3A_493, %lt3A_498 : vector<16xi32>
    %and3A_500 = arith.andi %ge3A_495, %lt3A_499 : vector<16xi1>
    %sub3A_501 = vector.broadcast %mul3A_2 : i32 to vector<16xi32>
    %sub3A_502 = arith.subi %get3A_493, %sub3A_501 : vector<16xi32>
    %jit3A_503 = arith.constant 0 : i32
    %broadcast_in_dim3A_504 = vector.broadcast %jit3A_503 : i32 to vector<16xi32>
    %select_n3A_505 = arith.select %and3A_500, %sub3A_502, %broadcast_in_dim3A_504 : vector<16xi1>, vector<16xi32>
    %add3A_506 = arith.constant 336 : i32
    %add3A_507 = vector.broadcast %add3A_506 : i32 to vector<16xi32>
    %add3A_508 = arith.addi %add3A_507, %iota3A : vector<16xi32>
    tpu.vector_store_idx %arg9[%select_n3A_505], %add3A_508 masked %and3A_500 : memref<128xi32, #tpu.memory_space<vmem>>[vector<16xi32>], vector<16xi32>, vector<16xi1>
    %get3A_509 = arith.constant 336 : index
    %get3A_510 = tpu.vector_load %arg8[%get3A_509] {strides = array<i32>} : memref<2048xf32, #tpu.memory_space<vmem>>, vector<16xf32>,
    tpu.vector_store_idx %arg10[%select_n3A_505, %broadcast_in_dim3A_5], %get3A_510 masked %and3A_500 : memref<128x1xf32, #tpu.memory_space<vmem>>[vector<16xi32>, vector<16xi32>], vector<16xf32>, vector<16xi1>
    %get3A_511 = arith.constant 352 : index
    %get3A_512 = tpu.vector_load %arg7[%get3A_511] {strides = array<i32>} : memref<2048xi32, #tpu.memory_space<vmem>>, vector<16xi32>,
    %ge3A_513 = vector.broadcast %mul3A_2 : i32 to vector<16xi32>
    %ge3A_514 = arith.cmpi sge, %get3A_512, %ge3A_513 : vector<16xi32>
    %add3A_515 = arith.constant 128 : i32
    %add3A_516 = arith.addi %mul3A_2, %add3A_515 : i32
    %lt3A_517 = vector.broadcast %add3A_516 : i32 to vector<16xi32>
    %lt3A_518 = arith.cmpi slt, %get3A_512, %lt3A_517 : vector<16xi32>
    %and3A_519 = arith.andi %ge3A_514, %lt3A_518 : vector<16xi1>
    %sub3A_520 = vector.broadcast %mul3A_2 : i32 to vector<16xi32>
    %sub3A_521 = arith.subi %get3A_512, %sub3A_520 : vector<16xi32>
    %jit3A_522 = arith.constant 0 : i32
    %broadcast_in_dim3A_523 = vector.broadcast %jit3A_522 : i32 to vector<16xi32>
    %select_n3A_524 = arith.select %and3A_519, %sub3A_521, %broadcast_in_dim3A_523 : vector<16xi1>, vector<16xi32>
    %add3A_525 = arith.constant 352 : i32
    %add3A_526 = vector.broadcast %add3A_525 : i32 to vector<16xi32>
    %add3A_527 = arith.addi %add3A_526, %iota3A : vector<16xi32>
    tpu.vector_store_idx %arg9[%select_n3A_524], %add3A_527 masked %and3A_519 : memref<128xi32, #tpu.memory_space<vmem>>[vector<16xi32>], vector<16xi32>, vector<16xi1>
    %get3A_528 = arith.constant 352 : index
    %get3A_529 = tpu.vector_load %arg8[%get3A_528] {strides = array<i32>} : memref<2048xf32, #tpu.memory_space<vmem>>, vector<16xf32>,
    tpu.vector_store_idx %arg10[%select_n3A_524, %broadcast_in_dim3A_5], %get3A_529 masked %and3A_519 : memref<128x1xf32, #tpu.memory_space<vmem>>[vector<16xi32>, vector<16xi32>], vector<16xf32>, vector<16xi1>
    %get3A_530 = arith.constant 368 : index
    %get3A_531 = tpu.vector_load %arg7[%get3A_530] {strides = array<i32>} : memref<2048xi32, #tpu.memory_space<vmem>>, vector<16xi32>,
    %ge3A_532 = vector.broadcast %mul3A_2 : i32 to vector<16xi32>
    %ge3A_533 = arith.cmpi sge, %get3A_531, %ge3A_532 : vector<16xi32>
    %add3A_534 = arith.constant 128 : i32
    %add3A_535 = arith.addi %mul3A_2, %add3A_534 : i32
    %lt3A_536 = vector.broadcast %add3A_535 : i32 to vector<16xi32>
    %lt3A_537 = arith.cmpi slt, %get3A_531, %lt3A_536 : vector<16xi32>
    %and3A_538 = arith.andi %ge3A_533, %lt3A_537 : vector<16xi1>
    %sub3A_539 = vector.broadcast %mul3A_2 : i32 to vector<16xi32>
    %sub3A_540 = arith.subi %get3A_531, %sub3A_539 : vector<16xi32>
    %jit3A_541 = arith.constant 0 : i32
    %broadcast_in_dim3A_542 = vector.broadcast %jit3A_541 : i32 to vector<16xi32>
    %select_n3A_543 = arith.select %and3A_538, %sub3A_540, %broadcast_in_dim3A_542 : vector<16xi1>, vector<16xi32>
    %add3A_544 = arith.constant 368 : i32
    %add3A_545 = vector.broadcast %add3A_544 : i32 to vector<16xi32>
    %add3A_546 = arith.addi %add3A_545, %iota3A : vector<16xi32>
    tpu.vector_store_idx %arg9[%select_n3A_543], %add3A_546 masked %and3A_538 : memref<128xi32, #tpu.memory_space<vmem>>[vector<16xi32>], vector<16xi32>, vector<16xi1>
    %get3A_547 = arith.constant 368 : index
    %get3A_548 = tpu.vector_load %arg8[%get3A_547] {strides = array<i32>} : memref<2048xf32, #tpu.memory_space<vmem>>, vector<16xf32>,
    tpu.vector_store_idx %arg10[%select_n3A_543, %broadcast_in_dim3A_5], %get3A_548 masked %and3A_538 : memref<128x1xf32, #tpu.memory_space<vmem>>[vector<16xi32>, vector<16xi32>], vector<16xf32>, vector<16xi1>
    %get3A_549 = arith.constant 384 : index
    %get3A_550 = tpu.vector_load %arg7[%get3A_549] {strides = array<i32>} : memref<2048xi32, #tpu.memory_space<vmem>>, vector<16xi32>,
    %ge3A_551 = vector.broadcast %mul3A_2 : i32 to vector<16xi32>
    %ge3A_552 = arith.cmpi sge, %get3A_550, %ge3A_551 : vector<16xi32>
    %add3A_553 = arith.constant 128 : i32
    %add3A_554 = arith.addi %mul3A_2, %add3A_553 : i32
    %lt3A_555 = vector.broadcast %add3A_554 : i32 to vector<16xi32>
    %lt3A_556 = arith.cmpi slt, %get3A_550, %lt3A_555 : vector<16xi32>
    %and3A_557 = arith.andi %ge3A_552, %lt3A_556 : vector<16xi1>
    %sub3A_558 = vector.broadcast %mul3A_2 : i32 to vector<16xi32>
    %sub3A_559 = arith.subi %get3A_550, %sub3A_558 : vector<16xi32>
    %jit3A_560 = arith.constant 0 : i32
    %broadcast_in_dim3A_561 = vector.broadcast %jit3A_560 : i32 to vector<16xi32>
    %select_n3A_562 = arith.select %and3A_557, %sub3A_559, %broadcast_in_dim3A_561 : vector<16xi1>, vector<16xi32>
    %add3A_563 = arith.constant 384 : i32
    %add3A_564 = vector.broadcast %add3A_563 : i32 to vector<16xi32>
    %add3A_565 = arith.addi %add3A_564, %iota3A : vector<16xi32>
    tpu.vector_store_idx %arg9[%select_n3A_562], %add3A_565 masked %and3A_557 : memref<128xi32, #tpu.memory_space<vmem>>[vector<16xi32>], vector<16xi32>, vector<16xi1>
    %get3A_566 = arith.constant 384 : index
    %get3A_567 = tpu.vector_load %arg8[%get3A_566] {strides = array<i32>} : memref<2048xf32, #tpu.memory_space<vmem>>, vector<16xf32>,
    tpu.vector_store_idx %arg10[%select_n3A_562, %broadcast_in_dim3A_5], %get3A_567 masked %and3A_557 : memref<128x1xf32, #tpu.memory_space<vmem>>[vector<16xi32>, vector<16xi32>], vector<16xf32>, vector<16xi1>
    %get3A_568 = arith.constant 400 : index
    %get3A_569 = tpu.vector_load %arg7[%get3A_568] {strides = array<i32>} : memref<2048xi32, #tpu.memory_space<vmem>>, vector<16xi32>,
    %ge3A_570 = vector.broadcast %mul3A_2 : i32 to vector<16xi32>
    %ge3A_571 = arith.cmpi sge, %get3A_569, %ge3A_570 : vector<16xi32>
    %add3A_572 = arith.constant 128 : i32
    %add3A_573 = arith.addi %mul3A_2, %add3A_572 : i32
    %lt3A_574 = vector.broadcast %add3A_573 : i32 to vector<16xi32>
    %lt3A_575 = arith.cmpi slt, %get3A_569, %lt3A_574 : vector<16xi32>
    %and3A_576 = arith.andi %ge3A_571, %lt3A_575 : vector<16xi1>
    %sub3A_577 = vector.broadcast %mul3A_2 : i32 to vector<16xi32>
    %sub3A_578 = arith.subi %get3A_569, %sub3A_577 : vector<16xi32>
    %jit3A_579 = arith.constant 0 : i32
    %broadcast_in_dim3A_580 = vector.broadcast %jit3A_579 : i32 to vector<16xi32>
    %select_n3A_581 = arith.select %and3A_576, %sub3A_578, %broadcast_in_dim3A_580 : vector<16xi1>, vector<16xi32>
    %add3A_582 = arith.constant 400 : i32
    %add3A_583 = vector.broadcast %add3A_582 : i32 to vector<16xi32>
    %add3A_584 = arith.addi %add3A_583, %iota3A : vector<16xi32>
    tpu.vector_store_idx %arg9[%select_n3A_581], %add3A_584 masked %and3A_576 : memref<128xi32, #tpu.memory_space<vmem>>[vector<16xi32>], vector<16xi32>, vector<16xi1>
    %get3A_585 = arith.constant 400 : index
    %get3A_586 = tpu.vector_load %arg8[%get3A_585] {strides = array<i32>} : memref<2048xf32, #tpu.memory_space<vmem>>, vector<16xf32>,
    tpu.vector_store_idx %arg10[%select_n3A_581, %broadcast_in_dim3A_5], %get3A_586 masked %and3A_576 : memref<128x1xf32, #tpu.memory_space<vmem>>[vector<16xi32>, vector<16xi32>], vector<16xf32>, vector<16xi1>
    %get3A_587 = arith.constant 416 : index
    %get3A_588 = tpu.vector_load %arg7[%get3A_587] {strides = array<i32>} : memref<2048xi32, #tpu.memory_space<vmem>>, vector<16xi32>,
    %ge3A_589 = vector.broadcast %mul3A_2 : i32 to vector<16xi32>
    %ge3A_590 = arith.cmpi sge, %get3A_588, %ge3A_589 : vector<16xi32>
    %add3A_591 = arith.constant 128 : i32
    %add3A_592 = arith.addi %mul3A_2, %add3A_591 : i32
    %lt3A_593 = vector.broadcast %add3A_592 : i32 to vector<16xi32>
    %lt3A_594 = arith.cmpi slt, %get3A_588, %lt3A_593 : vector<16xi32>
    %and3A_595 = arith.andi %ge3A_590, %lt3A_594 : vector<16xi1>
    %sub3A_596 = vector.broadcast %mul3A_2 : i32 to vector<16xi32>
    %sub3A_597 = arith.subi %get3A_588, %sub3A_596 : vector<16xi32>
    %jit3A_598 = arith.constant 0 : i32
    %broadcast_in_dim3A_599 = vector.broadcast %jit3A_598 : i32 to vector<16xi32>
    %select_n3A_600 = arith.select %and3A_595, %sub3A_597, %broadcast_in_dim3A_599 : vector<16xi1>, vector<16xi32>
    %add3A_601 = arith.constant 416 : i32
    %add3A_602 = vector.broadcast %add3A_601 : i32 to vector<16xi32>
    %add3A_603 = arith.addi %add3A_602, %iota3A : vector<16xi32>
    tpu.vector_store_idx %arg9[%select_n3A_600], %add3A_603 masked %and3A_595 : memref<128xi32, #tpu.memory_space<vmem>>[vector<16xi32>], vector<16xi32>, vector<16xi1>
    %get3A_604 = arith.constant 416 : index
    %get3A_605 = tpu.vector_load %arg8[%get3A_604] {strides = array<i32>} : memref<2048xf32, #tpu.memory_space<vmem>>, vector<16xf32>,
    tpu.vector_store_idx %arg10[%select_n3A_600, %broadcast_in_dim3A_5], %get3A_605 masked %and3A_595 : memref<128x1xf32, #tpu.memory_space<vmem>>[vector<16xi32>, vector<16xi32>], vector<16xf32>, vector<16xi1>
    %get3A_606 = arith.constant 432 : index
    %get3A_607 = tpu.vector_load %arg7[%get3A_606] {strides = array<i32>} : memref<2048xi32, #tpu.memory_space<vmem>>, vector<16xi32>,
    %ge3A_608 = vector.broadcast %mul3A_2 : i32 to vector<16xi32>
    %ge3A_609 = arith.cmpi sge, %get3A_607, %ge3A_608 : vector<16xi32>
    %add3A_610 = arith.constant 128 : i32
    %add3A_611 = arith.addi %mul3A_2, %add3A_610 : i32
    %lt3A_612 = vector.broadcast %add3A_611 : i32 to vector<16xi32>
    %lt3A_613 = arith.cmpi slt, %get3A_607, %lt3A_612 : vector<16xi32>
    %and3A_614 = arith.andi %ge3A_609, %lt3A_613 : vector<16xi1>
    %sub3A_615 = vector.broadcast %mul3A_2 : i32 to vector<16xi32>
    %sub3A_616 = arith.subi %get3A_607, %sub3A_615 : vector<16xi32>
    %jit3A_617 = arith.constant 0 : i32
    %broadcast_in_dim3A_618 = vector.broadcast %jit3A_617 : i32 to vector<16xi32>
    %select_n3A_619 = arith.select %and3A_614, %sub3A_616, %broadcast_in_dim3A_618 : vector<16xi1>, vector<16xi32>
    %add3A_620 = arith.constant 432 : i32
    %add3A_621 = vector.broadcast %add3A_620 : i32 to vector<16xi32>
    %add3A_622 = arith.addi %add3A_621, %iota3A : vector<16xi32>
    tpu.vector_store_idx %arg9[%select_n3A_619], %add3A_622 masked %and3A_614 : memref<128xi32, #tpu.memory_space<vmem>>[vector<16xi32>], vector<16xi32>, vector<16xi1>
    %get3A_623 = arith.constant 432 : index
    %get3A_624 = tpu.vector_load %arg8[%get3A_623] {strides = array<i32>} : memref<2048xf32, #tpu.memory_space<vmem>>, vector<16xf32>,
    tpu.vector_store_idx %arg10[%select_n3A_619, %broadcast_in_dim3A_5], %get3A_624 masked %and3A_614 : memref<128x1xf32, #tpu.memory_space<vmem>>[vector<16xi32>, vector<16xi32>], vector<16xf32>, vector<16xi1>
    %get3A_625 = arith.constant 448 : index
    %get3A_626 = tpu.vector_load %arg7[%get3A_625] {strides = array<i32>} : memref<2048xi32, #tpu.memory_space<vmem>>, vector<16xi32>,
    %ge3A_627 = vector.broadcast %mul3A_2 : i32 to vector<16xi32>
    %ge3A_628 = arith.cmpi sge, %get3A_626, %ge3A_627 : vector<16xi32>
    %add3A_629 = arith.constant 128 : i32
    %add3A_630 = arith.addi %mul3A_2, %add3A_629 : i32
    %lt3A_631 = vector.broadcast %add3A_630 : i32 to vector<16xi32>
    %lt3A_632 = arith.cmpi slt, %get3A_626, %lt3A_631 : vector<16xi32>
    %and3A_633 = arith.andi %ge3A_628, %lt3A_632 : vector<16xi1>
    %sub3A_634 = vector.broadcast %mul3A_2 : i32 to vector<16xi32>
    %sub3A_635 = arith.subi %get3A_626, %sub3A_634 : vector<16xi32>
    %jit3A_636 = arith.constant 0 : i32
    %broadcast_in_dim3A_637 = vector.broadcast %jit3A_636 : i32 to vector<16xi32>
    %select_n3A_638 = arith.select %and3A_633, %sub3A_635, %broadcast_in_dim3A_637 : vector<16xi1>, vector<16xi32>
    %add3A_639 = arith.constant 448 : i32
    %add3A_640 = vector.broadcast %add3A_639 : i32 to vector<16xi32>
    %add3A_641 = arith.addi %add3A_640, %iota3A : vector<16xi32>
    tpu.vector_store_idx %arg9[%select_n3A_638], %add3A_641 masked %and3A_633 : memref<128xi32, #tpu.memory_space<vmem>>[vector<16xi32>], vector<16xi32>, vector<16xi1>
    %get3A_642 = arith.constant 448 : index
    %get3A_643 = tpu.vector_load %arg8[%get3A_642] {strides = array<i32>} : memref<2048xf32, #tpu.memory_space<vmem>>, vector<16xf32>,
    tpu.vector_store_idx %arg10[%select_n3A_638, %broadcast_in_dim3A_5], %get3A_643 masked %and3A_633 : memref<128x1xf32, #tpu.memory_space<vmem>>[vector<16xi32>, vector<16xi32>], vector<16xf32>, vector<16xi1>
    %get3A_644 = arith.constant 464 : index
    %get3A_645 = tpu.vector_load %arg7[%get3A_644] {strides = array<i32>} : memref<2048xi32, #tpu.memory_space<vmem>>, vector<16xi32>,
    %ge3A_646 = vector.broadcast %mul3A_2 : i32 to vector<16xi32>
    %ge3A_647 = arith.cmpi sge, %get3A_645, %ge3A_646 : vector<16xi32>
    %add3A_648 = arith.constant 128 : i32
    %add3A_649 = arith.addi %mul3A_2, %add3A_648 : i32
    %lt3A_650 = vector.broadcast %add3A_649 : i32 to vector<16xi32>
    %lt3A_651 = arith.cmpi slt, %get3A_645, %lt3A_650 : vector<16xi32>
    %and3A_652 = arith.andi %ge3A_647, %lt3A_651 : vector<16xi1>
    %sub3A_653 = vector.broadcast %mul3A_2 : i32 to vector<16xi32>
    %sub3A_654 = arith.subi %get3A_645, %sub3A_653 : vector<16xi32>
    %jit3A_655 = arith.constant 0 : i32
    %broadcast_in_dim3A_656 = vector.broadcast %jit3A_655 : i32 to vector<16xi32>
    %select_n3A_657 = arith.select %and3A_652, %sub3A_654, %broadcast_in_dim3A_656 : vector<16xi1>, vector<16xi32>
    %add3A_658 = arith.constant 464 : i32
    %add3A_659 = vector.broadcast %add3A_658 : i32 to vector<16xi32>
    %add3A_660 = arith.addi %add3A_659, %iota3A : vector<16xi32>
    tpu.vector_store_idx %arg9[%select_n3A_657], %add3A_660 masked %and3A_652 : memref<128xi32, #tpu.memory_space<vmem>>[vector<16xi32>], vector<16xi32>, vector<16xi1>
    %get3A_661 = arith.constant 464 : index
    %get3A_662 = tpu.vector_load %arg8[%get3A_661] {strides = array<i32>} : memref<2048xf32, #tpu.memory_space<vmem>>, vector<16xf32>,
    tpu.vector_store_idx %arg10[%select_n3A_657, %broadcast_in_dim3A_5], %get3A_662 masked %and3A_652 : memref<128x1xf32, #tpu.memory_space<vmem>>[vector<16xi32>, vector<16xi32>], vector<16xf32>, vector<16xi1>
    %get3A_663 = arith.constant 480 : index
    %get3A_664 = tpu.vector_load %arg7[%get3A_663] {strides = array<i32>} : memref<2048xi32, #tpu.memory_space<vmem>>, vector<16xi32>,
    %ge3A_665 = vector.broadcast %mul3A_2 : i32 to vector<16xi32>
    %ge3A_666 = arith.cmpi sge, %get3A_664, %ge3A_665 : vector<16xi32>
    %add3A_667 = arith.constant 128 : i32
    %add3A_668 = arith.addi %mul3A_2, %add3A_667 : i32
    %lt3A_669 = vector.broadcast %add3A_668 : i32 to vector<16xi32>
    %lt3A_670 = arith.cmpi slt, %get3A_664, %lt3A_669 : vector<16xi32>
    %and3A_671 = arith.andi %ge3A_666, %lt3A_670 : vector<16xi1>
    %sub3A_672 = vector.broadcast %mul3A_2 : i32 to vector<16xi32>
    %sub3A_673 = arith.subi %get3A_664, %sub3A_672 : vector<16xi32>
    %jit3A_674 = arith.constant 0 : i32
    %broadcast_in_dim3A_675 = vector.broadcast %jit3A_674 : i32 to vector<16xi32>
    %select_n3A_676 = arith.select %and3A_671, %sub3A_673, %broadcast_in_dim3A_675 : vector<16xi1>, vector<16xi32>
    %add3A_677 = arith.constant 480 : i32
    %add3A_678 = vector.broadcast %add3A_677 : i32 to vector<16xi32>
    %add3A_679 = arith.addi %add3A_678, %iota3A : vector<16xi32>
    tpu.vector_store_idx %arg9[%select_n3A_676], %add3A_679 masked %and3A_671 : memref<128xi32, #tpu.memory_space<vmem>>[vector<16xi32>], vector<16xi32>, vector<16xi1>
    %get3A_680 = arith.constant 480 : index
    %get3A_681 = tpu.vector_load %arg8[%get3A_680] {strides = array<i32>} : memref<2048xf32, #tpu.memory_space<vmem>>, vector<16xf32>,
    tpu.vector_store_idx %arg10[%select_n3A_676, %broadcast_in_dim3A_5], %get3A_681 masked %and3A_671 : memref<128x1xf32, #tpu.memory_space<vmem>>[vector<16xi32>, vector<16xi32>], vector<16xf32>, vector<16xi1>
    %get3A_682 = arith.constant 496 : index
    %get3A_683 = tpu.vector_load %arg7[%get3A_682] {strides = array<i32>} : memref<2048xi32, #tpu.memory_space<vmem>>, vector<16xi32>,
    %ge3A_684 = vector.broadcast %mul3A_2 : i32 to vector<16xi32>
    %ge3A_685 = arith.cmpi sge, %get3A_683, %ge3A_684 : vector<16xi32>
    %add3A_686 = arith.constant 128 : i32
    %add3A_687 = arith.addi %mul3A_2, %add3A_686 : i32
    %lt3A_688 = vector.broadcast %add3A_687 : i32 to vector<16xi32>
    %lt3A_689 = arith.cmpi slt, %get3A_683, %lt3A_688 : vector<16xi32>
    %and3A_690 = arith.andi %ge3A_685, %lt3A_689 : vector<16xi1>
    %sub3A_691 = vector.broadcast %mul3A_2 : i32 to vector<16xi32>
    %sub3A_692 = arith.subi %get3A_683, %sub3A_691 : vector<16xi32>
    %jit3A_693 = arith.constant 0 : i32
    %broadcast_in_dim3A_694 = vector.broadcast %jit3A_693 : i32 to vector<16xi32>
    %select_n3A_695 = arith.select %and3A_690, %sub3A_692, %broadcast_in_dim3A_694 : vector<16xi1>, vector<16xi32>
    %add3A_696 = arith.constant 496 : i32
    %add3A_697 = vector.broadcast %add3A_696 : i32 to vector<16xi32>
    %add3A_698 = arith.addi %add3A_697, %iota3A : vector<16xi32>
    tpu.vector_store_idx %arg9[%select_n3A_695], %add3A_698 masked %and3A_690 : memref<128xi32, #tpu.memory_space<vmem>>[vector<16xi32>], vector<16xi32>, vector<16xi1>
    %get3A_699 = arith.constant 496 : index
    %get3A_700 = tpu.vector_load %arg8[%get3A_699] {strides = array<i32>} : memref<2048xf32, #tpu.memory_space<vmem>>, vector<16xf32>,
    tpu.vector_store_idx %arg10[%select_n3A_695, %broadcast_in_dim3A_5], %get3A_700 masked %and3A_690 : memref<128x1xf32, #tpu.memory_space<vmem>>[vector<16xi32>, vector<16xi32>], vector<16xf32>, vector<16xi1>
    %get3A_701 = arith.constant 512 : index
    %get3A_702 = tpu.vector_load %arg7[%get3A_701] {strides = array<i32>} : memref<2048xi32, #tpu.memory_space<vmem>>, vector<16xi32>,
    %ge3A_703 = vector.broadcast %mul3A_2 : i32 to vector<16xi32>
    %ge3A_704 = arith.cmpi sge, %get3A_702, %ge3A_703 : vector<16xi32>
    %add3A_705 = arith.constant 128 : i32
    %add3A_706 = arith.addi %mul3A_2, %add3A_705 : i32
    %lt3A_707 = vector.broadcast %add3A_706 : i32 to vector<16xi32>
    %lt3A_708 = arith.cmpi slt, %get3A_702, %lt3A_707 : vector<16xi32>
    %and3A_709 = arith.andi %ge3A_704, %lt3A_708 : vector<16xi1>
    %sub3A_710 = vector.broadcast %mul3A_2 : i32 to vector<16xi32>
    %sub3A_711 = arith.subi %get3A_702, %sub3A_710 : vector<16xi32>
    %jit3A_712 = arith.constant 0 : i32
    %broadcast_in_dim3A_713 = vector.broadcast %jit3A_712 : i32 to vector<16xi32>
    %select_n3A_714 = arith.select %and3A_709, %sub3A_711, %broadcast_in_dim3A_713 : vector<16xi1>, vector<16xi32>
    %add3A_715 = arith.constant 512 : i32
    %add3A_716 = vector.broadcast %add3A_715 : i32 to vector<16xi32>
    %add3A_717 = arith.addi %add3A_716, %iota3A : vector<16xi32>
    tpu.vector_store_idx %arg9[%select_n3A_714], %add3A_717 masked %and3A_709 : memref<128xi32, #tpu.memory_space<vmem>>[vector<16xi32>], vector<16xi32>, vector<16xi1>
    %get3A_718 = arith.constant 512 : index
    %get3A_719 = tpu.vector_load %arg8[%get3A_718] {strides = array<i32>} : memref<2048xf32, #tpu.memory_space<vmem>>, vector<16xf32>,
    tpu.vector_store_idx %arg10[%select_n3A_714, %broadcast_in_dim3A_5], %get3A_719 masked %and3A_709 : memref<128x1xf32, #tpu.memory_space<vmem>>[vector<16xi32>, vector<16xi32>], vector<16xf32>, vector<16xi1>
    %get3A_720 = arith.constant 528 : index
    %get3A_721 = tpu.vector_load %arg7[%get3A_720] {strides = array<i32>} : memref<2048xi32, #tpu.memory_space<vmem>>, vector<16xi32>,
    %ge3A_722 = vector.broadcast %mul3A_2 : i32 to vector<16xi32>
    %ge3A_723 = arith.cmpi sge, %get3A_721, %ge3A_722 : vector<16xi32>
    %add3A_724 = arith.constant 128 : i32
    %add3A_725 = arith.addi %mul3A_2, %add3A_724 : i32
    %lt3A_726 = vector.broadcast %add3A_725 : i32 to vector<16xi32>
    %lt3A_727 = arith.cmpi slt, %get3A_721, %lt3A_726 : vector<16xi32>
    %and3A_728 = arith.andi %ge3A_723, %lt3A_727 : vector<16xi1>
    %sub3A_729 = vector.broadcast %mul3A_2 : i32 to vector<16xi32>
    %sub3A_730 = arith.subi %get3A_721, %sub3A_729 : vector<16xi32>
    %jit3A_731 = arith.constant 0 : i32
    %broadcast_in_dim3A_732 = vector.broadcast %jit3A_731 : i32 to vector<16xi32>
    %select_n3A_733 = arith.select %and3A_728, %sub3A_730, %broadcast_in_dim3A_732 : vector<16xi1>, vector<16xi32>
    %add3A_734 = arith.constant 528 : i32
    %add3A_735 = vector.broadcast %add3A_734 : i32 to vector<16xi32>
    %add3A_736 = arith.addi %add3A_735, %iota3A : vector<16xi32>
    tpu.vector_store_idx %arg9[%select_n3A_733], %add3A_736 masked %and3A_728 : memref<128xi32, #tpu.memory_space<vmem>>[vector<16xi32>], vector<16xi32>, vector<16xi1>
    %get3A_737 = arith.constant 528 : index
    %get3A_738 = tpu.vector_load %arg8[%get3A_737] {strides = array<i32>} : memref<2048xf32, #tpu.memory_space<vmem>>, vector<16xf32>,
    tpu.vector_store_idx %arg10[%select_n3A_733, %broadcast_in_dim3A_5], %get3A_738 masked %and3A_728 : memref<128x1xf32, #tpu.memory_space<vmem>>[vector<16xi32>, vector<16xi32>], vector<16xf32>, vector<16xi1>
    %get3A_739 = arith.constant 544 : index
    %get3A_740 = tpu.vector_load %arg7[%get3A_739] {strides = array<i32>} : memref<2048xi32, #tpu.memory_space<vmem>>, vector<16xi32>,
    %ge3A_741 = vector.broadcast %mul3A_2 : i32 to vector<16xi32>
    %ge3A_742 = arith.cmpi sge, %get3A_740, %ge3A_741 : vector<16xi32>
    %add3A_743 = arith.constant 128 : i32
    %add3A_744 = arith.addi %mul3A_2, %add3A_743 : i32
    %lt3A_745 = vector.broadcast %add3A_744 : i32 to vector<16xi32>
    %lt3A_746 = arith.cmpi slt, %get3A_740, %lt3A_745 : vector<16xi32>
    %and3A_747 = arith.andi %ge3A_742, %lt3A_746 : vector<16xi1>
    %sub3A_748 = vector.broadcast %mul3A_2 : i32 to vector<16xi32>
    %sub3A_749 = arith.subi %get3A_740, %sub3A_748 : vector<16xi32>
    %jit3A_750 = arith.constant 0 : i32
    %broadcast_in_dim3A_751 = vector.broadcast %jit3A_750 : i32 to vector<16xi32>
    %select_n3A_752 = arith.select %and3A_747, %sub3A_749, %broadcast_in_dim3A_751 : vector<16xi1>, vector<16xi32>
    %add3A_753 = arith.constant 544 : i32
    %add3A_754 = vector.broadcast %add3A_753 : i32 to vector<16xi32>
    %add3A_755 = arith.addi %add3A_754, %iota3A : vector<16xi32>
    tpu.vector_store_idx %arg9[%select_n3A_752], %add3A_755 masked %and3A_747 : memref<128xi32, #tpu.memory_space<vmem>>[vector<16xi32>], vector<16xi32>, vector<16xi1>
    %get3A_756 = arith.constant 544 : index
    %get3A_757 = tpu.vector_load %arg8[%get3A_756] {strides = array<i32>} : memref<2048xf32, #tpu.memory_space<vmem>>, vector<16xf32>,
    tpu.vector_store_idx %arg10[%select_n3A_752, %broadcast_in_dim3A_5], %get3A_757 masked %and3A_747 : memref<128x1xf32, #tpu.memory_space<vmem>>[vector<16xi32>, vector<16xi32>], vector<16xf32>, vector<16xi1>
    %get3A_758 = arith.constant 560 : index
    %get3A_759 = tpu.vector_load %arg7[%get3A_758] {strides = array<i32>} : memref<2048xi32, #tpu.memory_space<vmem>>, vector<16xi32>,
    %ge3A_760 = vector.broadcast %mul3A_2 : i32 to vector<16xi32>
    %ge3A_761 = arith.cmpi sge, %get3A_759, %ge3A_760 : vector<16xi32>
    %add3A_762 = arith.constant 128 : i32
    %add3A_763 = arith.addi %mul3A_2, %add3A_762 : i32
    %lt3A_764 = vector.broadcast %add3A_763 : i32 to vector<16xi32>
    %lt3A_765 = arith.cmpi slt, %get3A_759, %lt3A_764 : vector<16xi32>
    %and3A_766 = arith.andi %ge3A_761, %lt3A_765 : vector<16xi1>
    %sub3A_767 = vector.broadcast %mul3A_2 : i32 to vector<16xi32>
    %sub3A_768 = arith.subi %get3A_759, %sub3A_767 : vector<16xi32>
    %jit3A_769 = arith.constant 0 : i32
    %broadcast_in_dim3A_770 = vector.broadcast %jit3A_769 : i32 to vector<16xi32>
    %select_n3A_771 = arith.select %and3A_766, %sub3A_768, %broadcast_in_dim3A_770 : vector<16xi1>, vector<16xi32>
    %add3A_772 = arith.constant 560 : i32
    %add3A_773 = vector.broadcast %add3A_772 : i32 to vector<16xi32>
    %add3A_774 = arith.addi %add3A_773, %iota3A : vector<16xi32>
    tpu.vector_store_idx %arg9[%select_n3A_771], %add3A_774 masked %and3A_766 : memref<128xi32, #tpu.memory_space<vmem>>[vector<16xi32>], vector<16xi32>, vector<16xi1>
    %get3A_775 = arith.constant 560 : index
    %get3A_776 = tpu.vector_load %arg8[%get3A_775] {strides = array<i32>} : memref<2048xf32, #tpu.memory_space<vmem>>, vector<16xf32>,
    tpu.vector_store_idx %arg10[%select_n3A_771, %broadcast_in_dim3A_5], %get3A_776 masked %and3A_766 : memref<128x1xf32, #tpu.memory_space<vmem>>[vector<16xi32>, vector<16xi32>], vector<16xf32>, vector<16xi1>
    %get3A_777 = arith.constant 576 : index
    %get3A_778 = tpu.vector_load %arg7[%get3A_777] {strides = array<i32>} : memref<2048xi32, #tpu.memory_space<vmem>>, vector<16xi32>,
    %ge3A_779 = vector.broadcast %mul3A_2 : i32 to vector<16xi32>
    %ge3A_780 = arith.cmpi sge, %get3A_778, %ge3A_779 : vector<16xi32>
    %add3A_781 = arith.constant 128 : i32
    %add3A_782 = arith.addi %mul3A_2, %add3A_781 : i32
    %lt3A_783 = vector.broadcast %add3A_782 : i32 to vector<16xi32>
    %lt3A_784 = arith.cmpi slt, %get3A_778, %lt3A_783 : vector<16xi32>
    %and3A_785 = arith.andi %ge3A_780, %lt3A_784 : vector<16xi1>
    %sub3A_786 = vector.broadcast %mul3A_2 : i32 to vector<16xi32>
    %sub3A_787 = arith.subi %get3A_778, %sub3A_786 : vector<16xi32>
    %jit3A_788 = arith.constant 0 : i32
    %broadcast_in_dim3A_789 = vector.broadcast %jit3A_788 : i32 to vector<16xi32>
    %select_n3A_790 = arith.select %and3A_785, %sub3A_787, %broadcast_in_dim3A_789 : vector<16xi1>, vector<16xi32>
    %add3A_791 = arith.constant 576 : i32
    %add3A_792 = vector.broadcast %add3A_791 : i32 to vector<16xi32>
    %add3A_793 = arith.addi %add3A_792, %iota3A : vector<16xi32>
    tpu.vector_store_idx %arg9[%select_n3A_790], %add3A_793 masked %and3A_785 : memref<128xi32, #tpu.memory_space<vmem>>[vector<16xi32>], vector<16xi32>, vector<16xi1>
    %get3A_794 = arith.constant 576 : index
    %get3A_795 = tpu.vector_load %arg8[%get3A_794] {strides = array<i32>} : memref<2048xf32, #tpu.memory_space<vmem>>, vector<16xf32>,
    tpu.vector_store_idx %arg10[%select_n3A_790, %broadcast_in_dim3A_5], %get3A_795 masked %and3A_785 : memref<128x1xf32, #tpu.memory_space<vmem>>[vector<16xi32>, vector<16xi32>], vector<16xf32>, vector<16xi1>
    %get3A_796 = arith.constant 592 : index
    %get3A_797 = tpu.vector_load %arg7[%get3A_796] {strides = array<i32>} : memref<2048xi32, #tpu.memory_space<vmem>>, vector<16xi32>,
    %ge3A_798 = vector.broadcast %mul3A_2 : i32 to vector<16xi32>
    %ge3A_799 = arith.cmpi sge, %get3A_797, %ge3A_798 : vector<16xi32>
    %add3A_800 = arith.constant 128 : i32
    %add3A_801 = arith.addi %mul3A_2, %add3A_800 : i32
    %lt3A_802 = vector.broadcast %add3A_801 : i32 to vector<16xi32>
    %lt3A_803 = arith.cmpi slt, %get3A_797, %lt3A_802 : vector<16xi32>
    %and3A_804 = arith.andi %ge3A_799, %lt3A_803 : vector<16xi1>
    %sub3A_805 = vector.broadcast %mul3A_2 : i32 to vector<16xi32>
    %sub3A_806 = arith.subi %get3A_797, %sub3A_805 : vector<16xi32>
    %jit3A_807 = arith.constant 0 : i32
    %broadcast_in_dim3A_808 = vector.broadcast %jit3A_807 : i32 to vector<16xi32>
    %select_n3A_809 = arith.select %and3A_804, %sub3A_806, %broadcast_in_dim3A_808 : vector<16xi1>, vector<16xi32>
    %add3A_810 = arith.constant 592 : i32
    %add3A_811 = vector.broadcast %add3A_810 : i32 to vector<16xi32>
    %add3A_812 = arith.addi %add3A_811, %iota3A : vector<16xi32>
    tpu.vector_store_idx %arg9[%select_n3A_809], %add3A_812 masked %and3A_804 : memref<128xi32, #tpu.memory_space<vmem>>[vector<16xi32>], vector<16xi32>, vector<16xi1>
    %get3A_813 = arith.constant 592 : index
    %get3A_814 = tpu.vector_load %arg8[%get3A_813] {strides = array<i32>} : memref<2048xf32, #tpu.memory_space<vmem>>, vector<16xf32>,
    tpu.vector_store_idx %arg10[%select_n3A_809, %broadcast_in_dim3A_5], %get3A_814 masked %and3A_804 : memref<128x1xf32, #tpu.memory_space<vmem>>[vector<16xi32>, vector<16xi32>], vector<16xf32>, vector<16xi1>
    %get3A_815 = arith.constant 608 : index
    %get3A_816 = tpu.vector_load %arg7[%get3A_815] {strides = array<i32>} : memref<2048xi32, #tpu.memory_space<vmem>>, vector<16xi32>,
    %ge3A_817 = vector.broadcast %mul3A_2 : i32 to vector<16xi32>
    %ge3A_818 = arith.cmpi sge, %get3A_816, %ge3A_817 : vector<16xi32>
    %add3A_819 = arith.constant 128 : i32
    %add3A_820 = arith.addi %mul3A_2, %add3A_819 : i32
    %lt3A_821 = vector.broadcast %add3A_820 : i32 to vector<16xi32>
    %lt3A_822 = arith.cmpi slt, %get3A_816, %lt3A_821 : vector<16xi32>
    %and3A_823 = arith.andi %ge3A_818, %lt3A_822 : vector<16xi1>
    %sub3A_824 = vector.broadcast %mul3A_2 : i32 to vector<16xi32>
    %sub3A_825 = arith.subi %get3A_816, %sub3A_824 : vector<16xi32>
    %jit3A_826 = arith.constant 0 : i32
    %broadcast_in_dim3A_827 = vector.broadcast %jit3A_826 : i32 to vector<16xi32>
    %select_n3A_828 = arith.select %and3A_823, %sub3A_825, %broadcast_in_dim3A_827 : vector<16xi1>, vector<16xi32>
    %add3A_829 = arith.constant 608 : i32
    %add3A_830 = vector.broadcast %add3A_829 : i32 to vector<16xi32>
    %add3A_831 = arith.addi %add3A_830, %iota3A : vector<16xi32>
    tpu.vector_store_idx %arg9[%select_n3A_828], %add3A_831 masked %and3A_823 : memref<128xi32, #tpu.memory_space<vmem>>[vector<16xi32>], vector<16xi32>, vector<16xi1>
    %get3A_832 = arith.constant 608 : index
    %get3A_833 = tpu.vector_load %arg8[%get3A_832] {strides = array<i32>} : memref<2048xf32, #tpu.memory_space<vmem>>, vector<16xf32>,
    tpu.vector_store_idx %arg10[%select_n3A_828, %broadcast_in_dim3A_5], %get3A_833 masked %and3A_823 : memref<128x1xf32, #tpu.memory_space<vmem>>[vector<16xi32>, vector<16xi32>], vector<16xf32>, vector<16xi1>
    %get3A_834 = arith.constant 624 : index
    %get3A_835 = tpu.vector_load %arg7[%get3A_834] {strides = array<i32>} : memref<2048xi32, #tpu.memory_space<vmem>>, vector<16xi32>,
    %ge3A_836 = vector.broadcast %mul3A_2 : i32 to vector<16xi32>
    %ge3A_837 = arith.cmpi sge, %get3A_835, %ge3A_836 : vector<16xi32>
    %add3A_838 = arith.constant 128 : i32
    %add3A_839 = arith.addi %mul3A_2, %add3A_838 : i32
    %lt3A_840 = vector.broadcast %add3A_839 : i32 to vector<16xi32>
    %lt3A_841 = arith.cmpi slt, %get3A_835, %lt3A_840 : vector<16xi32>
    %and3A_842 = arith.andi %ge3A_837, %lt3A_841 : vector<16xi1>
    %sub3A_843 = vector.broadcast %mul3A_2 : i32 to vector<16xi32>
    %sub3A_844 = arith.subi %get3A_835, %sub3A_843 : vector<16xi32>
    %jit3A_845 = arith.constant 0 : i32
    %broadcast_in_dim3A_846 = vector.broadcast %jit3A_845 : i32 to vector<16xi32>
    %select_n3A_847 = arith.select %and3A_842, %sub3A_844, %broadcast_in_dim3A_846 : vector<16xi1>, vector<16xi32>
    %add3A_848 = arith.constant 624 : i32
    %add3A_849 = vector.broadcast %add3A_848 : i32 to vector<16xi32>
    %add3A_850 = arith.addi %add3A_849, %iota3A : vector<16xi32>
    tpu.vector_store_idx %arg9[%select_n3A_847], %add3A_850 masked %and3A_842 : memref<128xi32, #tpu.memory_space<vmem>>[vector<16xi32>], vector<16xi32>, vector<16xi1>
    %get3A_851 = arith.constant 624 : index
    %get3A_852 = tpu.vector_load %arg8[%get3A_851] {strides = array<i32>} : memref<2048xf32, #tpu.memory_space<vmem>>, vector<16xf32>,
    tpu.vector_store_idx %arg10[%select_n3A_847, %broadcast_in_dim3A_5], %get3A_852 masked %and3A_842 : memref<128x1xf32, #tpu.memory_space<vmem>>[vector<16xi32>, vector<16xi32>], vector<16xf32>, vector<16xi1>
    %get3A_853 = arith.constant 640 : index
    %get3A_854 = tpu.vector_load %arg7[%get3A_853] {strides = array<i32>} : memref<2048xi32, #tpu.memory_space<vmem>>, vector<16xi32>,
    %ge3A_855 = vector.broadcast %mul3A_2 : i32 to vector<16xi32>
    %ge3A_856 = arith.cmpi sge, %get3A_854, %ge3A_855 : vector<16xi32>
    %add3A_857 = arith.constant 128 : i32
    %add3A_858 = arith.addi %mul3A_2, %add3A_857 : i32
    %lt3A_859 = vector.broadcast %add3A_858 : i32 to vector<16xi32>
    %lt3A_860 = arith.cmpi slt, %get3A_854, %lt3A_859 : vector<16xi32>
    %and3A_861 = arith.andi %ge3A_856, %lt3A_860 : vector<16xi1>
    %sub3A_862 = vector.broadcast %mul3A_2 : i32 to vector<16xi32>
    %sub3A_863 = arith.subi %get3A_854, %sub3A_862 : vector<16xi32>
    %jit3A_864 = arith.constant 0 : i32
    %broadcast_in_dim3A_865 = vector.broadcast %jit3A_864 : i32 to vector<16xi32>
    %select_n3A_866 = arith.select %and3A_861, %sub3A_863, %broadcast_in_dim3A_865 : vector<16xi1>, vector<16xi32>
    %add3A_867 = arith.constant 640 : i32
    %add3A_868 = vector.broadcast %add3A_867 : i32 to vector<16xi32>
    %add3A_869 = arith.addi %add3A_868, %iota3A : vector<16xi32>
    tpu.vector_store_idx %arg9[%select_n3A_866], %add3A_869 masked %and3A_861 : memref<128xi32, #tpu.memory_space<vmem>>[vector<16xi32>], vector<16xi32>, vector<16xi1>
    %get3A_870 = arith.constant 640 : index
    %get3A_871 = tpu.vector_load %arg8[%get3A_870] {strides = array<i32>} : memref<2048xf32, #tpu.memory_space<vmem>>, vector<16xf32>,
    tpu.vector_store_idx %arg10[%select_n3A_866, %broadcast_in_dim3A_5], %get3A_871 masked %and3A_861 : memref<128x1xf32, #tpu.memory_space<vmem>>[vector<16xi32>, vector<16xi32>], vector<16xf32>, vector<16xi1>
    %get3A_872 = arith.constant 656 : index
    %get3A_873 = tpu.vector_load %arg7[%get3A_872] {strides = array<i32>} : memref<2048xi32, #tpu.memory_space<vmem>>, vector<16xi32>,
    %ge3A_874 = vector.broadcast %mul3A_2 : i32 to vector<16xi32>
    %ge3A_875 = arith.cmpi sge, %get3A_873, %ge3A_874 : vector<16xi32>
    %add3A_876 = arith.constant 128 : i32
    %add3A_877 = arith.addi %mul3A_2, %add3A_876 : i32
    %lt3A_878 = vector.broadcast %add3A_877 : i32 to vector<16xi32>
    %lt3A_879 = arith.cmpi slt, %get3A_873, %lt3A_878 : vector<16xi32>
    %and3A_880 = arith.andi %ge3A_875, %lt3A_879 : vector<16xi1>
    %sub3A_881 = vector.broadcast %mul3A_2 : i32 to vector<16xi32>
    %sub3A_882 = arith.subi %get3A_873, %sub3A_881 : vector<16xi32>
    %jit3A_883 = arith.constant 0 : i32
    %broadcast_in_dim3A_884 = vector.broadcast %jit3A_883 : i32 to vector<16xi32>
    %select_n3A_885 = arith.select %and3A_880, %sub3A_882, %broadcast_in_dim3A_884 : vector<16xi1>, vector<16xi32>
    %add3A_886 = arith.constant 656 : i32
    %add3A_887 = vector.broadcast %add3A_886 : i32 to vector<16xi32>
    %add3A_888 = arith.addi %add3A_887, %iota3A : vector<16xi32>
    tpu.vector_store_idx %arg9[%select_n3A_885], %add3A_888 masked %and3A_880 : memref<128xi32, #tpu.memory_space<vmem>>[vector<16xi32>], vector<16xi32>, vector<16xi1>
    %get3A_889 = arith.constant 656 : index
    %get3A_890 = tpu.vector_load %arg8[%get3A_889] {strides = array<i32>} : memref<2048xf32, #tpu.memory_space<vmem>>, vector<16xf32>,
    tpu.vector_store_idx %arg10[%select_n3A_885, %broadcast_in_dim3A_5], %get3A_890 masked %and3A_880 : memref<128x1xf32, #tpu.memory_space<vmem>>[vector<16xi32>, vector<16xi32>], vector<16xf32>, vector<16xi1>
    %get3A_891 = arith.constant 672 : index
    %get3A_892 = tpu.vector_load %arg7[%get3A_891] {strides = array<i32>} : memref<2048xi32, #tpu.memory_space<vmem>>, vector<16xi32>,
    %ge3A_893 = vector.broadcast %mul3A_2 : i32 to vector<16xi32>
    %ge3A_894 = arith.cmpi sge, %get3A_892, %ge3A_893 : vector<16xi32>
    %add3A_895 = arith.constant 128 : i32
    %add3A_896 = arith.addi %mul3A_2, %add3A_895 : i32
    %lt3A_897 = vector.broadcast %add3A_896 : i32 to vector<16xi32>
    %lt3A_898 = arith.cmpi slt, %get3A_892, %lt3A_897 : vector<16xi32>
    %and3A_899 = arith.andi %ge3A_894, %lt3A_898 : vector<16xi1>
    %sub3A_900 = vector.broadcast %mul3A_2 : i32 to vector<16xi32>
    %sub3A_901 = arith.subi %get3A_892, %sub3A_900 : vector<16xi32>
    %jit3A_902 = arith.constant 0 : i32
    %broadcast_in_dim3A_903 = vector.broadcast %jit3A_902 : i32 to vector<16xi32>
    %select_n3A_904 = arith.select %and3A_899, %sub3A_901, %broadcast_in_dim3A_903 : vector<16xi1>, vector<16xi32>
    %add3A_905 = arith.constant 672 : i32
    %add3A_906 = vector.broadcast %add3A_905 : i32 to vector<16xi32>
    %add3A_907 = arith.addi %add3A_906, %iota3A : vector<16xi32>
    tpu.vector_store_idx %arg9[%select_n3A_904], %add3A_907 masked %and3A_899 : memref<128xi32, #tpu.memory_space<vmem>>[vector<16xi32>], vector<16xi32>, vector<16xi1>
    %get3A_908 = arith.constant 672 : index
    %get3A_909 = tpu.vector_load %arg8[%get3A_908] {strides = array<i32>} : memref<2048xf32, #tpu.memory_space<vmem>>, vector<16xf32>,
    tpu.vector_store_idx %arg10[%select_n3A_904, %broadcast_in_dim3A_5], %get3A_909 masked %and3A_899 : memref<128x1xf32, #tpu.memory_space<vmem>>[vector<16xi32>, vector<16xi32>], vector<16xf32>, vector<16xi1>
    %get3A_910 = arith.constant 688 : index
    %get3A_911 = tpu.vector_load %arg7[%get3A_910] {strides = array<i32>} : memref<2048xi32, #tpu.memory_space<vmem>>, vector<16xi32>,
    %ge3A_912 = vector.broadcast %mul3A_2 : i32 to vector<16xi32>
    %ge3A_913 = arith.cmpi sge, %get3A_911, %ge3A_912 : vector<16xi32>
    %add3A_914 = arith.constant 128 : i32
    %add3A_915 = arith.addi %mul3A_2, %add3A_914 : i32
    %lt3A_916 = vector.broadcast %add3A_915 : i32 to vector<16xi32>
    %lt3A_917 = arith.cmpi slt, %get3A_911, %lt3A_916 : vector<16xi32>
    %and3A_918 = arith.andi %ge3A_913, %lt3A_917 : vector<16xi1>
    %sub3A_919 = vector.broadcast %mul3A_2 : i32 to vector<16xi32>
    %sub3A_920 = arith.subi %get3A_911, %sub3A_919 : vector<16xi32>
    %jit3A_921 = arith.constant 0 : i32
    %broadcast_in_dim3A_922 = vector.broadcast %jit3A_921 : i32 to vector<16xi32>
    %select_n3A_923 = arith.select %and3A_918, %sub3A_920, %broadcast_in_dim3A_922 : vector<16xi1>, vector<16xi32>
    %add3A_924 = arith.constant 688 : i32
    %add3A_925 = vector.broadcast %add3A_924 : i32 to vector<16xi32>
    %add3A_926 = arith.addi %add3A_925, %iota3A : vector<16xi32>
    tpu.vector_store_idx %arg9[%select_n3A_923], %add3A_926 masked %and3A_918 : memref<128xi32, #tpu.memory_space<vmem>>[vector<16xi32>], vector<16xi32>, vector<16xi1>
    %get3A_927 = arith.constant 688 : index
    %get3A_928 = tpu.vector_load %arg8[%get3A_927] {strides = array<i32>} : memref<2048xf32, #tpu.memory_space<vmem>>, vector<16xf32>,
    tpu.vector_store_idx %arg10[%select_n3A_923, %broadcast_in_dim3A_5], %get3A_928 masked %and3A_918 : memref<128x1xf32, #tpu.memory_space<vmem>>[vector<16xi32>, vector<16xi32>], vector<16xf32>, vector<16xi1>
    %get3A_929 = arith.constant 704 : index
    %get3A_930 = tpu.vector_load %arg7[%get3A_929] {strides = array<i32>} : memref<2048xi32, #tpu.memory_space<vmem>>, vector<16xi32>,
    %ge3A_931 = vector.broadcast %mul3A_2 : i32 to vector<16xi32>
    %ge3A_932 = arith.cmpi sge, %get3A_930, %ge3A_931 : vector<16xi32>
    %add3A_933 = arith.constant 128 : i32
    %add3A_934 = arith.addi %mul3A_2, %add3A_933 : i32
    %lt3A_935 = vector.broadcast %add3A_934 : i32 to vector<16xi32>
    %lt3A_936 = arith.cmpi slt, %get3A_930, %lt3A_935 : vector<16xi32>
    %and3A_937 = arith.andi %ge3A_932, %lt3A_936 : vector<16xi1>
    %sub3A_938 = vector.broadcast %mul3A_2 : i32 to vector<16xi32>
    %sub3A_939 = arith.subi %get3A_930, %sub3A_938 : vector<16xi32>
    %jit3A_940 = arith.constant 0 : i32
    %broadcast_in_dim3A_941 = vector.broadcast %jit3A_940 : i32 to vector<16xi32>
    %select_n3A_942 = arith.select %and3A_937, %sub3A_939, %broadcast_in_dim3A_941 : vector<16xi1>, vector<16xi32>
    %add3A_943 = arith.constant 704 : i32
    %add3A_944 = vector.broadcast %add3A_943 : i32 to vector<16xi32>
    %add3A_945 = arith.addi %add3A_944, %iota3A : vector<16xi32>
    tpu.vector_store_idx %arg9[%select_n3A_942], %add3A_945 masked %and3A_937 : memref<128xi32, #tpu.memory_space<vmem>>[vector<16xi32>], vector<16xi32>, vector<16xi1>
    %get3A_946 = arith.constant 704 : index
    %get3A_947 = tpu.vector_load %arg8[%get3A_946] {strides = array<i32>} : memref<2048xf32, #tpu.memory_space<vmem>>, vector<16xf32>,
    tpu.vector_store_idx %arg10[%select_n3A_942, %broadcast_in_dim3A_5], %get3A_947 masked %and3A_937 : memref<128x1xf32, #tpu.memory_space<vmem>>[vector<16xi32>, vector<16xi32>], vector<16xf32>, vector<16xi1>
    %get3A_948 = arith.constant 720 : index
    %get3A_949 = tpu.vector_load %arg7[%get3A_948] {strides = array<i32>} : memref<2048xi32, #tpu.memory_space<vmem>>, vector<16xi32>,
    %ge3A_950 = vector.broadcast %mul3A_2 : i32 to vector<16xi32>
    %ge3A_951 = arith.cmpi sge, %get3A_949, %ge3A_950 : vector<16xi32>
    %add3A_952 = arith.constant 128 : i32
    %add3A_953 = arith.addi %mul3A_2, %add3A_952 : i32
    %lt3A_954 = vector.broadcast %add3A_953 : i32 to vector<16xi32>
    %lt3A_955 = arith.cmpi slt, %get3A_949, %lt3A_954 : vector<16xi32>
    %and3A_956 = arith.andi %ge3A_951, %lt3A_955 : vector<16xi1>
    %sub3A_957 = vector.broadcast %mul3A_2 : i32 to vector<16xi32>
    %sub3A_958 = arith.subi %get3A_949, %sub3A_957 : vector<16xi32>
    %jit3A_959 = arith.constant 0 : i32
    %broadcast_in_dim3A_960 = vector.broadcast %jit3A_959 : i32 to vector<16xi32>
    %select_n3A_961 = arith.select %and3A_956, %sub3A_958, %broadcast_in_dim3A_960 : vector<16xi1>, vector<16xi32>
    %add3A_962 = arith.constant 720 : i32
    %add3A_963 = vector.broadcast %add3A_962 : i32 to vector<16xi32>
    %add3A_964 = arith.addi %add3A_963, %iota3A : vector<16xi32>
    tpu.vector_store_idx %arg9[%select_n3A_961], %add3A_964 masked %and3A_956 : memref<128xi32, #tpu.memory_space<vmem>>[vector<16xi32>], vector<16xi32>, vector<16xi1>
    %get3A_965 = arith.constant 720 : index
    %get3A_966 = tpu.vector_load %arg8[%get3A_965] {strides = array<i32>} : memref<2048xf32, #tpu.memory_space<vmem>>, vector<16xf32>,
    tpu.vector_store_idx %arg10[%select_n3A_961, %broadcast_in_dim3A_5], %get3A_966 masked %and3A_956 : memref<128x1xf32, #tpu.memory_space<vmem>>[vector<16xi32>, vector<16xi32>], vector<16xf32>, vector<16xi1>
    %get3A_967 = arith.constant 736 : index
    %get3A_968 = tpu.vector_load %arg7[%get3A_967] {strides = array<i32>} : memref<2048xi32, #tpu.memory_space<vmem>>, vector<16xi32>,
    %ge3A_969 = vector.broadcast %mul3A_2 : i32 to vector<16xi32>
    %ge3A_970 = arith.cmpi sge, %get3A_968, %ge3A_969 : vector<16xi32>
    %add3A_971 = arith.constant 128 : i32
    %add3A_972 = arith.addi %mul3A_2, %add3A_971 : i32
    %lt3A_973 = vector.broadcast %add3A_972 : i32 to vector<16xi32>
    %lt3A_974 = arith.cmpi slt, %get3A_968, %lt3A_973 : vector<16xi32>
    %and3A_975 = arith.andi %ge3A_970, %lt3A_974 : vector<16xi1>
    %sub3A_976 = vector.broadcast %mul3A_2 : i32 to vector<16xi32>
    %sub3A_977 = arith.subi %get3A_968, %sub3A_976 : vector<16xi32>
    %jit3A_978 = arith.constant 0 : i32
    %broadcast_in_dim3A_979 = vector.broadcast %jit3A_978 : i32 to vector<16xi32>
    %select_n3A_980 = arith.select %and3A_975, %sub3A_977, %broadcast_in_dim3A_979 : vector<16xi1>, vector<16xi32>
    %add3A_981 = arith.constant 736 : i32
    %add3A_982 = vector.broadcast %add3A_981 : i32 to vector<16xi32>
    %add3A_983 = arith.addi %add3A_982, %iota3A : vector<16xi32>
    tpu.vector_store_idx %arg9[%select_n3A_980], %add3A_983 masked %and3A_975 : memref<128xi32, #tpu.memory_space<vmem>>[vector<16xi32>], vector<16xi32>, vector<16xi1>
    %get3A_984 = arith.constant 736 : index
    %get3A_985 = tpu.vector_load %arg8[%get3A_984] {strides = array<i32>} : memref<2048xf32, #tpu.memory_space<vmem>>, vector<16xf32>,
    tpu.vector_store_idx %arg10[%select_n3A_980, %broadcast_in_dim3A_5], %get3A_985 masked %and3A_975 : memref<128x1xf32, #tpu.memory_space<vmem>>[vector<16xi32>, vector<16xi32>], vector<16xf32>, vector<16xi1>
    %get3A_986 = arith.constant 752 : index
    %get3A_987 = tpu.vector_load %arg7[%get3A_986] {strides = array<i32>} : memref<2048xi32, #tpu.memory_space<vmem>>, vector<16xi32>,
    %ge3A_988 = vector.broadcast %mul3A_2 : i32 to vector<16xi32>
    %ge3A_989 = arith.cmpi sge, %get3A_987, %ge3A_988 : vector<16xi32>
    %add3A_990 = arith.constant 128 : i32
    %add3A_991 = arith.addi %mul3A_2, %add3A_990 : i32
    %lt3A_992 = vector.broadcast %add3A_991 : i32 to vector<16xi32>
    %lt3A_993 = arith.cmpi slt, %get3A_987, %lt3A_992 : vector<16xi32>
    %and3A_994 = arith.andi %ge3A_989, %lt3A_993 : vector<16xi1>
    %sub3A_995 = vector.broadcast %mul3A_2 : i32 to vector<16xi32>
    %sub3A_996 = arith.subi %get3A_987, %sub3A_995 : vector<16xi32>
    %jit3A_997 = arith.constant 0 : i32
    %broadcast_in_dim3A_998 = vector.broadcast %jit3A_997 : i32 to vector<16xi32>
    %select_n3A_999 = arith.select %and3A_994, %sub3A_996, %broadcast_in_dim3A_998 : vector<16xi1>, vector<16xi32>
    %add3A_1000 = arith.constant 752 : i32
    %add3A_1001 = vector.broadcast %add3A_1000 : i32 to vector<16xi32>
    %add3A_1002 = arith.addi %add3A_1001, %iota3A : vector<16xi32>
    tpu.vector_store_idx %arg9[%select_n3A_999], %add3A_1002 masked %and3A_994 : memref<128xi32, #tpu.memory_space<vmem>>[vector<16xi32>], vector<16xi32>, vector<16xi1>
    %get3A_1003 = arith.constant 752 : index
    %get3A_1004 = tpu.vector_load %arg8[%get3A_1003] {strides = array<i32>} : memref<2048xf32, #tpu.memory_space<vmem>>, vector<16xf32>,
    tpu.vector_store_idx %arg10[%select_n3A_999, %broadcast_in_dim3A_5], %get3A_1004 masked %and3A_994 : memref<128x1xf32, #tpu.memory_space<vmem>>[vector<16xi32>, vector<16xi32>], vector<16xf32>, vector<16xi1>
    %get3A_1005 = arith.constant 768 : index
    %get3A_1006 = tpu.vector_load %arg7[%get3A_1005] {strides = array<i32>} : memref<2048xi32, #tpu.memory_space<vmem>>, vector<16xi32>,
    %ge3A_1007 = vector.broadcast %mul3A_2 : i32 to vector<16xi32>
    %ge3A_1008 = arith.cmpi sge, %get3A_1006, %ge3A_1007 : vector<16xi32>
    %add3A_1009 = arith.constant 128 : i32
    %add3A_1010 = arith.addi %mul3A_2, %add3A_1009 : i32
    %lt3A_1011 = vector.broadcast %add3A_1010 : i32 to vector<16xi32>
    %lt3A_1012 = arith.cmpi slt, %get3A_1006, %lt3A_1011 : vector<16xi32>
    %and3A_1013 = arith.andi %ge3A_1008, %lt3A_1012 : vector<16xi1>
    %sub3A_1014 = vector.broadcast %mul3A_2 : i32 to vector<16xi32>
    %sub3A_1015 = arith.subi %get3A_1006, %sub3A_1014 : vector<16xi32>
    %jit3A_1016 = arith.constant 0 : i32
    %broadcast_in_dim3A_1017 = vector.broadcast %jit3A_1016 : i32 to vector<16xi32>
    %select_n3A_1018 = arith.select %and3A_1013, %sub3A_1015, %broadcast_in_dim3A_1017 : vector<16xi1>, vector<16xi32>
    %add3A_1019 = arith.constant 768 : i32
    %add3A_1020 = vector.broadcast %add3A_1019 : i32 to vector<16xi32>
    %add3A_1021 = arith.addi %add3A_1020, %iota3A : vector<16xi32>
    tpu.vector_store_idx %arg9[%select_n3A_1018], %add3A_1021 masked %and3A_1013 : memref<128xi32, #tpu.memory_space<vmem>>[vector<16xi32>], vector<16xi32>, vector<16xi1>
    %get3A_1022 = arith.constant 768 : index
    %get3A_1023 = tpu.vector_load %arg8[%get3A_1022] {strides = array<i32>} : memref<2048xf32, #tpu.memory_space<vmem>>, vector<16xf32>,
    tpu.vector_store_idx %arg10[%select_n3A_1018, %broadcast_in_dim3A_5], %get3A_1023 masked %and3A_1013 : memref<128x1xf32, #tpu.memory_space<vmem>>[vector<16xi32>, vector<16xi32>], vector<16xf32>, vector<16xi1>
    %get3A_1024 = arith.constant 784 : index
    %get3A_1025 = tpu.vector_load %arg7[%get3A_1024] {strides = array<i32>} : memref<2048xi32, #tpu.memory_space<vmem>>, vector<16xi32>,
    %ge3A_1026 = vector.broadcast %mul3A_2 : i32 to vector<16xi32>
    %ge3A_1027 = arith.cmpi sge, %get3A_1025, %ge3A_1026 : vector<16xi32>
    %add3A_1028 = arith.constant 128 : i32
    %add3A_1029 = arith.addi %mul3A_2, %add3A_1028 : i32
    %lt3A_1030 = vector.broadcast %add3A_1029 : i32 to vector<16xi32>
    %lt3A_1031 = arith.cmpi slt, %get3A_1025, %lt3A_1030 : vector<16xi32>
    %and3A_1032 = arith.andi %ge3A_1027, %lt3A_1031 : vector<16xi1>
    %sub3A_1033 = vector.broadcast %mul3A_2 : i32 to vector<16xi32>
    %sub3A_1034 = arith.subi %get3A_1025, %sub3A_1033 : vector<16xi32>
    %jit3A_1035 = arith.constant 0 : i32
    %broadcast_in_dim3A_1036 = vector.broadcast %jit3A_1035 : i32 to vector<16xi32>
    %select_n3A_1037 = arith.select %and3A_1032, %sub3A_1034, %broadcast_in_dim3A_1036 : vector<16xi1>, vector<16xi32>
    %add3A_1038 = arith.constant 784 : i32
    %add3A_1039 = vector.broadcast %add3A_1038 : i32 to vector<16xi32>
    %add3A_1040 = arith.addi %add3A_1039, %iota3A : vector<16xi32>
    tpu.vector_store_idx %arg9[%select_n3A_1037], %add3A_1040 masked %and3A_1032 : memref<128xi32, #tpu.memory_space<vmem>>[vector<16xi32>], vector<16xi32>, vector<16xi1>
    %get3A_1041 = arith.constant 784 : index
    %get3A_1042 = tpu.vector_load %arg8[%get3A_1041] {strides = array<i32>} : memref<2048xf32, #tpu.memory_space<vmem>>, vector<16xf32>,
    tpu.vector_store_idx %arg10[%select_n3A_1037, %broadcast_in_dim3A_5], %get3A_1042 masked %and3A_1032 : memref<128x1xf32, #tpu.memory_space<vmem>>[vector<16xi32>, vector<16xi32>], vector<16xf32>, vector<16xi1>
    %get3A_1043 = arith.constant 800 : index
    %get3A_1044 = tpu.vector_load %arg7[%get3A_1043] {strides = array<i32>} : memref<2048xi32, #tpu.memory_space<vmem>>, vector<16xi32>,
    %ge3A_1045 = vector.broadcast %mul3A_2 : i32 to vector<16xi32>
    %ge3A_1046 = arith.cmpi sge, %get3A_1044, %ge3A_1045 : vector<16xi32>
    %add3A_1047 = arith.constant 128 : i32
    %add3A_1048 = arith.addi %mul3A_2, %add3A_1047 : i32
    %lt3A_1049 = vector.broadcast %add3A_1048 : i32 to vector<16xi32>
    %lt3A_1050 = arith.cmpi slt, %get3A_1044, %lt3A_1049 : vector<16xi32>
    %and3A_1051 = arith.andi %ge3A_1046, %lt3A_1050 : vector<16xi1>
    %sub3A_1052 = vector.broadcast %mul3A_2 : i32 to vector<16xi32>
    %sub3A_1053 = arith.subi %get3A_1044, %sub3A_1052 : vector<16xi32>
    %jit3A_1054 = arith.constant 0 : i32
    %broadcast_in_dim3A_1055 = vector.broadcast %jit3A_1054 : i32 to vector<16xi32>
    %select_n3A_1056 = arith.select %and3A_1051, %sub3A_1053, %broadcast_in_dim3A_1055 : vector<16xi1>, vector<16xi32>
    %add3A_1057 = arith.constant 800 : i32
    %add3A_1058 = vector.broadcast %add3A_1057 : i32 to vector<16xi32>
    %add3A_1059 = arith.addi %add3A_1058, %iota3A : vector<16xi32>
    tpu.vector_store_idx %arg9[%select_n3A_1056], %add3A_1059 masked %and3A_1051 : memref<128xi32, #tpu.memory_space<vmem>>[vector<16xi32>], vector<16xi32>, vector<16xi1>
    %get3A_1060 = arith.constant 800 : index
    %get3A_1061 = tpu.vector_load %arg8[%get3A_1060] {strides = array<i32>} : memref<2048xf32, #tpu.memory_space<vmem>>, vector<16xf32>,
    tpu.vector_store_idx %arg10[%select_n3A_1056, %broadcast_in_dim3A_5], %get3A_1061 masked %and3A_1051 : memref<128x1xf32, #tpu.memory_space<vmem>>[vector<16xi32>, vector<16xi32>], vector<16xf32>, vector<16xi1>
    %get3A_1062 = arith.constant 816 : index
    %get3A_1063 = tpu.vector_load %arg7[%get3A_1062] {strides = array<i32>} : memref<2048xi32, #tpu.memory_space<vmem>>, vector<16xi32>,
    %ge3A_1064 = vector.broadcast %mul3A_2 : i32 to vector<16xi32>
    %ge3A_1065 = arith.cmpi sge, %get3A_1063, %ge3A_1064 : vector<16xi32>
    %add3A_1066 = arith.constant 128 : i32
    %add3A_1067 = arith.addi %mul3A_2, %add3A_1066 : i32
    %lt3A_1068 = vector.broadcast %add3A_1067 : i32 to vector<16xi32>
    %lt3A_1069 = arith.cmpi slt, %get3A_1063, %lt3A_1068 : vector<16xi32>
    %and3A_1070 = arith.andi %ge3A_1065, %lt3A_1069 : vector<16xi1>
    %sub3A_1071 = vector.broadcast %mul3A_2 : i32 to vector<16xi32>
    %sub3A_1072 = arith.subi %get3A_1063, %sub3A_1071 : vector<16xi32>
    %jit3A_1073 = arith.constant 0 : i32
    %broadcast_in_dim3A_1074 = vector.broadcast %jit3A_1073 : i32 to vector<16xi32>
    %select_n3A_1075 = arith.select %and3A_1070, %sub3A_1072, %broadcast_in_dim3A_1074 : vector<16xi1>, vector<16xi32>
    %add3A_1076 = arith.constant 816 : i32
    %add3A_1077 = vector.broadcast %add3A_1076 : i32 to vector<16xi32>
    %add3A_1078 = arith.addi %add3A_1077, %iota3A : vector<16xi32>
    tpu.vector_store_idx %arg9[%select_n3A_1075], %add3A_1078 masked %and3A_1070 : memref<128xi32, #tpu.memory_space<vmem>>[vector<16xi32>], vector<16xi32>, vector<16xi1>
    %get3A_1079 = arith.constant 816 : index
    %get3A_1080 = tpu.vector_load %arg8[%get3A_1079] {strides = array<i32>} : memref<2048xf32, #tpu.memory_space<vmem>>, vector<16xf32>,
    tpu.vector_store_idx %arg10[%select_n3A_1075, %broadcast_in_dim3A_5], %get3A_1080 masked %and3A_1070 : memref<128x1xf32, #tpu.memory_space<vmem>>[vector<16xi32>, vector<16xi32>], vector<16xf32>, vector<16xi1>
    %get3A_1081 = arith.constant 832 : index
    %get3A_1082 = tpu.vector_load %arg7[%get3A_1081] {strides = array<i32>} : memref<2048xi32, #tpu.memory_space<vmem>>, vector<16xi32>,
    %ge3A_1083 = vector.broadcast %mul3A_2 : i32 to vector<16xi32>
    %ge3A_1084 = arith.cmpi sge, %get3A_1082, %ge3A_1083 : vector<16xi32>
    %add3A_1085 = arith.constant 128 : i32
    %add3A_1086 = arith.addi %mul3A_2, %add3A_1085 : i32
    %lt3A_1087 = vector.broadcast %add3A_1086 : i32 to vector<16xi32>
    %lt3A_1088 = arith.cmpi slt, %get3A_1082, %lt3A_1087 : vector<16xi32>
    %and3A_1089 = arith.andi %ge3A_1084, %lt3A_1088 : vector<16xi1>
    %sub3A_1090 = vector.broadcast %mul3A_2 : i32 to vector<16xi32>
    %sub3A_1091 = arith.subi %get3A_1082, %sub3A_1090 : vector<16xi32>
    %jit3A_1092 = arith.constant 0 : i32
    %broadcast_in_dim3A_1093 = vector.broadcast %jit3A_1092 : i32 to vector<16xi32>
    %select_n3A_1094 = arith.select %and3A_1089, %sub3A_1091, %broadcast_in_dim3A_1093 : vector<16xi1>, vector<16xi32>
    %add3A_1095 = arith.constant 832 : i32
    %add3A_1096 = vector.broadcast %add3A_1095 : i32 to vector<16xi32>
    %add3A_1097 = arith.addi %add3A_1096, %iota3A : vector<16xi32>
    tpu.vector_store_idx %arg9[%select_n3A_1094], %add3A_1097 masked %and3A_1089 : memref<128xi32, #tpu.memory_space<vmem>>[vector<16xi32>], vector<16xi32>, vector<16xi1>
    %get3A_1098 = arith.constant 832 : index
    %get3A_1099 = tpu.vector_load %arg8[%get3A_1098] {strides = array<i32>} : memref<2048xf32, #tpu.memory_space<vmem>>, vector<16xf32>,
    tpu.vector_store_idx %arg10[%select_n3A_1094, %broadcast_in_dim3A_5], %get3A_1099 masked %and3A_1089 : memref<128x1xf32, #tpu.memory_space<vmem>>[vector<16xi32>, vector<16xi32>], vector<16xf32>, vector<16xi1>
    %get3A_1100 = arith.constant 848 : index
    %get3A_1101 = tpu.vector_load %arg7[%get3A_1100] {strides = array<i32>} : memref<2048xi32, #tpu.memory_space<vmem>>, vector<16xi32>,
    %ge3A_1102 = vector.broadcast %mul3A_2 : i32 to vector<16xi32>
    %ge3A_1103 = arith.cmpi sge, %get3A_1101, %ge3A_1102 : vector<16xi32>
    %add3A_1104 = arith.constant 128 : i32
    %add3A_1105 = arith.addi %mul3A_2, %add3A_1104 : i32
    %lt3A_1106 = vector.broadcast %add3A_1105 : i32 to vector<16xi32>
    %lt3A_1107 = arith.cmpi slt, %get3A_1101, %lt3A_1106 : vector<16xi32>
    %and3A_1108 = arith.andi %ge3A_1103, %lt3A_1107 : vector<16xi1>
    %sub3A_1109 = vector.broadcast %mul3A_2 : i32 to vector<16xi32>
    %sub3A_1110 = arith.subi %get3A_1101, %sub3A_1109 : vector<16xi32>
    %jit3A_1111 = arith.constant 0 : i32
    %broadcast_in_dim3A_1112 = vector.broadcast %jit3A_1111 : i32 to vector<16xi32>
    %select_n3A_1113 = arith.select %and3A_1108, %sub3A_1110, %broadcast_in_dim3A_1112 : vector<16xi1>, vector<16xi32>
    %add3A_1114 = arith.constant 848 : i32
    %add3A_1115 = vector.broadcast %add3A_1114 : i32 to vector<16xi32>
    %add3A_1116 = arith.addi %add3A_1115, %iota3A : vector<16xi32>
    tpu.vector_store_idx %arg9[%select_n3A_1113], %add3A_1116 masked %and3A_1108 : memref<128xi32, #tpu.memory_space<vmem>>[vector<16xi32>], vector<16xi32>, vector<16xi1>
    %get3A_1117 = arith.constant 848 : index
    %get3A_1118 = tpu.vector_load %arg8[%get3A_1117] {strides = array<i32>} : memref<2048xf32, #tpu.memory_space<vmem>>, vector<16xf32>,
    tpu.vector_store_idx %arg10[%select_n3A_1113, %broadcast_in_dim3A_5], %get3A_1118 masked %and3A_1108 : memref<128x1xf32, #tpu.memory_space<vmem>>[vector<16xi32>, vector<16xi32>], vector<16xf32>, vector<16xi1>
    %get3A_1119 = arith.constant 864 : index
    %get3A_1120 = tpu.vector_load %arg7[%get3A_1119] {strides = array<i32>} : memref<2048xi32, #tpu.memory_space<vmem>>, vector<16xi32>,
    %ge3A_1121 = vector.broadcast %mul3A_2 : i32 to vector<16xi32>
    %ge3A_1122 = arith.cmpi sge, %get3A_1120, %ge3A_1121 : vector<16xi32>
    %add3A_1123 = arith.constant 128 : i32
    %add3A_1124 = arith.addi %mul3A_2, %add3A_1123 : i32
    %lt3A_1125 = vector.broadcast %add3A_1124 : i32 to vector<16xi32>
    %lt3A_1126 = arith.cmpi slt, %get3A_1120, %lt3A_1125 : vector<16xi32>
    %and3A_1127 = arith.andi %ge3A_1122, %lt3A_1126 : vector<16xi1>
    %sub3A_1128 = vector.broadcast %mul3A_2 : i32 to vector<16xi32>
    %sub3A_1129 = arith.subi %get3A_1120, %sub3A_1128 : vector<16xi32>
    %jit3A_1130 = arith.constant 0 : i32
    %broadcast_in_dim3A_1131 = vector.broadcast %jit3A_1130 : i32 to vector<16xi32>
    %select_n3A_1132 = arith.select %and3A_1127, %sub3A_1129, %broadcast_in_dim3A_1131 : vector<16xi1>, vector<16xi32>
    %add3A_1133 = arith.constant 864 : i32
    %add3A_1134 = vector.broadcast %add3A_1133 : i32 to vector<16xi32>
    %add3A_1135 = arith.addi %add3A_1134, %iota3A : vector<16xi32>
    tpu.vector_store_idx %arg9[%select_n3A_1132], %add3A_1135 masked %and3A_1127 : memref<128xi32, #tpu.memory_space<vmem>>[vector<16xi32>], vector<16xi32>, vector<16xi1>
    %get3A_1136 = arith.constant 864 : index
    %get3A_1137 = tpu.vector_load %arg8[%get3A_1136] {strides = array<i32>} : memref<2048xf32, #tpu.memory_space<vmem>>, vector<16xf32>,
    tpu.vector_store_idx %arg10[%select_n3A_1132, %broadcast_in_dim3A_5], %get3A_1137 masked %and3A_1127 : memref<128x1xf32, #tpu.memory_space<vmem>>[vector<16xi32>, vector<16xi32>], vector<16xf32>, vector<16xi1>
    %get3A_1138 = arith.constant 880 : index
    %get3A_1139 = tpu.vector_load %arg7[%get3A_1138] {strides = array<i32>} : memref<2048xi32, #tpu.memory_space<vmem>>, vector<16xi32>,
    %ge3A_1140 = vector.broadcast %mul3A_2 : i32 to vector<16xi32>
    %ge3A_1141 = arith.cmpi sge, %get3A_1139, %ge3A_1140 : vector<16xi32>
    %add3A_1142 = arith.constant 128 : i32
    %add3A_1143 = arith.addi %mul3A_2, %add3A_1142 : i32
    %lt3A_1144 = vector.broadcast %add3A_1143 : i32 to vector<16xi32>
    %lt3A_1145 = arith.cmpi slt, %get3A_1139, %lt3A_1144 : vector<16xi32>
    %and3A_1146 = arith.andi %ge3A_1141, %lt3A_1145 : vector<16xi1>
    %sub3A_1147 = vector.broadcast %mul3A_2 : i32 to vector<16xi32>
    %sub3A_1148 = arith.subi %get3A_1139, %sub3A_1147 : vector<16xi32>
    %jit3A_1149 = arith.constant 0 : i32
    %broadcast_in_dim3A_1150 = vector.broadcast %jit3A_1149 : i32 to vector<16xi32>
    %select_n3A_1151 = arith.select %and3A_1146, %sub3A_1148, %broadcast_in_dim3A_1150 : vector<16xi1>, vector<16xi32>
    %add3A_1152 = arith.constant 880 : i32
    %add3A_1153 = vector.broadcast %add3A_1152 : i32 to vector<16xi32>
    %add3A_1154 = arith.addi %add3A_1153, %iota3A : vector<16xi32>
    tpu.vector_store_idx %arg9[%select_n3A_1151], %add3A_1154 masked %and3A_1146 : memref<128xi32, #tpu.memory_space<vmem>>[vector<16xi32>], vector<16xi32>, vector<16xi1>
    %get3A_1155 = arith.constant 880 : index
    %get3A_1156 = tpu.vector_load %arg8[%get3A_1155] {strides = array<i32>} : memref<2048xf32, #tpu.memory_space<vmem>>, vector<16xf32>,
    tpu.vector_store_idx %arg10[%select_n3A_1151, %broadcast_in_dim3A_5], %get3A_1156 masked %and3A_1146 : memref<128x1xf32, #tpu.memory_space<vmem>>[vector<16xi32>, vector<16xi32>], vector<16xf32>, vector<16xi1>
    %get3A_1157 = arith.constant 896 : index
    %get3A_1158 = tpu.vector_load %arg7[%get3A_1157] {strides = array<i32>} : memref<2048xi32, #tpu.memory_space<vmem>>, vector<16xi32>,
    %ge3A_1159 = vector.broadcast %mul3A_2 : i32 to vector<16xi32>
    %ge3A_1160 = arith.cmpi sge, %get3A_1158, %ge3A_1159 : vector<16xi32>
    %add3A_1161 = arith.constant 128 : i32
    %add3A_1162 = arith.addi %mul3A_2, %add3A_1161 : i32
    %lt3A_1163 = vector.broadcast %add3A_1162 : i32 to vector<16xi32>
    %lt3A_1164 = arith.cmpi slt, %get3A_1158, %lt3A_1163 : vector<16xi32>
    %and3A_1165 = arith.andi %ge3A_1160, %lt3A_1164 : vector<16xi1>
    %sub3A_1166 = vector.broadcast %mul3A_2 : i32 to vector<16xi32>
    %sub3A_1167 = arith.subi %get3A_1158, %sub3A_1166 : vector<16xi32>
    %jit3A_1168 = arith.constant 0 : i32
    %broadcast_in_dim3A_1169 = vector.broadcast %jit3A_1168 : i32 to vector<16xi32>
    %select_n3A_1170 = arith.select %and3A_1165, %sub3A_1167, %broadcast_in_dim3A_1169 : vector<16xi1>, vector<16xi32>
    %add3A_1171 = arith.constant 896 : i32
    %add3A_1172 = vector.broadcast %add3A_1171 : i32 to vector<16xi32>
    %add3A_1173 = arith.addi %add3A_1172, %iota3A : vector<16xi32>
    tpu.vector_store_idx %arg9[%select_n3A_1170], %add3A_1173 masked %and3A_1165 : memref<128xi32, #tpu.memory_space<vmem>>[vector<16xi32>], vector<16xi32>, vector<16xi1>
    %get3A_1174 = arith.constant 896 : index
    %get3A_1175 = tpu.vector_load %arg8[%get3A_1174] {strides = array<i32>} : memref<2048xf32, #tpu.memory_space<vmem>>, vector<16xf32>,
    tpu.vector_store_idx %arg10[%select_n3A_1170, %broadcast_in_dim3A_5], %get3A_1175 masked %and3A_1165 : memref<128x1xf32, #tpu.memory_space<vmem>>[vector<16xi32>, vector<16xi32>], vector<16xf32>, vector<16xi1>
    %get3A_1176 = arith.constant 912 : index
    %get3A_1177 = tpu.vector_load %arg7[%get3A_1176] {strides = array<i32>} : memref<2048xi32, #tpu.memory_space<vmem>>, vector<16xi32>,
    %ge3A_1178 = vector.broadcast %mul3A_2 : i32 to vector<16xi32>
    %ge3A_1179 = arith.cmpi sge, %get3A_1177, %ge3A_1178 : vector<16xi32>
    %add3A_1180 = arith.constant 128 : i32
    %add3A_1181 = arith.addi %mul3A_2, %add3A_1180 : i32
    %lt3A_1182 = vector.broadcast %add3A_1181 : i32 to vector<16xi32>
    %lt3A_1183 = arith.cmpi slt, %get3A_1177, %lt3A_1182 : vector<16xi32>
    %and3A_1184 = arith.andi %ge3A_1179, %lt3A_1183 : vector<16xi1>
    %sub3A_1185 = vector.broadcast %mul3A_2 : i32 to vector<16xi32>
    %sub3A_1186 = arith.subi %get3A_1177, %sub3A_1185 : vector<16xi32>
    %jit3A_1187 = arith.constant 0 : i32
    %broadcast_in_dim3A_1188 = vector.broadcast %jit3A_1187 : i32 to vector<16xi32>
    %select_n3A_1189 = arith.select %and3A_1184, %sub3A_1186, %broadcast_in_dim3A_1188 : vector<16xi1>, vector<16xi32>
    %add3A_1190 = arith.constant 912 : i32
    %add3A_1191 = vector.broadcast %add3A_1190 : i32 to vector<16xi32>
    %add3A_1192 = arith.addi %add3A_1191, %iota3A : vector<16xi32>
    tpu.vector_store_idx %arg9[%select_n3A_1189], %add3A_1192 masked %and3A_1184 : memref<128xi32, #tpu.memory_space<vmem>>[vector<16xi32>], vector<16xi32>, vector<16xi1>
    %get3A_1193 = arith.constant 912 : index
    %get3A_1194 = tpu.vector_load %arg8[%get3A_1193] {strides = array<i32>} : memref<2048xf32, #tpu.memory_space<vmem>>, vector<16xf32>,
    tpu.vector_store_idx %arg10[%select_n3A_1189, %broadcast_in_dim3A_5], %get3A_1194 masked %and3A_1184 : memref<128x1xf32, #tpu.memory_space<vmem>>[vector<16xi32>, vector<16xi32>], vector<16xf32>, vector<16xi1>
    %get3A_1195 = arith.constant 928 : index
    %get3A_1196 = tpu.vector_load %arg7[%get3A_1195] {strides = array<i32>} : memref<2048xi32, #tpu.memory_space<vmem>>, vector<16xi32>,
    %ge3A_1197 = vector.broadcast %mul3A_2 : i32 to vector<16xi32>
    %ge3A_1198 = arith.cmpi sge, %get3A_1196, %ge3A_1197 : vector<16xi32>
    %add3A_1199 = arith.constant 128 : i32
    %add3A_1200 = arith.addi %mul3A_2, %add3A_1199 : i32
    %lt3A_1201 = vector.broadcast %add3A_1200 : i32 to vector<16xi32>
    %lt3A_1202 = arith.cmpi slt, %get3A_1196, %lt3A_1201 : vector<16xi32>
    %and3A_1203 = arith.andi %ge3A_1198, %lt3A_1202 : vector<16xi1>
    %sub3A_1204 = vector.broadcast %mul3A_2 : i32 to vector<16xi32>
    %sub3A_1205 = arith.subi %get3A_1196, %sub3A_1204 : vector<16xi32>
    %jit3A_1206 = arith.constant 0 : i32
    %broadcast_in_dim3A_1207 = vector.broadcast %jit3A_1206 : i32 to vector<16xi32>
    %select_n3A_1208 = arith.select %and3A_1203, %sub3A_1205, %broadcast_in_dim3A_1207 : vector<16xi1>, vector<16xi32>
    %add3A_1209 = arith.constant 928 : i32
    %add3A_1210 = vector.broadcast %add3A_1209 : i32 to vector<16xi32>
    %add3A_1211 = arith.addi %add3A_1210, %iota3A : vector<16xi32>
    tpu.vector_store_idx %arg9[%select_n3A_1208], %add3A_1211 masked %and3A_1203 : memref<128xi32, #tpu.memory_space<vmem>>[vector<16xi32>], vector<16xi32>, vector<16xi1>
    %get3A_1212 = arith.constant 928 : index
    %get3A_1213 = tpu.vector_load %arg8[%get3A_1212] {strides = array<i32>} : memref<2048xf32, #tpu.memory_space<vmem>>, vector<16xf32>,
    tpu.vector_store_idx %arg10[%select_n3A_1208, %broadcast_in_dim3A_5], %get3A_1213 masked %and3A_1203 : memref<128x1xf32, #tpu.memory_space<vmem>>[vector<16xi32>, vector<16xi32>], vector<16xf32>, vector<16xi1>
    %get3A_1214 = arith.constant 944 : index
    %get3A_1215 = tpu.vector_load %arg7[%get3A_1214] {strides = array<i32>} : memref<2048xi32, #tpu.memory_space<vmem>>, vector<16xi32>,
    %ge3A_1216 = vector.broadcast %mul3A_2 : i32 to vector<16xi32>
    %ge3A_1217 = arith.cmpi sge, %get3A_1215, %ge3A_1216 : vector<16xi32>
    %add3A_1218 = arith.constant 128 : i32
    %add3A_1219 = arith.addi %mul3A_2, %add3A_1218 : i32
    %lt3A_1220 = vector.broadcast %add3A_1219 : i32 to vector<16xi32>
    %lt3A_1221 = arith.cmpi slt, %get3A_1215, %lt3A_1220 : vector<16xi32>
    %and3A_1222 = arith.andi %ge3A_1217, %lt3A_1221 : vector<16xi1>
    %sub3A_1223 = vector.broadcast %mul3A_2 : i32 to vector<16xi32>
    %sub3A_1224 = arith.subi %get3A_1215, %sub3A_1223 : vector<16xi32>
    %jit3A_1225 = arith.constant 0 : i32
    %broadcast_in_dim3A_1226 = vector.broadcast %jit3A_1225 : i32 to vector<16xi32>
    %select_n3A_1227 = arith.select %and3A_1222, %sub3A_1224, %broadcast_in_dim3A_1226 : vector<16xi1>, vector<16xi32>
    %add3A_1228 = arith.constant 944 : i32
    %add3A_1229 = vector.broadcast %add3A_1228 : i32 to vector<16xi32>
    %add3A_1230 = arith.addi %add3A_1229, %iota3A : vector<16xi32>
    tpu.vector_store_idx %arg9[%select_n3A_1227], %add3A_1230 masked %and3A_1222 : memref<128xi32, #tpu.memory_space<vmem>>[vector<16xi32>], vector<16xi32>, vector<16xi1>
    %get3A_1231 = arith.constant 944 : index
    %get3A_1232 = tpu.vector_load %arg8[%get3A_1231] {strides = array<i32>} : memref<2048xf32, #tpu.memory_space<vmem>>, vector<16xf32>,
    tpu.vector_store_idx %arg10[%select_n3A_1227, %broadcast_in_dim3A_5], %get3A_1232 masked %and3A_1222 : memref<128x1xf32, #tpu.memory_space<vmem>>[vector<16xi32>, vector<16xi32>], vector<16xf32>, vector<16xi1>
    %get3A_1233 = arith.constant 960 : index
    %get3A_1234 = tpu.vector_load %arg7[%get3A_1233] {strides = array<i32>} : memref<2048xi32, #tpu.memory_space<vmem>>, vector<16xi32>,
    %ge3A_1235 = vector.broadcast %mul3A_2 : i32 to vector<16xi32>
    %ge3A_1236 = arith.cmpi sge, %get3A_1234, %ge3A_1235 : vector<16xi32>
    %add3A_1237 = arith.constant 128 : i32
    %add3A_1238 = arith.addi %mul3A_2, %add3A_1237 : i32
    %lt3A_1239 = vector.broadcast %add3A_1238 : i32 to vector<16xi32>
    %lt3A_1240 = arith.cmpi slt, %get3A_1234, %lt3A_1239 : vector<16xi32>
    %and3A_1241 = arith.andi %ge3A_1236, %lt3A_1240 : vector<16xi1>
    %sub3A_1242 = vector.broadcast %mul3A_2 : i32 to vector<16xi32>
    %sub3A_1243 = arith.subi %get3A_1234, %sub3A_1242 : vector<16xi32>
    %jit3A_1244 = arith.constant 0 : i32
    %broadcast_in_dim3A_1245 = vector.broadcast %jit3A_1244 : i32 to vector<16xi32>
    %select_n3A_1246 = arith.select %and3A_1241, %sub3A_1243, %broadcast_in_dim3A_1245 : vector<16xi1>, vector<16xi32>
    %add3A_1247 = arith.constant 960 : i32
    %add3A_1248 = vector.broadcast %add3A_1247 : i32 to vector<16xi32>
    %add3A_1249 = arith.addi %add3A_1248, %iota3A : vector<16xi32>
    tpu.vector_store_idx %arg9[%select_n3A_1246], %add3A_1249 masked %and3A_1241 : memref<128xi32, #tpu.memory_space<vmem>>[vector<16xi32>], vector<16xi32>, vector<16xi1>
    %get3A_1250 = arith.constant 960 : index
    %get3A_1251 = tpu.vector_load %arg8[%get3A_1250] {strides = array<i32>} : memref<2048xf32, #tpu.memory_space<vmem>>, vector<16xf32>,
    tpu.vector_store_idx %arg10[%select_n3A_1246, %broadcast_in_dim3A_5], %get3A_1251 masked %and3A_1241 : memref<128x1xf32, #tpu.memory_space<vmem>>[vector<16xi32>, vector<16xi32>], vector<16xf32>, vector<16xi1>
    %get3A_1252 = arith.constant 976 : index
    %get3A_1253 = tpu.vector_load %arg7[%get3A_1252] {strides = array<i32>} : memref<2048xi32, #tpu.memory_space<vmem>>, vector<16xi32>,
    %ge3A_1254 = vector.broadcast %mul3A_2 : i32 to vector<16xi32>
    %ge3A_1255 = arith.cmpi sge, %get3A_1253, %ge3A_1254 : vector<16xi32>
    %add3A_1256 = arith.constant 128 : i32
    %add3A_1257 = arith.addi %mul3A_2, %add3A_1256 : i32
    %lt3A_1258 = vector.broadcast %add3A_1257 : i32 to vector<16xi32>
    %lt3A_1259 = arith.cmpi slt, %get3A_1253, %lt3A_1258 : vector<16xi32>
    %and3A_1260 = arith.andi %ge3A_1255, %lt3A_1259 : vector<16xi1>
    %sub3A_1261 = vector.broadcast %mul3A_2 : i32 to vector<16xi32>
    %sub3A_1262 = arith.subi %get3A_1253, %sub3A_1261 : vector<16xi32>
    %jit3A_1263 = arith.constant 0 : i32
    %broadcast_in_dim3A_1264 = vector.broadcast %jit3A_1263 : i32 to vector<16xi32>
    %select_n3A_1265 = arith.select %and3A_1260, %sub3A_1262, %broadcast_in_dim3A_1264 : vector<16xi1>, vector<16xi32>
    %add3A_1266 = arith.constant 976 : i32
    %add3A_1267 = vector.broadcast %add3A_1266 : i32 to vector<16xi32>
    %add3A_1268 = arith.addi %add3A_1267, %iota3A : vector<16xi32>
    tpu.vector_store_idx %arg9[%select_n3A_1265], %add3A_1268 masked %and3A_1260 : memref<128xi32, #tpu.memory_space<vmem>>[vector<16xi32>], vector<16xi32>, vector<16xi1>
    %get3A_1269 = arith.constant 976 : index
    %get3A_1270 = tpu.vector_load %arg8[%get3A_1269] {strides = array<i32>} : memref<2048xf32, #tpu.memory_space<vmem>>, vector<16xf32>,
    tpu.vector_store_idx %arg10[%select_n3A_1265, %broadcast_in_dim3A_5], %get3A_1270 masked %and3A_1260 : memref<128x1xf32, #tpu.memory_space<vmem>>[vector<16xi32>, vector<16xi32>], vector<16xf32>, vector<16xi1>
    %get3A_1271 = arith.constant 992 : index
    %get3A_1272 = tpu.vector_load %arg7[%get3A_1271] {strides = array<i32>} : memref<2048xi32, #tpu.memory_space<vmem>>, vector<16xi32>,
    %ge3A_1273 = vector.broadcast %mul3A_2 : i32 to vector<16xi32>
    %ge3A_1274 = arith.cmpi sge, %get3A_1272, %ge3A_1273 : vector<16xi32>
    %add3A_1275 = arith.constant 128 : i32
    %add3A_1276 = arith.addi %mul3A_2, %add3A_1275 : i32
    %lt3A_1277 = vector.broadcast %add3A_1276 : i32 to vector<16xi32>
    %lt3A_1278 = arith.cmpi slt, %get3A_1272, %lt3A_1277 : vector<16xi32>
    %and3A_1279 = arith.andi %ge3A_1274, %lt3A_1278 : vector<16xi1>
    %sub3A_1280 = vector.broadcast %mul3A_2 : i32 to vector<16xi32>
    %sub3A_1281 = arith.subi %get3A_1272, %sub3A_1280 : vector<16xi32>
    %jit3A_1282 = arith.constant 0 : i32
    %broadcast_in_dim3A_1283 = vector.broadcast %jit3A_1282 : i32 to vector<16xi32>
    %select_n3A_1284 = arith.select %and3A_1279, %sub3A_1281, %broadcast_in_dim3A_1283 : vector<16xi1>, vector<16xi32>
    %add3A_1285 = arith.constant 992 : i32
    %add3A_1286 = vector.broadcast %add3A_1285 : i32 to vector<16xi32>
    %add3A_1287 = arith.addi %add3A_1286, %iota3A : vector<16xi32>
    tpu.vector_store_idx %arg9[%select_n3A_1284], %add3A_1287 masked %and3A_1279 : memref<128xi32, #tpu.memory_space<vmem>>[vector<16xi32>], vector<16xi32>, vector<16xi1>
    %get3A_1288 = arith.constant 992 : index
    %get3A_1289 = tpu.vector_load %arg8[%get3A_1288] {strides = array<i32>} : memref<2048xf32, #tpu.memory_space<vmem>>, vector<16xf32>,
    tpu.vector_store_idx %arg10[%select_n3A_1284, %broadcast_in_dim3A_5], %get3A_1289 masked %and3A_1279 : memref<128x1xf32, #tpu.memory_space<vmem>>[vector<16xi32>, vector<16xi32>], vector<16xf32>, vector<16xi1>
    %get3A_1290 = arith.constant 1008 : index
    %get3A_1291 = tpu.vector_load %arg7[%get3A_1290] {strides = array<i32>} : memref<2048xi32, #tpu.memory_space<vmem>>, vector<16xi32>,
    %ge3A_1292 = vector.broadcast %mul3A_2 : i32 to vector<16xi32>
    %ge3A_1293 = arith.cmpi sge, %get3A_1291, %ge3A_1292 : vector<16xi32>
    %add3A_1294 = arith.constant 128 : i32
    %add3A_1295 = arith.addi %mul3A_2, %add3A_1294 : i32
    %lt3A_1296 = vector.broadcast %add3A_1295 : i32 to vector<16xi32>
    %lt3A_1297 = arith.cmpi slt, %get3A_1291, %lt3A_1296 : vector<16xi32>
    %and3A_1298 = arith.andi %ge3A_1293, %lt3A_1297 : vector<16xi1>
    %sub3A_1299 = vector.broadcast %mul3A_2 : i32 to vector<16xi32>
    %sub3A_1300 = arith.subi %get3A_1291, %sub3A_1299 : vector<16xi32>
    %jit3A_1301 = arith.constant 0 : i32
    %broadcast_in_dim3A_1302 = vector.broadcast %jit3A_1301 : i32 to vector<16xi32>
    %select_n3A_1303 = arith.select %and3A_1298, %sub3A_1300, %broadcast_in_dim3A_1302 : vector<16xi1>, vector<16xi32>
    %add3A_1304 = arith.constant 1008 : i32
    %add3A_1305 = vector.broadcast %add3A_1304 : i32 to vector<16xi32>
    %add3A_1306 = arith.addi %add3A_1305, %iota3A : vector<16xi32>
    tpu.vector_store_idx %arg9[%select_n3A_1303], %add3A_1306 masked %and3A_1298 : memref<128xi32, #tpu.memory_space<vmem>>[vector<16xi32>], vector<16xi32>, vector<16xi1>
    %get3A_1307 = arith.constant 1008 : index
    %get3A_1308 = tpu.vector_load %arg8[%get3A_1307] {strides = array<i32>} : memref<2048xf32, #tpu.memory_space<vmem>>, vector<16xf32>,
    tpu.vector_store_idx %arg10[%select_n3A_1303, %broadcast_in_dim3A_5], %get3A_1308 masked %and3A_1298 : memref<128x1xf32, #tpu.memory_space<vmem>>[vector<16xi32>, vector<16xi32>], vector<16xf32>, vector<16xi1>
    %get3A_1309 = arith.constant 1024 : index
    %get3A_1310 = tpu.vector_load %arg7[%get3A_1309] {strides = array<i32>} : memref<2048xi32, #tpu.memory_space<vmem>>, vector<16xi32>,
    %ge3A_1311 = vector.broadcast %mul3A_2 : i32 to vector<16xi32>
    %ge3A_1312 = arith.cmpi sge, %get3A_1310, %ge3A_1311 : vector<16xi32>
    %add3A_1313 = arith.constant 128 : i32
    %add3A_1314 = arith.addi %mul3A_2, %add3A_1313 : i32
    %lt3A_1315 = vector.broadcast %add3A_1314 : i32 to vector<16xi32>
    %lt3A_1316 = arith.cmpi slt, %get3A_1310, %lt3A_1315 : vector<16xi32>
    %and3A_1317 = arith.andi %ge3A_1312, %lt3A_1316 : vector<16xi1>
    %sub3A_1318 = vector.broadcast %mul3A_2 : i32 to vector<16xi32>
    %sub3A_1319 = arith.subi %get3A_1310, %sub3A_1318 : vector<16xi32>
    %jit3A_1320 = arith.constant 0 : i32
    %broadcast_in_dim3A_1321 = vector.broadcast %jit3A_1320 : i32 to vector<16xi32>
    %select_n3A_1322 = arith.select %and3A_1317, %sub3A_1319, %broadcast_in_dim3A_1321 : vector<16xi1>, vector<16xi32>
    %add3A_1323 = arith.constant 1024 : i32
    %add3A_1324 = vector.broadcast %add3A_1323 : i32 to vector<16xi32>
    %add3A_1325 = arith.addi %add3A_1324, %iota3A : vector<16xi32>
    tpu.vector_store_idx %arg9[%select_n3A_1322], %add3A_1325 masked %and3A_1317 : memref<128xi32, #tpu.memory_space<vmem>>[vector<16xi32>], vector<16xi32>, vector<16xi1>
    %get3A_1326 = arith.constant 1024 : index
    %get3A_1327 = tpu.vector_load %arg8[%get3A_1326] {strides = array<i32>} : memref<2048xf32, #tpu.memory_space<vmem>>, vector<16xf32>,
    tpu.vector_store_idx %arg10[%select_n3A_1322, %broadcast_in_dim3A_5], %get3A_1327 masked %and3A_1317 : memref<128x1xf32, #tpu.memory_space<vmem>>[vector<16xi32>, vector<16xi32>], vector<16xf32>, vector<16xi1>
    %get3A_1328 = arith.constant 1040 : index
    %get3A_1329 = tpu.vector_load %arg7[%get3A_1328] {strides = array<i32>} : memref<2048xi32, #tpu.memory_space<vmem>>, vector<16xi32>,
    %ge3A_1330 = vector.broadcast %mul3A_2 : i32 to vector<16xi32>
    %ge3A_1331 = arith.cmpi sge, %get3A_1329, %ge3A_1330 : vector<16xi32>
    %add3A_1332 = arith.constant 128 : i32
    %add3A_1333 = arith.addi %mul3A_2, %add3A_1332 : i32
    %lt3A_1334 = vector.broadcast %add3A_1333 : i32 to vector<16xi32>
    %lt3A_1335 = arith.cmpi slt, %get3A_1329, %lt3A_1334 : vector<16xi32>
    %and3A_1336 = arith.andi %ge3A_1331, %lt3A_1335 : vector<16xi1>
    %sub3A_1337 = vector.broadcast %mul3A_2 : i32 to vector<16xi32>
    %sub3A_1338 = arith.subi %get3A_1329, %sub3A_1337 : vector<16xi32>
    %jit3A_1339 = arith.constant 0 : i32
    %broadcast_in_dim3A_1340 = vector.broadcast %jit3A_1339 : i32 to vector<16xi32>
    %select_n3A_1341 = arith.select %and3A_1336, %sub3A_1338, %broadcast_in_dim3A_1340 : vector<16xi1>, vector<16xi32>
    %add3A_1342 = arith.constant 1040 : i32
    %add3A_1343 = vector.broadcast %add3A_1342 : i32 to vector<16xi32>
    %add3A_1344 = arith.addi %add3A_1343, %iota3A : vector<16xi32>
    tpu.vector_store_idx %arg9[%select_n3A_1341], %add3A_1344 masked %and3A_1336 : memref<128xi32, #tpu.memory_space<vmem>>[vector<16xi32>], vector<16xi32>, vector<16xi1>
    %get3A_1345 = arith.constant 1040 : index
    %get3A_1346 = tpu.vector_load %arg8[%get3A_1345] {strides = array<i32>} : memref<2048xf32, #tpu.memory_space<vmem>>, vector<16xf32>,
    tpu.vector_store_idx %arg10[%select_n3A_1341, %broadcast_in_dim3A_5], %get3A_1346 masked %and3A_1336 : memref<128x1xf32, #tpu.memory_space<vmem>>[vector<16xi32>, vector<16xi32>], vector<16xf32>, vector<16xi1>
    %get3A_1347 = arith.constant 1056 : index
    %get3A_1348 = tpu.vector_load %arg7[%get3A_1347] {strides = array<i32>} : memref<2048xi32, #tpu.memory_space<vmem>>, vector<16xi32>,
    %ge3A_1349 = vector.broadcast %mul3A_2 : i32 to vector<16xi32>
    %ge3A_1350 = arith.cmpi sge, %get3A_1348, %ge3A_1349 : vector<16xi32>
    %add3A_1351 = arith.constant 128 : i32
    %add3A_1352 = arith.addi %mul3A_2, %add3A_1351 : i32
    %lt3A_1353 = vector.broadcast %add3A_1352 : i32 to vector<16xi32>
    %lt3A_1354 = arith.cmpi slt, %get3A_1348, %lt3A_1353 : vector<16xi32>
    %and3A_1355 = arith.andi %ge3A_1350, %lt3A_1354 : vector<16xi1>
    %sub3A_1356 = vector.broadcast %mul3A_2 : i32 to vector<16xi32>
    %sub3A_1357 = arith.subi %get3A_1348, %sub3A_1356 : vector<16xi32>
    %jit3A_1358 = arith.constant 0 : i32
    %broadcast_in_dim3A_1359 = vector.broadcast %jit3A_1358 : i32 to vector<16xi32>
    %select_n3A_1360 = arith.select %and3A_1355, %sub3A_1357, %broadcast_in_dim3A_1359 : vector<16xi1>, vector<16xi32>
    %add3A_1361 = arith.constant 1056 : i32
    %add3A_1362 = vector.broadcast %add3A_1361 : i32 to vector<16xi32>
    %add3A_1363 = arith.addi %add3A_1362, %iota3A : vector<16xi32>
    tpu.vector_store_idx %arg9[%select_n3A_1360], %add3A_1363 masked %and3A_1355 : memref<128xi32, #tpu.memory_space<vmem>>[vector<16xi32>], vector<16xi32>, vector<16xi1>
    %get3A_1364 = arith.constant 1056 : index
    %get3A_1365 = tpu.vector_load %arg8[%get3A_1364] {strides = array<i32>} : memref<2048xf32, #tpu.memory_space<vmem>>, vector<16xf32>,
    tpu.vector_store_idx %arg10[%select_n3A_1360, %broadcast_in_dim3A_5], %get3A_1365 masked %and3A_1355 : memref<128x1xf32, #tpu.memory_space<vmem>>[vector<16xi32>, vector<16xi32>], vector<16xf32>, vector<16xi1>
    %get3A_1366 = arith.constant 1072 : index
    %get3A_1367 = tpu.vector_load %arg7[%get3A_1366] {strides = array<i32>} : memref<2048xi32, #tpu.memory_space<vmem>>, vector<16xi32>,
    %ge3A_1368 = vector.broadcast %mul3A_2 : i32 to vector<16xi32>
    %ge3A_1369 = arith.cmpi sge, %get3A_1367, %ge3A_1368 : vector<16xi32>
    %add3A_1370 = arith.constant 128 : i32
    %add3A_1371 = arith.addi %mul3A_2, %add3A_1370 : i32
    %lt3A_1372 = vector.broadcast %add3A_1371 : i32 to vector<16xi32>
    %lt3A_1373 = arith.cmpi slt, %get3A_1367, %lt3A_1372 : vector<16xi32>
    %and3A_1374 = arith.andi %ge3A_1369, %lt3A_1373 : vector<16xi1>
    %sub3A_1375 = vector.broadcast %mul3A_2 : i32 to vector<16xi32>
    %sub3A_1376 = arith.subi %get3A_1367, %sub3A_1375 : vector<16xi32>
    %jit3A_1377 = arith.constant 0 : i32
    %broadcast_in_dim3A_1378 = vector.broadcast %jit3A_1377 : i32 to vector<16xi32>
    %select_n3A_1379 = arith.select %and3A_1374, %sub3A_1376, %broadcast_in_dim3A_1378 : vector<16xi1>, vector<16xi32>
    %add3A_1380 = arith.constant 1072 : i32
    %add3A_1381 = vector.broadcast %add3A_1380 : i32 to vector<16xi32>
    %add3A_1382 = arith.addi %add3A_1381, %iota3A : vector<16xi32>
    tpu.vector_store_idx %arg9[%select_n3A_1379], %add3A_1382 masked %and3A_1374 : memref<128xi32, #tpu.memory_space<vmem>>[vector<16xi32>], vector<16xi32>, vector<16xi1>
    %get3A_1383 = arith.constant 1072 : index
    %get3A_1384 = tpu.vector_load %arg8[%get3A_1383] {strides = array<i32>} : memref<2048xf32, #tpu.memory_space<vmem>>, vector<16xf32>,
    tpu.vector_store_idx %arg10[%select_n3A_1379, %broadcast_in_dim3A_5], %get3A_1384 masked %and3A_1374 : memref<128x1xf32, #tpu.memory_space<vmem>>[vector<16xi32>, vector<16xi32>], vector<16xf32>, vector<16xi1>
    %get3A_1385 = arith.constant 1088 : index
    %get3A_1386 = tpu.vector_load %arg7[%get3A_1385] {strides = array<i32>} : memref<2048xi32, #tpu.memory_space<vmem>>, vector<16xi32>,
    %ge3A_1387 = vector.broadcast %mul3A_2 : i32 to vector<16xi32>
    %ge3A_1388 = arith.cmpi sge, %get3A_1386, %ge3A_1387 : vector<16xi32>
    %add3A_1389 = arith.constant 128 : i32
    %add3A_1390 = arith.addi %mul3A_2, %add3A_1389 : i32
    %lt3A_1391 = vector.broadcast %add3A_1390 : i32 to vector<16xi32>
    %lt3A_1392 = arith.cmpi slt, %get3A_1386, %lt3A_1391 : vector<16xi32>
    %and3A_1393 = arith.andi %ge3A_1388, %lt3A_1392 : vector<16xi1>
    %sub3A_1394 = vector.broadcast %mul3A_2 : i32 to vector<16xi32>
    %sub3A_1395 = arith.subi %get3A_1386, %sub3A_1394 : vector<16xi32>
    %jit3A_1396 = arith.constant 0 : i32
    %broadcast_in_dim3A_1397 = vector.broadcast %jit3A_1396 : i32 to vector<16xi32>
    %select_n3A_1398 = arith.select %and3A_1393, %sub3A_1395, %broadcast_in_dim3A_1397 : vector<16xi1>, vector<16xi32>
    %add3A_1399 = arith.constant 1088 : i32
    %add3A_1400 = vector.broadcast %add3A_1399 : i32 to vector<16xi32>
    %add3A_1401 = arith.addi %add3A_1400, %iota3A : vector<16xi32>
    tpu.vector_store_idx %arg9[%select_n3A_1398], %add3A_1401 masked %and3A_1393 : memref<128xi32, #tpu.memory_space<vmem>>[vector<16xi32>], vector<16xi32>, vector<16xi1>
    %get3A_1402 = arith.constant 1088 : index
    %get3A_1403 = tpu.vector_load %arg8[%get3A_1402] {strides = array<i32>} : memref<2048xf32, #tpu.memory_space<vmem>>, vector<16xf32>,
    tpu.vector_store_idx %arg10[%select_n3A_1398, %broadcast_in_dim3A_5], %get3A_1403 masked %and3A_1393 : memref<128x1xf32, #tpu.memory_space<vmem>>[vector<16xi32>, vector<16xi32>], vector<16xf32>, vector<16xi1>
    %get3A_1404 = arith.constant 1104 : index
    %get3A_1405 = tpu.vector_load %arg7[%get3A_1404] {strides = array<i32>} : memref<2048xi32, #tpu.memory_space<vmem>>, vector<16xi32>,
    %ge3A_1406 = vector.broadcast %mul3A_2 : i32 to vector<16xi32>
    %ge3A_1407 = arith.cmpi sge, %get3A_1405, %ge3A_1406 : vector<16xi32>
    %add3A_1408 = arith.constant 128 : i32
    %add3A_1409 = arith.addi %mul3A_2, %add3A_1408 : i32
    %lt3A_1410 = vector.broadcast %add3A_1409 : i32 to vector<16xi32>
    %lt3A_1411 = arith.cmpi slt, %get3A_1405, %lt3A_1410 : vector<16xi32>
    %and3A_1412 = arith.andi %ge3A_1407, %lt3A_1411 : vector<16xi1>
    %sub3A_1413 = vector.broadcast %mul3A_2 : i32 to vector<16xi32>
    %sub3A_1414 = arith.subi %get3A_1405, %sub3A_1413 : vector<16xi32>
    %jit3A_1415 = arith.constant 0 : i32
    %broadcast_in_dim3A_1416 = vector.broadcast %jit3A_1415 : i32 to vector<16xi32>
    %select_n3A_1417 = arith.select %and3A_1412, %sub3A_1414, %broadcast_in_dim3A_1416 : vector<16xi1>, vector<16xi32>
    %add3A_1418 = arith.constant 1104 : i32
    %add3A_1419 = vector.broadcast %add3A_1418 : i32 to vector<16xi32>
    %add3A_1420 = arith.addi %add3A_1419, %iota3A : vector<16xi32>
    tpu.vector_store_idx %arg9[%select_n3A_1417], %add3A_1420 masked %and3A_1412 : memref<128xi32, #tpu.memory_space<vmem>>[vector<16xi32>], vector<16xi32>, vector<16xi1>
    %get3A_1421 = arith.constant 1104 : index
    %get3A_1422 = tpu.vector_load %arg8[%get3A_1421] {strides = array<i32>} : memref<2048xf32, #tpu.memory_space<vmem>>, vector<16xf32>,
    tpu.vector_store_idx %arg10[%select_n3A_1417, %broadcast_in_dim3A_5], %get3A_1422 masked %and3A_1412 : memref<128x1xf32, #tpu.memory_space<vmem>>[vector<16xi32>, vector<16xi32>], vector<16xf32>, vector<16xi1>
    %get3A_1423 = arith.constant 1120 : index
    %get3A_1424 = tpu.vector_load %arg7[%get3A_1423] {strides = array<i32>} : memref<2048xi32, #tpu.memory_space<vmem>>, vector<16xi32>,
    %ge3A_1425 = vector.broadcast %mul3A_2 : i32 to vector<16xi32>
    %ge3A_1426 = arith.cmpi sge, %get3A_1424, %ge3A_1425 : vector<16xi32>
    %add3A_1427 = arith.constant 128 : i32
    %add3A_1428 = arith.addi %mul3A_2, %add3A_1427 : i32
    %lt3A_1429 = vector.broadcast %add3A_1428 : i32 to vector<16xi32>
    %lt3A_1430 = arith.cmpi slt, %get3A_1424, %lt3A_1429 : vector<16xi32>
    %and3A_1431 = arith.andi %ge3A_1426, %lt3A_1430 : vector<16xi1>
    %sub3A_1432 = vector.broadcast %mul3A_2 : i32 to vector<16xi32>
    %sub3A_1433 = arith.subi %get3A_1424, %sub3A_1432 : vector<16xi32>
    %jit3A_1434 = arith.constant 0 : i32
    %broadcast_in_dim3A_1435 = vector.broadcast %jit3A_1434 : i32 to vector<16xi32>
    %select_n3A_1436 = arith.select %and3A_1431, %sub3A_1433, %broadcast_in_dim3A_1435 : vector<16xi1>, vector<16xi32>
    %add3A_1437 = arith.constant 1120 : i32
    %add3A_1438 = vector.broadcast %add3A_1437 : i32 to vector<16xi32>
    %add3A_1439 = arith.addi %add3A_1438, %iota3A : vector<16xi32>
    tpu.vector_store_idx %arg9[%select_n3A_1436], %add3A_1439 masked %and3A_1431 : memref<128xi32, #tpu.memory_space<vmem>>[vector<16xi32>], vector<16xi32>, vector<16xi1>
    %get3A_1440 = arith.constant 1120 : index
    %get3A_1441 = tpu.vector_load %arg8[%get3A_1440] {strides = array<i32>} : memref<2048xf32, #tpu.memory_space<vmem>>, vector<16xf32>,
    tpu.vector_store_idx %arg10[%select_n3A_1436, %broadcast_in_dim3A_5], %get3A_1441 masked %and3A_1431 : memref<128x1xf32, #tpu.memory_space<vmem>>[vector<16xi32>, vector<16xi32>], vector<16xf32>, vector<16xi1>
    %get3A_1442 = arith.constant 1136 : index
    %get3A_1443 = tpu.vector_load %arg7[%get3A_1442] {strides = array<i32>} : memref<2048xi32, #tpu.memory_space<vmem>>, vector<16xi32>,
    %ge3A_1444 = vector.broadcast %mul3A_2 : i32 to vector<16xi32>
    %ge3A_1445 = arith.cmpi sge, %get3A_1443, %ge3A_1444 : vector<16xi32>
    %add3A_1446 = arith.constant 128 : i32
    %add3A_1447 = arith.addi %mul3A_2, %add3A_1446 : i32
    %lt3A_1448 = vector.broadcast %add3A_1447 : i32 to vector<16xi32>
    %lt3A_1449 = arith.cmpi slt, %get3A_1443, %lt3A_1448 : vector<16xi32>
    %and3A_1450 = arith.andi %ge3A_1445, %lt3A_1449 : vector<16xi1>
    %sub3A_1451 = vector.broadcast %mul3A_2 : i32 to vector<16xi32>
    %sub3A_1452 = arith.subi %get3A_1443, %sub3A_1451 : vector<16xi32>
    %jit3A_1453 = arith.constant 0 : i32
    %broadcast_in_dim3A_1454 = vector.broadcast %jit3A_1453 : i32 to vector<16xi32>
    %select_n3A_1455 = arith.select %and3A_1450, %sub3A_1452, %broadcast_in_dim3A_1454 : vector<16xi1>, vector<16xi32>
    %add3A_1456 = arith.constant 1136 : i32
    %add3A_1457 = vector.broadcast %add3A_1456 : i32 to vector<16xi32>
    %add3A_1458 = arith.addi %add3A_1457, %iota3A : vector<16xi32>
    tpu.vector_store_idx %arg9[%select_n3A_1455], %add3A_1458 masked %and3A_1450 : memref<128xi32, #tpu.memory_space<vmem>>[vector<16xi32>], vector<16xi32>, vector<16xi1>
    %get3A_1459 = arith.constant 1136 : index
    %get3A_1460 = tpu.vector_load %arg8[%get3A_1459] {strides = array<i32>} : memref<2048xf32, #tpu.memory_space<vmem>>, vector<16xf32>,
    tpu.vector_store_idx %arg10[%select_n3A_1455, %broadcast_in_dim3A_5], %get3A_1460 masked %and3A_1450 : memref<128x1xf32, #tpu.memory_space<vmem>>[vector<16xi32>, vector<16xi32>], vector<16xf32>, vector<16xi1>
    %get3A_1461 = arith.constant 1152 : index
    %get3A_1462 = tpu.vector_load %arg7[%get3A_1461] {strides = array<i32>} : memref<2048xi32, #tpu.memory_space<vmem>>, vector<16xi32>,
    %ge3A_1463 = vector.broadcast %mul3A_2 : i32 to vector<16xi32>
    %ge3A_1464 = arith.cmpi sge, %get3A_1462, %ge3A_1463 : vector<16xi32>
    %add3A_1465 = arith.constant 128 : i32
    %add3A_1466 = arith.addi %mul3A_2, %add3A_1465 : i32
    %lt3A_1467 = vector.broadcast %add3A_1466 : i32 to vector<16xi32>
    %lt3A_1468 = arith.cmpi slt, %get3A_1462, %lt3A_1467 : vector<16xi32>
    %and3A_1469 = arith.andi %ge3A_1464, %lt3A_1468 : vector<16xi1>
    %sub3A_1470 = vector.broadcast %mul3A_2 : i32 to vector<16xi32>
    %sub3A_1471 = arith.subi %get3A_1462, %sub3A_1470 : vector<16xi32>
    %jit3A_1472 = arith.constant 0 : i32
    %broadcast_in_dim3A_1473 = vector.broadcast %jit3A_1472 : i32 to vector<16xi32>
    %select_n3A_1474 = arith.select %and3A_1469, %sub3A_1471, %broadcast_in_dim3A_1473 : vector<16xi1>, vector<16xi32>
    %add3A_1475 = arith.constant 1152 : i32
    %add3A_1476 = vector.broadcast %add3A_1475 : i32 to vector<16xi32>
    %add3A_1477 = arith.addi %add3A_1476, %iota3A : vector<16xi32>
    tpu.vector_store_idx %arg9[%select_n3A_1474], %add3A_1477 masked %and3A_1469 : memref<128xi32, #tpu.memory_space<vmem>>[vector<16xi32>], vector<16xi32>, vector<16xi1>
    %get3A_1478 = arith.constant 1152 : index
    %get3A_1479 = tpu.vector_load %arg8[%get3A_1478] {strides = array<i32>} : memref<2048xf32, #tpu.memory_space<vmem>>, vector<16xf32>,
    tpu.vector_store_idx %arg10[%select_n3A_1474, %broadcast_in_dim3A_5], %get3A_1479 masked %and3A_1469 : memref<128x1xf32, #tpu.memory_space<vmem>>[vector<16xi32>, vector<16xi32>], vector<16xf32>, vector<16xi1>
    %get3A_1480 = arith.constant 1168 : index
    %get3A_1481 = tpu.vector_load %arg7[%get3A_1480] {strides = array<i32>} : memref<2048xi32, #tpu.memory_space<vmem>>, vector<16xi32>,
    %ge3A_1482 = vector.broadcast %mul3A_2 : i32 to vector<16xi32>
    %ge3A_1483 = arith.cmpi sge, %get3A_1481, %ge3A_1482 : vector<16xi32>
    %add3A_1484 = arith.constant 128 : i32
    %add3A_1485 = arith.addi %mul3A_2, %add3A_1484 : i32
    %lt3A_1486 = vector.broadcast %add3A_1485 : i32 to vector<16xi32>
    %lt3A_1487 = arith.cmpi slt, %get3A_1481, %lt3A_1486 : vector<16xi32>
    %and3A_1488 = arith.andi %ge3A_1483, %lt3A_1487 : vector<16xi1>
    %sub3A_1489 = vector.broadcast %mul3A_2 : i32 to vector<16xi32>
    %sub3A_1490 = arith.subi %get3A_1481, %sub3A_1489 : vector<16xi32>
    %jit3A_1491 = arith.constant 0 : i32
    %broadcast_in_dim3A_1492 = vector.broadcast %jit3A_1491 : i32 to vector<16xi32>
    %select_n3A_1493 = arith.select %and3A_1488, %sub3A_1490, %broadcast_in_dim3A_1492 : vector<16xi1>, vector<16xi32>
    %add3A_1494 = arith.constant 1168 : i32
    %add3A_1495 = vector.broadcast %add3A_1494 : i32 to vector<16xi32>
    %add3A_1496 = arith.addi %add3A_1495, %iota3A : vector<16xi32>
    tpu.vector_store_idx %arg9[%select_n3A_1493], %add3A_1496 masked %and3A_1488 : memref<128xi32, #tpu.memory_space<vmem>>[vector<16xi32>], vector<16xi32>, vector<16xi1>
    %get3A_1497 = arith.constant 1168 : index
    %get3A_1498 = tpu.vector_load %arg8[%get3A_1497] {strides = array<i32>} : memref<2048xf32, #tpu.memory_space<vmem>>, vector<16xf32>,
    tpu.vector_store_idx %arg10[%select_n3A_1493, %broadcast_in_dim3A_5], %get3A_1498 masked %and3A_1488 : memref<128x1xf32, #tpu.memory_space<vmem>>[vector<16xi32>, vector<16xi32>], vector<16xf32>, vector<16xi1>
    %get3A_1499 = arith.constant 1184 : index
    %get3A_1500 = tpu.vector_load %arg7[%get3A_1499] {strides = array<i32>} : memref<2048xi32, #tpu.memory_space<vmem>>, vector<16xi32>,
    %ge3A_1501 = vector.broadcast %mul3A_2 : i32 to vector<16xi32>
    %ge3A_1502 = arith.cmpi sge, %get3A_1500, %ge3A_1501 : vector<16xi32>
    %add3A_1503 = arith.constant 128 : i32
    %add3A_1504 = arith.addi %mul3A_2, %add3A_1503 : i32
    %lt3A_1505 = vector.broadcast %add3A_1504 : i32 to vector<16xi32>
    %lt3A_1506 = arith.cmpi slt, %get3A_1500, %lt3A_1505 : vector<16xi32>
    %and3A_1507 = arith.andi %ge3A_1502, %lt3A_1506 : vector<16xi1>
    %sub3A_1508 = vector.broadcast %mul3A_2 : i32 to vector<16xi32>
    %sub3A_1509 = arith.subi %get3A_1500, %sub3A_1508 : vector<16xi32>
    %jit3A_1510 = arith.constant 0 : i32
    %broadcast_in_dim3A_1511 = vector.broadcast %jit3A_1510 : i32 to vector<16xi32>
    %select_n3A_1512 = arith.select %and3A_1507, %sub3A_1509, %broadcast_in_dim3A_1511 : vector<16xi1>, vector<16xi32>
    %add3A_1513 = arith.constant 1184 : i32
    %add3A_1514 = vector.broadcast %add3A_1513 : i32 to vector<16xi32>
    %add3A_1515 = arith.addi %add3A_1514, %iota3A : vector<16xi32>
    tpu.vector_store_idx %arg9[%select_n3A_1512], %add3A_1515 masked %and3A_1507 : memref<128xi32, #tpu.memory_space<vmem>>[vector<16xi32>], vector<16xi32>, vector<16xi1>
    %get3A_1516 = arith.constant 1184 : index
    %get3A_1517 = tpu.vector_load %arg8[%get3A_1516] {strides = array<i32>} : memref<2048xf32, #tpu.memory_space<vmem>>, vector<16xf32>,
    tpu.vector_store_idx %arg10[%select_n3A_1512, %broadcast_in_dim3A_5], %get3A_1517 masked %and3A_1507 : memref<128x1xf32, #tpu.memory_space<vmem>>[vector<16xi32>, vector<16xi32>], vector<16xf32>, vector<16xi1>
    %get3A_1518 = arith.constant 1200 : index
    %get3A_1519 = tpu.vector_load %arg7[%get3A_1518] {strides = array<i32>} : memref<2048xi32, #tpu.memory_space<vmem>>, vector<16xi32>,
    %ge3A_1520 = vector.broadcast %mul3A_2 : i32 to vector<16xi32>
    %ge3A_1521 = arith.cmpi sge, %get3A_1519, %ge3A_1520 : vector<16xi32>
    %add3A_1522 = arith.constant 128 : i32
    %add3A_1523 = arith.addi %mul3A_2, %add3A_1522 : i32
    %lt3A_1524 = vector.broadcast %add3A_1523 : i32 to vector<16xi32>
    %lt3A_1525 = arith.cmpi slt, %get3A_1519, %lt3A_1524 : vector<16xi32>
    %and3A_1526 = arith.andi %ge3A_1521, %lt3A_1525 : vector<16xi1>
    %sub3A_1527 = vector.broadcast %mul3A_2 : i32 to vector<16xi32>
    %sub3A_1528 = arith.subi %get3A_1519, %sub3A_1527 : vector<16xi32>
    %jit3A_1529 = arith.constant 0 : i32
    %broadcast_in_dim3A_1530 = vector.broadcast %jit3A_1529 : i32 to vector<16xi32>
    %select_n3A_1531 = arith.select %and3A_1526, %sub3A_1528, %broadcast_in_dim3A_1530 : vector<16xi1>, vector<16xi32>
    %add3A_1532 = arith.constant 1200 : i32
    %add3A_1533 = vector.broadcast %add3A_1532 : i32 to vector<16xi32>
    %add3A_1534 = arith.addi %add3A_1533, %iota3A : vector<16xi32>
    tpu.vector_store_idx %arg9[%select_n3A_1531], %add3A_1534 masked %and3A_1526 : memref<128xi32, #tpu.memory_space<vmem>>[vector<16xi32>], vector<16xi32>, vector<16xi1>
    %get3A_1535 = arith.constant 1200 : index
    %get3A_1536 = tpu.vector_load %arg8[%get3A_1535] {strides = array<i32>} : memref<2048xf32, #tpu.memory_space<vmem>>, vector<16xf32>,
    tpu.vector_store_idx %arg10[%select_n3A_1531, %broadcast_in_dim3A_5], %get3A_1536 masked %and3A_1526 : memref<128x1xf32, #tpu.memory_space<vmem>>[vector<16xi32>, vector<16xi32>], vector<16xf32>, vector<16xi1>
    %get3A_1537 = arith.constant 1216 : index
    %get3A_1538 = tpu.vector_load %arg7[%get3A_1537] {strides = array<i32>} : memref<2048xi32, #tpu.memory_space<vmem>>, vector<16xi32>,
    %ge3A_1539 = vector.broadcast %mul3A_2 : i32 to vector<16xi32>
    %ge3A_1540 = arith.cmpi sge, %get3A_1538, %ge3A_1539 : vector<16xi32>
    %add3A_1541 = arith.constant 128 : i32
    %add3A_1542 = arith.addi %mul3A_2, %add3A_1541 : i32
    %lt3A_1543 = vector.broadcast %add3A_1542 : i32 to vector<16xi32>
    %lt3A_1544 = arith.cmpi slt, %get3A_1538, %lt3A_1543 : vector<16xi32>
    %and3A_1545 = arith.andi %ge3A_1540, %lt3A_1544 : vector<16xi1>
    %sub3A_1546 = vector.broadcast %mul3A_2 : i32 to vector<16xi32>
    %sub3A_1547 = arith.subi %get3A_1538, %sub3A_1546 : vector<16xi32>
    %jit3A_1548 = arith.constant 0 : i32
    %broadcast_in_dim3A_1549 = vector.broadcast %jit3A_1548 : i32 to vector<16xi32>
    %select_n3A_1550 = arith.select %and3A_1545, %sub3A_1547, %broadcast_in_dim3A_1549 : vector<16xi1>, vector<16xi32>
    %add3A_1551 = arith.constant 1216 : i32
    %add3A_1552 = vector.broadcast %add3A_1551 : i32 to vector<16xi32>
    %add3A_1553 = arith.addi %add3A_1552, %iota3A : vector<16xi32>
    tpu.vector_store_idx %arg9[%select_n3A_1550], %add3A_1553 masked %and3A_1545 : memref<128xi32, #tpu.memory_space<vmem>>[vector<16xi32>], vector<16xi32>, vector<16xi1>
    %get3A_1554 = arith.constant 1216 : index
    %get3A_1555 = tpu.vector_load %arg8[%get3A_1554] {strides = array<i32>} : memref<2048xf32, #tpu.memory_space<vmem>>, vector<16xf32>,
    tpu.vector_store_idx %arg10[%select_n3A_1550, %broadcast_in_dim3A_5], %get3A_1555 masked %and3A_1545 : memref<128x1xf32, #tpu.memory_space<vmem>>[vector<16xi32>, vector<16xi32>], vector<16xf32>, vector<16xi1>
    %get3A_1556 = arith.constant 1232 : index
    %get3A_1557 = tpu.vector_load %arg7[%get3A_1556] {strides = array<i32>} : memref<2048xi32, #tpu.memory_space<vmem>>, vector<16xi32>,
    %ge3A_1558 = vector.broadcast %mul3A_2 : i32 to vector<16xi32>
    %ge3A_1559 = arith.cmpi sge, %get3A_1557, %ge3A_1558 : vector<16xi32>
    %add3A_1560 = arith.constant 128 : i32
    %add3A_1561 = arith.addi %mul3A_2, %add3A_1560 : i32
    %lt3A_1562 = vector.broadcast %add3A_1561 : i32 to vector<16xi32>
    %lt3A_1563 = arith.cmpi slt, %get3A_1557, %lt3A_1562 : vector<16xi32>
    %and3A_1564 = arith.andi %ge3A_1559, %lt3A_1563 : vector<16xi1>
    %sub3A_1565 = vector.broadcast %mul3A_2 : i32 to vector<16xi32>
    %sub3A_1566 = arith.subi %get3A_1557, %sub3A_1565 : vector<16xi32>
    %jit3A_1567 = arith.constant 0 : i32
    %broadcast_in_dim3A_1568 = vector.broadcast %jit3A_1567 : i32 to vector<16xi32>
    %select_n3A_1569 = arith.select %and3A_1564, %sub3A_1566, %broadcast_in_dim3A_1568 : vector<16xi1>, vector<16xi32>
    %add3A_1570 = arith.constant 1232 : i32
    %add3A_1571 = vector.broadcast %add3A_1570 : i32 to vector<16xi32>
    %add3A_1572 = arith.addi %add3A_1571, %iota3A : vector<16xi32>
    tpu.vector_store_idx %arg9[%select_n3A_1569], %add3A_1572 masked %and3A_1564 : memref<128xi32, #tpu.memory_space<vmem>>[vector<16xi32>], vector<16xi32>, vector<16xi1>
    %get3A_1573 = arith.constant 1232 : index
    %get3A_1574 = tpu.vector_load %arg8[%get3A_1573] {strides = array<i32>} : memref<2048xf32, #tpu.memory_space<vmem>>, vector<16xf32>,
    tpu.vector_store_idx %arg10[%select_n3A_1569, %broadcast_in_dim3A_5], %get3A_1574 masked %and3A_1564 : memref<128x1xf32, #tpu.memory_space<vmem>>[vector<16xi32>, vector<16xi32>], vector<16xf32>, vector<16xi1>
    %get3A_1575 = arith.constant 1248 : index
    %get3A_1576 = tpu.vector_load %arg7[%get3A_1575] {strides = array<i32>} : memref<2048xi32, #tpu.memory_space<vmem>>, vector<16xi32>,
    %ge3A_1577 = vector.broadcast %mul3A_2 : i32 to vector<16xi32>
    %ge3A_1578 = arith.cmpi sge, %get3A_1576, %ge3A_1577 : vector<16xi32>
    %add3A_1579 = arith.constant 128 : i32
    %add3A_1580 = arith.addi %mul3A_2, %add3A_1579 : i32
    %lt3A_1581 = vector.broadcast %add3A_1580 : i32 to vector<16xi32>
    %lt3A_1582 = arith.cmpi slt, %get3A_1576, %lt3A_1581 : vector<16xi32>
    %and3A_1583 = arith.andi %ge3A_1578, %lt3A_1582 : vector<16xi1>
    %sub3A_1584 = vector.broadcast %mul3A_2 : i32 to vector<16xi32>
    %sub3A_1585 = arith.subi %get3A_1576, %sub3A_1584 : vector<16xi32>
    %jit3A_1586 = arith.constant 0 : i32
    %broadcast_in_dim3A_1587 = vector.broadcast %jit3A_1586 : i32 to vector<16xi32>
    %select_n3A_1588 = arith.select %and3A_1583, %sub3A_1585, %broadcast_in_dim3A_1587 : vector<16xi1>, vector<16xi32>
    %add3A_1589 = arith.constant 1248 : i32
    %add3A_1590 = vector.broadcast %add3A_1589 : i32 to vector<16xi32>
    %add3A_1591 = arith.addi %add3A_1590, %iota3A : vector<16xi32>
    tpu.vector_store_idx %arg9[%select_n3A_1588], %add3A_1591 masked %and3A_1583 : memref<128xi32, #tpu.memory_space<vmem>>[vector<16xi32>], vector<16xi32>, vector<16xi1>
    %get3A_1592 = arith.constant 1248 : index
    %get3A_1593 = tpu.vector_load %arg8[%get3A_1592] {strides = array<i32>} : memref<2048xf32, #tpu.memory_space<vmem>>, vector<16xf32>,
    tpu.vector_store_idx %arg10[%select_n3A_1588, %broadcast_in_dim3A_5], %get3A_1593 masked %and3A_1583 : memref<128x1xf32, #tpu.memory_space<vmem>>[vector<16xi32>, vector<16xi32>], vector<16xf32>, vector<16xi1>
    %get3A_1594 = arith.constant 1264 : index
    %get3A_1595 = tpu.vector_load %arg7[%get3A_1594] {strides = array<i32>} : memref<2048xi32, #tpu.memory_space<vmem>>, vector<16xi32>,
    %ge3A_1596 = vector.broadcast %mul3A_2 : i32 to vector<16xi32>
    %ge3A_1597 = arith.cmpi sge, %get3A_1595, %ge3A_1596 : vector<16xi32>
    %add3A_1598 = arith.constant 128 : i32
    %add3A_1599 = arith.addi %mul3A_2, %add3A_1598 : i32
    %lt3A_1600 = vector.broadcast %add3A_1599 : i32 to vector<16xi32>
    %lt3A_1601 = arith.cmpi slt, %get3A_1595, %lt3A_1600 : vector<16xi32>
    %and3A_1602 = arith.andi %ge3A_1597, %lt3A_1601 : vector<16xi1>
    %sub3A_1603 = vector.broadcast %mul3A_2 : i32 to vector<16xi32>
    %sub3A_1604 = arith.subi %get3A_1595, %sub3A_1603 : vector<16xi32>
    %jit3A_1605 = arith.constant 0 : i32
    %broadcast_in_dim3A_1606 = vector.broadcast %jit3A_1605 : i32 to vector<16xi32>
    %select_n3A_1607 = arith.select %and3A_1602, %sub3A_1604, %broadcast_in_dim3A_1606 : vector<16xi1>, vector<16xi32>
    %add3A_1608 = arith.constant 1264 : i32
    %add3A_1609 = vector.broadcast %add3A_1608 : i32 to vector<16xi32>
    %add3A_1610 = arith.addi %add3A_1609, %iota3A : vector<16xi32>
    tpu.vector_store_idx %arg9[%select_n3A_1607], %add3A_1610 masked %and3A_1602 : memref<128xi32, #tpu.memory_space<vmem>>[vector<16xi32>], vector<16xi32>, vector<16xi1>
    %get3A_1611 = arith.constant 1264 : index
    %get3A_1612 = tpu.vector_load %arg8[%get3A_1611] {strides = array<i32>} : memref<2048xf32, #tpu.memory_space<vmem>>, vector<16xf32>,
    tpu.vector_store_idx %arg10[%select_n3A_1607, %broadcast_in_dim3A_5], %get3A_1612 masked %and3A_1602 : memref<128x1xf32, #tpu.memory_space<vmem>>[vector<16xi32>, vector<16xi32>], vector<16xf32>, vector<16xi1>
    %get3A_1613 = arith.constant 1280 : index
    %get3A_1614 = tpu.vector_load %arg7[%get3A_1613] {strides = array<i32>} : memref<2048xi32, #tpu.memory_space<vmem>>, vector<16xi32>,
    %ge3A_1615 = vector.broadcast %mul3A_2 : i32 to vector<16xi32>
    %ge3A_1616 = arith.cmpi sge, %get3A_1614, %ge3A_1615 : vector<16xi32>
    %add3A_1617 = arith.constant 128 : i32
    %add3A_1618 = arith.addi %mul3A_2, %add3A_1617 : i32
    %lt3A_1619 = vector.broadcast %add3A_1618 : i32 to vector<16xi32>
    %lt3A_1620 = arith.cmpi slt, %get3A_1614, %lt3A_1619 : vector<16xi32>
    %and3A_1621 = arith.andi %ge3A_1616, %lt3A_1620 : vector<16xi1>
    %sub3A_1622 = vector.broadcast %mul3A_2 : i32 to vector<16xi32>
    %sub3A_1623 = arith.subi %get3A_1614, %sub3A_1622 : vector<16xi32>
    %jit3A_1624 = arith.constant 0 : i32
    %broadcast_in_dim3A_1625 = vector.broadcast %jit3A_1624 : i32 to vector<16xi32>
    %select_n3A_1626 = arith.select %and3A_1621, %sub3A_1623, %broadcast_in_dim3A_1625 : vector<16xi1>, vector<16xi32>
    %add3A_1627 = arith.constant 1280 : i32
    %add3A_1628 = vector.broadcast %add3A_1627 : i32 to vector<16xi32>
    %add3A_1629 = arith.addi %add3A_1628, %iota3A : vector<16xi32>
    tpu.vector_store_idx %arg9[%select_n3A_1626], %add3A_1629 masked %and3A_1621 : memref<128xi32, #tpu.memory_space<vmem>>[vector<16xi32>], vector<16xi32>, vector<16xi1>
    %get3A_1630 = arith.constant 1280 : index
    %get3A_1631 = tpu.vector_load %arg8[%get3A_1630] {strides = array<i32>} : memref<2048xf32, #tpu.memory_space<vmem>>, vector<16xf32>,
    tpu.vector_store_idx %arg10[%select_n3A_1626, %broadcast_in_dim3A_5], %get3A_1631 masked %and3A_1621 : memref<128x1xf32, #tpu.memory_space<vmem>>[vector<16xi32>, vector<16xi32>], vector<16xf32>, vector<16xi1>
    %get3A_1632 = arith.constant 1296 : index
    %get3A_1633 = tpu.vector_load %arg7[%get3A_1632] {strides = array<i32>} : memref<2048xi32, #tpu.memory_space<vmem>>, vector<16xi32>,
    %ge3A_1634 = vector.broadcast %mul3A_2 : i32 to vector<16xi32>
    %ge3A_1635 = arith.cmpi sge, %get3A_1633, %ge3A_1634 : vector<16xi32>
    %add3A_1636 = arith.constant 128 : i32
    %add3A_1637 = arith.addi %mul3A_2, %add3A_1636 : i32
    %lt3A_1638 = vector.broadcast %add3A_1637 : i32 to vector<16xi32>
    %lt3A_1639 = arith.cmpi slt, %get3A_1633, %lt3A_1638 : vector<16xi32>
    %and3A_1640 = arith.andi %ge3A_1635, %lt3A_1639 : vector<16xi1>
    %sub3A_1641 = vector.broadcast %mul3A_2 : i32 to vector<16xi32>
    %sub3A_1642 = arith.subi %get3A_1633, %sub3A_1641 : vector<16xi32>
    %jit3A_1643 = arith.constant 0 : i32
    %broadcast_in_dim3A_1644 = vector.broadcast %jit3A_1643 : i32 to vector<16xi32>
    %select_n3A_1645 = arith.select %and3A_1640, %sub3A_1642, %broadcast_in_dim3A_1644 : vector<16xi1>, vector<16xi32>
    %add3A_1646 = arith.constant 1296 : i32
    %add3A_1647 = vector.broadcast %add3A_1646 : i32 to vector<16xi32>
    %add3A_1648 = arith.addi %add3A_1647, %iota3A : vector<16xi32>
    tpu.vector_store_idx %arg9[%select_n3A_1645], %add3A_1648 masked %and3A_1640 : memref<128xi32, #tpu.memory_space<vmem>>[vector<16xi32>], vector<16xi32>, vector<16xi1>
    %get3A_1649 = arith.constant 1296 : index
    %get3A_1650 = tpu.vector_load %arg8[%get3A_1649] {strides = array<i32>} : memref<2048xf32, #tpu.memory_space<vmem>>, vector<16xf32>,
    tpu.vector_store_idx %arg10[%select_n3A_1645, %broadcast_in_dim3A_5], %get3A_1650 masked %and3A_1640 : memref<128x1xf32, #tpu.memory_space<vmem>>[vector<16xi32>, vector<16xi32>], vector<16xf32>, vector<16xi1>
    %get3A_1651 = arith.constant 1312 : index
    %get3A_1652 = tpu.vector_load %arg7[%get3A_1651] {strides = array<i32>} : memref<2048xi32, #tpu.memory_space<vmem>>, vector<16xi32>,
    %ge3A_1653 = vector.broadcast %mul3A_2 : i32 to vector<16xi32>
    %ge3A_1654 = arith.cmpi sge, %get3A_1652, %ge3A_1653 : vector<16xi32>
    %add3A_1655 = arith.constant 128 : i32
    %add3A_1656 = arith.addi %mul3A_2, %add3A_1655 : i32
    %lt3A_1657 = vector.broadcast %add3A_1656 : i32 to vector<16xi32>
    %lt3A_1658 = arith.cmpi slt, %get3A_1652, %lt3A_1657 : vector<16xi32>
    %and3A_1659 = arith.andi %ge3A_1654, %lt3A_1658 : vector<16xi1>
    %sub3A_1660 = vector.broadcast %mul3A_2 : i32 to vector<16xi32>
    %sub3A_1661 = arith.subi %get3A_1652, %sub3A_1660 : vector<16xi32>
    %jit3A_1662 = arith.constant 0 : i32
    %broadcast_in_dim3A_1663 = vector.broadcast %jit3A_1662 : i32 to vector<16xi32>
    %select_n3A_1664 = arith.select %and3A_1659, %sub3A_1661, %broadcast_in_dim3A_1663 : vector<16xi1>, vector<16xi32>
    %add3A_1665 = arith.constant 1312 : i32
    %add3A_1666 = vector.broadcast %add3A_1665 : i32 to vector<16xi32>
    %add3A_1667 = arith.addi %add3A_1666, %iota3A : vector<16xi32>
    tpu.vector_store_idx %arg9[%select_n3A_1664], %add3A_1667 masked %and3A_1659 : memref<128xi32, #tpu.memory_space<vmem>>[vector<16xi32>], vector<16xi32>, vector<16xi1>
    %get3A_1668 = arith.constant 1312 : index
    %get3A_1669 = tpu.vector_load %arg8[%get3A_1668] {strides = array<i32>} : memref<2048xf32, #tpu.memory_space<vmem>>, vector<16xf32>,
    tpu.vector_store_idx %arg10[%select_n3A_1664, %broadcast_in_dim3A_5], %get3A_1669 masked %and3A_1659 : memref<128x1xf32, #tpu.memory_space<vmem>>[vector<16xi32>, vector<16xi32>], vector<16xf32>, vector<16xi1>
    %get3A_1670 = arith.constant 1328 : index
    %get3A_1671 = tpu.vector_load %arg7[%get3A_1670] {strides = array<i32>} : memref<2048xi32, #tpu.memory_space<vmem>>, vector<16xi32>,
    %ge3A_1672 = vector.broadcast %mul3A_2 : i32 to vector<16xi32>
    %ge3A_1673 = arith.cmpi sge, %get3A_1671, %ge3A_1672 : vector<16xi32>
    %add3A_1674 = arith.constant 128 : i32
    %add3A_1675 = arith.addi %mul3A_2, %add3A_1674 : i32
    %lt3A_1676 = vector.broadcast %add3A_1675 : i32 to vector<16xi32>
    %lt3A_1677 = arith.cmpi slt, %get3A_1671, %lt3A_1676 : vector<16xi32>
    %and3A_1678 = arith.andi %ge3A_1673, %lt3A_1677 : vector<16xi1>
    %sub3A_1679 = vector.broadcast %mul3A_2 : i32 to vector<16xi32>
    %sub3A_1680 = arith.subi %get3A_1671, %sub3A_1679 : vector<16xi32>
    %jit3A_1681 = arith.constant 0 : i32
    %broadcast_in_dim3A_1682 = vector.broadcast %jit3A_1681 : i32 to vector<16xi32>
    %select_n3A_1683 = arith.select %and3A_1678, %sub3A_1680, %broadcast_in_dim3A_1682 : vector<16xi1>, vector<16xi32>
    %add3A_1684 = arith.constant 1328 : i32
    %add3A_1685 = vector.broadcast %add3A_1684 : i32 to vector<16xi32>
    %add3A_1686 = arith.addi %add3A_1685, %iota3A : vector<16xi32>
    tpu.vector_store_idx %arg9[%select_n3A_1683], %add3A_1686 masked %and3A_1678 : memref<128xi32, #tpu.memory_space<vmem>>[vector<16xi32>], vector<16xi32>, vector<16xi1>
    %get3A_1687 = arith.constant 1328 : index
    %get3A_1688 = tpu.vector_load %arg8[%get3A_1687] {strides = array<i32>} : memref<2048xf32, #tpu.memory_space<vmem>>, vector<16xf32>,
    tpu.vector_store_idx %arg10[%select_n3A_1683, %broadcast_in_dim3A_5], %get3A_1688 masked %and3A_1678 : memref<128x1xf32, #tpu.memory_space<vmem>>[vector<16xi32>, vector<16xi32>], vector<16xf32>, vector<16xi1>
    %get3A_1689 = arith.constant 1344 : index
    %get3A_1690 = tpu.vector_load %arg7[%get3A_1689] {strides = array<i32>} : memref<2048xi32, #tpu.memory_space<vmem>>, vector<16xi32>,
    %ge3A_1691 = vector.broadcast %mul3A_2 : i32 to vector<16xi32>
    %ge3A_1692 = arith.cmpi sge, %get3A_1690, %ge3A_1691 : vector<16xi32>
    %add3A_1693 = arith.constant 128 : i32
    %add3A_1694 = arith.addi %mul3A_2, %add3A_1693 : i32
    %lt3A_1695 = vector.broadcast %add3A_1694 : i32 to vector<16xi32>
    %lt3A_1696 = arith.cmpi slt, %get3A_1690, %lt3A_1695 : vector<16xi32>
    %and3A_1697 = arith.andi %ge3A_1692, %lt3A_1696 : vector<16xi1>
    %sub3A_1698 = vector.broadcast %mul3A_2 : i32 to vector<16xi32>
    %sub3A_1699 = arith.subi %get3A_1690, %sub3A_1698 : vector<16xi32>
    %jit3A_1700 = arith.constant 0 : i32
    %broadcast_in_dim3A_1701 = vector.broadcast %jit3A_1700 : i32 to vector<16xi32>
    %select_n3A_1702 = arith.select %and3A_1697, %sub3A_1699, %broadcast_in_dim3A_1701 : vector<16xi1>, vector<16xi32>
    %add3A_1703 = arith.constant 1344 : i32
    %add3A_1704 = vector.broadcast %add3A_1703 : i32 to vector<16xi32>
    %add3A_1705 = arith.addi %add3A_1704, %iota3A : vector<16xi32>
    tpu.vector_store_idx %arg9[%select_n3A_1702], %add3A_1705 masked %and3A_1697 : memref<128xi32, #tpu.memory_space<vmem>>[vector<16xi32>], vector<16xi32>, vector<16xi1>
    %get3A_1706 = arith.constant 1344 : index
    %get3A_1707 = tpu.vector_load %arg8[%get3A_1706] {strides = array<i32>} : memref<2048xf32, #tpu.memory_space<vmem>>, vector<16xf32>,
    tpu.vector_store_idx %arg10[%select_n3A_1702, %broadcast_in_dim3A_5], %get3A_1707 masked %and3A_1697 : memref<128x1xf32, #tpu.memory_space<vmem>>[vector<16xi32>, vector<16xi32>], vector<16xf32>, vector<16xi1>
    %get3A_1708 = arith.constant 1360 : index
    %get3A_1709 = tpu.vector_load %arg7[%get3A_1708] {strides = array<i32>} : memref<2048xi32, #tpu.memory_space<vmem>>, vector<16xi32>,
    %ge3A_1710 = vector.broadcast %mul3A_2 : i32 to vector<16xi32>
    %ge3A_1711 = arith.cmpi sge, %get3A_1709, %ge3A_1710 : vector<16xi32>
    %add3A_1712 = arith.constant 128 : i32
    %add3A_1713 = arith.addi %mul3A_2, %add3A_1712 : i32
    %lt3A_1714 = vector.broadcast %add3A_1713 : i32 to vector<16xi32>
    %lt3A_1715 = arith.cmpi slt, %get3A_1709, %lt3A_1714 : vector<16xi32>
    %and3A_1716 = arith.andi %ge3A_1711, %lt3A_1715 : vector<16xi1>
    %sub3A_1717 = vector.broadcast %mul3A_2 : i32 to vector<16xi32>
    %sub3A_1718 = arith.subi %get3A_1709, %sub3A_1717 : vector<16xi32>
    %jit3A_1719 = arith.constant 0 : i32
    %broadcast_in_dim3A_1720 = vector.broadcast %jit3A_1719 : i32 to vector<16xi32>
    %select_n3A_1721 = arith.select %and3A_1716, %sub3A_1718, %broadcast_in_dim3A_1720 : vector<16xi1>, vector<16xi32>
    %add3A_1722 = arith.constant 1360 : i32
    %add3A_1723 = vector.broadcast %add3A_1722 : i32 to vector<16xi32>
    %add3A_1724 = arith.addi %add3A_1723, %iota3A : vector<16xi32>
    tpu.vector_store_idx %arg9[%select_n3A_1721], %add3A_1724 masked %and3A_1716 : memref<128xi32, #tpu.memory_space<vmem>>[vector<16xi32>], vector<16xi32>, vector<16xi1>
    %get3A_1725 = arith.constant 1360 : index
    %get3A_1726 = tpu.vector_load %arg8[%get3A_1725] {strides = array<i32>} : memref<2048xf32, #tpu.memory_space<vmem>>, vector<16xf32>,
    tpu.vector_store_idx %arg10[%select_n3A_1721, %broadcast_in_dim3A_5], %get3A_1726 masked %and3A_1716 : memref<128x1xf32, #tpu.memory_space<vmem>>[vector<16xi32>, vector<16xi32>], vector<16xf32>, vector<16xi1>
    %get3A_1727 = arith.constant 1376 : index
    %get3A_1728 = tpu.vector_load %arg7[%get3A_1727] {strides = array<i32>} : memref<2048xi32, #tpu.memory_space<vmem>>, vector<16xi32>,
    %ge3A_1729 = vector.broadcast %mul3A_2 : i32 to vector<16xi32>
    %ge3A_1730 = arith.cmpi sge, %get3A_1728, %ge3A_1729 : vector<16xi32>
    %add3A_1731 = arith.constant 128 : i32
    %add3A_1732 = arith.addi %mul3A_2, %add3A_1731 : i32
    %lt3A_1733 = vector.broadcast %add3A_1732 : i32 to vector<16xi32>
    %lt3A_1734 = arith.cmpi slt, %get3A_1728, %lt3A_1733 : vector<16xi32>
    %and3A_1735 = arith.andi %ge3A_1730, %lt3A_1734 : vector<16xi1>
    %sub3A_1736 = vector.broadcast %mul3A_2 : i32 to vector<16xi32>
    %sub3A_1737 = arith.subi %get3A_1728, %sub3A_1736 : vector<16xi32>
    %jit3A_1738 = arith.constant 0 : i32
    %broadcast_in_dim3A_1739 = vector.broadcast %jit3A_1738 : i32 to vector<16xi32>
    %select_n3A_1740 = arith.select %and3A_1735, %sub3A_1737, %broadcast_in_dim3A_1739 : vector<16xi1>, vector<16xi32>
    %add3A_1741 = arith.constant 1376 : i32
    %add3A_1742 = vector.broadcast %add3A_1741 : i32 to vector<16xi32>
    %add3A_1743 = arith.addi %add3A_1742, %iota3A : vector<16xi32>
    tpu.vector_store_idx %arg9[%select_n3A_1740], %add3A_1743 masked %and3A_1735 : memref<128xi32, #tpu.memory_space<vmem>>[vector<16xi32>], vector<16xi32>, vector<16xi1>
    %get3A_1744 = arith.constant 1376 : index
    %get3A_1745 = tpu.vector_load %arg8[%get3A_1744] {strides = array<i32>} : memref<2048xf32, #tpu.memory_space<vmem>>, vector<16xf32>,
    tpu.vector_store_idx %arg10[%select_n3A_1740, %broadcast_in_dim3A_5], %get3A_1745 masked %and3A_1735 : memref<128x1xf32, #tpu.memory_space<vmem>>[vector<16xi32>, vector<16xi32>], vector<16xf32>, vector<16xi1>
    %get3A_1746 = arith.constant 1392 : index
    %get3A_1747 = tpu.vector_load %arg7[%get3A_1746] {strides = array<i32>} : memref<2048xi32, #tpu.memory_space<vmem>>, vector<16xi32>,
    %ge3A_1748 = vector.broadcast %mul3A_2 : i32 to vector<16xi32>
    %ge3A_1749 = arith.cmpi sge, %get3A_1747, %ge3A_1748 : vector<16xi32>
    %add3A_1750 = arith.constant 128 : i32
    %add3A_1751 = arith.addi %mul3A_2, %add3A_1750 : i32
    %lt3A_1752 = vector.broadcast %add3A_1751 : i32 to vector<16xi32>
    %lt3A_1753 = arith.cmpi slt, %get3A_1747, %lt3A_1752 : vector<16xi32>
    %and3A_1754 = arith.andi %ge3A_1749, %lt3A_1753 : vector<16xi1>
    %sub3A_1755 = vector.broadcast %mul3A_2 : i32 to vector<16xi32>
    %sub3A_1756 = arith.subi %get3A_1747, %sub3A_1755 : vector<16xi32>
    %jit3A_1757 = arith.constant 0 : i32
    %broadcast_in_dim3A_1758 = vector.broadcast %jit3A_1757 : i32 to vector<16xi32>
    %select_n3A_1759 = arith.select %and3A_1754, %sub3A_1756, %broadcast_in_dim3A_1758 : vector<16xi1>, vector<16xi32>
    %add3A_1760 = arith.constant 1392 : i32
    %add3A_1761 = vector.broadcast %add3A_1760 : i32 to vector<16xi32>
    %add3A_1762 = arith.addi %add3A_1761, %iota3A : vector<16xi32>
    tpu.vector_store_idx %arg9[%select_n3A_1759], %add3A_1762 masked %and3A_1754 : memref<128xi32, #tpu.memory_space<vmem>>[vector<16xi32>], vector<16xi32>, vector<16xi1>
    %get3A_1763 = arith.constant 1392 : index
    %get3A_1764 = tpu.vector_load %arg8[%get3A_1763] {strides = array<i32>} : memref<2048xf32, #tpu.memory_space<vmem>>, vector<16xf32>,
    tpu.vector_store_idx %arg10[%select_n3A_1759, %broadcast_in_dim3A_5], %get3A_1764 masked %and3A_1754 : memref<128x1xf32, #tpu.memory_space<vmem>>[vector<16xi32>, vector<16xi32>], vector<16xf32>, vector<16xi1>
    %get3A_1765 = arith.constant 1408 : index
    %get3A_1766 = tpu.vector_load %arg7[%get3A_1765] {strides = array<i32>} : memref<2048xi32, #tpu.memory_space<vmem>>, vector<16xi32>,
    %ge3A_1767 = vector.broadcast %mul3A_2 : i32 to vector<16xi32>
    %ge3A_1768 = arith.cmpi sge, %get3A_1766, %ge3A_1767 : vector<16xi32>
    %add3A_1769 = arith.constant 128 : i32
    %add3A_1770 = arith.addi %mul3A_2, %add3A_1769 : i32
    %lt3A_1771 = vector.broadcast %add3A_1770 : i32 to vector<16xi32>
    %lt3A_1772 = arith.cmpi slt, %get3A_1766, %lt3A_1771 : vector<16xi32>
    %and3A_1773 = arith.andi %ge3A_1768, %lt3A_1772 : vector<16xi1>
    %sub3A_1774 = vector.broadcast %mul3A_2 : i32 to vector<16xi32>
    %sub3A_1775 = arith.subi %get3A_1766, %sub3A_1774 : vector<16xi32>
    %jit3A_1776 = arith.constant 0 : i32
    %broadcast_in_dim3A_1777 = vector.broadcast %jit3A_1776 : i32 to vector<16xi32>
    %select_n3A_1778 = arith.select %and3A_1773, %sub3A_1775, %broadcast_in_dim3A_1777 : vector<16xi1>, vector<16xi32>
    %add3A_1779 = arith.constant 1408 : i32
    %add3A_1780 = vector.broadcast %add3A_1779 : i32 to vector<16xi32>
    %add3A_1781 = arith.addi %add3A_1780, %iota3A : vector<16xi32>
    tpu.vector_store_idx %arg9[%select_n3A_1778], %add3A_1781 masked %and3A_1773 : memref<128xi32, #tpu.memory_space<vmem>>[vector<16xi32>], vector<16xi32>, vector<16xi1>
    %get3A_1782 = arith.constant 1408 : index
    %get3A_1783 = tpu.vector_load %arg8[%get3A_1782] {strides = array<i32>} : memref<2048xf32, #tpu.memory_space<vmem>>, vector<16xf32>,
    tpu.vector_store_idx %arg10[%select_n3A_1778, %broadcast_in_dim3A_5], %get3A_1783 masked %and3A_1773 : memref<128x1xf32, #tpu.memory_space<vmem>>[vector<16xi32>, vector<16xi32>], vector<16xf32>, vector<16xi1>
    %get3A_1784 = arith.constant 1424 : index
    %get3A_1785 = tpu.vector_load %arg7[%get3A_1784] {strides = array<i32>} : memref<2048xi32, #tpu.memory_space<vmem>>, vector<16xi32>,
    %ge3A_1786 = vector.broadcast %mul3A_2 : i32 to vector<16xi32>
    %ge3A_1787 = arith.cmpi sge, %get3A_1785, %ge3A_1786 : vector<16xi32>
    %add3A_1788 = arith.constant 128 : i32
    %add3A_1789 = arith.addi %mul3A_2, %add3A_1788 : i32
    %lt3A_1790 = vector.broadcast %add3A_1789 : i32 to vector<16xi32>
    %lt3A_1791 = arith.cmpi slt, %get3A_1785, %lt3A_1790 : vector<16xi32>
    %and3A_1792 = arith.andi %ge3A_1787, %lt3A_1791 : vector<16xi1>
    %sub3A_1793 = vector.broadcast %mul3A_2 : i32 to vector<16xi32>
    %sub3A_1794 = arith.subi %get3A_1785, %sub3A_1793 : vector<16xi32>
    %jit3A_1795 = arith.constant 0 : i32
    %broadcast_in_dim3A_1796 = vector.broadcast %jit3A_1795 : i32 to vector<16xi32>
    %select_n3A_1797 = arith.select %and3A_1792, %sub3A_1794, %broadcast_in_dim3A_1796 : vector<16xi1>, vector<16xi32>
    %add3A_1798 = arith.constant 1424 : i32
    %add3A_1799 = vector.broadcast %add3A_1798 : i32 to vector<16xi32>
    %add3A_1800 = arith.addi %add3A_1799, %iota3A : vector<16xi32>
    tpu.vector_store_idx %arg9[%select_n3A_1797], %add3A_1800 masked %and3A_1792 : memref<128xi32, #tpu.memory_space<vmem>>[vector<16xi32>], vector<16xi32>, vector<16xi1>
    %get3A_1801 = arith.constant 1424 : index
    %get3A_1802 = tpu.vector_load %arg8[%get3A_1801] {strides = array<i32>} : memref<2048xf32, #tpu.memory_space<vmem>>, vector<16xf32>,
    tpu.vector_store_idx %arg10[%select_n3A_1797, %broadcast_in_dim3A_5], %get3A_1802 masked %and3A_1792 : memref<128x1xf32, #tpu.memory_space<vmem>>[vector<16xi32>, vector<16xi32>], vector<16xf32>, vector<16xi1>
    %get3A_1803 = arith.constant 1440 : index
    %get3A_1804 = tpu.vector_load %arg7[%get3A_1803] {strides = array<i32>} : memref<2048xi32, #tpu.memory_space<vmem>>, vector<16xi32>,
    %ge3A_1805 = vector.broadcast %mul3A_2 : i32 to vector<16xi32>
    %ge3A_1806 = arith.cmpi sge, %get3A_1804, %ge3A_1805 : vector<16xi32>
    %add3A_1807 = arith.constant 128 : i32
    %add3A_1808 = arith.addi %mul3A_2, %add3A_1807 : i32
    %lt3A_1809 = vector.broadcast %add3A_1808 : i32 to vector<16xi32>
    %lt3A_1810 = arith.cmpi slt, %get3A_1804, %lt3A_1809 : vector<16xi32>
    %and3A_1811 = arith.andi %ge3A_1806, %lt3A_1810 : vector<16xi1>
    %sub3A_1812 = vector.broadcast %mul3A_2 : i32 to vector<16xi32>
    %sub3A_1813 = arith.subi %get3A_1804, %sub3A_1812 : vector<16xi32>
    %jit3A_1814 = arith.constant 0 : i32
    %broadcast_in_dim3A_1815 = vector.broadcast %jit3A_1814 : i32 to vector<16xi32>
    %select_n3A_1816 = arith.select %and3A_1811, %sub3A_1813, %broadcast_in_dim3A_1815 : vector<16xi1>, vector<16xi32>
    %add3A_1817 = arith.constant 1440 : i32
    %add3A_1818 = vector.broadcast %add3A_1817 : i32 to vector<16xi32>
    %add3A_1819 = arith.addi %add3A_1818, %iota3A : vector<16xi32>
    tpu.vector_store_idx %arg9[%select_n3A_1816], %add3A_1819 masked %and3A_1811 : memref<128xi32, #tpu.memory_space<vmem>>[vector<16xi32>], vector<16xi32>, vector<16xi1>
    %get3A_1820 = arith.constant 1440 : index
    %get3A_1821 = tpu.vector_load %arg8[%get3A_1820] {strides = array<i32>} : memref<2048xf32, #tpu.memory_space<vmem>>, vector<16xf32>,
    tpu.vector_store_idx %arg10[%select_n3A_1816, %broadcast_in_dim3A_5], %get3A_1821 masked %and3A_1811 : memref<128x1xf32, #tpu.memory_space<vmem>>[vector<16xi32>, vector<16xi32>], vector<16xf32>, vector<16xi1>
    %get3A_1822 = arith.constant 1456 : index
    %get3A_1823 = tpu.vector_load %arg7[%get3A_1822] {strides = array<i32>} : memref<2048xi32, #tpu.memory_space<vmem>>, vector<16xi32>,
    %ge3A_1824 = vector.broadcast %mul3A_2 : i32 to vector<16xi32>
    %ge3A_1825 = arith.cmpi sge, %get3A_1823, %ge3A_1824 : vector<16xi32>
    %add3A_1826 = arith.constant 128 : i32
    %add3A_1827 = arith.addi %mul3A_2, %add3A_1826 : i32
    %lt3A_1828 = vector.broadcast %add3A_1827 : i32 to vector<16xi32>
    %lt3A_1829 = arith.cmpi slt, %get3A_1823, %lt3A_1828 : vector<16xi32>
    %and3A_1830 = arith.andi %ge3A_1825, %lt3A_1829 : vector<16xi1>
    %sub3A_1831 = vector.broadcast %mul3A_2 : i32 to vector<16xi32>
    %sub3A_1832 = arith.subi %get3A_1823, %sub3A_1831 : vector<16xi32>
    %jit3A_1833 = arith.constant 0 : i32
    %broadcast_in_dim3A_1834 = vector.broadcast %jit3A_1833 : i32 to vector<16xi32>
    %select_n3A_1835 = arith.select %and3A_1830, %sub3A_1832, %broadcast_in_dim3A_1834 : vector<16xi1>, vector<16xi32>
    %add3A_1836 = arith.constant 1456 : i32
    %add3A_1837 = vector.broadcast %add3A_1836 : i32 to vector<16xi32>
    %add3A_1838 = arith.addi %add3A_1837, %iota3A : vector<16xi32>
    tpu.vector_store_idx %arg9[%select_n3A_1835], %add3A_1838 masked %and3A_1830 : memref<128xi32, #tpu.memory_space<vmem>>[vector<16xi32>], vector<16xi32>, vector<16xi1>
    %get3A_1839 = arith.constant 1456 : index
    %get3A_1840 = tpu.vector_load %arg8[%get3A_1839] {strides = array<i32>} : memref<2048xf32, #tpu.memory_space<vmem>>, vector<16xf32>,
    tpu.vector_store_idx %arg10[%select_n3A_1835, %broadcast_in_dim3A_5], %get3A_1840 masked %and3A_1830 : memref<128x1xf32, #tpu.memory_space<vmem>>[vector<16xi32>, vector<16xi32>], vector<16xf32>, vector<16xi1>
    %get3A_1841 = arith.constant 1472 : index
    %get3A_1842 = tpu.vector_load %arg7[%get3A_1841] {strides = array<i32>} : memref<2048xi32, #tpu.memory_space<vmem>>, vector<16xi32>,
    %ge3A_1843 = vector.broadcast %mul3A_2 : i32 to vector<16xi32>
    %ge3A_1844 = arith.cmpi sge, %get3A_1842, %ge3A_1843 : vector<16xi32>
    %add3A_1845 = arith.constant 128 : i32
    %add3A_1846 = arith.addi %mul3A_2, %add3A_1845 : i32
    %lt3A_1847 = vector.broadcast %add3A_1846 : i32 to vector<16xi32>
    %lt3A_1848 = arith.cmpi slt, %get3A_1842, %lt3A_1847 : vector<16xi32>
    %and3A_1849 = arith.andi %ge3A_1844, %lt3A_1848 : vector<16xi1>
    %sub3A_1850 = vector.broadcast %mul3A_2 : i32 to vector<16xi32>
    %sub3A_1851 = arith.subi %get3A_1842, %sub3A_1850 : vector<16xi32>
    %jit3A_1852 = arith.constant 0 : i32
    %broadcast_in_dim3A_1853 = vector.broadcast %jit3A_1852 : i32 to vector<16xi32>
    %select_n3A_1854 = arith.select %and3A_1849, %sub3A_1851, %broadcast_in_dim3A_1853 : vector<16xi1>, vector<16xi32>
    %add3A_1855 = arith.constant 1472 : i32
    %add3A_1856 = vector.broadcast %add3A_1855 : i32 to vector<16xi32>
    %add3A_1857 = arith.addi %add3A_1856, %iota3A : vector<16xi32>
    tpu.vector_store_idx %arg9[%select_n3A_1854], %add3A_1857 masked %and3A_1849 : memref<128xi32, #tpu.memory_space<vmem>>[vector<16xi32>], vector<16xi32>, vector<16xi1>
    %get3A_1858 = arith.constant 1472 : index
    %get3A_1859 = tpu.vector_load %arg8[%get3A_1858] {strides = array<i32>} : memref<2048xf32, #tpu.memory_space<vmem>>, vector<16xf32>,
    tpu.vector_store_idx %arg10[%select_n3A_1854, %broadcast_in_dim3A_5], %get3A_1859 masked %and3A_1849 : memref<128x1xf32, #tpu.memory_space<vmem>>[vector<16xi32>, vector<16xi32>], vector<16xf32>, vector<16xi1>
    %get3A_1860 = arith.constant 1488 : index
    %get3A_1861 = tpu.vector_load %arg7[%get3A_1860] {strides = array<i32>} : memref<2048xi32, #tpu.memory_space<vmem>>, vector<16xi32>,
    %ge3A_1862 = vector.broadcast %mul3A_2 : i32 to vector<16xi32>
    %ge3A_1863 = arith.cmpi sge, %get3A_1861, %ge3A_1862 : vector<16xi32>
    %add3A_1864 = arith.constant 128 : i32
    %add3A_1865 = arith.addi %mul3A_2, %add3A_1864 : i32
    %lt3A_1866 = vector.broadcast %add3A_1865 : i32 to vector<16xi32>
    %lt3A_1867 = arith.cmpi slt, %get3A_1861, %lt3A_1866 : vector<16xi32>
    %and3A_1868 = arith.andi %ge3A_1863, %lt3A_1867 : vector<16xi1>
    %sub3A_1869 = vector.broadcast %mul3A_2 : i32 to vector<16xi32>
    %sub3A_1870 = arith.subi %get3A_1861, %sub3A_1869 : vector<16xi32>
    %jit3A_1871 = arith.constant 0 : i32
    %broadcast_in_dim3A_1872 = vector.broadcast %jit3A_1871 : i32 to vector<16xi32>
    %select_n3A_1873 = arith.select %and3A_1868, %sub3A_1870, %broadcast_in_dim3A_1872 : vector<16xi1>, vector<16xi32>
    %add3A_1874 = arith.constant 1488 : i32
    %add3A_1875 = vector.broadcast %add3A_1874 : i32 to vector<16xi32>
    %add3A_1876 = arith.addi %add3A_1875, %iota3A : vector<16xi32>
    tpu.vector_store_idx %arg9[%select_n3A_1873], %add3A_1876 masked %and3A_1868 : memref<128xi32, #tpu.memory_space<vmem>>[vector<16xi32>], vector<16xi32>, vector<16xi1>
    %get3A_1877 = arith.constant 1488 : index
    %get3A_1878 = tpu.vector_load %arg8[%get3A_1877] {strides = array<i32>} : memref<2048xf32, #tpu.memory_space<vmem>>, vector<16xf32>,
    tpu.vector_store_idx %arg10[%select_n3A_1873, %broadcast_in_dim3A_5], %get3A_1878 masked %and3A_1868 : memref<128x1xf32, #tpu.memory_space<vmem>>[vector<16xi32>, vector<16xi32>], vector<16xf32>, vector<16xi1>
    %get3A_1879 = arith.constant 1504 : index
    %get3A_1880 = tpu.vector_load %arg7[%get3A_1879] {strides = array<i32>} : memref<2048xi32, #tpu.memory_space<vmem>>, vector<16xi32>,
    %ge3A_1881 = vector.broadcast %mul3A_2 : i32 to vector<16xi32>
    %ge3A_1882 = arith.cmpi sge, %get3A_1880, %ge3A_1881 : vector<16xi32>
    %add3A_1883 = arith.constant 128 : i32
    %add3A_1884 = arith.addi %mul3A_2, %add3A_1883 : i32
    %lt3A_1885 = vector.broadcast %add3A_1884 : i32 to vector<16xi32>
    %lt3A_1886 = arith.cmpi slt, %get3A_1880, %lt3A_1885 : vector<16xi32>
    %and3A_1887 = arith.andi %ge3A_1882, %lt3A_1886 : vector<16xi1>
    %sub3A_1888 = vector.broadcast %mul3A_2 : i32 to vector<16xi32>
    %sub3A_1889 = arith.subi %get3A_1880, %sub3A_1888 : vector<16xi32>
    %jit3A_1890 = arith.constant 0 : i32
    %broadcast_in_dim3A_1891 = vector.broadcast %jit3A_1890 : i32 to vector<16xi32>
    %select_n3A_1892 = arith.select %and3A_1887, %sub3A_1889, %broadcast_in_dim3A_1891 : vector<16xi1>, vector<16xi32>
    %add3A_1893 = arith.constant 1504 : i32
    %add3A_1894 = vector.broadcast %add3A_1893 : i32 to vector<16xi32>
    %add3A_1895 = arith.addi %add3A_1894, %iota3A : vector<16xi32>
    tpu.vector_store_idx %arg9[%select_n3A_1892], %add3A_1895 masked %and3A_1887 : memref<128xi32, #tpu.memory_space<vmem>>[vector<16xi32>], vector<16xi32>, vector<16xi1>
    %get3A_1896 = arith.constant 1504 : index
    %get3A_1897 = tpu.vector_load %arg8[%get3A_1896] {strides = array<i32>} : memref<2048xf32, #tpu.memory_space<vmem>>, vector<16xf32>,
    tpu.vector_store_idx %arg10[%select_n3A_1892, %broadcast_in_dim3A_5], %get3A_1897 masked %and3A_1887 : memref<128x1xf32, #tpu.memory_space<vmem>>[vector<16xi32>, vector<16xi32>], vector<16xf32>, vector<16xi1>
    %get3A_1898 = arith.constant 1520 : index
    %get3A_1899 = tpu.vector_load %arg7[%get3A_1898] {strides = array<i32>} : memref<2048xi32, #tpu.memory_space<vmem>>, vector<16xi32>,
    %ge3A_1900 = vector.broadcast %mul3A_2 : i32 to vector<16xi32>
    %ge3A_1901 = arith.cmpi sge, %get3A_1899, %ge3A_1900 : vector<16xi32>
    %add3A_1902 = arith.constant 128 : i32
    %add3A_1903 = arith.addi %mul3A_2, %add3A_1902 : i32
    %lt3A_1904 = vector.broadcast %add3A_1903 : i32 to vector<16xi32>
    %lt3A_1905 = arith.cmpi slt, %get3A_1899, %lt3A_1904 : vector<16xi32>
    %and3A_1906 = arith.andi %ge3A_1901, %lt3A_1905 : vector<16xi1>
    %sub3A_1907 = vector.broadcast %mul3A_2 : i32 to vector<16xi32>
    %sub3A_1908 = arith.subi %get3A_1899, %sub3A_1907 : vector<16xi32>
    %jit3A_1909 = arith.constant 0 : i32
    %broadcast_in_dim3A_1910 = vector.broadcast %jit3A_1909 : i32 to vector<16xi32>
    %select_n3A_1911 = arith.select %and3A_1906, %sub3A_1908, %broadcast_in_dim3A_1910 : vector<16xi1>, vector<16xi32>
    %add3A_1912 = arith.constant 1520 : i32
    %add3A_1913 = vector.broadcast %add3A_1912 : i32 to vector<16xi32>
    %add3A_1914 = arith.addi %add3A_1913, %iota3A : vector<16xi32>
    tpu.vector_store_idx %arg9[%select_n3A_1911], %add3A_1914 masked %and3A_1906 : memref<128xi32, #tpu.memory_space<vmem>>[vector<16xi32>], vector<16xi32>, vector<16xi1>
    %get3A_1915 = arith.constant 1520 : index
    %get3A_1916 = tpu.vector_load %arg8[%get3A_1915] {strides = array<i32>} : memref<2048xf32, #tpu.memory_space<vmem>>, vector<16xf32>,
    tpu.vector_store_idx %arg10[%select_n3A_1911, %broadcast_in_dim3A_5], %get3A_1916 masked %and3A_1906 : memref<128x1xf32, #tpu.memory_space<vmem>>[vector<16xi32>, vector<16xi32>], vector<16xf32>, vector<16xi1>
    %get3A_1917 = arith.constant 1536 : index
    %get3A_1918 = tpu.vector_load %arg7[%get3A_1917] {strides = array<i32>} : memref<2048xi32, #tpu.memory_space<vmem>>, vector<16xi32>,
    %ge3A_1919 = vector.broadcast %mul3A_2 : i32 to vector<16xi32>
    %ge3A_1920 = arith.cmpi sge, %get3A_1918, %ge3A_1919 : vector<16xi32>
    %add3A_1921 = arith.constant 128 : i32
    %add3A_1922 = arith.addi %mul3A_2, %add3A_1921 : i32
    %lt3A_1923 = vector.broadcast %add3A_1922 : i32 to vector<16xi32>
    %lt3A_1924 = arith.cmpi slt, %get3A_1918, %lt3A_1923 : vector<16xi32>
    %and3A_1925 = arith.andi %ge3A_1920, %lt3A_1924 : vector<16xi1>
    %sub3A_1926 = vector.broadcast %mul3A_2 : i32 to vector<16xi32>
    %sub3A_1927 = arith.subi %get3A_1918, %sub3A_1926 : vector<16xi32>
    %jit3A_1928 = arith.constant 0 : i32
    %broadcast_in_dim3A_1929 = vector.broadcast %jit3A_1928 : i32 to vector<16xi32>
    %select_n3A_1930 = arith.select %and3A_1925, %sub3A_1927, %broadcast_in_dim3A_1929 : vector<16xi1>, vector<16xi32>
    %add3A_1931 = arith.constant 1536 : i32
    %add3A_1932 = vector.broadcast %add3A_1931 : i32 to vector<16xi32>
    %add3A_1933 = arith.addi %add3A_1932, %iota3A : vector<16xi32>
    tpu.vector_store_idx %arg9[%select_n3A_1930], %add3A_1933 masked %and3A_1925 : memref<128xi32, #tpu.memory_space<vmem>>[vector<16xi32>], vector<16xi32>, vector<16xi1>
    %get3A_1934 = arith.constant 1536 : index
    %get3A_1935 = tpu.vector_load %arg8[%get3A_1934] {strides = array<i32>} : memref<2048xf32, #tpu.memory_space<vmem>>, vector<16xf32>,
    tpu.vector_store_idx %arg10[%select_n3A_1930, %broadcast_in_dim3A_5], %get3A_1935 masked %and3A_1925 : memref<128x1xf32, #tpu.memory_space<vmem>>[vector<16xi32>, vector<16xi32>], vector<16xf32>, vector<16xi1>
    %get3A_1936 = arith.constant 1552 : index
    %get3A_1937 = tpu.vector_load %arg7[%get3A_1936] {strides = array<i32>} : memref<2048xi32, #tpu.memory_space<vmem>>, vector<16xi32>,
    %ge3A_1938 = vector.broadcast %mul3A_2 : i32 to vector<16xi32>
    %ge3A_1939 = arith.cmpi sge, %get3A_1937, %ge3A_1938 : vector<16xi32>
    %add3A_1940 = arith.constant 128 : i32
    %add3A_1941 = arith.addi %mul3A_2, %add3A_1940 : i32
    %lt3A_1942 = vector.broadcast %add3A_1941 : i32 to vector<16xi32>
    %lt3A_1943 = arith.cmpi slt, %get3A_1937, %lt3A_1942 : vector<16xi32>
    %and3A_1944 = arith.andi %ge3A_1939, %lt3A_1943 : vector<16xi1>
    %sub3A_1945 = vector.broadcast %mul3A_2 : i32 to vector<16xi32>
    %sub3A_1946 = arith.subi %get3A_1937, %sub3A_1945 : vector<16xi32>
    %jit3A_1947 = arith.constant 0 : i32
    %broadcast_in_dim3A_1948 = vector.broadcast %jit3A_1947 : i32 to vector<16xi32>
    %select_n3A_1949 = arith.select %and3A_1944, %sub3A_1946, %broadcast_in_dim3A_1948 : vector<16xi1>, vector<16xi32>
    %add3A_1950 = arith.constant 1552 : i32
    %add3A_1951 = vector.broadcast %add3A_1950 : i32 to vector<16xi32>
    %add3A_1952 = arith.addi %add3A_1951, %iota3A : vector<16xi32>
    tpu.vector_store_idx %arg9[%select_n3A_1949], %add3A_1952 masked %and3A_1944 : memref<128xi32, #tpu.memory_space<vmem>>[vector<16xi32>], vector<16xi32>, vector<16xi1>
    %get3A_1953 = arith.constant 1552 : index
    %get3A_1954 = tpu.vector_load %arg8[%get3A_1953] {strides = array<i32>} : memref<2048xf32, #tpu.memory_space<vmem>>, vector<16xf32>,
    tpu.vector_store_idx %arg10[%select_n3A_1949, %broadcast_in_dim3A_5], %get3A_1954 masked %and3A_1944 : memref<128x1xf32, #tpu.memory_space<vmem>>[vector<16xi32>, vector<16xi32>], vector<16xf32>, vector<16xi1>
    %get3A_1955 = arith.constant 1568 : index
    %get3A_1956 = tpu.vector_load %arg7[%get3A_1955] {strides = array<i32>} : memref<2048xi32, #tpu.memory_space<vmem>>, vector<16xi32>,
    %ge3A_1957 = vector.broadcast %mul3A_2 : i32 to vector<16xi32>
    %ge3A_1958 = arith.cmpi sge, %get3A_1956, %ge3A_1957 : vector<16xi32>
    %add3A_1959 = arith.constant 128 : i32
    %add3A_1960 = arith.addi %mul3A_2, %add3A_1959 : i32
    %lt3A_1961 = vector.broadcast %add3A_1960 : i32 to vector<16xi32>
    %lt3A_1962 = arith.cmpi slt, %get3A_1956, %lt3A_1961 : vector<16xi32>
    %and3A_1963 = arith.andi %ge3A_1958, %lt3A_1962 : vector<16xi1>
    %sub3A_1964 = vector.broadcast %mul3A_2 : i32 to vector<16xi32>
    %sub3A_1965 = arith.subi %get3A_1956, %sub3A_1964 : vector<16xi32>
    %jit3A_1966 = arith.constant 0 : i32
    %broadcast_in_dim3A_1967 = vector.broadcast %jit3A_1966 : i32 to vector<16xi32>
    %select_n3A_1968 = arith.select %and3A_1963, %sub3A_1965, %broadcast_in_dim3A_1967 : vector<16xi1>, vector<16xi32>
    %add3A_1969 = arith.constant 1568 : i32
    %add3A_1970 = vector.broadcast %add3A_1969 : i32 to vector<16xi32>
    %add3A_1971 = arith.addi %add3A_1970, %iota3A : vector<16xi32>
    tpu.vector_store_idx %arg9[%select_n3A_1968], %add3A_1971 masked %and3A_1963 : memref<128xi32, #tpu.memory_space<vmem>>[vector<16xi32>], vector<16xi32>, vector<16xi1>
    %get3A_1972 = arith.constant 1568 : index
    %get3A_1973 = tpu.vector_load %arg8[%get3A_1972] {strides = array<i32>} : memref<2048xf32, #tpu.memory_space<vmem>>, vector<16xf32>,
    tpu.vector_store_idx %arg10[%select_n3A_1968, %broadcast_in_dim3A_5], %get3A_1973 masked %and3A_1963 : memref<128x1xf32, #tpu.memory_space<vmem>>[vector<16xi32>, vector<16xi32>], vector<16xf32>, vector<16xi1>
    %get3A_1974 = arith.constant 1584 : index
    %get3A_1975 = tpu.vector_load %arg7[%get3A_1974] {strides = array<i32>} : memref<2048xi32, #tpu.memory_space<vmem>>, vector<16xi32>,
    %ge3A_1976 = vector.broadcast %mul3A_2 : i32 to vector<16xi32>
    %ge3A_1977 = arith.cmpi sge, %get3A_1975, %ge3A_1976 : vector<16xi32>
    %add3A_1978 = arith.constant 128 : i32
    %add3A_1979 = arith.addi %mul3A_2, %add3A_1978 : i32
    %lt3A_1980 = vector.broadcast %add3A_1979 : i32 to vector<16xi32>
    %lt3A_1981 = arith.cmpi slt, %get3A_1975, %lt3A_1980 : vector<16xi32>
    %and3A_1982 = arith.andi %ge3A_1977, %lt3A_1981 : vector<16xi1>
    %sub3A_1983 = vector.broadcast %mul3A_2 : i32 to vector<16xi32>
    %sub3A_1984 = arith.subi %get3A_1975, %sub3A_1983 : vector<16xi32>
    %jit3A_1985 = arith.constant 0 : i32
    %broadcast_in_dim3A_1986 = vector.broadcast %jit3A_1985 : i32 to vector<16xi32>
    %select_n3A_1987 = arith.select %and3A_1982, %sub3A_1984, %broadcast_in_dim3A_1986 : vector<16xi1>, vector<16xi32>
    %add3A_1988 = arith.constant 1584 : i32
    %add3A_1989 = vector.broadcast %add3A_1988 : i32 to vector<16xi32>
    %add3A_1990 = arith.addi %add3A_1989, %iota3A : vector<16xi32>
    tpu.vector_store_idx %arg9[%select_n3A_1987], %add3A_1990 masked %and3A_1982 : memref<128xi32, #tpu.memory_space<vmem>>[vector<16xi32>], vector<16xi32>, vector<16xi1>
    %get3A_1991 = arith.constant 1584 : index
    %get3A_1992 = tpu.vector_load %arg8[%get3A_1991] {strides = array<i32>} : memref<2048xf32, #tpu.memory_space<vmem>>, vector<16xf32>,
    tpu.vector_store_idx %arg10[%select_n3A_1987, %broadcast_in_dim3A_5], %get3A_1992 masked %and3A_1982 : memref<128x1xf32, #tpu.memory_space<vmem>>[vector<16xi32>, vector<16xi32>], vector<16xf32>, vector<16xi1>
    %get3A_1993 = arith.constant 1600 : index
    %get3A_1994 = tpu.vector_load %arg7[%get3A_1993] {strides = array<i32>} : memref<2048xi32, #tpu.memory_space<vmem>>, vector<16xi32>,
    %ge3A_1995 = vector.broadcast %mul3A_2 : i32 to vector<16xi32>
    %ge3A_1996 = arith.cmpi sge, %get3A_1994, %ge3A_1995 : vector<16xi32>
    %add3A_1997 = arith.constant 128 : i32
    %add3A_1998 = arith.addi %mul3A_2, %add3A_1997 : i32
    %lt3A_1999 = vector.broadcast %add3A_1998 : i32 to vector<16xi32>
    %lt3A_2000 = arith.cmpi slt, %get3A_1994, %lt3A_1999 : vector<16xi32>
    %and3A_2001 = arith.andi %ge3A_1996, %lt3A_2000 : vector<16xi1>
    %sub3A_2002 = vector.broadcast %mul3A_2 : i32 to vector<16xi32>
    %sub3A_2003 = arith.subi %get3A_1994, %sub3A_2002 : vector<16xi32>
    %jit3A_2004 = arith.constant 0 : i32
    %broadcast_in_dim3A_2005 = vector.broadcast %jit3A_2004 : i32 to vector<16xi32>
    %select_n3A_2006 = arith.select %and3A_2001, %sub3A_2003, %broadcast_in_dim3A_2005 : vector<16xi1>, vector<16xi32>
    %add3A_2007 = arith.constant 1600 : i32
    %add3A_2008 = vector.broadcast %add3A_2007 : i32 to vector<16xi32>
    %add3A_2009 = arith.addi %add3A_2008, %iota3A : vector<16xi32>
    tpu.vector_store_idx %arg9[%select_n3A_2006], %add3A_2009 masked %and3A_2001 : memref<128xi32, #tpu.memory_space<vmem>>[vector<16xi32>], vector<16xi32>, vector<16xi1>
    %get3A_2010 = arith.constant 1600 : index
    %get3A_2011 = tpu.vector_load %arg8[%get3A_2010] {strides = array<i32>} : memref<2048xf32, #tpu.memory_space<vmem>>, vector<16xf32>,
    tpu.vector_store_idx %arg10[%select_n3A_2006, %broadcast_in_dim3A_5], %get3A_2011 masked %and3A_2001 : memref<128x1xf32, #tpu.memory_space<vmem>>[vector<16xi32>, vector<16xi32>], vector<16xf32>, vector<16xi1>
    %get3A_2012 = arith.constant 1616 : index
    %get3A_2013 = tpu.vector_load %arg7[%get3A_2012] {strides = array<i32>} : memref<2048xi32, #tpu.memory_space<vmem>>, vector<16xi32>,
    %ge3A_2014 = vector.broadcast %mul3A_2 : i32 to vector<16xi32>
    %ge3A_2015 = arith.cmpi sge, %get3A_2013, %ge3A_2014 : vector<16xi32>
    %add3A_2016 = arith.constant 128 : i32
    %add3A_2017 = arith.addi %mul3A_2, %add3A_2016 : i32
    %lt3A_2018 = vector.broadcast %add3A_2017 : i32 to vector<16xi32>
    %lt3A_2019 = arith.cmpi slt, %get3A_2013, %lt3A_2018 : vector<16xi32>
    %and3A_2020 = arith.andi %ge3A_2015, %lt3A_2019 : vector<16xi1>
    %sub3A_2021 = vector.broadcast %mul3A_2 : i32 to vector<16xi32>
    %sub3A_2022 = arith.subi %get3A_2013, %sub3A_2021 : vector<16xi32>
    %jit3A_2023 = arith.constant 0 : i32
    %broadcast_in_dim3A_2024 = vector.broadcast %jit3A_2023 : i32 to vector<16xi32>
    %select_n3A_2025 = arith.select %and3A_2020, %sub3A_2022, %broadcast_in_dim3A_2024 : vector<16xi1>, vector<16xi32>
    %add3A_2026 = arith.constant 1616 : i32
    %add3A_2027 = vector.broadcast %add3A_2026 : i32 to vector<16xi32>
    %add3A_2028 = arith.addi %add3A_2027, %iota3A : vector<16xi32>
    tpu.vector_store_idx %arg9[%select_n3A_2025], %add3A_2028 masked %and3A_2020 : memref<128xi32, #tpu.memory_space<vmem>>[vector<16xi32>], vector<16xi32>, vector<16xi1>
    %get3A_2029 = arith.constant 1616 : index
    %get3A_2030 = tpu.vector_load %arg8[%get3A_2029] {strides = array<i32>} : memref<2048xf32, #tpu.memory_space<vmem>>, vector<16xf32>,
    tpu.vector_store_idx %arg10[%select_n3A_2025, %broadcast_in_dim3A_5], %get3A_2030 masked %and3A_2020 : memref<128x1xf32, #tpu.memory_space<vmem>>[vector<16xi32>, vector<16xi32>], vector<16xf32>, vector<16xi1>
    %get3A_2031 = arith.constant 1632 : index
    %get3A_2032 = tpu.vector_load %arg7[%get3A_2031] {strides = array<i32>} : memref<2048xi32, #tpu.memory_space<vmem>>, vector<16xi32>,
    %ge3A_2033 = vector.broadcast %mul3A_2 : i32 to vector<16xi32>
    %ge3A_2034 = arith.cmpi sge, %get3A_2032, %ge3A_2033 : vector<16xi32>
    %add3A_2035 = arith.constant 128 : i32
    %add3A_2036 = arith.addi %mul3A_2, %add3A_2035 : i32
    %lt3A_2037 = vector.broadcast %add3A_2036 : i32 to vector<16xi32>
    %lt3A_2038 = arith.cmpi slt, %get3A_2032, %lt3A_2037 : vector<16xi32>
    %and3A_2039 = arith.andi %ge3A_2034, %lt3A_2038 : vector<16xi1>
    %sub3A_2040 = vector.broadcast %mul3A_2 : i32 to vector<16xi32>
    %sub3A_2041 = arith.subi %get3A_2032, %sub3A_2040 : vector<16xi32>
    %jit3A_2042 = arith.constant 0 : i32
    %broadcast_in_dim3A_2043 = vector.broadcast %jit3A_2042 : i32 to vector<16xi32>
    %select_n3A_2044 = arith.select %and3A_2039, %sub3A_2041, %broadcast_in_dim3A_2043 : vector<16xi1>, vector<16xi32>
    %add3A_2045 = arith.constant 1632 : i32
    %add3A_2046 = vector.broadcast %add3A_2045 : i32 to vector<16xi32>
    %add3A_2047 = arith.addi %add3A_2046, %iota3A : vector<16xi32>
    tpu.vector_store_idx %arg9[%select_n3A_2044], %add3A_2047 masked %and3A_2039 : memref<128xi32, #tpu.memory_space<vmem>>[vector<16xi32>], vector<16xi32>, vector<16xi1>
    %get3A_2048 = arith.constant 1632 : index
    %get3A_2049 = tpu.vector_load %arg8[%get3A_2048] {strides = array<i32>} : memref<2048xf32, #tpu.memory_space<vmem>>, vector<16xf32>,
    tpu.vector_store_idx %arg10[%select_n3A_2044, %broadcast_in_dim3A_5], %get3A_2049 masked %and3A_2039 : memref<128x1xf32, #tpu.memory_space<vmem>>[vector<16xi32>, vector<16xi32>], vector<16xf32>, vector<16xi1>
    %get3A_2050 = arith.constant 1648 : index
    %get3A_2051 = tpu.vector_load %arg7[%get3A_2050] {strides = array<i32>} : memref<2048xi32, #tpu.memory_space<vmem>>, vector<16xi32>,
    %ge3A_2052 = vector.broadcast %mul3A_2 : i32 to vector<16xi32>
    %ge3A_2053 = arith.cmpi sge, %get3A_2051, %ge3A_2052 : vector<16xi32>
    %add3A_2054 = arith.constant 128 : i32
    %add3A_2055 = arith.addi %mul3A_2, %add3A_2054 : i32
    %lt3A_2056 = vector.broadcast %add3A_2055 : i32 to vector<16xi32>
    %lt3A_2057 = arith.cmpi slt, %get3A_2051, %lt3A_2056 : vector<16xi32>
    %and3A_2058 = arith.andi %ge3A_2053, %lt3A_2057 : vector<16xi1>
    %sub3A_2059 = vector.broadcast %mul3A_2 : i32 to vector<16xi32>
    %sub3A_2060 = arith.subi %get3A_2051, %sub3A_2059 : vector<16xi32>
    %jit3A_2061 = arith.constant 0 : i32
    %broadcast_in_dim3A_2062 = vector.broadcast %jit3A_2061 : i32 to vector<16xi32>
    %select_n3A_2063 = arith.select %and3A_2058, %sub3A_2060, %broadcast_in_dim3A_2062 : vector<16xi1>, vector<16xi32>
    %add3A_2064 = arith.constant 1648 : i32
    %add3A_2065 = vector.broadcast %add3A_2064 : i32 to vector<16xi32>
    %add3A_2066 = arith.addi %add3A_2065, %iota3A : vector<16xi32>
    tpu.vector_store_idx %arg9[%select_n3A_2063], %add3A_2066 masked %and3A_2058 : memref<128xi32, #tpu.memory_space<vmem>>[vector<16xi32>], vector<16xi32>, vector<16xi1>
    %get3A_2067 = arith.constant 1648 : index
    %get3A_2068 = tpu.vector_load %arg8[%get3A_2067] {strides = array<i32>} : memref<2048xf32, #tpu.memory_space<vmem>>, vector<16xf32>,
    tpu.vector_store_idx %arg10[%select_n3A_2063, %broadcast_in_dim3A_5], %get3A_2068 masked %and3A_2058 : memref<128x1xf32, #tpu.memory_space<vmem>>[vector<16xi32>, vector<16xi32>], vector<16xf32>, vector<16xi1>
    %get3A_2069 = arith.constant 1664 : index
    %get3A_2070 = tpu.vector_load %arg7[%get3A_2069] {strides = array<i32>} : memref<2048xi32, #tpu.memory_space<vmem>>, vector<16xi32>,
    %ge3A_2071 = vector.broadcast %mul3A_2 : i32 to vector<16xi32>
    %ge3A_2072 = arith.cmpi sge, %get3A_2070, %ge3A_2071 : vector<16xi32>
    %add3A_2073 = arith.constant 128 : i32
    %add3A_2074 = arith.addi %mul3A_2, %add3A_2073 : i32
    %lt3A_2075 = vector.broadcast %add3A_2074 : i32 to vector<16xi32>
    %lt3A_2076 = arith.cmpi slt, %get3A_2070, %lt3A_2075 : vector<16xi32>
    %and3A_2077 = arith.andi %ge3A_2072, %lt3A_2076 : vector<16xi1>
    %sub3A_2078 = vector.broadcast %mul3A_2 : i32 to vector<16xi32>
    %sub3A_2079 = arith.subi %get3A_2070, %sub3A_2078 : vector<16xi32>
    %jit3A_2080 = arith.constant 0 : i32
    %broadcast_in_dim3A_2081 = vector.broadcast %jit3A_2080 : i32 to vector<16xi32>
    %select_n3A_2082 = arith.select %and3A_2077, %sub3A_2079, %broadcast_in_dim3A_2081 : vector<16xi1>, vector<16xi32>
    %add3A_2083 = arith.constant 1664 : i32
    %add3A_2084 = vector.broadcast %add3A_2083 : i32 to vector<16xi32>
    %add3A_2085 = arith.addi %add3A_2084, %iota3A : vector<16xi32>
    tpu.vector_store_idx %arg9[%select_n3A_2082], %add3A_2085 masked %and3A_2077 : memref<128xi32, #tpu.memory_space<vmem>>[vector<16xi32>], vector<16xi32>, vector<16xi1>
    %get3A_2086 = arith.constant 1664 : index
    %get3A_2087 = tpu.vector_load %arg8[%get3A_2086] {strides = array<i32>} : memref<2048xf32, #tpu.memory_space<vmem>>, vector<16xf32>,
    tpu.vector_store_idx %arg10[%select_n3A_2082, %broadcast_in_dim3A_5], %get3A_2087 masked %and3A_2077 : memref<128x1xf32, #tpu.memory_space<vmem>>[vector<16xi32>, vector<16xi32>], vector<16xf32>, vector<16xi1>
    %get3A_2088 = arith.constant 1680 : index
    %get3A_2089 = tpu.vector_load %arg7[%get3A_2088] {strides = array<i32>} : memref<2048xi32, #tpu.memory_space<vmem>>, vector<16xi32>,
    %ge3A_2090 = vector.broadcast %mul3A_2 : i32 to vector<16xi32>
    %ge3A_2091 = arith.cmpi sge, %get3A_2089, %ge3A_2090 : vector<16xi32>
    %add3A_2092 = arith.constant 128 : i32
    %add3A_2093 = arith.addi %mul3A_2, %add3A_2092 : i32
    %lt3A_2094 = vector.broadcast %add3A_2093 : i32 to vector<16xi32>
    %lt3A_2095 = arith.cmpi slt, %get3A_2089, %lt3A_2094 : vector<16xi32>
    %and3A_2096 = arith.andi %ge3A_2091, %lt3A_2095 : vector<16xi1>
    %sub3A_2097 = vector.broadcast %mul3A_2 : i32 to vector<16xi32>
    %sub3A_2098 = arith.subi %get3A_2089, %sub3A_2097 : vector<16xi32>
    %jit3A_2099 = arith.constant 0 : i32
    %broadcast_in_dim3A_2100 = vector.broadcast %jit3A_2099 : i32 to vector<16xi32>
    %select_n3A_2101 = arith.select %and3A_2096, %sub3A_2098, %broadcast_in_dim3A_2100 : vector<16xi1>, vector<16xi32>
    %add3A_2102 = arith.constant 1680 : i32
    %add3A_2103 = vector.broadcast %add3A_2102 : i32 to vector<16xi32>
    %add3A_2104 = arith.addi %add3A_2103, %iota3A : vector<16xi32>
    tpu.vector_store_idx %arg9[%select_n3A_2101], %add3A_2104 masked %and3A_2096 : memref<128xi32, #tpu.memory_space<vmem>>[vector<16xi32>], vector<16xi32>, vector<16xi1>
    %get3A_2105 = arith.constant 1680 : index
    %get3A_2106 = tpu.vector_load %arg8[%get3A_2105] {strides = array<i32>} : memref<2048xf32, #tpu.memory_space<vmem>>, vector<16xf32>,
    tpu.vector_store_idx %arg10[%select_n3A_2101, %broadcast_in_dim3A_5], %get3A_2106 masked %and3A_2096 : memref<128x1xf32, #tpu.memory_space<vmem>>[vector<16xi32>, vector<16xi32>], vector<16xf32>, vector<16xi1>
    %get3A_2107 = arith.constant 1696 : index
    %get3A_2108 = tpu.vector_load %arg7[%get3A_2107] {strides = array<i32>} : memref<2048xi32, #tpu.memory_space<vmem>>, vector<16xi32>,
    %ge3A_2109 = vector.broadcast %mul3A_2 : i32 to vector<16xi32>
    %ge3A_2110 = arith.cmpi sge, %get3A_2108, %ge3A_2109 : vector<16xi32>
    %add3A_2111 = arith.constant 128 : i32
    %add3A_2112 = arith.addi %mul3A_2, %add3A_2111 : i32
    %lt3A_2113 = vector.broadcast %add3A_2112 : i32 to vector<16xi32>
    %lt3A_2114 = arith.cmpi slt, %get3A_2108, %lt3A_2113 : vector<16xi32>
    %and3A_2115 = arith.andi %ge3A_2110, %lt3A_2114 : vector<16xi1>
    %sub3A_2116 = vector.broadcast %mul3A_2 : i32 to vector<16xi32>
    %sub3A_2117 = arith.subi %get3A_2108, %sub3A_2116 : vector<16xi32>
    %jit3A_2118 = arith.constant 0 : i32
    %broadcast_in_dim3A_2119 = vector.broadcast %jit3A_2118 : i32 to vector<16xi32>
    %select_n3A_2120 = arith.select %and3A_2115, %sub3A_2117, %broadcast_in_dim3A_2119 : vector<16xi1>, vector<16xi32>
    %add3A_2121 = arith.constant 1696 : i32
    %add3A_2122 = vector.broadcast %add3A_2121 : i32 to vector<16xi32>
    %add3A_2123 = arith.addi %add3A_2122, %iota3A : vector<16xi32>
    tpu.vector_store_idx %arg9[%select_n3A_2120], %add3A_2123 masked %and3A_2115 : memref<128xi32, #tpu.memory_space<vmem>>[vector<16xi32>], vector<16xi32>, vector<16xi1>
    %get3A_2124 = arith.constant 1696 : index
    %get3A_2125 = tpu.vector_load %arg8[%get3A_2124] {strides = array<i32>} : memref<2048xf32, #tpu.memory_space<vmem>>, vector<16xf32>,
    tpu.vector_store_idx %arg10[%select_n3A_2120, %broadcast_in_dim3A_5], %get3A_2125 masked %and3A_2115 : memref<128x1xf32, #tpu.memory_space<vmem>>[vector<16xi32>, vector<16xi32>], vector<16xf32>, vector<16xi1>
    %get3A_2126 = arith.constant 1712 : index
    %get3A_2127 = tpu.vector_load %arg7[%get3A_2126] {strides = array<i32>} : memref<2048xi32, #tpu.memory_space<vmem>>, vector<16xi32>,
    %ge3A_2128 = vector.broadcast %mul3A_2 : i32 to vector<16xi32>
    %ge3A_2129 = arith.cmpi sge, %get3A_2127, %ge3A_2128 : vector<16xi32>
    %add3A_2130 = arith.constant 128 : i32
    %add3A_2131 = arith.addi %mul3A_2, %add3A_2130 : i32
    %lt3A_2132 = vector.broadcast %add3A_2131 : i32 to vector<16xi32>
    %lt3A_2133 = arith.cmpi slt, %get3A_2127, %lt3A_2132 : vector<16xi32>
    %and3A_2134 = arith.andi %ge3A_2129, %lt3A_2133 : vector<16xi1>
    %sub3A_2135 = vector.broadcast %mul3A_2 : i32 to vector<16xi32>
    %sub3A_2136 = arith.subi %get3A_2127, %sub3A_2135 : vector<16xi32>
    %jit3A_2137 = arith.constant 0 : i32
    %broadcast_in_dim3A_2138 = vector.broadcast %jit3A_2137 : i32 to vector<16xi32>
    %select_n3A_2139 = arith.select %and3A_2134, %sub3A_2136, %broadcast_in_dim3A_2138 : vector<16xi1>, vector<16xi32>
    %add3A_2140 = arith.constant 1712 : i32
    %add3A_2141 = vector.broadcast %add3A_2140 : i32 to vector<16xi32>
    %add3A_2142 = arith.addi %add3A_2141, %iota3A : vector<16xi32>
    tpu.vector_store_idx %arg9[%select_n3A_2139], %add3A_2142 masked %and3A_2134 : memref<128xi32, #tpu.memory_space<vmem>>[vector<16xi32>], vector<16xi32>, vector<16xi1>
    %get3A_2143 = arith.constant 1712 : index
    %get3A_2144 = tpu.vector_load %arg8[%get3A_2143] {strides = array<i32>} : memref<2048xf32, #tpu.memory_space<vmem>>, vector<16xf32>,
    tpu.vector_store_idx %arg10[%select_n3A_2139, %broadcast_in_dim3A_5], %get3A_2144 masked %and3A_2134 : memref<128x1xf32, #tpu.memory_space<vmem>>[vector<16xi32>, vector<16xi32>], vector<16xf32>, vector<16xi1>
    %get3A_2145 = arith.constant 1728 : index
    %get3A_2146 = tpu.vector_load %arg7[%get3A_2145] {strides = array<i32>} : memref<2048xi32, #tpu.memory_space<vmem>>, vector<16xi32>,
    %ge3A_2147 = vector.broadcast %mul3A_2 : i32 to vector<16xi32>
    %ge3A_2148 = arith.cmpi sge, %get3A_2146, %ge3A_2147 : vector<16xi32>
    %add3A_2149 = arith.constant 128 : i32
    %add3A_2150 = arith.addi %mul3A_2, %add3A_2149 : i32
    %lt3A_2151 = vector.broadcast %add3A_2150 : i32 to vector<16xi32>
    %lt3A_2152 = arith.cmpi slt, %get3A_2146, %lt3A_2151 : vector<16xi32>
    %and3A_2153 = arith.andi %ge3A_2148, %lt3A_2152 : vector<16xi1>
    %sub3A_2154 = vector.broadcast %mul3A_2 : i32 to vector<16xi32>
    %sub3A_2155 = arith.subi %get3A_2146, %sub3A_2154 : vector<16xi32>
    %jit3A_2156 = arith.constant 0 : i32
    %broadcast_in_dim3A_2157 = vector.broadcast %jit3A_2156 : i32 to vector<16xi32>
    %select_n3A_2158 = arith.select %and3A_2153, %sub3A_2155, %broadcast_in_dim3A_2157 : vector<16xi1>, vector<16xi32>
    %add3A_2159 = arith.constant 1728 : i32
    %add3A_2160 = vector.broadcast %add3A_2159 : i32 to vector<16xi32>
    %add3A_2161 = arith.addi %add3A_2160, %iota3A : vector<16xi32>
    tpu.vector_store_idx %arg9[%select_n3A_2158], %add3A_2161 masked %and3A_2153 : memref<128xi32, #tpu.memory_space<vmem>>[vector<16xi32>], vector<16xi32>, vector<16xi1>
    %get3A_2162 = arith.constant 1728 : index
    %get3A_2163 = tpu.vector_load %arg8[%get3A_2162] {strides = array<i32>} : memref<2048xf32, #tpu.memory_space<vmem>>, vector<16xf32>,
    tpu.vector_store_idx %arg10[%select_n3A_2158, %broadcast_in_dim3A_5], %get3A_2163 masked %and3A_2153 : memref<128x1xf32, #tpu.memory_space<vmem>>[vector<16xi32>, vector<16xi32>], vector<16xf32>, vector<16xi1>
    %get3A_2164 = arith.constant 1744 : index
    %get3A_2165 = tpu.vector_load %arg7[%get3A_2164] {strides = array<i32>} : memref<2048xi32, #tpu.memory_space<vmem>>, vector<16xi32>,
    %ge3A_2166 = vector.broadcast %mul3A_2 : i32 to vector<16xi32>
    %ge3A_2167 = arith.cmpi sge, %get3A_2165, %ge3A_2166 : vector<16xi32>
    %add3A_2168 = arith.constant 128 : i32
    %add3A_2169 = arith.addi %mul3A_2, %add3A_2168 : i32
    %lt3A_2170 = vector.broadcast %add3A_2169 : i32 to vector<16xi32>
    %lt3A_2171 = arith.cmpi slt, %get3A_2165, %lt3A_2170 : vector<16xi32>
    %and3A_2172 = arith.andi %ge3A_2167, %lt3A_2171 : vector<16xi1>
    %sub3A_2173 = vector.broadcast %mul3A_2 : i32 to vector<16xi32>
    %sub3A_2174 = arith.subi %get3A_2165, %sub3A_2173 : vector<16xi32>
    %jit3A_2175 = arith.constant 0 : i32
    %broadcast_in_dim3A_2176 = vector.broadcast %jit3A_2175 : i32 to vector<16xi32>
    %select_n3A_2177 = arith.select %and3A_2172, %sub3A_2174, %broadcast_in_dim3A_2176 : vector<16xi1>, vector<16xi32>
    %add3A_2178 = arith.constant 1744 : i32
    %add3A_2179 = vector.broadcast %add3A_2178 : i32 to vector<16xi32>
    %add3A_2180 = arith.addi %add3A_2179, %iota3A : vector<16xi32>
    tpu.vector_store_idx %arg9[%select_n3A_2177], %add3A_2180 masked %and3A_2172 : memref<128xi32, #tpu.memory_space<vmem>>[vector<16xi32>], vector<16xi32>, vector<16xi1>
    %get3A_2181 = arith.constant 1744 : index
    %get3A_2182 = tpu.vector_load %arg8[%get3A_2181] {strides = array<i32>} : memref<2048xf32, #tpu.memory_space<vmem>>, vector<16xf32>,
    tpu.vector_store_idx %arg10[%select_n3A_2177, %broadcast_in_dim3A_5], %get3A_2182 masked %and3A_2172 : memref<128x1xf32, #tpu.memory_space<vmem>>[vector<16xi32>, vector<16xi32>], vector<16xf32>, vector<16xi1>
    %get3A_2183 = arith.constant 1760 : index
    %get3A_2184 = tpu.vector_load %arg7[%get3A_2183] {strides = array<i32>} : memref<2048xi32, #tpu.memory_space<vmem>>, vector<16xi32>,
    %ge3A_2185 = vector.broadcast %mul3A_2 : i32 to vector<16xi32>
    %ge3A_2186 = arith.cmpi sge, %get3A_2184, %ge3A_2185 : vector<16xi32>
    %add3A_2187 = arith.constant 128 : i32
    %add3A_2188 = arith.addi %mul3A_2, %add3A_2187 : i32
    %lt3A_2189 = vector.broadcast %add3A_2188 : i32 to vector<16xi32>
    %lt3A_2190 = arith.cmpi slt, %get3A_2184, %lt3A_2189 : vector<16xi32>
    %and3A_2191 = arith.andi %ge3A_2186, %lt3A_2190 : vector<16xi1>
    %sub3A_2192 = vector.broadcast %mul3A_2 : i32 to vector<16xi32>
    %sub3A_2193 = arith.subi %get3A_2184, %sub3A_2192 : vector<16xi32>
    %jit3A_2194 = arith.constant 0 : i32
    %broadcast_in_dim3A_2195 = vector.broadcast %jit3A_2194 : i32 to vector<16xi32>
    %select_n3A_2196 = arith.select %and3A_2191, %sub3A_2193, %broadcast_in_dim3A_2195 : vector<16xi1>, vector<16xi32>
    %add3A_2197 = arith.constant 1760 : i32
    %add3A_2198 = vector.broadcast %add3A_2197 : i32 to vector<16xi32>
    %add3A_2199 = arith.addi %add3A_2198, %iota3A : vector<16xi32>
    tpu.vector_store_idx %arg9[%select_n3A_2196], %add3A_2199 masked %and3A_2191 : memref<128xi32, #tpu.memory_space<vmem>>[vector<16xi32>], vector<16xi32>, vector<16xi1>
    %get3A_2200 = arith.constant 1760 : index
    %get3A_2201 = tpu.vector_load %arg8[%get3A_2200] {strides = array<i32>} : memref<2048xf32, #tpu.memory_space<vmem>>, vector<16xf32>,
    tpu.vector_store_idx %arg10[%select_n3A_2196, %broadcast_in_dim3A_5], %get3A_2201 masked %and3A_2191 : memref<128x1xf32, #tpu.memory_space<vmem>>[vector<16xi32>, vector<16xi32>], vector<16xf32>, vector<16xi1>
    %get3A_2202 = arith.constant 1776 : index
    %get3A_2203 = tpu.vector_load %arg7[%get3A_2202] {strides = array<i32>} : memref<2048xi32, #tpu.memory_space<vmem>>, vector<16xi32>,
    %ge3A_2204 = vector.broadcast %mul3A_2 : i32 to vector<16xi32>
    %ge3A_2205 = arith.cmpi sge, %get3A_2203, %ge3A_2204 : vector<16xi32>
    %add3A_2206 = arith.constant 128 : i32
    %add3A_2207 = arith.addi %mul3A_2, %add3A_2206 : i32
    %lt3A_2208 = vector.broadcast %add3A_2207 : i32 to vector<16xi32>
    %lt3A_2209 = arith.cmpi slt, %get3A_2203, %lt3A_2208 : vector<16xi32>
    %and3A_2210 = arith.andi %ge3A_2205, %lt3A_2209 : vector<16xi1>
    %sub3A_2211 = vector.broadcast %mul3A_2 : i32 to vector<16xi32>
    %sub3A_2212 = arith.subi %get3A_2203, %sub3A_2211 : vector<16xi32>
    %jit3A_2213 = arith.constant 0 : i32
    %broadcast_in_dim3A_2214 = vector.broadcast %jit3A_2213 : i32 to vector<16xi32>
    %select_n3A_2215 = arith.select %and3A_2210, %sub3A_2212, %broadcast_in_dim3A_2214 : vector<16xi1>, vector<16xi32>
    %add3A_2216 = arith.constant 1776 : i32
    %add3A_2217 = vector.broadcast %add3A_2216 : i32 to vector<16xi32>
    %add3A_2218 = arith.addi %add3A_2217, %iota3A : vector<16xi32>
    tpu.vector_store_idx %arg9[%select_n3A_2215], %add3A_2218 masked %and3A_2210 : memref<128xi32, #tpu.memory_space<vmem>>[vector<16xi32>], vector<16xi32>, vector<16xi1>
    %get3A_2219 = arith.constant 1776 : index
    %get3A_2220 = tpu.vector_load %arg8[%get3A_2219] {strides = array<i32>} : memref<2048xf32, #tpu.memory_space<vmem>>, vector<16xf32>,
    tpu.vector_store_idx %arg10[%select_n3A_2215, %broadcast_in_dim3A_5], %get3A_2220 masked %and3A_2210 : memref<128x1xf32, #tpu.memory_space<vmem>>[vector<16xi32>, vector<16xi32>], vector<16xf32>, vector<16xi1>
    %get3A_2221 = arith.constant 1792 : index
    %get3A_2222 = tpu.vector_load %arg7[%get3A_2221] {strides = array<i32>} : memref<2048xi32, #tpu.memory_space<vmem>>, vector<16xi32>,
    %ge3A_2223 = vector.broadcast %mul3A_2 : i32 to vector<16xi32>
    %ge3A_2224 = arith.cmpi sge, %get3A_2222, %ge3A_2223 : vector<16xi32>
    %add3A_2225 = arith.constant 128 : i32
    %add3A_2226 = arith.addi %mul3A_2, %add3A_2225 : i32
    %lt3A_2227 = vector.broadcast %add3A_2226 : i32 to vector<16xi32>
    %lt3A_2228 = arith.cmpi slt, %get3A_2222, %lt3A_2227 : vector<16xi32>
    %and3A_2229 = arith.andi %ge3A_2224, %lt3A_2228 : vector<16xi1>
    %sub3A_2230 = vector.broadcast %mul3A_2 : i32 to vector<16xi32>
    %sub3A_2231 = arith.subi %get3A_2222, %sub3A_2230 : vector<16xi32>
    %jit3A_2232 = arith.constant 0 : i32
    %broadcast_in_dim3A_2233 = vector.broadcast %jit3A_2232 : i32 to vector<16xi32>
    %select_n3A_2234 = arith.select %and3A_2229, %sub3A_2231, %broadcast_in_dim3A_2233 : vector<16xi1>, vector<16xi32>
    %add3A_2235 = arith.constant 1792 : i32
    %add3A_2236 = vector.broadcast %add3A_2235 : i32 to vector<16xi32>
    %add3A_2237 = arith.addi %add3A_2236, %iota3A : vector<16xi32>
    tpu.vector_store_idx %arg9[%select_n3A_2234], %add3A_2237 masked %and3A_2229 : memref<128xi32, #tpu.memory_space<vmem>>[vector<16xi32>], vector<16xi32>, vector<16xi1>
    %get3A_2238 = arith.constant 1792 : index
    %get3A_2239 = tpu.vector_load %arg8[%get3A_2238] {strides = array<i32>} : memref<2048xf32, #tpu.memory_space<vmem>>, vector<16xf32>,
    tpu.vector_store_idx %arg10[%select_n3A_2234, %broadcast_in_dim3A_5], %get3A_2239 masked %and3A_2229 : memref<128x1xf32, #tpu.memory_space<vmem>>[vector<16xi32>, vector<16xi32>], vector<16xf32>, vector<16xi1>
    %get3A_2240 = arith.constant 1808 : index
    %get3A_2241 = tpu.vector_load %arg7[%get3A_2240] {strides = array<i32>} : memref<2048xi32, #tpu.memory_space<vmem>>, vector<16xi32>,
    %ge3A_2242 = vector.broadcast %mul3A_2 : i32 to vector<16xi32>
    %ge3A_2243 = arith.cmpi sge, %get3A_2241, %ge3A_2242 : vector<16xi32>
    %add3A_2244 = arith.constant 128 : i32
    %add3A_2245 = arith.addi %mul3A_2, %add3A_2244 : i32
    %lt3A_2246 = vector.broadcast %add3A_2245 : i32 to vector<16xi32>
    %lt3A_2247 = arith.cmpi slt, %get3A_2241, %lt3A_2246 : vector<16xi32>
    %and3A_2248 = arith.andi %ge3A_2243, %lt3A_2247 : vector<16xi1>
    %sub3A_2249 = vector.broadcast %mul3A_2 : i32 to vector<16xi32>
    %sub3A_2250 = arith.subi %get3A_2241, %sub3A_2249 : vector<16xi32>
    %jit3A_2251 = arith.constant 0 : i32
    %broadcast_in_dim3A_2252 = vector.broadcast %jit3A_2251 : i32 to vector<16xi32>
    %select_n3A_2253 = arith.select %and3A_2248, %sub3A_2250, %broadcast_in_dim3A_2252 : vector<16xi1>, vector<16xi32>
    %add3A_2254 = arith.constant 1808 : i32
    %add3A_2255 = vector.broadcast %add3A_2254 : i32 to vector<16xi32>
    %add3A_2256 = arith.addi %add3A_2255, %iota3A : vector<16xi32>
    tpu.vector_store_idx %arg9[%select_n3A_2253], %add3A_2256 masked %and3A_2248 : memref<128xi32, #tpu.memory_space<vmem>>[vector<16xi32>], vector<16xi32>, vector<16xi1>
    %get3A_2257 = arith.constant 1808 : index
    %get3A_2258 = tpu.vector_load %arg8[%get3A_2257] {strides = array<i32>} : memref<2048xf32, #tpu.memory_space<vmem>>, vector<16xf32>,
    tpu.vector_store_idx %arg10[%select_n3A_2253, %broadcast_in_dim3A_5], %get3A_2258 masked %and3A_2248 : memref<128x1xf32, #tpu.memory_space<vmem>>[vector<16xi32>, vector<16xi32>], vector<16xf32>, vector<16xi1>
    %get3A_2259 = arith.constant 1824 : index
    %get3A_2260 = tpu.vector_load %arg7[%get3A_2259] {strides = array<i32>} : memref<2048xi32, #tpu.memory_space<vmem>>, vector<16xi32>,
    %ge3A_2261 = vector.broadcast %mul3A_2 : i32 to vector<16xi32>
    %ge3A_2262 = arith.cmpi sge, %get3A_2260, %ge3A_2261 : vector<16xi32>
    %add3A_2263 = arith.constant 128 : i32
    %add3A_2264 = arith.addi %mul3A_2, %add3A_2263 : i32
    %lt3A_2265 = vector.broadcast %add3A_2264 : i32 to vector<16xi32>
    %lt3A_2266 = arith.cmpi slt, %get3A_2260, %lt3A_2265 : vector<16xi32>
    %and3A_2267 = arith.andi %ge3A_2262, %lt3A_2266 : vector<16xi1>
    %sub3A_2268 = vector.broadcast %mul3A_2 : i32 to vector<16xi32>
    %sub3A_2269 = arith.subi %get3A_2260, %sub3A_2268 : vector<16xi32>
    %jit3A_2270 = arith.constant 0 : i32
    %broadcast_in_dim3A_2271 = vector.broadcast %jit3A_2270 : i32 to vector<16xi32>
    %select_n3A_2272 = arith.select %and3A_2267, %sub3A_2269, %broadcast_in_dim3A_2271 : vector<16xi1>, vector<16xi32>
    %add3A_2273 = arith.constant 1824 : i32
    %add3A_2274 = vector.broadcast %add3A_2273 : i32 to vector<16xi32>
    %add3A_2275 = arith.addi %add3A_2274, %iota3A : vector<16xi32>
    tpu.vector_store_idx %arg9[%select_n3A_2272], %add3A_2275 masked %and3A_2267 : memref<128xi32, #tpu.memory_space<vmem>>[vector<16xi32>], vector<16xi32>, vector<16xi1>
    %get3A_2276 = arith.constant 1824 : index
    %get3A_2277 = tpu.vector_load %arg8[%get3A_2276] {strides = array<i32>} : memref<2048xf32, #tpu.memory_space<vmem>>, vector<16xf32>,
    tpu.vector_store_idx %arg10[%select_n3A_2272, %broadcast_in_dim3A_5], %get3A_2277 masked %and3A_2267 : memref<128x1xf32, #tpu.memory_space<vmem>>[vector<16xi32>, vector<16xi32>], vector<16xf32>, vector<16xi1>
    %get3A_2278 = arith.constant 1840 : index
    %get3A_2279 = tpu.vector_load %arg7[%get3A_2278] {strides = array<i32>} : memref<2048xi32, #tpu.memory_space<vmem>>, vector<16xi32>,
    %ge3A_2280 = vector.broadcast %mul3A_2 : i32 to vector<16xi32>
    %ge3A_2281 = arith.cmpi sge, %get3A_2279, %ge3A_2280 : vector<16xi32>
    %add3A_2282 = arith.constant 128 : i32
    %add3A_2283 = arith.addi %mul3A_2, %add3A_2282 : i32
    %lt3A_2284 = vector.broadcast %add3A_2283 : i32 to vector<16xi32>
    %lt3A_2285 = arith.cmpi slt, %get3A_2279, %lt3A_2284 : vector<16xi32>
    %and3A_2286 = arith.andi %ge3A_2281, %lt3A_2285 : vector<16xi1>
    %sub3A_2287 = vector.broadcast %mul3A_2 : i32 to vector<16xi32>
    %sub3A_2288 = arith.subi %get3A_2279, %sub3A_2287 : vector<16xi32>
    %jit3A_2289 = arith.constant 0 : i32
    %broadcast_in_dim3A_2290 = vector.broadcast %jit3A_2289 : i32 to vector<16xi32>
    %select_n3A_2291 = arith.select %and3A_2286, %sub3A_2288, %broadcast_in_dim3A_2290 : vector<16xi1>, vector<16xi32>
    %add3A_2292 = arith.constant 1840 : i32
    %add3A_2293 = vector.broadcast %add3A_2292 : i32 to vector<16xi32>
    %add3A_2294 = arith.addi %add3A_2293, %iota3A : vector<16xi32>
    tpu.vector_store_idx %arg9[%select_n3A_2291], %add3A_2294 masked %and3A_2286 : memref<128xi32, #tpu.memory_space<vmem>>[vector<16xi32>], vector<16xi32>, vector<16xi1>
    %get3A_2295 = arith.constant 1840 : index
    %get3A_2296 = tpu.vector_load %arg8[%get3A_2295] {strides = array<i32>} : memref<2048xf32, #tpu.memory_space<vmem>>, vector<16xf32>,
    tpu.vector_store_idx %arg10[%select_n3A_2291, %broadcast_in_dim3A_5], %get3A_2296 masked %and3A_2286 : memref<128x1xf32, #tpu.memory_space<vmem>>[vector<16xi32>, vector<16xi32>], vector<16xf32>, vector<16xi1>
    %get3A_2297 = arith.constant 1856 : index
    %get3A_2298 = tpu.vector_load %arg7[%get3A_2297] {strides = array<i32>} : memref<2048xi32, #tpu.memory_space<vmem>>, vector<16xi32>,
    %ge3A_2299 = vector.broadcast %mul3A_2 : i32 to vector<16xi32>
    %ge3A_2300 = arith.cmpi sge, %get3A_2298, %ge3A_2299 : vector<16xi32>
    %add3A_2301 = arith.constant 128 : i32
    %add3A_2302 = arith.addi %mul3A_2, %add3A_2301 : i32
    %lt3A_2303 = vector.broadcast %add3A_2302 : i32 to vector<16xi32>
    %lt3A_2304 = arith.cmpi slt, %get3A_2298, %lt3A_2303 : vector<16xi32>
    %and3A_2305 = arith.andi %ge3A_2300, %lt3A_2304 : vector<16xi1>
    %sub3A_2306 = vector.broadcast %mul3A_2 : i32 to vector<16xi32>
    %sub3A_2307 = arith.subi %get3A_2298, %sub3A_2306 : vector<16xi32>
    %jit3A_2308 = arith.constant 0 : i32
    %broadcast_in_dim3A_2309 = vector.broadcast %jit3A_2308 : i32 to vector<16xi32>
    %select_n3A_2310 = arith.select %and3A_2305, %sub3A_2307, %broadcast_in_dim3A_2309 : vector<16xi1>, vector<16xi32>
    %add3A_2311 = arith.constant 1856 : i32
    %add3A_2312 = vector.broadcast %add3A_2311 : i32 to vector<16xi32>
    %add3A_2313 = arith.addi %add3A_2312, %iota3A : vector<16xi32>
    tpu.vector_store_idx %arg9[%select_n3A_2310], %add3A_2313 masked %and3A_2305 : memref<128xi32, #tpu.memory_space<vmem>>[vector<16xi32>], vector<16xi32>, vector<16xi1>
    %get3A_2314 = arith.constant 1856 : index
    %get3A_2315 = tpu.vector_load %arg8[%get3A_2314] {strides = array<i32>} : memref<2048xf32, #tpu.memory_space<vmem>>, vector<16xf32>,
    tpu.vector_store_idx %arg10[%select_n3A_2310, %broadcast_in_dim3A_5], %get3A_2315 masked %and3A_2305 : memref<128x1xf32, #tpu.memory_space<vmem>>[vector<16xi32>, vector<16xi32>], vector<16xf32>, vector<16xi1>
    %get3A_2316 = arith.constant 1872 : index
    %get3A_2317 = tpu.vector_load %arg7[%get3A_2316] {strides = array<i32>} : memref<2048xi32, #tpu.memory_space<vmem>>, vector<16xi32>,
    %ge3A_2318 = vector.broadcast %mul3A_2 : i32 to vector<16xi32>
    %ge3A_2319 = arith.cmpi sge, %get3A_2317, %ge3A_2318 : vector<16xi32>
    %add3A_2320 = arith.constant 128 : i32
    %add3A_2321 = arith.addi %mul3A_2, %add3A_2320 : i32
    %lt3A_2322 = vector.broadcast %add3A_2321 : i32 to vector<16xi32>
    %lt3A_2323 = arith.cmpi slt, %get3A_2317, %lt3A_2322 : vector<16xi32>
    %and3A_2324 = arith.andi %ge3A_2319, %lt3A_2323 : vector<16xi1>
    %sub3A_2325 = vector.broadcast %mul3A_2 : i32 to vector<16xi32>
    %sub3A_2326 = arith.subi %get3A_2317, %sub3A_2325 : vector<16xi32>
    %jit3A_2327 = arith.constant 0 : i32
    %broadcast_in_dim3A_2328 = vector.broadcast %jit3A_2327 : i32 to vector<16xi32>
    %select_n3A_2329 = arith.select %and3A_2324, %sub3A_2326, %broadcast_in_dim3A_2328 : vector<16xi1>, vector<16xi32>
    %add3A_2330 = arith.constant 1872 : i32
    %add3A_2331 = vector.broadcast %add3A_2330 : i32 to vector<16xi32>
    %add3A_2332 = arith.addi %add3A_2331, %iota3A : vector<16xi32>
    tpu.vector_store_idx %arg9[%select_n3A_2329], %add3A_2332 masked %and3A_2324 : memref<128xi32, #tpu.memory_space<vmem>>[vector<16xi32>], vector<16xi32>, vector<16xi1>
    %get3A_2333 = arith.constant 1872 : index
    %get3A_2334 = tpu.vector_load %arg8[%get3A_2333] {strides = array<i32>} : memref<2048xf32, #tpu.memory_space<vmem>>, vector<16xf32>,
    tpu.vector_store_idx %arg10[%select_n3A_2329, %broadcast_in_dim3A_5], %get3A_2334 masked %and3A_2324 : memref<128x1xf32, #tpu.memory_space<vmem>>[vector<16xi32>, vector<16xi32>], vector<16xf32>, vector<16xi1>
    %get3A_2335 = arith.constant 1888 : index
    %get3A_2336 = tpu.vector_load %arg7[%get3A_2335] {strides = array<i32>} : memref<2048xi32, #tpu.memory_space<vmem>>, vector<16xi32>,
    %ge3A_2337 = vector.broadcast %mul3A_2 : i32 to vector<16xi32>
    %ge3A_2338 = arith.cmpi sge, %get3A_2336, %ge3A_2337 : vector<16xi32>
    %add3A_2339 = arith.constant 128 : i32
    %add3A_2340 = arith.addi %mul3A_2, %add3A_2339 : i32
    %lt3A_2341 = vector.broadcast %add3A_2340 : i32 to vector<16xi32>
    %lt3A_2342 = arith.cmpi slt, %get3A_2336, %lt3A_2341 : vector<16xi32>
    %and3A_2343 = arith.andi %ge3A_2338, %lt3A_2342 : vector<16xi1>
    %sub3A_2344 = vector.broadcast %mul3A_2 : i32 to vector<16xi32>
    %sub3A_2345 = arith.subi %get3A_2336, %sub3A_2344 : vector<16xi32>
    %jit3A_2346 = arith.constant 0 : i32
    %broadcast_in_dim3A_2347 = vector.broadcast %jit3A_2346 : i32 to vector<16xi32>
    %select_n3A_2348 = arith.select %and3A_2343, %sub3A_2345, %broadcast_in_dim3A_2347 : vector<16xi1>, vector<16xi32>
    %add3A_2349 = arith.constant 1888 : i32
    %add3A_2350 = vector.broadcast %add3A_2349 : i32 to vector<16xi32>
    %add3A_2351 = arith.addi %add3A_2350, %iota3A : vector<16xi32>
    tpu.vector_store_idx %arg9[%select_n3A_2348], %add3A_2351 masked %and3A_2343 : memref<128xi32, #tpu.memory_space<vmem>>[vector<16xi32>], vector<16xi32>, vector<16xi1>
    %get3A_2352 = arith.constant 1888 : index
    %get3A_2353 = tpu.vector_load %arg8[%get3A_2352] {strides = array<i32>} : memref<2048xf32, #tpu.memory_space<vmem>>, vector<16xf32>,
    tpu.vector_store_idx %arg10[%select_n3A_2348, %broadcast_in_dim3A_5], %get3A_2353 masked %and3A_2343 : memref<128x1xf32, #tpu.memory_space<vmem>>[vector<16xi32>, vector<16xi32>], vector<16xf32>, vector<16xi1>
    %get3A_2354 = arith.constant 1904 : index
    %get3A_2355 = tpu.vector_load %arg7[%get3A_2354] {strides = array<i32>} : memref<2048xi32, #tpu.memory_space<vmem>>, vector<16xi32>,
    %ge3A_2356 = vector.broadcast %mul3A_2 : i32 to vector<16xi32>
    %ge3A_2357 = arith.cmpi sge, %get3A_2355, %ge3A_2356 : vector<16xi32>
    %add3A_2358 = arith.constant 128 : i32
    %add3A_2359 = arith.addi %mul3A_2, %add3A_2358 : i32
    %lt3A_2360 = vector.broadcast %add3A_2359 : i32 to vector<16xi32>
    %lt3A_2361 = arith.cmpi slt, %get3A_2355, %lt3A_2360 : vector<16xi32>
    %and3A_2362 = arith.andi %ge3A_2357, %lt3A_2361 : vector<16xi1>
    %sub3A_2363 = vector.broadcast %mul3A_2 : i32 to vector<16xi32>
    %sub3A_2364 = arith.subi %get3A_2355, %sub3A_2363 : vector<16xi32>
    %jit3A_2365 = arith.constant 0 : i32
    %broadcast_in_dim3A_2366 = vector.broadcast %jit3A_2365 : i32 to vector<16xi32>
    %select_n3A_2367 = arith.select %and3A_2362, %sub3A_2364, %broadcast_in_dim3A_2366 : vector<16xi1>, vector<16xi32>
    %add3A_2368 = arith.constant 1904 : i32
    %add3A_2369 = vector.broadcast %add3A_2368 : i32 to vector<16xi32>
    %add3A_2370 = arith.addi %add3A_2369, %iota3A : vector<16xi32>
    tpu.vector_store_idx %arg9[%select_n3A_2367], %add3A_2370 masked %and3A_2362 : memref<128xi32, #tpu.memory_space<vmem>>[vector<16xi32>], vector<16xi32>, vector<16xi1>
    %get3A_2371 = arith.constant 1904 : index
    %get3A_2372 = tpu.vector_load %arg8[%get3A_2371] {strides = array<i32>} : memref<2048xf32, #tpu.memory_space<vmem>>, vector<16xf32>,
    tpu.vector_store_idx %arg10[%select_n3A_2367, %broadcast_in_dim3A_5], %get3A_2372 masked %and3A_2362 : memref<128x1xf32, #tpu.memory_space<vmem>>[vector<16xi32>, vector<16xi32>], vector<16xf32>, vector<16xi1>
    %get3A_2373 = arith.constant 1920 : index
    %get3A_2374 = tpu.vector_load %arg7[%get3A_2373] {strides = array<i32>} : memref<2048xi32, #tpu.memory_space<vmem>>, vector<16xi32>,
    %ge3A_2375 = vector.broadcast %mul3A_2 : i32 to vector<16xi32>
    %ge3A_2376 = arith.cmpi sge, %get3A_2374, %ge3A_2375 : vector<16xi32>
    %add3A_2377 = arith.constant 128 : i32
    %add3A_2378 = arith.addi %mul3A_2, %add3A_2377 : i32
    %lt3A_2379 = vector.broadcast %add3A_2378 : i32 to vector<16xi32>
    %lt3A_2380 = arith.cmpi slt, %get3A_2374, %lt3A_2379 : vector<16xi32>
    %and3A_2381 = arith.andi %ge3A_2376, %lt3A_2380 : vector<16xi1>
    %sub3A_2382 = vector.broadcast %mul3A_2 : i32 to vector<16xi32>
    %sub3A_2383 = arith.subi %get3A_2374, %sub3A_2382 : vector<16xi32>
    %jit3A_2384 = arith.constant 0 : i32
    %broadcast_in_dim3A_2385 = vector.broadcast %jit3A_2384 : i32 to vector<16xi32>
    %select_n3A_2386 = arith.select %and3A_2381, %sub3A_2383, %broadcast_in_dim3A_2385 : vector<16xi1>, vector<16xi32>
    %add3A_2387 = arith.constant 1920 : i32
    %add3A_2388 = vector.broadcast %add3A_2387 : i32 to vector<16xi32>
    %add3A_2389 = arith.addi %add3A_2388, %iota3A : vector<16xi32>
    tpu.vector_store_idx %arg9[%select_n3A_2386], %add3A_2389 masked %and3A_2381 : memref<128xi32, #tpu.memory_space<vmem>>[vector<16xi32>], vector<16xi32>, vector<16xi1>
    %get3A_2390 = arith.constant 1920 : index
    %get3A_2391 = tpu.vector_load %arg8[%get3A_2390] {strides = array<i32>} : memref<2048xf32, #tpu.memory_space<vmem>>, vector<16xf32>,
    tpu.vector_store_idx %arg10[%select_n3A_2386, %broadcast_in_dim3A_5], %get3A_2391 masked %and3A_2381 : memref<128x1xf32, #tpu.memory_space<vmem>>[vector<16xi32>, vector<16xi32>], vector<16xf32>, vector<16xi1>
    %get3A_2392 = arith.constant 1936 : index
    %get3A_2393 = tpu.vector_load %arg7[%get3A_2392] {strides = array<i32>} : memref<2048xi32, #tpu.memory_space<vmem>>, vector<16xi32>,
    %ge3A_2394 = vector.broadcast %mul3A_2 : i32 to vector<16xi32>
    %ge3A_2395 = arith.cmpi sge, %get3A_2393, %ge3A_2394 : vector<16xi32>
    %add3A_2396 = arith.constant 128 : i32
    %add3A_2397 = arith.addi %mul3A_2, %add3A_2396 : i32
    %lt3A_2398 = vector.broadcast %add3A_2397 : i32 to vector<16xi32>
    %lt3A_2399 = arith.cmpi slt, %get3A_2393, %lt3A_2398 : vector<16xi32>
    %and3A_2400 = arith.andi %ge3A_2395, %lt3A_2399 : vector<16xi1>
    %sub3A_2401 = vector.broadcast %mul3A_2 : i32 to vector<16xi32>
    %sub3A_2402 = arith.subi %get3A_2393, %sub3A_2401 : vector<16xi32>
    %jit3A_2403 = arith.constant 0 : i32
    %broadcast_in_dim3A_2404 = vector.broadcast %jit3A_2403 : i32 to vector<16xi32>
    %select_n3A_2405 = arith.select %and3A_2400, %sub3A_2402, %broadcast_in_dim3A_2404 : vector<16xi1>, vector<16xi32>
    %add3A_2406 = arith.constant 1936 : i32
    %add3A_2407 = vector.broadcast %add3A_2406 : i32 to vector<16xi32>
    %add3A_2408 = arith.addi %add3A_2407, %iota3A : vector<16xi32>
    tpu.vector_store_idx %arg9[%select_n3A_2405], %add3A_2408 masked %and3A_2400 : memref<128xi32, #tpu.memory_space<vmem>>[vector<16xi32>], vector<16xi32>, vector<16xi1>
    %get3A_2409 = arith.constant 1936 : index
    %get3A_2410 = tpu.vector_load %arg8[%get3A_2409] {strides = array<i32>} : memref<2048xf32, #tpu.memory_space<vmem>>, vector<16xf32>,
    tpu.vector_store_idx %arg10[%select_n3A_2405, %broadcast_in_dim3A_5], %get3A_2410 masked %and3A_2400 : memref<128x1xf32, #tpu.memory_space<vmem>>[vector<16xi32>, vector<16xi32>], vector<16xf32>, vector<16xi1>
    %get3A_2411 = arith.constant 1952 : index
    %get3A_2412 = tpu.vector_load %arg7[%get3A_2411] {strides = array<i32>} : memref<2048xi32, #tpu.memory_space<vmem>>, vector<16xi32>,
    %ge3A_2413 = vector.broadcast %mul3A_2 : i32 to vector<16xi32>
    %ge3A_2414 = arith.cmpi sge, %get3A_2412, %ge3A_2413 : vector<16xi32>
    %add3A_2415 = arith.constant 128 : i32
    %add3A_2416 = arith.addi %mul3A_2, %add3A_2415 : i32
    %lt3A_2417 = vector.broadcast %add3A_2416 : i32 to vector<16xi32>
    %lt3A_2418 = arith.cmpi slt, %get3A_2412, %lt3A_2417 : vector<16xi32>
    %and3A_2419 = arith.andi %ge3A_2414, %lt3A_2418 : vector<16xi1>
    %sub3A_2420 = vector.broadcast %mul3A_2 : i32 to vector<16xi32>
    %sub3A_2421 = arith.subi %get3A_2412, %sub3A_2420 : vector<16xi32>
    %jit3A_2422 = arith.constant 0 : i32
    %broadcast_in_dim3A_2423 = vector.broadcast %jit3A_2422 : i32 to vector<16xi32>
    %select_n3A_2424 = arith.select %and3A_2419, %sub3A_2421, %broadcast_in_dim3A_2423 : vector<16xi1>, vector<16xi32>
    %add3A_2425 = arith.constant 1952 : i32
    %add3A_2426 = vector.broadcast %add3A_2425 : i32 to vector<16xi32>
    %add3A_2427 = arith.addi %add3A_2426, %iota3A : vector<16xi32>
    tpu.vector_store_idx %arg9[%select_n3A_2424], %add3A_2427 masked %and3A_2419 : memref<128xi32, #tpu.memory_space<vmem>>[vector<16xi32>], vector<16xi32>, vector<16xi1>
    %get3A_2428 = arith.constant 1952 : index
    %get3A_2429 = tpu.vector_load %arg8[%get3A_2428] {strides = array<i32>} : memref<2048xf32, #tpu.memory_space<vmem>>, vector<16xf32>,
    tpu.vector_store_idx %arg10[%select_n3A_2424, %broadcast_in_dim3A_5], %get3A_2429 masked %and3A_2419 : memref<128x1xf32, #tpu.memory_space<vmem>>[vector<16xi32>, vector<16xi32>], vector<16xf32>, vector<16xi1>
    %get3A_2430 = arith.constant 1968 : index
    %get3A_2431 = tpu.vector_load %arg7[%get3A_2430] {strides = array<i32>} : memref<2048xi32, #tpu.memory_space<vmem>>, vector<16xi32>,
    %ge3A_2432 = vector.broadcast %mul3A_2 : i32 to vector<16xi32>
    %ge3A_2433 = arith.cmpi sge, %get3A_2431, %ge3A_2432 : vector<16xi32>
    %add3A_2434 = arith.constant 128 : i32
    %add3A_2435 = arith.addi %mul3A_2, %add3A_2434 : i32
    %lt3A_2436 = vector.broadcast %add3A_2435 : i32 to vector<16xi32>
    %lt3A_2437 = arith.cmpi slt, %get3A_2431, %lt3A_2436 : vector<16xi32>
    %and3A_2438 = arith.andi %ge3A_2433, %lt3A_2437 : vector<16xi1>
    %sub3A_2439 = vector.broadcast %mul3A_2 : i32 to vector<16xi32>
    %sub3A_2440 = arith.subi %get3A_2431, %sub3A_2439 : vector<16xi32>
    %jit3A_2441 = arith.constant 0 : i32
    %broadcast_in_dim3A_2442 = vector.broadcast %jit3A_2441 : i32 to vector<16xi32>
    %select_n3A_2443 = arith.select %and3A_2438, %sub3A_2440, %broadcast_in_dim3A_2442 : vector<16xi1>, vector<16xi32>
    %add3A_2444 = arith.constant 1968 : i32
    %add3A_2445 = vector.broadcast %add3A_2444 : i32 to vector<16xi32>
    %add3A_2446 = arith.addi %add3A_2445, %iota3A : vector<16xi32>
    tpu.vector_store_idx %arg9[%select_n3A_2443], %add3A_2446 masked %and3A_2438 : memref<128xi32, #tpu.memory_space<vmem>>[vector<16xi32>], vector<16xi32>, vector<16xi1>
    %get3A_2447 = arith.constant 1968 : index
    %get3A_2448 = tpu.vector_load %arg8[%get3A_2447] {strides = array<i32>} : memref<2048xf32, #tpu.memory_space<vmem>>, vector<16xf32>,
    tpu.vector_store_idx %arg10[%select_n3A_2443, %broadcast_in_dim3A_5], %get3A_2448 masked %and3A_2438 : memref<128x1xf32, #tpu.memory_space<vmem>>[vector<16xi32>, vector<16xi32>], vector<16xf32>, vector<16xi1>
    %get3A_2449 = arith.constant 1984 : index
    %get3A_2450 = tpu.vector_load %arg7[%get3A_2449] {strides = array<i32>} : memref<2048xi32, #tpu.memory_space<vmem>>, vector<16xi32>,
    %ge3A_2451 = vector.broadcast %mul3A_2 : i32 to vector<16xi32>
    %ge3A_2452 = arith.cmpi sge, %get3A_2450, %ge3A_2451 : vector<16xi32>
    %add3A_2453 = arith.constant 128 : i32
    %add3A_2454 = arith.addi %mul3A_2, %add3A_2453 : i32
    %lt3A_2455 = vector.broadcast %add3A_2454 : i32 to vector<16xi32>
    %lt3A_2456 = arith.cmpi slt, %get3A_2450, %lt3A_2455 : vector<16xi32>
    %and3A_2457 = arith.andi %ge3A_2452, %lt3A_2456 : vector<16xi1>
    %sub3A_2458 = vector.broadcast %mul3A_2 : i32 to vector<16xi32>
    %sub3A_2459 = arith.subi %get3A_2450, %sub3A_2458 : vector<16xi32>
    %jit3A_2460 = arith.constant 0 : i32
    %broadcast_in_dim3A_2461 = vector.broadcast %jit3A_2460 : i32 to vector<16xi32>
    %select_n3A_2462 = arith.select %and3A_2457, %sub3A_2459, %broadcast_in_dim3A_2461 : vector<16xi1>, vector<16xi32>
    %add3A_2463 = arith.constant 1984 : i32
    %add3A_2464 = vector.broadcast %add3A_2463 : i32 to vector<16xi32>
    %add3A_2465 = arith.addi %add3A_2464, %iota3A : vector<16xi32>
    tpu.vector_store_idx %arg9[%select_n3A_2462], %add3A_2465 masked %and3A_2457 : memref<128xi32, #tpu.memory_space<vmem>>[vector<16xi32>], vector<16xi32>, vector<16xi1>
    %get3A_2466 = arith.constant 1984 : index
    %get3A_2467 = tpu.vector_load %arg8[%get3A_2466] {strides = array<i32>} : memref<2048xf32, #tpu.memory_space<vmem>>, vector<16xf32>,
    tpu.vector_store_idx %arg10[%select_n3A_2462, %broadcast_in_dim3A_5], %get3A_2467 masked %and3A_2457 : memref<128x1xf32, #tpu.memory_space<vmem>>[vector<16xi32>, vector<16xi32>], vector<16xf32>, vector<16xi1>
    %get3A_2468 = arith.constant 2000 : index
    %get3A_2469 = tpu.vector_load %arg7[%get3A_2468] {strides = array<i32>} : memref<2048xi32, #tpu.memory_space<vmem>>, vector<16xi32>,
    %ge3A_2470 = vector.broadcast %mul3A_2 : i32 to vector<16xi32>
    %ge3A_2471 = arith.cmpi sge, %get3A_2469, %ge3A_2470 : vector<16xi32>
    %add3A_2472 = arith.constant 128 : i32
    %add3A_2473 = arith.addi %mul3A_2, %add3A_2472 : i32
    %lt3A_2474 = vector.broadcast %add3A_2473 : i32 to vector<16xi32>
    %lt3A_2475 = arith.cmpi slt, %get3A_2469, %lt3A_2474 : vector<16xi32>
    %and3A_2476 = arith.andi %ge3A_2471, %lt3A_2475 : vector<16xi1>
    %sub3A_2477 = vector.broadcast %mul3A_2 : i32 to vector<16xi32>
    %sub3A_2478 = arith.subi %get3A_2469, %sub3A_2477 : vector<16xi32>
    %jit3A_2479 = arith.constant 0 : i32
    %broadcast_in_dim3A_2480 = vector.broadcast %jit3A_2479 : i32 to vector<16xi32>
    %select_n3A_2481 = arith.select %and3A_2476, %sub3A_2478, %broadcast_in_dim3A_2480 : vector<16xi1>, vector<16xi32>
    %add3A_2482 = arith.constant 2000 : i32
    %add3A_2483 = vector.broadcast %add3A_2482 : i32 to vector<16xi32>
    %add3A_2484 = arith.addi %add3A_2483, %iota3A : vector<16xi32>
    tpu.vector_store_idx %arg9[%select_n3A_2481], %add3A_2484 masked %and3A_2476 : memref<128xi32, #tpu.memory_space<vmem>>[vector<16xi32>], vector<16xi32>, vector<16xi1>
    %get3A_2485 = arith.constant 2000 : index
    %get3A_2486 = tpu.vector_load %arg8[%get3A_2485] {strides = array<i32>} : memref<2048xf32, #tpu.memory_space<vmem>>, vector<16xf32>,
    tpu.vector_store_idx %arg10[%select_n3A_2481, %broadcast_in_dim3A_5], %get3A_2486 masked %and3A_2476 : memref<128x1xf32, #tpu.memory_space<vmem>>[vector<16xi32>, vector<16xi32>], vector<16xf32>, vector<16xi1>
    %get3A_2487 = arith.constant 2016 : index
    %get3A_2488 = tpu.vector_load %arg7[%get3A_2487] {strides = array<i32>} : memref<2048xi32, #tpu.memory_space<vmem>>, vector<16xi32>,
    %ge3A_2489 = vector.broadcast %mul3A_2 : i32 to vector<16xi32>
    %ge3A_2490 = arith.cmpi sge, %get3A_2488, %ge3A_2489 : vector<16xi32>
    %add3A_2491 = arith.constant 128 : i32
    %add3A_2492 = arith.addi %mul3A_2, %add3A_2491 : i32
    %lt3A_2493 = vector.broadcast %add3A_2492 : i32 to vector<16xi32>
    %lt3A_2494 = arith.cmpi slt, %get3A_2488, %lt3A_2493 : vector<16xi32>
    %and3A_2495 = arith.andi %ge3A_2490, %lt3A_2494 : vector<16xi1>
    %sub3A_2496 = vector.broadcast %mul3A_2 : i32 to vector<16xi32>
    %sub3A_2497 = arith.subi %get3A_2488, %sub3A_2496 : vector<16xi32>
    %jit3A_2498 = arith.constant 0 : i32
    %broadcast_in_dim3A_2499 = vector.broadcast %jit3A_2498 : i32 to vector<16xi32>
    %select_n3A_2500 = arith.select %and3A_2495, %sub3A_2497, %broadcast_in_dim3A_2499 : vector<16xi1>, vector<16xi32>
    %add3A_2501 = arith.constant 2016 : i32
    %add3A_2502 = vector.broadcast %add3A_2501 : i32 to vector<16xi32>
    %add3A_2503 = arith.addi %add3A_2502, %iota3A : vector<16xi32>
    tpu.vector_store_idx %arg9[%select_n3A_2500], %add3A_2503 masked %and3A_2495 : memref<128xi32, #tpu.memory_space<vmem>>[vector<16xi32>], vector<16xi32>, vector<16xi1>
    %get3A_2504 = arith.constant 2016 : index
    %get3A_2505 = tpu.vector_load %arg8[%get3A_2504] {strides = array<i32>} : memref<2048xf32, #tpu.memory_space<vmem>>, vector<16xf32>,
    tpu.vector_store_idx %arg10[%select_n3A_2500, %broadcast_in_dim3A_5], %get3A_2505 masked %and3A_2495 : memref<128x1xf32, #tpu.memory_space<vmem>>[vector<16xi32>, vector<16xi32>], vector<16xf32>, vector<16xi1>
    %get3A_2506 = arith.constant 2032 : index
    %get3A_2507 = tpu.vector_load %arg7[%get3A_2506] {strides = array<i32>} : memref<2048xi32, #tpu.memory_space<vmem>>, vector<16xi32>,
    %ge3A_2508 = vector.broadcast %mul3A_2 : i32 to vector<16xi32>
    %ge3A_2509 = arith.cmpi sge, %get3A_2507, %ge3A_2508 : vector<16xi32>
    %add3A_2510 = arith.constant 128 : i32
    %add3A_2511 = arith.addi %mul3A_2, %add3A_2510 : i32
    %lt3A_2512 = vector.broadcast %add3A_2511 : i32 to vector<16xi32>
    %lt3A_2513 = arith.cmpi slt, %get3A_2507, %lt3A_2512 : vector<16xi32>
    %and3A_2514 = arith.andi %ge3A_2509, %lt3A_2513 : vector<16xi1>
    %sub3A_2515 = vector.broadcast %mul3A_2 : i32 to vector<16xi32>
    %sub3A_2516 = arith.subi %get3A_2507, %sub3A_2515 : vector<16xi32>
    %jit3A_2517 = arith.constant 0 : i32
    %broadcast_in_dim3A_2518 = vector.broadcast %jit3A_2517 : i32 to vector<16xi32>
    %select_n3A_2519 = arith.select %and3A_2514, %sub3A_2516, %broadcast_in_dim3A_2518 : vector<16xi1>, vector<16xi32>
    %add3A_2520 = arith.constant 2032 : i32
    %add3A_2521 = vector.broadcast %add3A_2520 : i32 to vector<16xi32>
    %add3A_2522 = arith.addi %add3A_2521, %iota3A : vector<16xi32>
    tpu.vector_store_idx %arg9[%select_n3A_2519], %add3A_2522 masked %and3A_2514 : memref<128xi32, #tpu.memory_space<vmem>>[vector<16xi32>], vector<16xi32>, vector<16xi1>
    %get3A_2523 = arith.constant 2032 : index
    %get3A_2524 = tpu.vector_load %arg8[%get3A_2523] {strides = array<i32>} : memref<2048xf32, #tpu.memory_space<vmem>>, vector<16xf32>,
    tpu.vector_store_idx %arg10[%select_n3A_2519, %broadcast_in_dim3A_5], %get3A_2524 masked %and3A_2514 : memref<128x1xf32, #tpu.memory_space<vmem>>[vector<16xi32>, vector<16xi32>], vector<16xf32>, vector<16xi1>
    %dma_start3A = arith.constant 0 : i32
    %dma_start3A_2525 = arith.constant 0 : i32
    %dma_start3A_2526 = tpu.memref_slice %arg2[%dma_start3A, %dma_start3A_2525] : memref<2048x768xf32, #tpu.memory_space<hbm>> -> memref<2048x768xf32, #tpu.memory_space<hbm>>
    tpu.enqueue_indirect_dma source(%dma_start3A_2526 : memref<2048x768xf32, #tpu.memory_space<hbm>>) target(%arg11 : memref<128x768xf32, #tpu.memory_space<vmem>>) offsets(%arg9 : memref<128xi32, #tpu.memory_space<vmem>>) semaphore(%arg12 : memref<!tpu.dma_semaphore, #tpu.memory_space<semaphore_mem>>)
    %dma_wait3A = arith.constant 0 : i32
    %dma_wait3A_2527 = arith.constant 0 : i32
    %dma_wait3A_2528 = tpu.memref_slice %arg2[%dma_wait3A, %dma_wait3A_2527] : memref<2048x768xf32, #tpu.memory_space<hbm>> -> memref<2048x768xf32, #tpu.memory_space<hbm>>
    tpu.wait_indirect_dma semaphore(%arg12 : memref<!tpu.dma_semaphore, #tpu.memory_space<semaphore_mem>>) src(%dma_wait3A_2528 : memref<2048x768xf32, #tpu.memory_space<hbm>>) dst(%arg11 : memref<128x768xf32, #tpu.memory_space<vmem>>)
    "tpu.region"() ({
      %run_scoped3A = tpu.sem_alloc : memref<!tpu.dma_semaphore, #tpu.memory_space<semaphore_mem>>
      %dma_start3A_2529 = arith.constant 0 : i32
      %dma_start3A_2530 = tpu.memref_slice %arg5[%mul3A_2, %dma_start3A_2529] : memref<4096x768xf32, #tpu.memory_space<hbm>> -> memref<128x768xf32, #tpu.memory_space<hbm>>
      %dma_start3A_2531 = arith.constant 0 : i32
      %dma_start3A_2532 = tpu.memref_slice %arg5[%mul3A_2, %dma_start3A_2531] : memref<4096x768xf32, #tpu.memory_space<hbm>> -> memref<128x768xf32, #tpu.memory_space<hbm>>
      tpu.enqueue_dma source(%arg11 : memref<128x768xf32, #tpu.memory_space<vmem>>) target(%dma_start3A_2532 : memref<128x768xf32, #tpu.memory_space<hbm>>) target_semaphore(%run_scoped3A : memref<!tpu.dma_semaphore, #tpu.memory_space<semaphore_mem>>)
      %dma_wait3A_2533 = arith.constant 0 : i32
      %dma_wait3A_2534 = tpu.memref_slice %arg5[%mul3A_2, %dma_wait3A_2533] : memref<4096x768xf32, #tpu.memory_space<hbm>> -> memref<128x768xf32, #tpu.memory_space<hbm>>
      %dma_wait3A_2535 = arith.constant 0 : i32
      %dma_wait3A_2536 = tpu.memref_slice %arg5[%mul3A_2, %dma_wait3A_2535] : memref<4096x768xf32, #tpu.memory_space<hbm>> -> memref<128x768xf32, #tpu.memory_space<hbm>>
      tpu.wait_dma2 semaphore(%run_scoped3A : memref<!tpu.dma_semaphore, #tpu.memory_space<semaphore_mem>>) src(%arg11 : memref<128x768xf32, #tpu.memory_space<vmem>>) dst(%dma_wait3A_2536 : memref<128x768xf32, #tpu.memory_space<hbm>>)
      tpu.yield
    }) : () -> ()
    "tpu.region"() ({
      %run_scoped3A = tpu.sem_alloc : memref<!tpu.dma_semaphore, #tpu.memory_space<semaphore_mem>>
      %dma_start3A_2529 = arith.constant 0 : i32
      %dma_start3A_2530 = tpu.memref_slice %arg6[%mul3A_2, %dma_start3A_2529] : memref<4096x1xf32, #tpu.memory_space<hbm>> -> memref<128x1xf32, #tpu.memory_space<hbm>>
      %dma_start3A_2531 = arith.constant 0 : i32
      %dma_start3A_2532 = tpu.memref_slice %arg6[%mul3A_2, %dma_start3A_2531] : memref<4096x1xf32, #tpu.memory_space<hbm>> -> memref<128x1xf32, #tpu.memory_space<hbm>>
      tpu.enqueue_dma source(%arg10 : memref<128x1xf32, #tpu.memory_space<vmem>>) target(%dma_start3A_2532 : memref<128x1xf32, #tpu.memory_space<hbm>>) target_semaphore(%run_scoped3A : memref<!tpu.dma_semaphore, #tpu.memory_space<semaphore_mem>>)
      %dma_wait3A_2533 = arith.constant 0 : i32
      %dma_wait3A_2534 = tpu.memref_slice %arg6[%mul3A_2, %dma_wait3A_2533] : memref<4096x1xf32, #tpu.memory_space<hbm>> -> memref<128x1xf32, #tpu.memory_space<hbm>>
      %dma_wait3A_2535 = arith.constant 0 : i32
      %dma_wait3A_2536 = tpu.memref_slice %arg6[%mul3A_2, %dma_wait3A_2535] : memref<4096x1xf32, #tpu.memory_space<hbm>> -> memref<128x1xf32, #tpu.memory_space<hbm>>
      tpu.wait_dma2 semaphore(%run_scoped3A : memref<!tpu.dma_semaphore, #tpu.memory_space<semaphore_mem>>) src(%arg10 : memref<128x1xf32, #tpu.memory_space<vmem>>) dst(%dma_wait3A_2536 : memref<128x1xf32, #tpu.memory_space<hbm>>)
      tpu.yield
    }) : () -> ()
    return
  }
}

module attributes {stable_mosaic.version = 14 : i64} {
  func.func @_routing_body(%arg0: memref<2048x1xi32, #tpu.memory_space<vmem>>, %arg1: memref<2048xi32, #tpu.memory_space<vmem>>, %arg2: memref<32xi32, #tpu.memory_space<vmem>>, %arg3: memref<32xi32, #tpu.memory_space<vmem>>, %arg4: memref<32xi32, #tpu.memory_space<vmem>>) attributes {dimension_semantics = [], scalar_prefetch = 0 : i64, scratch_operands = 0 : i64, tpu.core_type = #tpu.core_type<tc>} {
    %get3A = arith.constant 0 : index
    %get3A_0 = arith.constant 0 : index
    %get3A_1 = vector.load %arg0[%get3A, %get3A_0] : memref<2048x1xi32, #tpu.memory_space<vmem>>, vector<2048x1xi32>
    %iota3A = tpu.iota {dimensions = array<i32: 1>} : vector<2048x16xi32>
    %eq3A = vector.broadcast %get3A_1 : vector<2048x1xi32> to vector<2048x16xi32>
    %eq3A_2 = arith.cmpi eq, %eq3A, %iota3A : vector<2048x16xi32>
    %convert_element_type3A = arith.extui %eq3A_2 : vector<2048x16xi1> to vector<2048x16xi32>
    %iota3A_3 = tpu.iota {dimensions = array<i32: 0>} : vector<2048x16xi32>
    %roll3A = arith.constant 1 : i32
    %roll3A_4 = tpu.dynamic_rotate %convert_element_type3A by %roll3A dim 0 : vector<2048x16xi32>, i32 -> vector<2048x16xi32>
    %ge3A = arith.constant 1 : i32
    %ge3A_5 = vector.broadcast %ge3A : i32 to vector<2048x16xi32>
    %ge3A_6 = arith.cmpi sge, %iota3A_3, %ge3A_5 : vector<2048x16xi32>
    %jit3A = arith.constant 0 : i32
    %broadcast_in_dim3A = vector.broadcast %jit3A : i32 to vector<2048x16xi32>
    %select_n3A = arith.select %ge3A_6, %roll3A_4, %broadcast_in_dim3A : vector<2048x16xi1>, vector<2048x16xi32>
    %add3A = arith.addi %convert_element_type3A, %select_n3A : vector<2048x16xi32>
    %roll3A_7 = arith.constant 2 : i32
    %roll3A_8 = tpu.dynamic_rotate %add3A by %roll3A_7 dim 0 : vector<2048x16xi32>, i32 -> vector<2048x16xi32>
    %ge3A_9 = arith.constant 2 : i32
    %ge3A_10 = vector.broadcast %ge3A_9 : i32 to vector<2048x16xi32>
    %ge3A_11 = arith.cmpi sge, %iota3A_3, %ge3A_10 : vector<2048x16xi32>
    %jit3A_12 = arith.constant 0 : i32
    %broadcast_in_dim3A_13 = vector.broadcast %jit3A_12 : i32 to vector<2048x16xi32>
    %select_n3A_14 = arith.select %ge3A_11, %roll3A_8, %broadcast_in_dim3A_13 : vector<2048x16xi1>, vector<2048x16xi32>
    %add3A_15 = arith.addi %add3A, %select_n3A_14 : vector<2048x16xi32>
    %roll3A_16 = arith.constant 4 : i32
    %roll3A_17 = tpu.dynamic_rotate %add3A_15 by %roll3A_16 dim 0 : vector<2048x16xi32>, i32 -> vector<2048x16xi32>
    %ge3A_18 = arith.constant 4 : i32
    %ge3A_19 = vector.broadcast %ge3A_18 : i32 to vector<2048x16xi32>
    %ge3A_20 = arith.cmpi sge, %iota3A_3, %ge3A_19 : vector<2048x16xi32>
    %jit3A_21 = arith.constant 0 : i32
    %broadcast_in_dim3A_22 = vector.broadcast %jit3A_21 : i32 to vector<2048x16xi32>
    %select_n3A_23 = arith.select %ge3A_20, %roll3A_17, %broadcast_in_dim3A_22 : vector<2048x16xi1>, vector<2048x16xi32>
    %add3A_24 = arith.addi %add3A_15, %select_n3A_23 : vector<2048x16xi32>
    %roll3A_25 = arith.constant 8 : i32
    %roll3A_26 = tpu.dynamic_rotate %add3A_24 by %roll3A_25 dim 0 : vector<2048x16xi32>, i32 -> vector<2048x16xi32>
    %ge3A_27 = arith.constant 8 : i32
    %ge3A_28 = vector.broadcast %ge3A_27 : i32 to vector<2048x16xi32>
    %ge3A_29 = arith.cmpi sge, %iota3A_3, %ge3A_28 : vector<2048x16xi32>
    %jit3A_30 = arith.constant 0 : i32
    %broadcast_in_dim3A_31 = vector.broadcast %jit3A_30 : i32 to vector<2048x16xi32>
    %select_n3A_32 = arith.select %ge3A_29, %roll3A_26, %broadcast_in_dim3A_31 : vector<2048x16xi1>, vector<2048x16xi32>
    %add3A_33 = arith.addi %add3A_24, %select_n3A_32 : vector<2048x16xi32>
    %roll3A_34 = arith.constant 16 : i32
    %roll3A_35 = tpu.dynamic_rotate %add3A_33 by %roll3A_34 dim 0 : vector<2048x16xi32>, i32 -> vector<2048x16xi32>
    %ge3A_36 = arith.constant 16 : i32
    %ge3A_37 = vector.broadcast %ge3A_36 : i32 to vector<2048x16xi32>
    %ge3A_38 = arith.cmpi sge, %iota3A_3, %ge3A_37 : vector<2048x16xi32>
    %jit3A_39 = arith.constant 0 : i32
    %broadcast_in_dim3A_40 = vector.broadcast %jit3A_39 : i32 to vector<2048x16xi32>
    %select_n3A_41 = arith.select %ge3A_38, %roll3A_35, %broadcast_in_dim3A_40 : vector<2048x16xi1>, vector<2048x16xi32>
    %add3A_42 = arith.addi %add3A_33, %select_n3A_41 : vector<2048x16xi32>
    %roll3A_43 = arith.constant 32 : i32
    %roll3A_44 = tpu.dynamic_rotate %add3A_42 by %roll3A_43 dim 0 : vector<2048x16xi32>, i32 -> vector<2048x16xi32>
    %ge3A_45 = arith.constant 32 : i32
    %ge3A_46 = vector.broadcast %ge3A_45 : i32 to vector<2048x16xi32>
    %ge3A_47 = arith.cmpi sge, %iota3A_3, %ge3A_46 : vector<2048x16xi32>
    %jit3A_48 = arith.constant 0 : i32
    %broadcast_in_dim3A_49 = vector.broadcast %jit3A_48 : i32 to vector<2048x16xi32>
    %select_n3A_50 = arith.select %ge3A_47, %roll3A_44, %broadcast_in_dim3A_49 : vector<2048x16xi1>, vector<2048x16xi32>
    %add3A_51 = arith.addi %add3A_42, %select_n3A_50 : vector<2048x16xi32>
    %roll3A_52 = arith.constant 64 : i32
    %roll3A_53 = tpu.dynamic_rotate %add3A_51 by %roll3A_52 dim 0 : vector<2048x16xi32>, i32 -> vector<2048x16xi32>
    %ge3A_54 = arith.constant 64 : i32
    %ge3A_55 = vector.broadcast %ge3A_54 : i32 to vector<2048x16xi32>
    %ge3A_56 = arith.cmpi sge, %iota3A_3, %ge3A_55 : vector<2048x16xi32>
    %jit3A_57 = arith.constant 0 : i32
    %broadcast_in_dim3A_58 = vector.broadcast %jit3A_57 : i32 to vector<2048x16xi32>
    %select_n3A_59 = arith.select %ge3A_56, %roll3A_53, %broadcast_in_dim3A_58 : vector<2048x16xi1>, vector<2048x16xi32>
    %add3A_60 = arith.addi %add3A_51, %select_n3A_59 : vector<2048x16xi32>
    %roll3A_61 = arith.constant 128 : i32
    %roll3A_62 = tpu.dynamic_rotate %add3A_60 by %roll3A_61 dim 0 : vector<2048x16xi32>, i32 -> vector<2048x16xi32>
    %ge3A_63 = arith.constant 128 : i32
    %ge3A_64 = vector.broadcast %ge3A_63 : i32 to vector<2048x16xi32>
    %ge3A_65 = arith.cmpi sge, %iota3A_3, %ge3A_64 : vector<2048x16xi32>
    %jit3A_66 = arith.constant 0 : i32
    %broadcast_in_dim3A_67 = vector.broadcast %jit3A_66 : i32 to vector<2048x16xi32>
    %select_n3A_68 = arith.select %ge3A_65, %roll3A_62, %broadcast_in_dim3A_67 : vector<2048x16xi1>, vector<2048x16xi32>
    %add3A_69 = arith.addi %add3A_60, %select_n3A_68 : vector<2048x16xi32>
    %roll3A_70 = arith.constant 256 : i32
    %roll3A_71 = tpu.dynamic_rotate %add3A_69 by %roll3A_70 dim 0 : vector<2048x16xi32>, i32 -> vector<2048x16xi32>
    %ge3A_72 = arith.constant 256 : i32
    %ge3A_73 = vector.broadcast %ge3A_72 : i32 to vector<2048x16xi32>
    %ge3A_74 = arith.cmpi sge, %iota3A_3, %ge3A_73 : vector<2048x16xi32>
    %jit3A_75 = arith.constant 0 : i32
    %broadcast_in_dim3A_76 = vector.broadcast %jit3A_75 : i32 to vector<2048x16xi32>
    %select_n3A_77 = arith.select %ge3A_74, %roll3A_71, %broadcast_in_dim3A_76 : vector<2048x16xi1>, vector<2048x16xi32>
    %add3A_78 = arith.addi %add3A_69, %select_n3A_77 : vector<2048x16xi32>
    %roll3A_79 = arith.constant 512 : i32
    %roll3A_80 = tpu.dynamic_rotate %add3A_78 by %roll3A_79 dim 0 : vector<2048x16xi32>, i32 -> vector<2048x16xi32>
    %ge3A_81 = arith.constant 512 : i32
    %ge3A_82 = vector.broadcast %ge3A_81 : i32 to vector<2048x16xi32>
    %ge3A_83 = arith.cmpi sge, %iota3A_3, %ge3A_82 : vector<2048x16xi32>
    %jit3A_84 = arith.constant 0 : i32
    %broadcast_in_dim3A_85 = vector.broadcast %jit3A_84 : i32 to vector<2048x16xi32>
    %select_n3A_86 = arith.select %ge3A_83, %roll3A_80, %broadcast_in_dim3A_85 : vector<2048x16xi1>, vector<2048x16xi32>
    %add3A_87 = arith.addi %add3A_78, %select_n3A_86 : vector<2048x16xi32>
    %roll3A_88 = arith.constant 1024 : i32
    %roll3A_89 = tpu.dynamic_rotate %add3A_87 by %roll3A_88 dim 0 : vector<2048x16xi32>, i32 -> vector<2048x16xi32>
    %ge3A_90 = arith.constant 1024 : i32
    %ge3A_91 = vector.broadcast %ge3A_90 : i32 to vector<2048x16xi32>
    %ge3A_92 = arith.cmpi sge, %iota3A_3, %ge3A_91 : vector<2048x16xi32>
    %jit3A_93 = arith.constant 0 : i32
    %broadcast_in_dim3A_94 = vector.broadcast %jit3A_93 : i32 to vector<2048x16xi32>
    %select_n3A_95 = arith.select %ge3A_92, %roll3A_89, %broadcast_in_dim3A_94 : vector<2048x16xi1>, vector<2048x16xi32>
    %add3A_96 = arith.addi %add3A_87, %select_n3A_95 : vector<2048x16xi32>
    %mul3A = arith.muli %convert_element_type3A, %add3A_96 : vector<2048x16xi32>
    %reduce_sum3A = arith.constant dense<0> : vector<2048xi32>
    %reduce_sum3A_97 = vector.multi_reduction <add>, %mul3A, %reduce_sum3A [1] : vector<2048x16xi32> to vector<2048xi32>
    %sub3A = arith.constant 1 : i32
    %sub3A_98 = vector.broadcast %sub3A : i32 to vector<2048xi32>
    %sub3A_99 = arith.subi %reduce_sum3A_97, %sub3A_98 : vector<2048xi32>
    %slice3A = vector.extract_strided_slice %add3A_96 {offsets = [2047, 0], sizes = [1, 16], strides = [1, 1]} : vector<2048x16xi32> to vector<1x16xi32>
    %add3A_100 = arith.constant 128 : i32
    %add3A_101 = vector.broadcast %add3A_100 : i32 to vector<1x16xi32>
    %add3A_102 = arith.addi %slice3A, %add3A_101 : vector<1x16xi32>
    %sub3A_103 = arith.constant 1 : i32
    %sub3A_104 = vector.broadcast %sub3A_103 : i32 to vector<1x16xi32>
    %sub3A_105 = arith.subi %add3A_102, %sub3A_104 : vector<1x16xi32>
    %jit3A_106 = arith.constant 128 : i32
    %div3A = vector.broadcast %jit3A_106 : i32 to vector<1x16xi32>
    %div3A_107 = arith.divsi %sub3A_105, %div3A : vector<1x16xi32>
    %sign3A = arith.constant 0 : i32
    %sign3A_108 = vector.broadcast %sign3A : i32 to vector<1x16xi32>
    %sign3A_109 = arith.cmpi sgt, %sub3A_105, %sign3A_108 : vector<1x16xi32>
    %sign3A_110 = arith.extui %sign3A_109 : vector<1x16xi1> to vector<1x16xi32>
    %sign3A_111 = arith.constant 0 : i32
    %sign3A_112 = vector.broadcast %sign3A_111 : i32 to vector<1x16xi32>
    %sign3A_113 = arith.cmpi slt, %sub3A_105, %sign3A_112 : vector<1x16xi32>
    %sign3A_114 = arith.extui %sign3A_113 : vector<1x16xi1> to vector<1x16xi32>
    %sign3A_115 = arith.subi %sign3A_110, %sign3A_114 : vector<1x16xi32>
    %sign3A_116 = arith.constant 0 : i32
    %sign3A_117 = arith.cmpi sgt, %jit3A_106, %sign3A_116 : i32
    %sign3A_118 = arith.extui %sign3A_117 : i1 to i32
    %sign3A_119 = arith.constant 0 : i32
    %sign3A_120 = arith.cmpi slt, %jit3A_106, %sign3A_119 : i32
    %sign3A_121 = arith.extui %sign3A_120 : i1 to i32
    %sign3A_122 = arith.subi %sign3A_118, %sign3A_121 : i32
    %ne3A = vector.broadcast %sign3A_122 : i32 to vector<1x16xi32>
    %ne3A_123 = arith.cmpi ne, %sign3A_115, %ne3A : vector<1x16xi32>
    %rem3A = vector.broadcast %jit3A_106 : i32 to vector<1x16xi32>
    %rem3A_124 = arith.remsi %sub3A_105, %rem3A : vector<1x16xi32>
    %ne3A_125 = arith.constant 0 : i32
    %ne3A_126 = vector.broadcast %ne3A_125 : i32 to vector<1x16xi32>
    %ne3A_127 = arith.cmpi ne, %rem3A_124, %ne3A_126 : vector<1x16xi32>
    %and3A = arith.andi %ne3A_123, %ne3A_127 : vector<1x16xi1>
    %sub3A_128 = arith.constant 1 : i32
    %sub3A_129 = vector.broadcast %sub3A_128 : i32 to vector<1x16xi32>
    %sub3A_130 = arith.subi %div3A_107, %sub3A_129 : vector<1x16xi32>
    %select_n3A_131 = arith.select %and3A, %sub3A_130, %div3A_107 : vector<1x16xi1>, vector<1x16xi32>
    %mul3A_132 = arith.constant 128 : i32
    %mul3A_133 = vector.broadcast %mul3A_132 : i32 to vector<1x16xi32>
    %mul3A_134 = arith.muli %select_n3A_131, %mul3A_133 : vector<1x16xi32>
    %iota3A_135 = tpu.iota {dimensions = array<i32: 1>} : vector<1x16xi32>
    %roll3A_136 = arith.constant 1 : i32
    %roll3A_137 = tpu.dynamic_rotate %mul3A_134 by %roll3A_136 dim 1 : vector<1x16xi32>, i32 -> vector<1x16xi32>
    %ge3A_138 = arith.constant 1 : i32
    %ge3A_139 = vector.broadcast %ge3A_138 : i32 to vector<1x16xi32>
    %ge3A_140 = arith.cmpi sge, %iota3A_135, %ge3A_139 : vector<1x16xi32>
    %jit3A_141 = arith.constant 0 : i32
    %broadcast_in_dim3A_142 = vector.broadcast %jit3A_141 : i32 to vector<1x16xi32>
    %select_n3A_143 = arith.select %ge3A_140, %roll3A_137, %broadcast_in_dim3A_142 : vector<1x16xi1>, vector<1x16xi32>
    %add3A_144 = arith.addi %mul3A_134, %select_n3A_143 : vector<1x16xi32>
    %roll3A_145 = arith.constant 2 : i32
    %roll3A_146 = tpu.dynamic_rotate %add3A_144 by %roll3A_145 dim 1 : vector<1x16xi32>, i32 -> vector<1x16xi32>
    %ge3A_147 = arith.constant 2 : i32
    %ge3A_148 = vector.broadcast %ge3A_147 : i32 to vector<1x16xi32>
    %ge3A_149 = arith.cmpi sge, %iota3A_135, %ge3A_148 : vector<1x16xi32>
    %jit3A_150 = arith.constant 0 : i32
    %broadcast_in_dim3A_151 = vector.broadcast %jit3A_150 : i32 to vector<1x16xi32>
    %select_n3A_152 = arith.select %ge3A_149, %roll3A_146, %broadcast_in_dim3A_151 : vector<1x16xi1>, vector<1x16xi32>
    %add3A_153 = arith.addi %add3A_144, %select_n3A_152 : vector<1x16xi32>
    %roll3A_154 = arith.constant 4 : i32
    %roll3A_155 = tpu.dynamic_rotate %add3A_153 by %roll3A_154 dim 1 : vector<1x16xi32>, i32 -> vector<1x16xi32>
    %ge3A_156 = arith.constant 4 : i32
    %ge3A_157 = vector.broadcast %ge3A_156 : i32 to vector<1x16xi32>
    %ge3A_158 = arith.cmpi sge, %iota3A_135, %ge3A_157 : vector<1x16xi32>
    %jit3A_159 = arith.constant 0 : i32
    %broadcast_in_dim3A_160 = vector.broadcast %jit3A_159 : i32 to vector<1x16xi32>
    %select_n3A_161 = arith.select %ge3A_158, %roll3A_155, %broadcast_in_dim3A_160 : vector<1x16xi1>, vector<1x16xi32>
    %add3A_162 = arith.addi %add3A_153, %select_n3A_161 : vector<1x16xi32>
    %roll3A_163 = arith.constant 8 : i32
    %roll3A_164 = tpu.dynamic_rotate %add3A_162 by %roll3A_163 dim 1 : vector<1x16xi32>, i32 -> vector<1x16xi32>
    %ge3A_165 = arith.constant 8 : i32
    %ge3A_166 = vector.broadcast %ge3A_165 : i32 to vector<1x16xi32>
    %ge3A_167 = arith.cmpi sge, %iota3A_135, %ge3A_166 : vector<1x16xi32>
    %jit3A_168 = arith.constant 0 : i32
    %broadcast_in_dim3A_169 = vector.broadcast %jit3A_168 : i32 to vector<1x16xi32>
    %select_n3A_170 = arith.select %ge3A_167, %roll3A_164, %broadcast_in_dim3A_169 : vector<1x16xi1>, vector<1x16xi32>
    %add3A_171 = arith.addi %add3A_162, %select_n3A_170 : vector<1x16xi32>
    %sub3A_172 = arith.subi %add3A_171, %mul3A_134 : vector<1x16xi32>
    %eq3A_173 = arith.constant 15 : i32
    %eq3A_174 = vector.broadcast %eq3A_173 : i32 to vector<1x16xi32>
    %eq3A_175 = arith.cmpi eq, %iota3A_135, %eq3A_174 : vector<1x16xi32>
    %jit3A_176 = arith.constant 0 : i32
    %broadcast_in_dim3A_177 = vector.broadcast %jit3A_176 : i32 to vector<1x16xi32>
    %select_n3A_178 = arith.select %eq3A_175, %add3A_171, %broadcast_in_dim3A_177 : vector<1x16xi1>, vector<1x16xi32>
    %reduce_sum3A_179 = vector.shape_cast %select_n3A_178 : vector<1x16xi32> to vector<1x1x16xi32>
    %reduce_sum3A_180 = arith.constant dense<0> : vector<1xi32>
    %reduce_sum3A_181 = vector.multi_reduction <add>, %reduce_sum3A_179, %reduce_sum3A_180 [1, 2] : vector<1x1x16xi32> to vector<1xi32>
    %reduce_sum3A_182 = vector.shape_cast %reduce_sum3A_181 : vector<1xi32> to vector<1x1x1xi32>
    %reduce_sum3A_183 = vector.extract %reduce_sum3A_182[0, 0, 0] : i32 from vector<1x1x1xi32>
    %mul3A_184 = vector.broadcast %sub3A_172 : vector<1x16xi32> to vector<2048x16xi32>
    %mul3A_185 = arith.muli %convert_element_type3A, %mul3A_184 : vector<2048x16xi32>
    %reduce_sum3A_186 = arith.constant dense<0> : vector<2048xi32>
    %reduce_sum3A_187 = vector.multi_reduction <add>, %mul3A_185, %reduce_sum3A_186 [1] : vector<2048x16xi32> to vector<2048xi32>
    %add3A_188 = arith.addi %reduce_sum3A_187, %sub3A_99 : vector<2048xi32>
    %swap3A = arith.constant 0 : index
    %swap3A_189 = vector.load %arg1[%swap3A] : memref<2048xi32, #tpu.memory_space<vmem>>, vector<2048xi32>
    tpu.vector_store %arg1[%swap3A], %add3A_188 {strides = array<i32>} : memref<2048xi32, #tpu.memory_space<vmem>>, vector<2048xi32>,
    %iota3A_190 = tpu.iota {dimensions = array<i32: 0>} : vector<32x16xi32>
    %mul3A_191 = arith.constant 128 : i32
    %mul3A_192 = vector.broadcast %mul3A_191 : i32 to vector<32x16xi32>
    %mul3A_193 = arith.muli %iota3A_190, %mul3A_192 : vector<32x16xi32>
    %broadcast_in_dim3A_194 = vector.shape_cast %add3A_171 : vector<1x16xi32> to vector<1x16xi32>
    %broadcast_in_dim3A_195 = vector.broadcast %broadcast_in_dim3A_194 : vector<1x16xi32> to vector<32x16xi32>
    %le3A = arith.cmpi sle, %broadcast_in_dim3A_195, %mul3A_193 : vector<32x16xi32>
    %convert_element_type3A_196 = arith.extui %le3A : vector<32x16xi1> to vector<32x16xi32>
    %reduce_sum3A_197 = arith.constant dense<0> : vector<32xi32>
    %reduce_sum3A_198 = vector.multi_reduction <add>, %convert_element_type3A_196, %reduce_sum3A_197 [1] : vector<32x16xi32> to vector<32xi32>
    %min3A = arith.constant 15 : i32
    %min3A_199 = vector.broadcast %min3A : i32 to vector<32xi32>
    %min3A_200 = arith.minsi %reduce_sum3A_198, %min3A_199 : vector<32xi32>
    %iota3A_201 = tpu.iota {dimensions = array<i32: 1>} : vector<1x32xi32>
    %iota3A_202 = vector.shape_cast %iota3A_201 : vector<1x32xi32> to vector<32xi32>
    %mul3A_203 = arith.constant 128 : i32
    %mul3A_204 = vector.broadcast %mul3A_203 : i32 to vector<32xi32>
    %mul3A_205 = arith.muli %iota3A_202, %mul3A_204 : vector<32xi32>
    %lt3A = vector.broadcast %reduce_sum3A_183 : i32 to vector<32xi32>
    %lt3A_206 = arith.cmpi slt, %mul3A_205, %lt3A : vector<32xi32>
    %convert_element_type3A_207 = arith.extui %lt3A_206 : vector<32xi1> to vector<32xi32>
    %sub3A_208 = arith.constant 1 : i32
    %sub3A_209 = arith.subi %reduce_sum3A_183, %sub3A_208 : i32
    %le3A_210 = vector.broadcast %sub3A_209 : i32 to vector<1x16xi32>
    %le3A_211 = arith.cmpi sle, %add3A_171, %le3A_210 : vector<1x16xi32>
    %convert_element_type3A_212 = arith.extui %le3A_211 : vector<1x16xi1> to vector<1x16xi32>
    %reduce_sum3A_213 = vector.shape_cast %convert_element_type3A_212 : vector<1x16xi32> to vector<1x1x16xi32>
    %reduce_sum3A_214 = arith.constant dense<0> : vector<1xi32>
    %reduce_sum3A_215 = vector.multi_reduction <add>, %reduce_sum3A_213, %reduce_sum3A_214 [1, 2] : vector<1x1x16xi32> to vector<1xi32>
    %reduce_sum3A_216 = vector.shape_cast %reduce_sum3A_215 : vector<1xi32> to vector<1x1x1xi32>
    %reduce_sum3A_217 = vector.extract %reduce_sum3A_216[0, 0, 0] : i32 from vector<1x1x1xi32>
    %min3A_218 = arith.constant 15 : i32
    %min3A_219 = arith.minsi %reduce_sum3A_217, %min3A_218 : i32
    %jit3A_220 = arith.constant 128 : i32
    %div3A_221 = arith.divsi %reduce_sum3A_183, %jit3A_220 : i32
    %sign3A_222 = arith.constant 0 : i32
    %sign3A_223 = arith.cmpi sgt, %reduce_sum3A_183, %sign3A_222 : i32
    %sign3A_224 = arith.extui %sign3A_223 : i1 to i32
    %sign3A_225 = arith.constant 0 : i32
    %sign3A_226 = arith.cmpi slt, %reduce_sum3A_183, %sign3A_225 : i32
    %sign3A_227 = arith.extui %sign3A_226 : i1 to i32
    %sign3A_228 = arith.subi %sign3A_224, %sign3A_227 : i32
    %sign3A_229 = arith.constant 0 : i32
    %sign3A_230 = arith.cmpi sgt, %jit3A_220, %sign3A_229 : i32
    %sign3A_231 = arith.extui %sign3A_230 : i1 to i32
    %sign3A_232 = arith.constant 0 : i32
    %sign3A_233 = arith.cmpi slt, %jit3A_220, %sign3A_232 : i32
    %sign3A_234 = arith.extui %sign3A_233 : i1 to i32
    %sign3A_235 = arith.subi %sign3A_231, %sign3A_234 : i32
    %ne3A_236 = arith.cmpi ne, %sign3A_228, %sign3A_235 : i32
    %rem3A_237 = arith.remsi %reduce_sum3A_183, %jit3A_220 : i32
    %ne3A_238 = arith.constant 0 : i32
    %ne3A_239 = arith.cmpi ne, %rem3A_237, %ne3A_238 : i32
    %and3A_240 = arith.andi %ne3A_236, %ne3A_239 : i1
    %sub3A_241 = arith.constant 1 : i32
    %sub3A_242 = arith.subi %div3A_221, %sub3A_241 : i32
    %select_n3A_243 = arith.select %and3A_240, %sub3A_242, %div3A_221 : i32
    %eq3A_244 = arith.constant 1 : i32
    %eq3A_245 = vector.broadcast %eq3A_244 : i32 to vector<32xi32>
    %eq3A_246 = arith.cmpi eq, %convert_element_type3A_207, %eq3A_245 : vector<32xi32>
    %broadcast_in_dim3A_247 = vector.broadcast %min3A_219 : i32 to vector<32xi32>
    %select_n3A_248 = arith.select %eq3A_246, %min3A_200, %broadcast_in_dim3A_247 : vector<32xi1>, vector<32xi32>
    %swap3A_249 = arith.constant 0 : index
    %swap3A_250 = vector.load %arg2[%swap3A_249] : memref<32xi32, #tpu.memory_space<vmem>>, vector<32xi32>
    tpu.vector_store %arg2[%swap3A_249], %select_n3A_248 {strides = array<i32>} : memref<32xi32, #tpu.memory_space<vmem>>, vector<32xi32>,
    %swap3A_251 = arith.constant 0 : index
    %swap3A_252 = vector.load %arg3[%swap3A_251] : memref<32xi32, #tpu.memory_space<vmem>>, vector<32xi32>
    tpu.vector_store %arg3[%swap3A_251], %convert_element_type3A_207 {strides = array<i32>} : memref<32xi32, #tpu.memory_space<vmem>>, vector<32xi32>,
    %eq3A_253 = arith.constant 1 : i32
    %eq3A_254 = vector.broadcast %eq3A_253 : i32 to vector<32xi32>
    %eq3A_255 = arith.cmpi eq, %convert_element_type3A_207, %eq3A_254 : vector<32xi32>
    %sub3A_256 = arith.constant 1 : i32
    %sub3A_257 = arith.subi %select_n3A_243, %sub3A_256 : i32
    %broadcast_in_dim3A_258 = vector.broadcast %sub3A_257 : i32 to vector<32xi32>
    %select_n3A_259 = arith.select %eq3A_255, %iota3A_202, %broadcast_in_dim3A_258 : vector<32xi1>, vector<32xi32>
    %swap3A_260 = arith.constant 0 : index
    %swap3A_261 = vector.load %arg4[%swap3A_260] : memref<32xi32, #tpu.memory_space<vmem>>, vector<32xi32>
    tpu.vector_store %arg4[%swap3A_260], %select_n3A_259 {strides = array<i32>} : memref<32xi32, #tpu.memory_space<vmem>>, vector<32xi32>,
    return
  }
}

module attributes {stable_mosaic.version = 14 : i64} {
  func.func @_moe_mlp_body(%arg0: i32, %arg1: memref<32xi32, #tpu.memory_space<smem>>, %arg2: memref<32xi32, #tpu.memory_space<smem>>, %arg3: memref<32xi32, #tpu.memory_space<smem>>, %arg4: memref<128x768xf32, #tpu.memory_space<vmem>>, %arg5: memref<1x512x768xf32, #tpu.memory_space<vmem>>, %arg6: memref<1x768x256xf32, #tpu.memory_space<vmem>>, %arg7: memref<128x1xf32, #tpu.memory_space<vmem>>, %arg8: memref<128x768xf32, #tpu.memory_space<vmem>>) attributes {dimension_semantics = [#tpu.dimension_semantics<arbitrary>], iteration_bounds = array<i64: 32>, scalar_prefetch = 3 : i64, scratch_operands = 0 : i64, tpu.core_type = #tpu.core_type<tc>, window_params = [{transform_indices = @transform_0, window_bounds = array<i64: 128, 768>}, {transform_indices = @transform_1, window_bounds = array<i64: 1, 512, 768>}, {transform_indices = @transform_2, window_bounds = array<i64: 1, 768, 256>}, {transform_indices = @transform_3, window_bounds = array<i64: 128, 1>}, {transform_indices = @transform_4, window_bounds = array<i64: 128, 768>}]} {
    %get3A = arith.index_cast %arg0 : i32 to index
    %get3A_0 = memref.load %arg2[%get3A] : memref<32xi32, #tpu.memory_space<smem>>
    %eq3A = arith.constant 1 : i32
    %eq3A_1 = arith.cmpi eq, %get3A_0, %eq3A : i32
    %convert_element_type3A = arith.extui %eq3A_1 : i1 to i32
    %cond3A = arith.constant 0 : i32
    %cond3A_2 = arith.cmpi ne, %convert_element_type3A, %cond3A : i32
    scf.if %cond3A_2 {
      %get3A_3 = arith.constant 0 : index
      %get3A_4 = arith.constant 0 : index
      %get3A_5 = vector.load %arg4[%get3A_3, %get3A_4] : memref<128x768xf32, #tpu.memory_space<vmem>>, vector<128x768xf32>
      %get3A_6 = arith.constant 0 : index
      %get3A_7 = arith.constant 0 : index
      %get3A_8 = arith.constant 0 : index
      %get3A_9 = vector.load %arg5[%get3A_6, %get3A_7, %get3A_8] : memref<1x512x768xf32, #tpu.memory_space<vmem>>, vector<1x512x768xf32>
      %get3A_10 = vector.shape_cast %get3A_9 : vector<1x512x768xf32> to vector<512x768xf32>
      %dot_general3A = arith.constant dense<0.000000e+00> : vector<128x512xf32>
      %dot_general3A_11 = tpu.matmul %get3A_5, %get3A_10, %dot_general3A {dimension_numbers = #tpu.dot_dimension_numbers<[1], [1], [0], [0], [0, 0, 1, 0], [], []>, transpose_lhs_hint = false} : vector<128x768xf32>, vector<512x768xf32>, vector<128x512xf32> -> vector<128x512xf32>
      %slice3A = vector.extract_strided_slice %dot_general3A_11 {offsets = [0, 0], sizes = [128, 256], strides = [1, 1]} : vector<128x512xf32> to vector<128x256xf32>
      %slice3A_12 = vector.extract_strided_slice %dot_general3A_11 {offsets = [0, 256], sizes = [128, 256], strides = [1, 1]} : vector<128x512xf32> to vector<128x256xf32>
      %logistic3A = arith.negf %slice3A : vector<128x256xf32>
      %logistic3A_13 = math.exp %logistic3A : vector<128x256xf32>
      %logistic3A_14 = arith.constant 1.000000e+00 : f32
      %logistic3A_15 = vector.broadcast %logistic3A_14 : f32 to vector<128x256xf32>
      %logistic3A_16 = arith.addf %logistic3A_15, %logistic3A_13 : vector<128x256xf32>
      %logistic3A_17 = arith.divf %logistic3A_15, %logistic3A_16 : vector<128x256xf32>
      %mul3A = arith.mulf %slice3A, %logistic3A_17 : vector<128x256xf32>
      %mul3A_18 = arith.mulf %mul3A, %slice3A_12 : vector<128x256xf32>
      %get3A_19 = arith.constant 0 : index
      %get3A_20 = arith.constant 0 : index
      %get3A_21 = arith.constant 0 : index
      %get3A_22 = vector.load %arg6[%get3A_19, %get3A_20, %get3A_21] : memref<1x768x256xf32, #tpu.memory_space<vmem>>, vector<1x768x256xf32>
      %get3A_23 = vector.shape_cast %get3A_22 : vector<1x768x256xf32> to vector<768x256xf32>
      %dot_general3A_24 = arith.constant dense<0.000000e+00> : vector<128x768xf32>
      %dot_general3A_25 = tpu.matmul %mul3A_18, %get3A_23, %dot_general3A_24 {dimension_numbers = #tpu.dot_dimension_numbers<[1], [1], [0], [0], [0, 0, 1, 0], [], []>, transpose_lhs_hint = false} : vector<128x256xf32>, vector<768x256xf32>, vector<128x768xf32> -> vector<128x768xf32>
      %get3A_26 = arith.constant 0 : index
      %get3A_27 = arith.constant 0 : index
      %get3A_28 = vector.load %arg7[%get3A_26, %get3A_27] : memref<128x1xf32, #tpu.memory_space<vmem>>, vector<128x1xf32>
      %mul3A_29 = vector.broadcast %get3A_28 : vector<128x1xf32> to vector<128x768xf32>
      %mul3A_30 = arith.mulf %dot_general3A_25, %mul3A_29 : vector<128x768xf32>
      %swap3A = arith.constant 0 : index
      %swap3A_31 = arith.constant 0 : index
      %swap3A_32 = vector.load %arg8[%swap3A, %swap3A_31] : memref<128x768xf32, #tpu.memory_space<vmem>>, vector<128x768xf32>
      tpu.vector_store %arg8[%swap3A, %swap3A_31], %mul3A_30 {strides = array<i32>} : memref<128x768xf32, #tpu.memory_space<vmem>>, vector<128x768xf32>,
    } else {
    }
    return
  }
  func.func @transform_0(%arg0: i32, %arg1: memref<32xi32, #tpu.memory_space<smem>>, %arg2: memref<32xi32, #tpu.memory_space<smem>>, %arg3: memref<32xi32, #tpu.memory_space<smem>>) -> (i32, i32) {
    %get3A = arith.index_cast %arg0 : i32 to index
    %get3A_0 = memref.load %arg3[%get3A] : memref<32xi32, #tpu.memory_space<smem>>
    %c0_i32 = arith.constant 0 : i32
    %c0_i32_1 = arith.constant 0 : i32
    return %get3A_0, %c0_i32 : i32, i32
  }
  func.func @transform_1(%arg0: i32, %arg1: memref<32xi32, #tpu.memory_space<smem>>, %arg2: memref<32xi32, #tpu.memory_space<smem>>, %arg3: memref<32xi32, #tpu.memory_space<smem>>) -> (i32, i32, i32) {
    %get3A = arith.index_cast %arg0 : i32 to index
    %get3A_0 = memref.load %arg1[%get3A] : memref<32xi32, #tpu.memory_space<smem>>
    %c0_i32 = arith.constant 0 : i32
    %c0_i32_1 = arith.constant 0 : i32
    %c0_i32_2 = arith.constant 0 : i32
    return %get3A_0, %c0_i32, %c0_i32_1 : i32, i32, i32
  }
  func.func @transform_2(%arg0: i32, %arg1: memref<32xi32, #tpu.memory_space<smem>>, %arg2: memref<32xi32, #tpu.memory_space<smem>>, %arg3: memref<32xi32, #tpu.memory_space<smem>>) -> (i32, i32, i32) {
    %get3A = arith.index_cast %arg0 : i32 to index
    %get3A_0 = memref.load %arg1[%get3A] : memref<32xi32, #tpu.memory_space<smem>>
    %c0_i32 = arith.constant 0 : i32
    %c0_i32_1 = arith.constant 0 : i32
    %c0_i32_2 = arith.constant 0 : i32
    return %get3A_0, %c0_i32, %c0_i32_1 : i32, i32, i32
  }
  func.func @transform_3(%arg0: i32, %arg1: memref<32xi32, #tpu.memory_space<smem>>, %arg2: memref<32xi32, #tpu.memory_space<smem>>, %arg3: memref<32xi32, #tpu.memory_space<smem>>) -> (i32, i32) {
    %get3A = arith.index_cast %arg0 : i32 to index
    %get3A_0 = memref.load %arg3[%get3A] : memref<32xi32, #tpu.memory_space<smem>>
    %c0_i32 = arith.constant 0 : i32
    %c0_i32_1 = arith.constant 0 : i32
    return %get3A_0, %c0_i32 : i32, i32
  }
  func.func @transform_4(%arg0: i32, %arg1: memref<32xi32, #tpu.memory_space<smem>>, %arg2: memref<32xi32, #tpu.memory_space<smem>>, %arg3: memref<32xi32, #tpu.memory_space<smem>>) -> (i32, i32) {
    %get3A = arith.index_cast %arg0 : i32 to index
    %get3A_0 = memref.load %arg3[%get3A] : memref<32xi32, #tpu.memory_space<smem>>
    %c0_i32 = arith.constant 0 : i32
    %c0_i32_1 = arith.constant 0 : i32
    return %get3A_0, %c0_i32 : i32, i32
  }
}

</mosaic_0001>

<sc_bundles>
// kernel: kernel.6.cloned.1.call-start
scs
__scs_entry_jumppad:
0x0: {  	(pc) =	sbr.rel $0x88, $3  }
0x1: {  	(tag) =	ssettag $0x0;
	lr =	simm.s32 $0x1  }
0x2: {  	[smem:$0x3F9C] =	sst lr;
	_ =	strace $0xD0000000  }
0x3: {  	_ = 	snop  }
0x4: {  	_ = 	snop  }
0x5: {  	_ = 	snop  }
0x6: {  	_ = 	snop  }
0x7: {  	_ = 	snop  }
__scs_overlays_trampoline_lowered:
0x8: {  	[smem:$0x3FAB] =	sst s0  }
0x9: {  	[smem:$0x3FAC] =	sst s1  }
0xa: {  	[smem:$0x3FAD] =	sst s2  }
0xb: {  	[smem:$0x3FAE] =	sst s3  }
0xc: {  	[smem:$0x3FAF] =	sst s4  }
0xd: {  	[smem:$0x3FB0] =	sst s5  }
0xe: {  	[smem:$0x3FB1] =	sst s6  }
0xf: {  	[smem:$0x3FB2] =	sst s7  }
0x10: {  	[smem:$0x3FB3] =	sst s8  }
0x11: {  	[smem:$0x3FB4] =	sst s9;
	s0 =	simm.s32 @!p0 $0x0  }
0x12: {  	s1 =	sld [smem:$0x3F9A];
	s0 =	simm.s32 @p0 $0x1  }
0x13: {  	[smem:$0x3FB5] =	sst s0;
	s0 =	simm.s32 @!p1 $0x0  }
0x14: {  	s2 =	sld [smem:$0x3F99];
	s0 =	simm.s32 @p1 $0x1  }
0x15: {  	[smem:$0x3FB6] =	sst s0;
	s0 =	simm.s32 @!p2 $0x0  }
0x16: {  	s3 =	sld [smem:$0x3FDB];
	s0 =	simm.s32 @p2 $0x1  }
0x17: {  	s4 =	simm.s32 $0x1BF5;
	[smem:$0x3FB8] =	sst s0  }
0x18: {  	s0 =	sld [smem:$0x3F9B];
	_ =	swait.ge [sflag:s4], $0x0  }
0x19: {  	s7 =	sld [smem:$0x3F9C]  }
0x1a: {  	s8 =	sadd.s32 $0xFFFFE003, lr  }
0x1b: {  	s9 =	sadd.s32 $0xFFFFFEF7, lr;
	s5 =	simm.s32 $0xFFFFFFFF;
	p2 =	slt.u32 s8, $0xFFFFF086  }
0x1c: {  	p1 =	slt.u32 s9, $0xF7A;
	s5 =	simm.s32 @!p2 $0x0  }
0x1d: {  	s5 =	simm.s32 @p1 $0x1;
	p0 =	seq.s32 s7, s2  }
0x1e: {  	s7 =	smul.u32 @!p0 $0xF7A, s2;
	p2 =	seq.s32 @!p0 s5, $0x0  }
0x1f: {  	s9 =	smul.u32 $0xF7A, s1;
	s8 =	simm.s32 @!p0 $0x1BF5;
	p2 =	por !p2, p0  }
0x20: {  	[sflag:s8] =	ssyncset.s32 @!p0 $0xFFFFF086;
	s6 =	sadd.s32 @!p0 s3, s7;
	s7 =	simm.s32 @!p0 $0x108  }
0x21: {  	s3 =	sadd.s32 s3, s9;
	s6 =	sadd.s32 @!p0 $0x88, s6;
	s7 =	simm.s32 @p2 $0x1082  }
0x22: {  	[simem:s7], [sflag:s8] =	dma.local @!p0 [hbm:s6], $0xF7A  }
0x23: {  	s9 =	sor.u32 $0xD0000000, s2;
	s6 =	simm.s32 $0x108;
	_ =	swait.ge @!p0 [sflag:s8], $0x0  }
0x24: {  	s3 =	sadd.s32 $0x88, s3;
	s6 =	simm.s32 @!p1 $0x1082;
	[sflag:s4] =	ssyncset.s32 $0xFFFFF086  }
0x25: {  	[simem:s6], [sflag:s4] =	dma.local [hbm:s3], $0xF7A  }
0x26: {  	[smem:$0x3F9C] =	sst s1;
	(tag) =	ssettag s2;
	_ =	strace s9  }
0x27: {  	s1 =	sld [smem:$0x3FAC]  }
0x28: {  	s2 =	sld [smem:$0x3FAD]  }
0x29: {  	s4 =	sld [smem:$0x3FAF]  }
0x2a: {  	p0 =	seq.s32 s5, $0x0;
	s5 =	sld [smem:$0x3FB0]  }
0x2b: {  	s6 =	sld [smem:$0x3FB1]  }
0x2c: {  	s7 =	sld [smem:$0x3FB2]  }
0x2d: {  	s3 =	simm.s32 $0x108;
	s8 =	sld [smem:$0x3FB3]  }
0x2e: {  	s3 =	simm.s32 @!p0 $0x1082;
	s9 =	sld [smem:$0x3FB4]  }
0x2f: {  	lr =	sadd.s32 s0, s3;
	s0 =	sld [smem:$0x3FAB]  }
0x30: {  	s3 =	sld [smem:$0x3FAE]  }
0x31: {  	[smem:$0x3FB7] =	sst s10  }
0x32: {  	s10 =	sld [smem:$0x3FB5];
	_ =	sdelay $0x3  }
0x33: {  	p0 =	seq.s32 s10, $0x1;
	s10 =	sld [smem:$0x3FB7];
	_ =	sdelay $0x3  }
0x34: {  	[smem:$0x3FB7] =	sst s10  }
0x35: {  	s10 =	sld [smem:$0x3FB6];
	_ =	sdelay $0x3  }
0x36: {  	p1 =	seq.s32 s10, $0x1;
	s10 =	sld [smem:$0x3FB7];
	_ =	sdelay $0x3  }
0x37: {  	[smem:$0x3FB7] =	sst s10  }
0x38: {  	s10 =	sld [smem:$0x3FB8]  }
0x39: {  	_ = 	snop;
	(pc) =	sbr.ind lr, $3  }
0x3a: {  	_ = 	snop  }
0x3b: {  	_ = 	snop  }
0x3c: {  	p2 =	seq.s32 s10, $0x1;
	s10 =	sld [smem:$0x3FB7]  }
0x3d: {  	_ =	shalt  }
0x3e: {  	_ =	shalt  }
0x3f: {  	_ =	shalt  }
0x40: {  	_ =	shalt  }
0x41: {  	_ =	shalt  }
0x42: {  	_ =	shalt  }
0x43: {  	_ =	shalt  }
0x44: {  	_ =	shalt  }
0x45: {  	_ =	shalt  }
0x46: {  	_ =	shalt  }
0x47: {  	_ =	shalt  }
0x48: {  	_ =	shalt  }
0x49: {  	_ =	shalt  }
0x4a: {  	_ =	shalt  }
0x4b: {  	_ =	shalt  }
0x4c: {  	_ =	shalt  }
0x4d: {  	_ =	shalt  }
0x4e: {  	_ =	shalt  }
0x4f: {  	_ =	shalt  }
0x50: {  	_ =	shalt  }
0x51: {  	_ =	shalt  }
0x52: {  	_ =	shalt  }
0x53: {  	_ =	shalt  }
0x54: {  	_ =	shalt  }
0x55: {  	_ =	shalt  }
0x56: {  	_ =	shalt  }
0x57: {  	_ =	shalt  }
0x58: {  	_ =	shalt  }
0x59: {  	_ =	shalt  }
0x5a: {  	_ =	shalt  }
0x5b: {  	_ =	shalt  }
0x5c: {  	_ =	shalt  }
0x5d: {  	_ =	shalt  }
0x5e: {  	_ =	shalt  }
0x5f: {  	_ =	shalt  }
0x60: {  	_ =	shalt  }
0x61: {  	_ =	shalt  }
0x62: {  	_ =	shalt  }
0x63: {  	_ =	shalt  }
0x64: {  	_ =	shalt  }
0x65: {  	_ =	shalt  }
0x66: {  	_ =	shalt  }
0x67: {  	_ =	shalt  }
0x68: {  	_ =	shalt  }
0x69: {  	_ =	shalt  }
0x6a: {  	_ =	shalt  }
0x6b: {  	_ =	shalt  }
0x6c: {  	_ =	shalt  }
0x6d: {  	_ =	shalt  }
0x6e: {  	_ =	shalt  }
0x6f: {  	_ =	shalt  }
0x70: {  	_ =	shalt  }
0x71: {  	_ =	shalt  }
0x72: {  	_ =	shalt  }
0x73: {  	_ =	shalt  }
0x74: {  	_ =	shalt  }
0x75: {  	_ =	shalt  }
0x76: {  	_ =	shalt  }
0x77: {  	_ =	shalt  }
0x78: {  	_ =	shalt  }
0x79: {  	_ =	shalt  }
0x7a: {  	_ =	shalt  }
0x7b: {  	_ =	shalt  }
0x7c: {  	_ =	shalt  }
0x7d: {  	_ =	shalt  }
0x7e: {  	_ =	shalt  }
0x7f: {  	_ =	shalt  }
0x80: {  	_ =	shalt  }
0x81: {  	_ =	shalt  }
0x82: {  	_ =	shalt  }
0x83: {  	_ =	shalt  }
0x84: {  	_ =	shalt  }
0x85: {  	_ =	shalt  }
0x86: {  	_ =	shalt  }
0x87: {  	_ =	shalt  }
.Lfunc_end0:
.L_simem_size_0:
called_computation_lowered:
.L_overlay_start_0:
0x88: {  	s2 =	sld [smem:$0x3FD9]  }
0x89: {  	s3 =	sld [smem:$0x3FFE];
	_ =	sdelay $0x1  }
0x8a: {  	s1 =	srdreg.scid  }
0x8b: {  	s0 =	sand.u32 $0x1, s1  }
0x8c: {  	s17 =	sshll.u32 s0, $0xA;
	s2 =	sadd.s32 s3, s2  }
0x8d: {  	s2 =	sadd.s32 s2, s17  }
0x8e: {  	[smem:$0x3FC3] =	sst s2  }
0x8f: {  	_ = 	snop  }
0x90: {  	s2 =	sld [smem:$0x3FC9]  }
0x91: {  	s18 =	sld [smem:$0x3FC7]  }
0x92: {  	s4 =	sld [smem:$0x3FD0];
	(tm) =	ssettm $0x1  }
0x93: {  	s5 =	sld [smem:$0x3FFB];
	_ =	sdelay $0x3  }
0x94: {  	_ =	strace s5  }
0x95: {  	s5 =	sld [smem:$0x3FFC];
	_ =	sdelay $0x3  }
0x96: {  	_ =	strace s5  }
0x97: {  	s5 =	sld [smem:$0x3FFD];
	_ =	sdelay $0x3  }
0x98: {  	_ =	strace s5  }
0x99: {  	_ =	strace $0x8FFFFFFF  }
0x9a: {  	s19 =	sld [smem:$0x3FDB];
	_ =	sdelay $0x1  }
0x9b: {  	s6 =	simm.s32 $_scs_section_size  }
0x9c: {  	s7 =	simm.s32 $_size__tile_overlayer_lowered;
	s8 =	simm.s32 $_tile_overlayer_lowered  }
0x9d: {  	s22 =	simm.s32 $0x1BFF;
	s21 =	sshll.u32 s8, $0x1;
	s5 =	sadd.s32 s6, s19  }
0x9e: {  	s9 =	simm.s32 $0x0;
	s20 =	sshll.u32 s7, $0x1;
	s7 =	sadd.s32 s21, s5  }
0x9f: {  	[timem:s9], [sflag:s22] =	dma.local [hbm:s7], s20  }
0xa0: {  	_ =	swait.ge [sflag:s22], s20  }
0xa1: {  	s6 =	ssub.s32 $0x0, s20;
	[sflag:s22] =	ssyncset.done $0x0  }
0xa2: {  	[sflag:s22] =	ssyncadd.s32 s6;
	_ =	sdelay $0x1  }
0xa3: {  	s23 =	simm.s32 $0x1B8B  }
0xa4: {  	_ =	swait.ge [sflag:s23], $0x1  }
0xa5: {  	[sflag:s23] =	ssyncset.done $0x0  }
0xa6: {  	s25 =	simm.s32 $0x1B8E;
	s24 =	sld [smem:$0x3FFE];
	[sflag:s23] =	ssyncadd.s32 $0xFFFFFFFF  }
0xa7: {  	s26 =	simm.s32 $execute0_lowered;
	[smem:$0x3FD2] =	sst s25  }
0xa8: {  	s7 =	sshll.u32 s26, $0x1;
	_ =	strace $0x80000046;
	[dreg:$0x1] =	wrdreg $0xFFFFFFFF  }
0xa9: {  	s28 =	simm.s32 $_size_execute0_lowered;
	s5 =	sadd.s32 s5, s7;
	[dreg:$0x0] =	wrdreg $0x0  }
0xaa: {  	s7 =	sshll.u32 s28, $0x1;
	[dreg:$0x2] =	wrdreg s5  }
0xab: {  	[dreg:$0x3] =	wrdreg s7  }
0xac: {  	[dreg:$0x4] =	wrdreg $0xC0  }
0xad: {  	_ =	task [dreg:s9], $0x5FFFF  }
0xae: {  	[dreg:$0x1] =	wrdreg $0xFFFFFFFF  }
0xaf: {  	[dreg:$0x0] =	wrdreg $0x60  }
0xb0: {  	[dreg:$0x2] =	wrdreg s2  }
0xb1: {  	[dreg:$0x3] =	wrdreg s24  }
0xb2: {  	[dreg:$0x4] =	wrdreg s18  }
0xb3: {  	[dreg:$0x5] =	wrdreg s4  }
0xb4: {  	[dreg:$0x6] =	wrdreg $0x9  }
0xb5: {  	_ =	task.clear_ibuf [dreg:s9], $0x7FFFF;
	_ =	strace $0x90000046  }
0xb6: {  	s29 =	simm.s32 $0x9;
	_ =	strace $0x80000048  }
0xb7: {  	_ =	swait.ge [sflag:s29], $0x1  }
0xb8: {  	[sflag:s29] =	ssyncadd.s32 $0xFFFFFFFF  }
0xb9: {  	_ =	strace $0x90000048  }
0xba: {  	_ =	sfence  }
0xbb: {  	s30 =	sld [smem:$0x0];
	_ =	sdelay $0x2  }
0xbc: {  	s31 =	sshll.u32 s1, $0xD;
	s1 =	sshrl.u32 s1, $0x2  }
0xbd: {  	s3 =	sand.u32 $0x4000, s31;
	s1 =	sadd.s32 s1, s30  }
0xbe: {  	s0 =	sor.u32 s3, s0;
	s1 =	sshll.u32 s1, $0x11  }
0xbf: {  	s0 =	sor.u32 s1, s0  }
0xc0: {  	s0 =	sadd.s32 $0x8F2B, s0  }
0xc1: {  	[sflag:s0] =	ssyncadd.remote.s32 $0x1  }
0xc2: {  	_ =	sfence.sel $0xFFFF  }
0xc3: {  	[dreg:$0x0] =	wrdreg $0xFFFFFFFF;
	(pc) =	sbr.abs _section_cstart, $3  }
0xc4: {  	[dreg:$0x1] =	wrdreg $0xFFFFFFFF  }
0xc5: {  	_ =	task.clear_ibuf [dreg:s9], $0x2FFFF;
	_ =	strace $0x9FFFFFFF  }
0xc6: {  	(tm) =	ssettm $0x7FFFFFFF  }
0xc7: {  	_ =	shalt  }
tec
execute0_lowered:
.L_overlay_start_1:
0x0: {  	(tag) =	ssettag $0x1  }
0x1: {  	s1 =	rddreg [dreg:$0x0]  }
0x2: {  	s5 =	rddreg [dreg:$0x1]  }
0x3: {  	s3 =	rddreg [dreg:$0x2]  }
0x4: {  	s0 =	stileid.u32;
	[dreg:$0x6] =	wrdreg s3  }
0x5: {  	s4 =	sshll.u32 s0, $0x8;
	s0 =	rddreg [dreg:$0x3];
	s3 =	simm.s32 $0x0  }
0x6: {  	s8 =	sadd.s32 $0x1400, s5;
	[smem:$0x7FF] =	sst s3  }
0x7: {  	s10 =	simm.s32 $0x800;
	_ =	strace $0x80000047;
	[dreg:$0x5] =	wrdreg s8  }
0x8: {  	s11 =	simm.s32 $0x5880;
	[dreg:$0x9] =	wrdreg s10  }
0x9: {  	s12 =	simm.s32 $0x6080;
	[dreg:$0xa] =	wrdreg s11  }
0xa: {  	s13 =	simm.s32 $0x6880;
	[dreg:$0xb] =	wrdreg s12  }
0xb: {  	s14 =	simm.s32 $0x7080;
	[dreg:$0xc] =	wrdreg s13  }
0xc: {  	s15 =	simm.s32 $0x7880;
	[dreg:$0xd] =	wrdreg s14  }
0xd: {  	s16 =	simm.s32 $0x8080;
	[dreg:$0xe] =	wrdreg s15  }
0xe: {  	s2 =	srdreg.scid;
	s17 =	simm.s32 $0x8880;
	[dreg:$0xf] =	wrdreg s16  }
0xf: {  	s18 =	simm.s32 $0x9080;
	s20 =	simm.s32 $0x9880;
	[dreg:$0x10] =	wrdreg s17  }
0x10: {  	s22 =	simm.s32 $0xA080;
	s24 =	simm.s32 $0xA880;
	[dreg:$0x11] =	wrdreg s18  }
0x11: {  	s26 =	simm.s32 $0xB080;
	s28 =	simm.s32 $0x1B080;
	[dreg:$0x12] =	wrdreg s20  }
0x12: {  	s29 =	simm.s32 $0x1B880;
	s30 =	simm.s32 $0x1C080;
	[dreg:$0x13] =	wrdreg s22  }
0x13: {  	s31 =	simm.s32 $0x1C880;
	s2 =	sand.u32 $0x1, s2;
	[dreg:$0x14] =	wrdreg s24  }
0x14: {  	v0 =	vlaneseq.u32;
	s6 =	sshll.u32 s2, $0x7;
	[dreg:$0x15] =	wrdreg s26;
	s11 =	simm.s32 $0xC080  }
0x15: {  	vm0 =	vmmov $0xffff;
	v12 =	vimm.f32 $0.0e+00;
	v10 =	vmul.u32 $0x80, v0;
	s2 =	ssub.s32 $0x2, s2;
	s13 =	simm.s32 $0xC880;
	[dreg:$0x17] =	wrdreg s11  }
0x16: {  	v20 =	vor.u32 $0x10, v0;
	v21 =	vor.u32 $0x20, v0;
	v22 =	vor.u32 $0x30, v0;
	s4 =	sor.u32 s6, s4;
	s14 =	simm.s32 $0xD080;
	[dreg:$0x18] =	wrdreg s13  }
0x17: {  	v23 =	vor.u32 $0x40, v0;
	v24 =	vor.u32 $0x50, v0;
	v25 =	vor.u32 $0x60, v0;
	s15 =	simm.s32 $0xD880;
	s16 =	simm.s32 $0xE080;
	[dreg:$0x19] =	wrdreg s14  }
0x18: {  	v26 =	vor.u32 $0x70, v0;
	v27 =	vor.u32 $0x80, v0;
	v28 =	vor.u32 $0x90, v0;
	s17 =	simm.s32 $0xE880;
	s18 =	simm.s32 $0xF080;
	[dreg:$0x1a] =	wrdreg s15  }
0x19: {  	v29 =	vor.u32 $0xA0, v0;
	v30 =	vor.u32 $0xB0, v0;
	v31 =	vor.u32 $0xC0, v0;
	s20 =	simm.s32 $0xF880;
	s22 =	simm.s32 $0x10880;
	[dreg:$0x1b] =	wrdreg s16  }
0x1a: {  	v32 =	vor.u32 $0xD0, v0;
	v33 =	vor.u32 $0xE0, v0;
	v34 =	vor.u32 $0xF0, v0;
	s24 =	simm.s32 $0x11880;
	s26 =	simm.s32 $0x12880;
	[dreg:$0x1c] =	wrdreg s17  }
0x1b: {  	v35 =	vor.u32 $0x100, v0;
	v36 =	vor.u32 $0x110, v0;
	v37 =	vor.u32 $0x120, v0;
	s7 =	sshrl.u32 s4, $0x3;
	s8 =	sshll.u32 s4, $0x4;
	[dreg:$0x1d] =	wrdreg s18  }
0x1c: {  	v38 =	vor.u32 $0x130, v0;
	v39 =	vor.u32 $0x140, v0;
	v40 =	vor.u32 $0x150, v0;
	s19 =	sor.u32 $0x10, s4;
	s21 =	sor.u32 $0x20, s4;
	[dreg:$0x1e] =	wrdreg s20  }
0x1d: {  	v41 =	vor.u32 $0x160, v0;
	v42 =	vor.u32 $0x170, v0;
	v43 =	vor.u32 $0x180, v0;
	s23 =	sor.u32 $0x30, s4;
	s25 =	sor.u32 $0x40, s4;
	[smem:$0x7F9] =	sst s22  }
0x1e: {  	v44 =	vor.u32 $0x190, v0;
	v45 =	vor.u32 $0x1A0, v0;
	v46 =	vor.u32 $0x1B0, v0;
	s10 =	sor.u32 $0x60, s4;
	s12 =	sor.u32 $0x70, s4;
	[smem:$0x7FB] =	sst s24  }
0x1f: {  	v47 =	vor.u32 $0x1C0, v0;
	v48 =	vor.u32 $0x1D0, v0;
	v49 =	vor.u32 $0x1E0, v0;
	[smem:$0x7FD] =	sst s26;
	s13 =	simm.s32 $0x14080;
	s14 =	simm.s32 $0x14880  }
0x20: {  	v50 =	vor.u32 $0x1F0, v0;
	v51 =	vor.u32 $0x200, v0;
	v52 =	vor.u32 $0x210, v0;
	s15 =	simm.s32 $0x15080;
	s16 =	simm.s32 $0x15880;
	s17 =	simm.s32 $0x16080  }
0x21: {  	v53 =	vor.u32 $0x220, v0;
	v54 =	vor.u32 $0x230, v0;
	v55 =	vor.u32 $0x240, v0;
	s18 =	simm.s32 $0x16880;
	s20 =	simm.s32 $0x17880;
	s22 =	simm.s32 $0x18880  }
0x22: {  	v56 =	vor.u32 $0x250, v0;
	v57 =	vor.u32 $0x260, v0;
	v2 =	vor.u32 s4, v0;
	s24 =	simm.s32 $0x19880;
	s26 =	simm.s32 $0x1A880;
	s7 =	smul.u32 $0x300, s7  }
0x23: {  	v1 =	vmov s4;
	s9 =	sadd.s32 s0, s8;
	v3 =	vor.u32 s19, v0;
	v2 =	vand.u32 $0x78F, v2;
	s0 =	sor.u32 $0x50, s4;
	s4 =	sadd.s32 $0x80, s4  }
0x24: {  	v58 =	vor.u32 $0x270, v0;
	v59 =	vor.u32 $0x280, v0;
	s19 =	sshrl.u32 s2, $0x1;
	s8 =	simm.s32 $0x1080;
	[dreg:$0x8] =	wrdreg s9;
	[tilespmem:$0x1FFB0] =	vst v2;
	v2 =	vand.u32 $0x79F, v3  }
0x25: {  	v60 =	vor.u32 $0x290, v0;
	s9 =	simm.s32 $0xB880;
	v11 =	vmov s4;
	s2 =	ssub.s32 s2, s19;
	s4 =	sadd.s32 $0x100, s1;
	[tilespmem:$0x1FFC0] =	vst v2;
	v2 =	vor.u32 s21, v0  }
0x26: {  	v61 =	vor.u32 $0x2A0, v0;
	v3 =	vor.u32 s25, v0;
	s25 =	simm.s32 $0x12080;
	s19 =	simm.s32 $0x17080;
	s5 =	sadd.s32 s7, s5;
	v2 =	vand.u32 $0x7AF, v2  }
0x27: {  	v62 =	vor.u32 $0x2B0, v0;
	v63 =	vor.u32 $0x2C0, v0;
	[dreg:$0x16] =	wrdreg s9;
	s21 =	simm.s32 $0x10080;
	s6 =	smax.u32 s2, $0x1;
	[tilespmem:$0x1FFD0] =	vst v2;
	v2 =	vor.u32 s23, v0  }
0x28: {  	v13 =	vor.u32 $0x800, v10;
	v14 =	vor.u32 $0x1000, v10;
	s7 =	simm.s32 $0x2;
	[smem:$0x7FC] =	sst s25;
	s9 =	simm.s32 $0x1000;
	v2 =	vand.u32 $0x7BF, v2  }
0x29: {  	v15 =	vor.u32 $0x1800, v10;
	v16 =	vor.u32 $0x2000, v10;
	s25 =	simm.s32 $0x1A080;
	s5 =	sadd.s32 $0x1600, s5;
	[dreg:$0x1f] =	wrdreg s21;
	[tilespmem:$0x1FFE0] =	vst v2;
	v2 =	vand.u32 $0x7CF, v3  }
0x2a: {  	v17 =	vor.u32 $0x2800, v10;
	v18 =	vor.u32 $0x3000, v10;
	s2 =	simm.s32 $0x1;
	[dreg:$0x7] =	wrdreg s5;
	s23 =	simm.s32 $0x11080;
	[tilespmem:$0x1FFF0] =	vst v2;
	v2 =	vor.u32 s0, v0  }
0x2b: {  	s21 =	simm.s32 $0x18080;
	s5 =	sadd.s32 $0x200, s1;
	[smem:$0x7FA] =	sst s23;
	v3 =	vor.u32 s12, v0;
	v7 =	vand.u32 $0x7DF, v2;
	v2 =	vor.u32 s10, v0  }
0x2c: {  	v19 =	vor.u32 $0x3800, v10;
	s23 =	simm.s32 $0x19080;
	s12 =	simm.s32 $0x13880;
	v9 =	vand.u32 $0x7FF, v3;
	s10 =	simm.s32 $0x5080;
	v8 =	vand.u32 $0x7EF, v2  }
.LBB2_1:
0x2d: {  	s0 =	rddreg [dreg:$0x5]  }
0x2e: {  	[tilespmem:s3], [sflag:$0x2] =	stream.linear.gather [hbm4b:s0+s3], $0x800, $0x38;
	[tilespmem:$0x1D080] =	vst v63  }
0x2f: {  	_ =	swait.ge [sflag:s7], $0x800  }
0x30: {  	s0 =	rddreg [dreg:$0x6];
	[sflag:s7] =	ssyncset.done $0x0  }
0x31: {  	s11 =	rddreg [dreg:$0x9];
	[sflag:s7] =	ssyncadd.s32 $0xFFFFF800  }
0x32: {  	[tilespmem:s11], [sflag:$0x2] =	stream.linear.gather [hbm4b:s0+s3], $0x800, $0x38;
	[tilespmem:$0x1D080] =	vst v63  }
0x33: {  	_ =	swait.ge [sflag:s7], $0x800  }
0x34: {  	v2 =	vld [tilespmem:$0x1FFB0];
	_ =	sdelay $0x2  }
0x35: {  	[sflag:s7] =	ssyncset.done $0x0  }
0x36: {  	[sflag:s7] =	ssyncadd.s32 $0xFFFFF800  }
0x37: {  	[tilespmem:$0x1000] =	vst v2;
	v2 =	vld [tilespmem:$0x1FFC0];
	_ =	sdelay $0x3  }
0x38: {  	[tilespmem:v10+s8+$0x0] =	vst.idx.msk $0xffff, v12  }
0x39: {  	[tilespmem:$0x1010] =	vst v2;
	v2 =	vld [tilespmem:$0x1FFD0];
	_ =	sdelay $0x3  }
0x3a: {  	[tilespmem:v13+s8+$0x0] =	vst.idx.msk $0xffff, v12  }
0x3b: {  	[tilespmem:$0x1020] =	vst v2;
	v2 =	vld [tilespmem:$0x1FFE0];
	_ =	sdelay $0x3  }
0x3c: {  	[tilespmem:v14+s8+$0x0] =	vst.idx.msk $0xffff, v12  }
0x3d: {  	[tilespmem:$0x1030] =	vst v2;
	v2 =	vld [tilespmem:$0x1FFF0];
	_ =	sdelay $0x3  }
0x3e: {  	[tilespmem:v15+s8+$0x0] =	vst.idx.msk $0xffff, v12  }
0x3f: {  	[tilespmem:$0x1040] =	vst v2  }
0x40: {  	[tilespmem:v16+s8+$0x0] =	vst.idx.msk $0xffff, v12  }
0x41: {  	[tilespmem:$0x1050] =	vst v7  }
0x42: {  	[tilespmem:v17+s8+$0x0] =	vst.idx.msk $0xffff, v12  }
0x43: {  	[tilespmem:$0x1060] =	vst v8  }
0x44: {  	[tilespmem:v18+s8+$0x0] =	vst.idx.msk $0xffff, v12  }
0x45: {  	[tilespmem:$0x1070] =	vst v9  }
0x46: {  	[tilespmem:v19+s8+$0x0] =	vst.idx.msk $0xffff, v12  }
0x47: {  	v2 =	vld [tilespmem:$0x0];
	_ =	sdelay $0x4  }
0x48: {  	vm1 =	vge.s32 v2, v1;
	vm2 =	vlt.s32 v2, v11  }
0x49: {  	v2 =	vsub.s32 v2, v1;
	vm1 =	vmand vm1, vm2  }
0x4a: {  	v2 =	vnsel vm1, $0x0, v2;
	_ =	sdelay $0x4  }
0x4b: {  	[tilespmem:v2+s9+$0x0] =	vst.idx.msk vm1, v0  }
0x4c: {  	v2 =	vshll.u32 v2, $0x7;
	v3 =	vld [tilespmem:$0x800];
	_ =	sdelay $0x4  }
0x4d: {  	[tilespmem:v2+s8+$0x0] =	vst.idx.msk vm1, v3  }
0x4e: {  	v2 =	vld [tilespmem:$0x10];
	_ =	sdelay $0x4  }
0x4f: {  	vm1 =	vge.s32 v2, v1;
	vm2 =	vlt.s32 v2, v11  }
0x50: {  	v2 =	vsub.s32 v2, v1;
	vm1 =	vmand vm1, vm2  }
0x51: {  	v2 =	vnsel vm1, $0x0, v2;
	_ =	sdelay $0x4  }
0x52: {  	[tilespmem:v2+s9+$0x0] =	vst.idx.msk vm1, v20  }
0x53: {  	v2 =	vshll.u32 v2, $0x7;
	v3 =	vld [tilespmem:$0x810];
	_ =	sdelay $0x4  }
0x54: {  	[tilespmem:v2+s8+$0x0] =	vst.idx.msk vm1, v3  }
0x55: {  	v2 =	vld [tilespmem:$0x20];
	_ =	sdelay $0x4  }
0x56: {  	vm1 =	vge.s32 v2, v1;
	vm2 =	vlt.s32 v2, v11  }
0x57: {  	v2 =	vsub.s32 v2, v1;
	vm1 =	vmand vm1, vm2  }
0x58: {  	v2 =	vnsel vm1, $0x0, v2;
	_ =	sdelay $0x4  }
0x59: {  	[tilespmem:v2+s9+$0x0] =	vst.idx.msk vm1, v21  }
0x5a: {  	v2 =	vshll.u32 v2, $0x7;
	v3 =	vld [tilespmem:$0x820];
	_ =	sdelay $0x4  }
0x5b: {  	[tilespmem:v2+s8+$0x0] =	vst.idx.msk vm1, v3  }
0x5c: {  	v2 =	vld [tilespmem:$0x30];
	_ =	sdelay $0x4  }
0x5d: {  	vm1 =	vge.s32 v2, v1;
	vm2 =	vlt.s32 v2, v11  }
0x5e: {  	v2 =	vsub.s32 v2, v1;
	vm1 =	vmand vm1, vm2  }
0x5f: {  	v2 =	vnsel vm1, $0x0, v2;
	_ =	sdelay $0x4  }
0x60: {  	[tilespmem:v2+s9+$0x0] =	vst.idx.msk vm1, v22  }
0x61: {  	v2 =	vshll.u32 v2, $0x7;
	v3 =	vld [tilespmem:$0x830];
	_ =	sdelay $0x4  }
0x62: {  	[tilespmem:v2+s8+$0x0] =	vst.idx.msk vm1, v3  }
0x63: {  	v2 =	vld [tilespmem:$0x40];
	_ =	sdelay $0x4  }
0x64: {  	vm1 =	vge.s32 v2, v1;
	vm2 =	vlt.s32 v2, v11  }
0x65: {  	v2 =	vsub.s32 v2, v1;
	vm1 =	vmand vm1, vm2  }
0x66: {  	v2 =	vnsel vm1, $0x0, v2;
	_ =	sdelay $0x4  }
0x67: {  	[tilespmem:v2+s9+$0x0] =	vst.idx.msk vm1, v23  }
0x68: {  	v2 =	vshll.u32 v2, $0x7;
	v3 =	vld [tilespmem:$0x840];
	_ =	sdelay $0x4  }
0x69: {  	[tilespmem:v2+s8+$0x0] =	vst.idx.msk vm1, v3  }
0x6a: {  	v2 =	vld [tilespmem:$0x50];
	_ =	sdelay $0x4  }
0x6b: {  	vm1 =	vge.s32 v2, v1;
	vm2 =	vlt.s32 v2, v11  }
0x6c: {  	v2 =	vsub.s32 v2, v1;
	vm1 =	vmand vm1, vm2  }
0x6d: {  	v2 =	vnsel vm1, $0x0, v2;
	_ =	sdelay $0x4  }
0x6e: {  	[tilespmem:v2+s9+$0x0] =	vst.idx.msk vm1, v24  }
0x6f: {  	v2 =	vshll.u32 v2, $0x7;
	v3 =	vld [tilespmem:$0x850];
	_ =	sdelay $0x4  }
0x70: {  	[tilespmem:v2+s8+$0x0] =	vst.idx.msk vm1, v3  }
0x71: {  	v2 =	vld [tilespmem:$0x60];
	_ =	sdelay $0x4  }
0x72: {  	vm1 =	vge.s32 v2, v1;
	vm2 =	vlt.s32 v2, v11  }
0x73: {  	v2 =	vsub.s32 v2, v1;
	vm1 =	vmand vm1, vm2  }
0x74: {  	v2 =	vnsel vm1, $0x0, v2;
	_ =	sdelay $0x4  }
0x75: {  	[tilespmem:v2+s9+$0x0] =	vst.idx.msk vm1, v25  }
0x76: {  	v2 =	vshll.u32 v2, $0x7;
	v3 =	vld [tilespmem:$0x860];
	_ =	sdelay $0x4  }
0x77: {  	[tilespmem:v2+s8+$0x0] =	vst.idx.msk vm1, v3  }
0x78: {  	v2 =	vld [tilespmem:$0x70];
	_ =	sdelay $0x4  }
0x79: {  	vm1 =	vge.s32 v2, v1;
	vm2 =	vlt.s32 v2, v11  }
0x7a: {  	v2 =	vsub.s32 v2, v1;
	vm1 =	vmand vm1, vm2  }
0x7b: {  	v2 =	vnsel vm1, $0x0, v2;
	_ =	sdelay $0x4  }
0x7c: {  	[tilespmem:v2+s9+$0x0] =	vst.idx.msk vm1, v26  }
0x7d: {  	v2 =	vshll.u32 v2, $0x7;
	v3 =	vld [tilespmem:$0x870];
	_ =	sdelay $0x4  }
0x7e: {  	[tilespmem:v2+s8+$0x0] =	vst.idx.msk vm1, v3  }
0x7f: {  	v2 =	vld [tilespmem:$0x80];
	_ =	sdelay $0x4  }
0x80: {  	vm1 =	vge.s32 v2, v1;
	vm2 =	vlt.s32 v2, v11  }
0x81: {  	v2 =	vsub.s32 v2, v1;
	vm1 =	vmand vm1, vm2  }
0x82: {  	v2 =	vnsel vm1, $0x0, v2;
	_ =	sdelay $0x4  }
0x83: {  	[tilespmem:v2+s9+$0x0] =	vst.idx.msk vm1, v27  }
0x84: {  	v2 =	vshll.u32 v2, $0x7;
	v3 =	vld [tilespmem:$0x880];
	_ =	sdelay $0x4  }
0x85: {  	[tilespmem:v2+s8+$0x0] =	vst.idx.msk vm1, v3  }
0x86: {  	v2 =	vld [tilespmem:$0x90];
	_ =	sdelay $0x4  }
0x87: {  	vm1 =	vge.s32 v2, v1;
	vm2 =	vlt.s32 v2, v11  }
0x88: {  	v2 =	vsub.s32 v2, v1;
	vm1 =	vmand vm1, vm2  }
0x89: {  	v2 =	vnsel vm1, $0x0, v2;
	_ =	sdelay $0x4  }
0x8a: {  	[tilespmem:v2+s9+$0x0] =	vst.idx.msk vm1, v28  }
0x8b: {  	v2 =	vshll.u32 v2, $0x7;
	v3 =	vld [tilespmem:$0x890];
	_ =	sdelay $0x4  }
0x8c: {  	[tilespmem:v2+s8+$0x0] =	vst.idx.msk vm1, v3  }
0x8d: {  	v2 =	vld [tilespmem:$0xA0];
	_ =	sdelay $0x4  }
0x8e: {  	vm1 =	vge.s32 v2, v1;
	vm2 =	vlt.s32 v2, v11  }
0x8f: {  	v2 =	vsub.s32 v2, v1;
	vm1 =	vmand vm1, vm2  }
0x90: {  	v2 =	vnsel vm1, $0x0, v2;
	_ =	sdelay $0x4  }
0x91: {  	[tilespmem:v2+s9+$0x0] =	vst.idx.msk vm1, v29  }
0x92: {  	v2 =	vshll.u32 v2, $0x7;
	v3 =	vld [tilespmem:$0x8A0];
	_ =	sdelay $0x4  }
0x93: {  	[tilespmem:v2+s8+$0x0] =	vst.idx.msk vm1, v3  }
0x94: {  	v2 =	vld [tilespmem:$0xB0];
	_ =	sdelay $0x4  }
0x95: {  	vm1 =	vge.s32 v2, v1;
	vm2 =	vlt.s32 v2, v11  }
0x96: {  	v2 =	vsub.s32 v2, v1;
	vm1 =	vmand vm1, vm2  }
0x97: {  	v2 =	vnsel vm1, $0x0, v2;
	_ =	sdelay $0x4  }
0x98: {  	[tilespmem:v2+s9+$0x0] =	vst.idx.msk vm1, v30  }
0x99: {  	v2 =	vshll.u32 v2, $0x7;
	v3 =	vld [tilespmem:$0x8B0];
	_ =	sdelay $0x4  }
0x9a: {  	[tilespmem:v2+s8+$0x0] =	vst.idx.msk vm1, v3  }
0x9b: {  	v2 =	vld [tilespmem:$0xC0];
	_ =	sdelay $0x4  }
0x9c: {  	vm1 =	vge.s32 v2, v1;
	vm2 =	vlt.s32 v2, v11  }
0x9d: {  	v2 =	vsub.s32 v2, v1;
	vm1 =	vmand vm1, vm2  }
0x9e: {  	v2 =	vnsel vm1, $0x0, v2;
	_ =	sdelay $0x4  }
0x9f: {  	[tilespmem:v2+s9+$0x0] =	vst.idx.msk vm1, v31  }
0xa0: {  	v2 =	vshll.u32 v2, $0x7;
	v3 =	vld [tilespmem:$0x8C0];
	_ =	sdelay $0x4  }
0xa1: {  	[tilespmem:v2+s8+$0x0] =	vst.idx.msk vm1, v3  }
0xa2: {  	v2 =	vld [tilespmem:$0xD0];
	_ =	sdelay $0x4  }
0xa3: {  	vm1 =	vge.s32 v2, v1;
	vm2 =	vlt.s32 v2, v11  }
0xa4: {  	v2 =	vsub.s32 v2, v1;
	vm1 =	vmand vm1, vm2  }
0xa5: {  	v2 =	vnsel vm1, $0x0, v2;
	_ =	sdelay $0x4  }
0xa6: {  	[tilespmem:v2+s9+$0x0] =	vst.idx.msk vm1, v32  }
0xa7: {  	v2 =	vshll.u32 v2, $0x7;
	v3 =	vld [tilespmem:$0x8D0];
	_ =	sdelay $0x4  }
0xa8: {  	[tilespmem:v2+s8+$0x0] =	vst.idx.msk vm1, v3  }
0xa9: {  	v2 =	vld [tilespmem:$0xE0];
	_ =	sdelay $0x4  }
0xaa: {  	vm1 =	vge.s32 v2, v1;
	vm2 =	vlt.s32 v2, v11  }
0xab: {  	v2 =	vsub.s32 v2, v1;
	vm1 =	vmand vm1, vm2  }
0xac: {  	v2 =	vnsel vm1, $0x0, v2;
	_ =	sdelay $0x4  }
0xad: {  	[tilespmem:v2+s9+$0x0] =	vst.idx.msk vm1, v33  }
0xae: {  	v2 =	vshll.u32 v2, $0x7;
	v3 =	vld [tilespmem:$0x8E0];
	_ =	sdelay $0x4  }
0xaf: {  	[tilespmem:v2+s8+$0x0] =	vst.idx.msk vm1, v3  }
0xb0: {  	v2 =	vld [tilespmem:$0xF0];
	_ =	sdelay $0x4  }
0xb1: {  	vm1 =	vge.s32 v2, v1;
	vm2 =	vlt.s32 v2, v11  }
0xb2: {  	v2 =	vsub.s32 v2, v1;
	vm1 =	vmand vm1, vm2  }
0xb3: {  	v2 =	vnsel vm1, $0x0, v2;
	_ =	sdelay $0x4  }
0xb4: {  	[tilespmem:v2+s9+$0x0] =	vst.idx.msk vm1, v34  }
0xb5: {  	v2 =	vshll.u32 v2, $0x7;
	v3 =	vld [tilespmem:$0x8F0];
	_ =	sdelay $0x4  }
0xb6: {  	[tilespmem:v2+s8+$0x0] =	vst.idx.msk vm1, v3  }
0xb7: {  	v2 =	vld [tilespmem:$0x100];
	_ =	sdelay $0x4  }
0xb8: {  	vm1 =	vge.s32 v2, v1;
	vm2 =	vlt.s32 v2, v11  }
0xb9: {  	v2 =	vsub.s32 v2, v1;
	vm1 =	vmand vm1, vm2  }
0xba: {  	v2 =	vnsel vm1, $0x0, v2;
	_ =	sdelay $0x4  }
0xbb: {  	[tilespmem:v2+s9+$0x0] =	vst.idx.msk vm1, v35  }
0xbc: {  	v2 =	vshll.u32 v2, $0x7;
	v3 =	vld [tilespmem:$0x900];
	_ =	sdelay $0x4  }
0xbd: {  	[tilespmem:v2+s8+$0x0] =	vst.idx.msk vm1, v3  }
0xbe: {  	v2 =	vld [tilespmem:$0x110];
	_ =	sdelay $0x4  }
0xbf: {  	vm1 =	vge.s32 v2, v1;
	vm2 =	vlt.s32 v2, v11  }
0xc0: {  	v2 =	vsub.s32 v2, v1;
	vm1 =	vmand vm1, vm2  }
0xc1: {  	v2 =	vnsel vm1, $0x0, v2;
	_ =	sdelay $0x4  }
0xc2: {  	[tilespmem:v2+s9+$0x0] =	vst.idx.msk vm1, v36  }
0xc3: {  	v2 =	vshll.u32 v2, $0x7;
	v3 =	vld [tilespmem:$0x910];
	_ =	sdelay $0x4  }
0xc4: {  	[tilespmem:v2+s8+$0x0] =	vst.idx.msk vm1, v3  }
0xc5: {  	v2 =	vld [tilespmem:$0x120];
	_ =	sdelay $0x4  }
0xc6: {  	vm1 =	vge.s32 v2, v1;
	vm2 =	vlt.s32 v2, v11  }
0xc7: {  	v2 =	vsub.s32 v2, v1;
	vm1 =	vmand vm1, vm2  }
0xc8: {  	v2 =	vnsel vm1, $0x0, v2;
	_ =	sdelay $0x4  }
0xc9: {  	[tilespmem:v2+s9+$0x0] =	vst.idx.msk vm1, v37  }
0xca: {  	v2 =	vshll.u32 v2, $0x7;
	v3 =	vld [tilespmem:$0x920];
	_ =	sdelay $0x4  }
0xcb: {  	[tilespmem:v2+s8+$0x0] =	vst.idx.msk vm1, v3  }
0xcc: {  	v2 =	vld [tilespmem:$0x130];
	_ =	sdelay $0x4  }
0xcd: {  	vm1 =	vge.s32 v2, v1;
	vm2 =	vlt.s32 v2, v11  }
0xce: {  	v2 =	vsub.s32 v2, v1;
	vm1 =	vmand vm1, vm2  }
0xcf: {  	v2 =	vnsel vm1, $0x0, v2;
	_ =	sdelay $0x4  }
0xd0: {  	[tilespmem:v2+s9+$0x0] =	vst.idx.msk vm1, v38  }
0xd1: {  	v2 =	vshll.u32 v2, $0x7;
	v3 =	vld [tilespmem:$0x930];
	_ =	sdelay $0x4  }
0xd2: {  	[tilespmem:v2+s8+$0x0] =	vst.idx.msk vm1, v3  }
0xd3: {  	v2 =	vld [tilespmem:$0x140];
	_ =	sdelay $0x4  }
0xd4: {  	vm1 =	vge.s32 v2, v1;
	vm2 =	vlt.s32 v2, v11  }
0xd5: {  	v2 =	vsub.s32 v2, v1;
	vm1 =	vmand vm1, vm2  }
0xd6: {  	v2 =	vnsel vm1, $0x0, v2;
	_ =	sdelay $0x4  }
0xd7: {  	[tilespmem:v2+s9+$0x0] =	vst.idx.msk vm1, v39  }
0xd8: {  	v2 =	vshll.u32 v2, $0x7;
	v3 =	vld [tilespmem:$0x940];
	_ =	sdelay $0x4  }
0xd9: {  	[tilespmem:v2+s8+$0x0] =	vst.idx.msk vm1, v3  }
0xda: {  	v2 =	vld [tilespmem:$0x150];
	_ =	sdelay $0x4  }
0xdb: {  	vm1 =	vge.s32 v2, v1;
	vm2 =	vlt.s32 v2, v11  }
0xdc: {  	v2 =	vsub.s32 v2, v1;
	vm1 =	vmand vm1, vm2  }
0xdd: {  	v2 =	vnsel vm1, $0x0, v2;
	_ =	sdelay $0x4  }
0xde: {  	[tilespmem:v2+s9+$0x0] =	vst.idx.msk vm1, v40  }
0xdf: {  	v2 =	vshll.u32 v2, $0x7;
	v3 =	vld [tilespmem:$0x950];
	_ =	sdelay $0x4  }
0xe0: {  	[tilespmem:v2+s8+$0x0] =	vst.idx.msk vm1, v3  }
0xe1: {  	v2 =	vld [tilespmem:$0x160];
	_ =	sdelay $0x4  }
0xe2: {  	vm1 =	vge.s32 v2, v1;
	vm2 =	vlt.s32 v2, v11  }
0xe3: {  	v2 =	vsub.s32 v2, v1;
	vm1 =	vmand vm1, vm2  }
0xe4: {  	v2 =	vnsel vm1, $0x0, v2;
	_ =	sdelay $0x4  }
0xe5: {  	[tilespmem:v2+s9+$0x0] =	vst.idx.msk vm1, v41  }
0xe6: {  	v2 =	vshll.u32 v2, $0x7;
	v3 =	vld [tilespmem:$0x960];
	_ =	sdelay $0x4  }
0xe7: {  	[tilespmem:v2+s8+$0x0] =	vst.idx.msk vm1, v3  }
0xe8: {  	v2 =	vld [tilespmem:$0x170];
	_ =	sdelay $0x4  }
0xe9: {  	vm1 =	vge.s32 v2, v1;
	vm2 =	vlt.s32 v2, v11  }
0xea: {  	v2 =	vsub.s32 v2, v1;
	vm1 =	vmand vm1, vm2  }
0xeb: {  	v2 =	vnsel vm1, $0x0, v2;
	_ =	sdelay $0x4  }
0xec: {  	[tilespmem:v2+s9+$0x0] =	vst.idx.msk vm1, v42  }
0xed: {  	v2 =	vshll.u32 v2, $0x7;
	v3 =	vld [tilespmem:$0x970];
	_ =	sdelay $0x4  }
0xee: {  	[tilespmem:v2+s8+$0x0] =	vst.idx.msk vm1, v3  }
0xef: {  	v2 =	vld [tilespmem:$0x180];
	_ =	sdelay $0x4  }
0xf0: {  	vm1 =	vge.s32 v2, v1;
	vm2 =	vlt.s32 v2, v11  }
0xf1: {  	v2 =	vsub.s32 v2, v1;
	vm1 =	vmand vm1, vm2  }
0xf2: {  	v2 =	vnsel vm1, $0x0, v2;
	_ =	sdelay $0x4  }
0xf3: {  	[tilespmem:v2+s9+$0x0] =	vst.idx.msk vm1, v43  }
0xf4: {  	v2 =	vshll.u32 v2, $0x7;
	v3 =	vld [tilespmem:$0x980];
	_ =	sdelay $0x4  }
0xf5: {  	[tilespmem:v2+s8+$0x0] =	vst.idx.msk vm1, v3  }
0xf6: {  	v2 =	vld [tilespmem:$0x190];
	_ =	sdelay $0x4  }
0xf7: {  	vm1 =	vge.s32 v2, v1;
	vm2 =	vlt.s32 v2, v11  }
0xf8: {  	v2 =	vsub.s32 v2, v1;
	vm1 =	vmand vm1, vm2  }
0xf9: {  	v2 =	vnsel vm1, $0x0, v2;
	_ =	sdelay $0x4  }
0xfa: {  	[tilespmem:v2+s9+$0x0] =	vst.idx.msk vm1, v44  }
0xfb: {  	v2 =	vshll.u32 v2, $0x7;
	v3 =	vld [tilespmem:$0x990];
	_ =	sdelay $0x4  }
0xfc: {  	[tilespmem:v2+s8+$0x0] =	vst.idx.msk vm1, v3  }
0xfd: {  	v2 =	vld [tilespmem:$0x1A0];
	_ =	sdelay $0x4  }
0xfe: {  	vm1 =	vge.s32 v2, v1;
	vm2 =	vlt.s32 v2, v11  }
0xff: {  	v2 =	vsub.s32 v2, v1;
	vm1 =	vmand vm1, vm2  }
0x100: {  	v2 =	vnsel vm1, $0x0, v2;
	_ =	sdelay $0x4  }
0x101: {  	[tilespmem:v2+s9+$0x0] =	vst.idx.msk vm1, v45  }
0x102: {  	v2 =	vshll.u32 v2, $0x7;
	v3 =	vld [tilespmem:$0x9A0];
	_ =	sdelay $0x4  }
0x103: {  	[tilespmem:v2+s8+$0x0] =	vst.idx.msk vm1, v3  }
0x104: {  	v2 =	vld [tilespmem:$0x1B0];
	_ =	sdelay $0x4  }
0x105: {  	vm1 =	vge.s32 v2, v1;
	vm2 =	vlt.s32 v2, v11  }
0x106: {  	v2 =	vsub.s32 v2, v1;
	vm1 =	vmand vm1, vm2  }
0x107: {  	v2 =	vnsel vm1, $0x0, v2;
	_ =	sdelay $0x4  }
0x108: {  	[tilespmem:v2+s9+$0x0] =	vst.idx.msk vm1, v46  }
0x109: {  	v2 =	vshll.u32 v2, $0x7;
	v3 =	vld [tilespmem:$0x9B0];
	_ =	sdelay $0x4  }
0x10a: {  	[tilespmem:v2+s8+$0x0] =	vst.idx.msk vm1, v3  }
0x10b: {  	v2 =	vld [tilespmem:$0x1C0];
	_ =	sdelay $0x4  }
0x10c: {  	vm1 =	vge.s32 v2, v1;
	vm2 =	vlt.s32 v2, v11  }
0x10d: {  	v2 =	vsub.s32 v2, v1;
	vm1 =	vmand vm1, vm2  }
0x10e: {  	v2 =	vnsel vm1, $0x0, v2;
	_ =	sdelay $0x4  }
0x10f: {  	[tilespmem:v2+s9+$0x0] =	vst.idx.msk vm1, v47  }
0x110: {  	v2 =	vshll.u32 v2, $0x7;
	v3 =	vld [tilespmem:$0x9C0];
	_ =	sdelay $0x4  }
0x111: {  	[tilespmem:v2+s8+$0x0] =	vst.idx.msk vm1, v3  }
0x112: {  	v2 =	vld [tilespmem:$0x1D0];
	_ =	sdelay $0x4  }
0x113: {  	vm1 =	vge.s32 v2, v1;
	vm2 =	vlt.s32 v2, v11  }
0x114: {  	v2 =	vsub.s32 v2, v1;
	vm1 =	vmand vm1, vm2  }
0x115: {  	v2 =	vnsel vm1, $0x0, v2;
	_ =	sdelay $0x4  }
0x116: {  	[tilespmem:v2+s9+$0x0] =	vst.idx.msk vm1, v48  }
0x117: {  	v2 =	vshll.u32 v2, $0x7;
	v3 =	vld [tilespmem:$0x9D0];
	_ =	sdelay $0x4  }
0x118: {  	[tilespmem:v2+s8+$0x0] =	vst.idx.msk vm1, v3  }
0x119: {  	v2 =	vld [tilespmem:$0x1E0];
	_ =	sdelay $0x4  }
0x11a: {  	vm1 =	vge.s32 v2, v1;
	vm2 =	vlt.s32 v2, v11  }
0x11b: {  	v2 =	vsub.s32 v2, v1;
	vm1 =	vmand vm1, vm2  }
0x11c: {  	v2 =	vnsel vm1, $0x0, v2;
	_ =	sdelay $0x4  }
0x11d: {  	[tilespmem:v2+s9+$0x0] =	vst.idx.msk vm1, v49  }
0x11e: {  	v2 =	vshll.u32 v2, $0x7;
	v3 =	vld [tilespmem:$0x9E0];
	_ =	sdelay $0x4  }
0x11f: {  	[tilespmem:v2+s8+$0x0] =	vst.idx.msk vm1, v3  }
0x120: {  	v2 =	vld [tilespmem:$0x1F0];
	_ =	sdelay $0x4  }
0x121: {  	vm1 =	vge.s32 v2, v1;
	vm2 =	vlt.s32 v2, v11  }
0x122: {  	v2 =	vsub.s32 v2, v1;
	vm1 =	vmand vm1, vm2  }
0x123: {  	v2 =	vnsel vm1, $0x0, v2;
	_ =	sdelay $0x4  }
0x124: {  	[tilespmem:v2+s9+$0x0] =	vst.idx.msk vm1, v50  }
0x125: {  	v2 =	vshll.u32 v2, $0x7;
	v3 =	vld [tilespmem:$0x9F0];
	_ =	sdelay $0x4  }
0x126: {  	[tilespmem:v2+s8+$0x0] =	vst.idx.msk vm1, v3  }
0x127: {  	v2 =	vld [tilespmem:$0x200];
	_ =	sdelay $0x4  }
0x128: {  	vm1 =	vge.s32 v2, v1;
	vm2 =	vlt.s32 v2, v11  }
0x129: {  	v2 =	vsub.s32 v2, v1;
	vm1 =	vmand vm1, vm2  }
0x12a: {  	v2 =	vnsel vm1, $0x0, v2;
	_ =	sdelay $0x4  }
0x12b: {  	[tilespmem:v2+s9+$0x0] =	vst.idx.msk vm1, v51  }
0x12c: {  	v2 =	vshll.u32 v2, $0x7;
	v3 =	vld [tilespmem:$0xA00];
	_ =	sdelay $0x4  }
0x12d: {  	[tilespmem:v2+s8+$0x0] =	vst.idx.msk vm1, v3  }
0x12e: {  	v2 =	vld [tilespmem:$0x210];
	_ =	sdelay $0x4  }
0x12f: {  	vm1 =	vge.s32 v2, v1;
	vm2 =	vlt.s32 v2, v11  }
0x130: {  	v2 =	vsub.s32 v2, v1;
	vm1 =	vmand vm1, vm2  }
0x131: {  	v2 =	vnsel vm1, $0x0, v2;
	_ =	sdelay $0x4  }
0x132: {  	[tilespmem:v2+s9+$0x0] =	vst.idx.msk vm1, v52  }
0x133: {  	v2 =	vshll.u32 v2, $0x7;
	v3 =	vld [tilespmem:$0xA10];
	_ =	sdelay $0x4  }
0x134: {  	[tilespmem:v2+s8+$0x0] =	vst.idx.msk vm1, v3  }
0x135: {  	v2 =	vld [tilespmem:$0x220];
	_ =	sdelay $0x4  }
0x136: {  	vm1 =	vge.s32 v2, v1;
	vm2 =	vlt.s32 v2, v11  }
0x137: {  	v2 =	vsub.s32 v2, v1;
	vm1 =	vmand vm1, vm2  }
0x138: {  	v2 =	vnsel vm1, $0x0, v2;
	_ =	sdelay $0x4  }
0x139: {  	[tilespmem:v2+s9+$0x0] =	vst.idx.msk vm1, v53  }
0x13a: {  	v2 =	vshll.u32 v2, $0x7;
	v3 =	vld [tilespmem:$0xA20];
	_ =	sdelay $0x4  }
0x13b: {  	[tilespmem:v2+s8+$0x0] =	vst.idx.msk vm1, v3  }
0x13c: {  	v2 =	vld [tilespmem:$0x230];
	_ =	sdelay $0x4  }
0x13d: {  	vm1 =	vge.s32 v2, v1;
	vm2 =	vlt.s32 v2, v11  }
0x13e: {  	v2 =	vsub.s32 v2, v1;
	vm1 =	vmand vm1, vm2  }
0x13f: {  	v2 =	vnsel vm1, $0x0, v2;
	_ =	sdelay $0x4  }
0x140: {  	[tilespmem:v2+s9+$0x0] =	vst.idx.msk vm1, v54  }
0x141: {  	v2 =	vshll.u32 v2, $0x7;
	v3 =	vld [tilespmem:$0xA30];
	_ =	sdelay $0x4  }
0x142: {  	[tilespmem:v2+s8+$0x0] =	vst.idx.msk vm1, v3  }
0x143: {  	v2 =	vld [tilespmem:$0x240];
	_ =	sdelay $0x4  }
0x144: {  	vm1 =	vge.s32 v2, v1;
	vm2 =	vlt.s32 v2, v11  }
0x145: {  	v2 =	vsub.s32 v2, v1;
	vm1 =	vmand vm1, vm2  }
0x146: {  	v2 =	vnsel vm1, $0x0, v2;
	_ =	sdelay $0x4  }
0x147: {  	[tilespmem:v2+s9+$0x0] =	vst.idx.msk vm1, v55  }
0x148: {  	v2 =	vshll.u32 v2, $0x7;
	v3 =	vld [tilespmem:$0xA40];
	_ =	sdelay $0x4  }
0x149: {  	[tilespmem:v2+s8+$0x0] =	vst.idx.msk vm1, v3  }
0x14a: {  	v2 =	vld [tilespmem:$0x250];
	_ =	sdelay $0x4  }
0x14b: {  	vm1 =	vge.s32 v2, v1;
	vm2 =	vlt.s32 v2, v11  }
0x14c: {  	v2 =	vsub.s32 v2, v1;
	vm1 =	vmand vm1, vm2  }
0x14d: {  	v2 =	vnsel vm1, $0x0, v2;
	_ =	sdelay $0x4  }
0x14e: {  	[tilespmem:v2+s9+$0x0] =	vst.idx.msk vm1, v56  }
0x14f: {  	v2 =	vshll.u32 v2, $0x7;
	v3 =	vld [tilespmem:$0xA50];
	_ =	sdelay $0x4  }
0x150: {  	[tilespmem:v2+s8+$0x0] =	vst.idx.msk vm1, v3  }
0x151: {  	v2 =	vld [tilespmem:$0x260];
	_ =	sdelay $0x4  }
0x152: {  	vm1 =	vge.s32 v2, v1;
	vm2 =	vlt.s32 v2, v11  }
0x153: {  	v2 =	vsub.s32 v2, v1;
	vm1 =	vmand vm1, vm2  }
0x154: {  	v2 =	vnsel vm1, $0x0, v2;
	_ =	sdelay $0x4  }
0x155: {  	[tilespmem:v2+s9+$0x0] =	vst.idx.msk vm1, v57  }
0x156: {  	v2 =	vshll.u32 v2, $0x7;
	v3 =	vld [tilespmem:$0xA60];
	_ =	sdelay $0x4  }
0x157: {  	[tilespmem:v2+s8+$0x0] =	vst.idx.msk vm1, v3  }
0x158: {  	v2 =	vld [tilespmem:$0x270];
	_ =	sdelay $0x4  }
0x159: {  	vm1 =	vge.s32 v2, v1;
	vm2 =	vlt.s32 v2, v11  }
0x15a: {  	v2 =	vsub.s32 v2, v1;
	vm1 =	vmand vm1, vm2  }
0x15b: {  	v2 =	vnsel vm1, $0x0, v2;
	_ =	sdelay $0x4  }
0x15c: {  	[tilespmem:v2+s9+$0x0] =	vst.idx.msk vm1, v58  }
0x15d: {  	v2 =	vshll.u32 v2, $0x7;
	v3 =	vld [tilespmem:$0xA70];
	_ =	sdelay $0x4  }
0x15e: {  	[tilespmem:v2+s8+$0x0] =	vst.idx.msk vm1, v3  }
0x15f: {  	v2 =	vld [tilespmem:$0x280];
	_ =	sdelay $0x4  }
0x160: {  	vm1 =	vge.s32 v2, v1;
	vm2 =	vlt.s32 v2, v11  }
0x161: {  	v2 =	vsub.s32 v2, v1;
	vm1 =	vmand vm1, vm2  }
0x162: {  	v2 =	vnsel vm1, $0x0, v2;
	_ =	sdelay $0x4  }
0x163: {  	[tilespmem:v2+s9+$0x0] =	vst.idx.msk vm1, v59  }
0x164: {  	v2 =	vshll.u32 v2, $0x7;
	v3 =	vld [tilespmem:$0xA80];
	_ =	sdelay $0x4  }
0x165: {  	[tilespmem:v2+s8+$0x0] =	vst.idx.msk vm1, v3  }
0x166: {  	v2 =	vld [tilespmem:$0x290];
	_ =	sdelay $0x4  }
0x167: {  	vm1 =	vge.s32 v2, v1;
	vm2 =	vlt.s32 v2, v11  }
0x168: {  	v2 =	vsub.s32 v2, v1;
	vm1 =	vmand vm1, vm2  }
0x169: {  	v2 =	vnsel vm1, $0x0, v2;
	_ =	sdelay $0x4  }
0x16a: {  	[tilespmem:v2+s9+$0x0] =	vst.idx.msk vm1, v60  }
0x16b: {  	v2 =	vshll.u32 v2, $0x7;
	v3 =	vld [tilespmem:$0xA90];
	_ =	sdelay $0x4  }
0x16c: {  	[tilespmem:v2+s8+$0x0] =	vst.idx.msk vm1, v3  }
0x16d: {  	v2 =	vld [tilespmem:$0x2A0];
	_ =	sdelay $0x4  }
0x16e: {  	vm1 =	vge.s32 v2, v1;
	vm2 =	vlt.s32 v2, v11  }
0x16f: {  	v2 =	vsub.s32 v2, v1;
	vm1 =	vmand vm1, vm2  }
0x170: {  	v2 =	vnsel vm1, $0x0, v2;
	_ =	sdelay $0x4  }
0x171: {  	[tilespmem:v2+s9+$0x0] =	vst.idx.msk vm1, v61  }
0x172: {  	v2 =	vshll.u32 v2, $0x7;
	v3 =	vld [tilespmem:$0xAA0];
	_ =	sdelay $0x4  }
0x173: {  	[tilespmem:v2+s8+$0x0] =	vst.idx.msk vm1, v3  }
0x174: {  	v2 =	vld [tilespmem:$0x2B0];
	_ =	sdelay $0x4  }
0x175: {  	vm1 =	vge.s32 v2, v1;
	vm2 =	vlt.s32 v2, v11  }
0x176: {  	v2 =	vsub.s32 v2, v1;
	vm1 =	vmand vm1, vm2  }
0x177: {  	v2 =	vnsel vm1, $0x0, v2;
	_ =	sdelay $0x4  }
0x178: {  	[tilespmem:v2+s9+$0x0] =	vst.idx.msk vm1, v62  }
0x179: {  	v2 =	vshll.u32 v2, $0x7;
	v3 =	vld [tilespmem:$0xAB0];
	_ =	sdelay $0x4  }
0x17a: {  	[tilespmem:v2+s8+$0x0] =	vst.idx.msk vm1, v3  }
0x17b: {  	v2 =	vld [tilespmem:$0x2C0];
	_ =	sdelay $0x4  }
0x17c: {  	vm1 =	vge.s32 v2, v1;
	vm2 =	vlt.s32 v2, v11  }
0x17d: {  	v2 =	vsub.s32 v2, v1;
	vm1 =	vmand vm1, vm2  }
0x17e: {  	v2 =	vnsel vm1, $0x0, v2;
	_ =	sdelay $0x4  }
0x17f: {  	[tilespmem:v2+s9+$0x0] =	vst.idx.msk vm1, v63  }
0x180: {  	v2 =	vshll.u32 v2, $0x7;
	v3 =	vld [tilespmem:$0xAC0];
	_ =	sdelay $0x4  }
0x181: {  	[tilespmem:v2+s8+$0x0] =	vst.idx.msk vm1, v3  }
0x182: {  	v2 =	vld [tilespmem:$0x2D0];
	_ =	sdelay $0x4  }
0x183: {  	vm1 =	vge.s32 v2, v1;
	vm2 =	vlt.s32 v2, v11  }
0x184: {  	v2 =	vsub.s32 v2, v1;
	vm1 =	vmand vm1, vm2  }
0x185: {  	v2 =	vnsel vm1, $0x0, v2;
	_ =	sdelay $0x3  }
0x186: {  	v3 =	vor.u32 $0x2D0, v0  }
0x187: {  	[tilespmem:v2+s9+$0x0] =	vst.idx.msk vm1, v3  }
0x188: {  	v2 =	vshll.u32 v2, $0x7;
	v3 =	vld [tilespmem:$0xAD0];
	_ =	sdelay $0x4  }
0x189: {  	[tilespmem:v2+s8+$0x0] =	vst.idx.msk vm1, v3  }
0x18a: {  	v2 =	vld [tilespmem:$0x2E0];
	_ =	sdelay $0x4  }
0x18b: {  	vm1 =	vge.s32 v2, v1;
	vm2 =	vlt.s32 v2, v11  }
0x18c: {  	v2 =	vsub.s32 v2, v1;
	vm1 =	vmand vm1, vm2  }
0x18d: {  	v2 =	vnsel vm1, $0x0, v2;
	_ =	sdelay $0x3  }
0x18e: {  	v3 =	vor.u32 $0x2E0, v0  }
0x18f: {  	[tilespmem:v2+s9+$0x0] =	vst.idx.msk vm1, v3  }
0x190: {  	v2 =	vshll.u32 v2, $0x7;
	v3 =	vld [tilespmem:$0xAE0];
	_ =	sdelay $0x4  }
0x191: {  	[tilespmem:v2+s8+$0x0] =	vst.idx.msk vm1, v3  }
0x192: {  	v2 =	vld [tilespmem:$0x2F0];
	_ =	sdelay $0x4  }
0x193: {  	vm1 =	vge.s32 v2, v1;
	vm2 =	vlt.s32 v2, v11  }
0x194: {  	v2 =	vsub.s32 v2, v1;
	vm1 =	vmand vm1, vm2  }
0x195: {  	v2 =	vnsel vm1, $0x0, v2;
	_ =	sdelay $0x3  }
0x196: {  	v3 =	vor.u32 $0x2F0, v0  }
0x197: {  	[tilespmem:v2+s9+$0x0] =	vst.idx.msk vm1, v3  }
0x198: {  	v2 =	vshll.u32 v2, $0x7;
	v3 =	vld [tilespmem:$0xAF0];
	_ =	sdelay $0x4  }
0x199: {  	[tilespmem:v2+s8+$0x0] =	vst.idx.msk vm1, v3  }
0x19a: {  	v2 =	vld [tilespmem:$0x300];
	_ =	sdelay $0x4  }
0x19b: {  	vm1 =	vge.s32 v2, v1;
	vm2 =	vlt.s32 v2, v11  }
0x19c: {  	v2 =	vsub.s32 v2, v1;
	vm1 =	vmand vm1, vm2  }
0x19d: {  	v2 =	vnsel vm1, $0x0, v2;
	_ =	sdelay $0x3  }
0x19e: {  	v3 =	vor.u32 $0x300, v0  }
0x19f: {  	[tilespmem:v2+s9+$0x0] =	vst.idx.msk vm1, v3  }
0x1a0: {  	v2 =	vshll.u32 v2, $0x7;
	v3 =	vld [tilespmem:$0xB00];
	_ =	sdelay $0x4  }
0x1a1: {  	[tilespmem:v2+s8+$0x0] =	vst.idx.msk vm1, v3  }
0x1a2: {  	v2 =	vld [tilespmem:$0x310];
	_ =	sdelay $0x4  }
0x1a3: {  	vm1 =	vge.s32 v2, v1;
	vm2 =	vlt.s32 v2, v11  }
0x1a4: {  	v2 =	vsub.s32 v2, v1;
	vm1 =	vmand vm1, vm2  }
0x1a5: {  	v2 =	vnsel vm1, $0x0, v2;
	_ =	sdelay $0x3  }
0x1a6: {  	v3 =	vor.u32 $0x310, v0  }
0x1a7: {  	[tilespmem:v2+s9+$0x0] =	vst.idx.msk vm1, v3  }
0x1a8: {  	v2 =	vshll.u32 v2, $0x7;
	v3 =	vld [tilespmem:$0xB10];
	_ =	sdelay $0x4  }
0x1a9: {  	[tilespmem:v2+s8+$0x0] =	vst.idx.msk vm1, v3  }
0x1aa: {  	v2 =	vld [tilespmem:$0x320];
	_ =	sdelay $0x4  }
0x1ab: {  	vm1 =	vge.s32 v2, v1;
	vm2 =	vlt.s32 v2, v11  }
0x1ac: {  	v2 =	vsub.s32 v2, v1;
	vm1 =	vmand vm1, vm2  }
0x1ad: {  	v2 =	vnsel vm1, $0x0, v2;
	_ =	sdelay $0x3  }
0x1ae: {  	v3 =	vor.u32 $0x320, v0  }
0x1af: {  	[tilespmem:v2+s9+$0x0] =	vst.idx.msk vm1, v3  }
0x1b0: {  	v2 =	vshll.u32 v2, $0x7;
	v3 =	vld [tilespmem:$0xB20];
	_ =	sdelay $0x4  }
0x1b1: {  	[tilespmem:v2+s8+$0x0] =	vst.idx.msk vm1, v3  }
0x1b2: {  	v2 =	vld [tilespmem:$0x330];
	_ =	sdelay $0x4  }
0x1b3: {  	vm1 =	vge.s32 v2, v1;
	vm2 =	vlt.s32 v2, v11  }
0x1b4: {  	v2 =	vsub.s32 v2, v1;
	vm1 =	vmand vm1, vm2  }
0x1b5: {  	v2 =	vnsel vm1, $0x0, v2;
	_ =	sdelay $0x3  }
0x1b6: {  	v3 =	vor.u32 $0x330, v0  }
0x1b7: {  	[tilespmem:v2+s9+$0x0] =	vst.idx.msk vm1, v3  }
0x1b8: {  	v2 =	vshll.u32 v2, $0x7;
	v3 =	vld [tilespmem:$0xB30];
	_ =	sdelay $0x4  }
0x1b9: {  	[tilespmem:v2+s8+$0x0] =	vst.idx.msk vm1, v3  }
0x1ba: {  	v2 =	vld [tilespmem:$0x340];
	_ =	sdelay $0x4  }
0x1bb: {  	vm1 =	vge.s32 v2, v1;
	vm2 =	vlt.s32 v2, v11  }
0x1bc: {  	v2 =	vsub.s32 v2, v1;
	vm1 =	vmand vm1, vm2  }
0x1bd: {  	v2 =	vnsel vm1, $0x0, v2;
	_ =	sdelay $0x3  }
0x1be: {  	v3 =	vor.u32 $0x340, v0  }
0x1bf: {  	[tilespmem:v2+s9+$0x0] =	vst.idx.msk vm1, v3  }
0x1c0: {  	v2 =	vshll.u32 v2, $0x7;
	v3 =	vld [tilespmem:$0xB40];
	_ =	sdelay $0x4  }
0x1c1: {  	[tilespmem:v2+s8+$0x0] =	vst.idx.msk vm1, v3  }
0x1c2: {  	v2 =	vld [tilespmem:$0x350];
	_ =	sdelay $0x4  }
0x1c3: {  	vm1 =	vge.s32 v2, v1;
	vm2 =	vlt.s32 v2, v11  }
0x1c4: {  	v2 =	vsub.s32 v2, v1;
	vm1 =	vmand vm1, vm2  }
0x1c5: {  	v2 =	vnsel vm1, $0x0, v2;
	_ =	sdelay $0x3  }
0x1c6: {  	v3 =	vor.u32 $0x350, v0  }
0x1c7: {  	[tilespmem:v2+s9+$0x0] =	vst.idx.msk vm1, v3  }
0x1c8: {  	v2 =	vshll.u32 v2, $0x7;
	v3 =	vld [tilespmem:$0xB50];
	_ =	sdelay $0x4  }
0x1c9: {  	[tilespmem:v2+s8+$0x0] =	vst.idx.msk vm1, v3  }
0x1ca: {  	v2 =	vld [tilespmem:$0x360];
	_ =	sdelay $0x4  }
0x1cb: {  	vm1 =	vge.s32 v2, v1;
	vm2 =	vlt.s32 v2, v11  }
0x1cc: {  	v2 =	vsub.s32 v2, v1;
	vm1 =	vmand vm1, vm2  }
0x1cd: {  	v2 =	vnsel vm1, $0x0, v2;
	_ =	sdelay $0x3  }
0x1ce: {  	v3 =	vor.u32 $0x360, v0  }
0x1cf: {  	[tilespmem:v2+s9+$0x0] =	vst.idx.msk vm1, v3  }
0x1d0: {  	v2 =	vshll.u32 v2, $0x7;
	v3 =	vld [tilespmem:$0xB60];
	_ =	sdelay $0x4  }
0x1d1: {  	[tilespmem:v2+s8+$0x0] =	vst.idx.msk vm1, v3  }
0x1d2: {  	v2 =	vld [tilespmem:$0x370];
	_ =	sdelay $0x4  }
0x1d3: {  	vm1 =	vge.s32 v2, v1;
	vm2 =	vlt.s32 v2, v11  }
0x1d4: {  	v2 =	vsub.s32 v2, v1;
	vm1 =	vmand vm1, vm2  }
0x1d5: {  	v2 =	vnsel vm1, $0x0, v2;
	_ =	sdelay $0x3  }
0x1d6: {  	v3 =	vor.u32 $0x370, v0  }
0x1d7: {  	[tilespmem:v2+s9+$0x0] =	vst.idx.msk vm1, v3  }
0x1d8: {  	v2 =	vshll.u32 v2, $0x7;
	v3 =	vld [tilespmem:$0xB70];
	_ =	sdelay $0x4  }
0x1d9: {  	[tilespmem:v2+s8+$0x0] =	vst.idx.msk vm1, v3  }
0x1da: {  	v2 =	vld [tilespmem:$0x380];
	_ =	sdelay $0x4  }
0x1db: {  	vm1 =	vge.s32 v2, v1;
	vm2 =	vlt.s32 v2, v11  }
0x1dc: {  	v2 =	vsub.s32 v2, v1;
	vm1 =	vmand vm1, vm2  }
0x1dd: {  	v2 =	vnsel vm1, $0x0, v2;
	_ =	sdelay $0x3  }
0x1de: {  	v3 =	vor.u32 $0x380, v0  }
0x1df: {  	[tilespmem:v2+s9+$0x0] =	vst.idx.msk vm1, v3  }
0x1e0: {  	v2 =	vshll.u32 v2, $0x7;
	v3 =	vld [tilespmem:$0xB80];
	_ =	sdelay $0x4  }
0x1e1: {  	[tilespmem:v2+s8+$0x0] =	vst.idx.msk vm1, v3  }
0x1e2: {  	v2 =	vld [tilespmem:$0x390];
	_ =	sdelay $0x4  }
0x1e3: {  	vm1 =	vge.s32 v2, v1;
	vm2 =	vlt.s32 v2, v11  }
0x1e4: {  	v2 =	vsub.s32 v2, v1;
	vm1 =	vmand vm1, vm2  }
0x1e5: {  	v2 =	vnsel vm1, $0x0, v2;
	_ =	sdelay $0x3  }
0x1e6: {  	v3 =	vor.u32 $0x390, v0  }
0x1e7: {  	[tilespmem:v2+s9+$0x0] =	vst.idx.msk vm1, v3  }
0x1e8: {  	v2 =	vshll.u32 v2, $0x7;
	v3 =	vld [tilespmem:$0xB90];
	_ =	sdelay $0x4  }
0x1e9: {  	[tilespmem:v2+s8+$0x0] =	vst.idx.msk vm1, v3  }
0x1ea: {  	v2 =	vld [tilespmem:$0x3A0];
	_ =	sdelay $0x4  }
0x1eb: {  	vm1 =	vge.s32 v2, v1;
	vm2 =	vlt.s32 v2, v11  }
0x1ec: {  	v2 =	vsub.s32 v2, v1;
	vm1 =	vmand vm1, vm2  }
0x1ed: {  	v2 =	vnsel vm1, $0x0, v2;
	_ =	sdelay $0x3  }
0x1ee: {  	v3 =	vor.u32 $0x3A0, v0  }
0x1ef: {  	[tilespmem:v2+s9+$0x0] =	vst.idx.msk vm1, v3  }
0x1f0: {  	v2 =	vshll.u32 v2, $0x7;
	v3 =	vld [tilespmem:$0xBA0];
	_ =	sdelay $0x4  }
0x1f1: {  	[tilespmem:v2+s8+$0x0] =	vst.idx.msk vm1, v3  }
0x1f2: {  	v2 =	vld [tilespmem:$0x3B0];
	_ =	sdelay $0x4  }
0x1f3: {  	vm1 =	vge.s32 v2, v1;
	vm2 =	vlt.s32 v2, v11  }
0x1f4: {  	v2 =	vsub.s32 v2, v1;
	vm1 =	vmand vm1, vm2  }
0x1f5: {  	v2 =	vnsel vm1, $0x0, v2;
	_ =	sdelay $0x3  }
0x1f6: {  	v3 =	vor.u32 $0x3B0, v0  }
0x1f7: {  	[tilespmem:v2+s9+$0x0] =	vst.idx.msk vm1, v3  }
0x1f8: {  	v2 =	vshll.u32 v2, $0x7;
	v3 =	vld [tilespmem:$0xBB0];
	_ =	sdelay $0x4  }
0x1f9: {  	[tilespmem:v2+s8+$0x0] =	vst.idx.msk vm1, v3  }
0x1fa: {  	v2 =	vld [tilespmem:$0x3C0];
	_ =	sdelay $0x4  }
0x1fb: {  	vm1 =	vge.s32 v2, v1;
	vm2 =	vlt.s32 v2, v11  }
0x1fc: {  	v2 =	vsub.s32 v2, v1;
	vm1 =	vmand vm1, vm2  }
0x1fd: {  	v2 =	vnsel vm1, $0x0, v2;
	_ =	sdelay $0x3  }
0x1fe: {  	v3 =	vor.u32 $0x3C0, v0  }
0x1ff: {  	[tilespmem:v2+s9+$0x0] =	vst.idx.msk vm1, v3  }
0x200: {  	v2 =	vshll.u32 v2, $0x7;
	v3 =	vld [tilespmem:$0xBC0];
	_ =	sdelay $0x4  }
0x201: {  	[tilespmem:v2+s8+$0x0] =	vst.idx.msk vm1, v3  }
0x202: {  	v2 =	vld [tilespmem:$0x3D0];
	_ =	sdelay $0x4  }
0x203: {  	vm1 =	vge.s32 v2, v1;
	vm2 =	vlt.s32 v2, v11  }
0x204: {  	v2 =	vsub.s32 v2, v1;
	vm1 =	vmand vm1, vm2  }
0x205: {  	v2 =	vnsel vm1, $0x0, v2;
	_ =	sdelay $0x3  }
0x206: {  	v3 =	vor.u32 $0x3D0, v0  }
0x207: {  	[tilespmem:v2+s9+$0x0] =	vst.idx.msk vm1, v3  }
0x208: {  	v2 =	vshll.u32 v2, $0x7;
	v3 =	vld [tilespmem:$0xBD0];
	_ =	sdelay $0x4  }
0x209: {  	[tilespmem:v2+s8+$0x0] =	vst.idx.msk vm1, v3  }
0x20a: {  	v2 =	vld [tilespmem:$0x3E0];
	_ =	sdelay $0x4  }
0x20b: {  	vm1 =	vge.s32 v2, v1;
	vm2 =	vlt.s32 v2, v11  }
0x20c: {  	v2 =	vsub.s32 v2, v1;
	vm1 =	vmand vm1, vm2  }
0x20d: {  	v2 =	vnsel vm1, $0x0, v2;
	_ =	sdelay $0x3  }
0x20e: {  	v3 =	vor.u32 $0x3E0, v0  }
0x20f: {  	[tilespmem:v2+s9+$0x0] =	vst.idx.msk vm1, v3  }
0x210: {  	v2 =	vshll.u32 v2, $0x7;
	v3 =	vld [tilespmem:$0xBE0];
	_ =	sdelay $0x4  }
0x211: {  	[tilespmem:v2+s8+$0x0] =	vst.idx.msk vm1, v3  }
0x212: {  	v2 =	vld [tilespmem:$0x3F0];
	_ =	sdelay $0x4  }
0x213: {  	vm1 =	vge.s32 v2, v1;
	vm2 =	vlt.s32 v2, v11  }
0x214: {  	v2 =	vsub.s32 v2, v1;
	vm1 =	vmand vm1, vm2  }
0x215: {  	v2 =	vnsel vm1, $0x0, v2;
	_ =	sdelay $0x3  }
0x216: {  	v3 =	vor.u32 $0x3F0, v0  }
0x217: {  	[tilespmem:v2+s9+$0x0] =	vst.idx.msk vm1, v3  }
0x218: {  	v2 =	vshll.u32 v2, $0x7;
	v3 =	vld [tilespmem:$0xBF0];
	_ =	sdelay $0x4  }
0x219: {  	[tilespmem:v2+s8+$0x0] =	vst.idx.msk vm1, v3  }
0x21a: {  	v2 =	vld [tilespmem:$0x400];
	_ =	sdelay $0x4  }
0x21b: {  	vm1 =	vge.s32 v2, v1;
	vm2 =	vlt.s32 v2, v11  }
0x21c: {  	v2 =	vsub.s32 v2, v1;
	vm1 =	vmand vm1, vm2  }
0x21d: {  	v2 =	vnsel vm1, $0x0, v2;
	_ =	sdelay $0x3  }
0x21e: {  	v3 =	vor.u32 $0x400, v0  }
0x21f: {  	[tilespmem:v2+s9+$0x0] =	vst.idx.msk vm1, v3  }
0x220: {  	v2 =	vshll.u32 v2, $0x7;
	v3 =	vld [tilespmem:$0xC00];
	_ =	sdelay $0x4  }
0x221: {  	[tilespmem:v2+s8+$0x0] =	vst.idx.msk vm1, v3  }
0x222: {  	v2 =	vld [tilespmem:$0x410];
	_ =	sdelay $0x4  }
0x223: {  	vm1 =	vge.s32 v2, v1;
	vm2 =	vlt.s32 v2, v11  }
0x224: {  	v2 =	vsub.s32 v2, v1;
	vm1 =	vmand vm1, vm2  }
0x225: {  	v2 =	vnsel vm1, $0x0, v2;
	_ =	sdelay $0x3  }
0x226: {  	v3 =	vor.u32 $0x410, v0  }
0x227: {  	[tilespmem:v2+s9+$0x0] =	vst.idx.msk vm1, v3  }
0x228: {  	v2 =	vshll.u32 v2, $0x7;
	v3 =	vld [tilespmem:$0xC10];
	_ =	sdelay $0x4  }
0x229: {  	[tilespmem:v2+s8+$0x0] =	vst.idx.msk vm1, v3  }
0x22a: {  	v2 =	vld [tilespmem:$0x420];
	_ =	sdelay $0x4  }
0x22b: {  	vm1 =	vge.s32 v2, v1;
	vm2 =	vlt.s32 v2, v11  }
0x22c: {  	v2 =	vsub.s32 v2, v1;
	vm1 =	vmand vm1, vm2  }
0x22d: {  	v2 =	vnsel vm1, $0x0, v2;
	_ =	sdelay $0x3  }
0x22e: {  	v3 =	vor.u32 $0x420, v0  }
0x22f: {  	[tilespmem:v2+s9+$0x0] =	vst.idx.msk vm1, v3  }
0x230: {  	v2 =	vshll.u32 v2, $0x7;
	v3 =	vld [tilespmem:$0xC20];
	_ =	sdelay $0x4  }
0x231: {  	[tilespmem:v2+s8+$0x0] =	vst.idx.msk vm1, v3  }
0x232: {  	v2 =	vld [tilespmem:$0x430];
	_ =	sdelay $0x4  }
0x233: {  	vm1 =	vge.s32 v2, v1;
	vm2 =	vlt.s32 v2, v11  }
0x234: {  	v2 =	vsub.s32 v2, v1;
	vm1 =	vmand vm1, vm2  }
0x235: {  	v2 =	vnsel vm1, $0x0, v2;
	_ =	sdelay $0x3  }
0x236: {  	v3 =	vor.u32 $0x430, v0  }
0x237: {  	[tilespmem:v2+s9+$0x0] =	vst.idx.msk vm1, v3  }
0x238: {  	v2 =	vshll.u32 v2, $0x7;
	v3 =	vld [tilespmem:$0xC30];
	_ =	sdelay $0x4  }
0x239: {  	[tilespmem:v2+s8+$0x0] =	vst.idx.msk vm1, v3  }
0x23a: {  	v2 =	vld [tilespmem:$0x440];
	_ =	sdelay $0x4  }
0x23b: {  	vm1 =	vge.s32 v2, v1;
	vm2 =	vlt.s32 v2, v11  }
0x23c: {  	v2 =	vsub.s32 v2, v1;
	vm1 =	vmand vm1, vm2  }
0x23d: {  	v2 =	vnsel vm1, $0x0, v2;
	_ =	sdelay $0x3  }
0x23e: {  	v3 =	vor.u32 $0x440, v0  }
0x23f: {  	[tilespmem:v2+s9+$0x0] =	vst.idx.msk vm1, v3  }
0x240: {  	v2 =	vshll.u32 v2, $0x7;
	v3 =	vld [tilespmem:$0xC40];
	_ =	sdelay $0x4  }
0x241: {  	[tilespmem:v2+s8+$0x0] =	vst.idx.msk vm1, v3  }
0x242: {  	v2 =	vld [tilespmem:$0x450];
	_ =	sdelay $0x4  }
0x243: {  	vm1 =	vge.s32 v2, v1;
	vm2 =	vlt.s32 v2, v11  }
0x244: {  	v2 =	vsub.s32 v2, v1;
	vm1 =	vmand vm1, vm2  }
0x245: {  	v2 =	vnsel vm1, $0x0, v2;
	_ =	sdelay $0x3  }
0x246: {  	v3 =	vor.u32 $0x450, v0  }
0x247: {  	[tilespmem:v2+s9+$0x0] =	vst.idx.msk vm1, v3  }
0x248: {  	v2 =	vshll.u32 v2, $0x7;
	v3 =	vld [tilespmem:$0xC50];
	_ =	sdelay $0x4  }
0x249: {  	[tilespmem:v2+s8+$0x0] =	vst.idx.msk vm1, v3  }
0x24a: {  	v2 =	vld [tilespmem:$0x460];
	_ =	sdelay $0x4  }
0x24b: {  	vm1 =	vge.s32 v2, v1;
	vm2 =	vlt.s32 v2, v11  }
0x24c: {  	v2 =	vsub.s32 v2, v1;
	vm1 =	vmand vm1, vm2  }
0x24d: {  	v2 =	vnsel vm1, $0x0, v2;
	_ =	sdelay $0x3  }
0x24e: {  	v3 =	vor.u32 $0x460, v0  }
0x24f: {  	[tilespmem:v2+s9+$0x0] =	vst.idx.msk vm1, v3  }
0x250: {  	v2 =	vshll.u32 v2, $0x7;
	v3 =	vld [tilespmem:$0xC60];
	_ =	sdelay $0x4  }
0x251: {  	[tilespmem:v2+s8+$0x0] =	vst.idx.msk vm1, v3  }
0x252: {  	v2 =	vld [tilespmem:$0x470];
	_ =	sdelay $0x4  }
0x253: {  	vm1 =	vge.s32 v2, v1;
	vm2 =	vlt.s32 v2, v11  }
0x254: {  	v2 =	vsub.s32 v2, v1;
	vm1 =	vmand vm1, vm2  }
0x255: {  	v2 =	vnsel vm1, $0x0, v2;
	_ =	sdelay $0x3  }
0x256: {  	v3 =	vor.u32 $0x470, v0  }
0x257: {  	[tilespmem:v2+s9+$0x0] =	vst.idx.msk vm1, v3  }
0x258: {  	v2 =	vshll.u32 v2, $0x7;
	v3 =	vld [tilespmem:$0xC70];
	_ =	sdelay $0x4  }
0x259: {  	[tilespmem:v2+s8+$0x0] =	vst.idx.msk vm1, v3  }
0x25a: {  	v2 =	vld [tilespmem:$0x480];
	_ =	sdelay $0x4  }
0x25b: {  	vm1 =	vge.s32 v2, v1;
	vm2 =	vlt.s32 v2, v11  }
0x25c: {  	v2 =	vsub.s32 v2, v1;
	vm1 =	vmand vm1, vm2  }
0x25d: {  	v2 =	vnsel vm1, $0x0, v2;
	_ =	sdelay $0x3  }
0x25e: {  	v3 =	vor.u32 $0x480, v0  }
0x25f: {  	[tilespmem:v2+s9+$0x0] =	vst.idx.msk vm1, v3  }
0x260: {  	v2 =	vshll.u32 v2, $0x7;
	v3 =	vld [tilespmem:$0xC80];
	_ =	sdelay $0x4  }
0x261: {  	[tilespmem:v2+s8+$0x0] =	vst.idx.msk vm1, v3  }
0x262: {  	v2 =	vld [tilespmem:$0x490];
	_ =	sdelay $0x4  }
0x263: {  	vm1 =	vge.s32 v2, v1;
	vm2 =	vlt.s32 v2, v11  }
0x264: {  	v2 =	vsub.s32 v2, v1;
	vm1 =	vmand vm1, vm2  }
0x265: {  	v2 =	vnsel vm1, $0x0, v2;
	_ =	sdelay $0x3  }
0x266: {  	v3 =	vor.u32 $0x490, v0  }
0x267: {  	[tilespmem:v2+s9+$0x0] =	vst.idx.msk vm1, v3  }
0x268: {  	v2 =	vshll.u32 v2, $0x7;
	v3 =	vld [tilespmem:$0xC90];
	_ =	sdelay $0x4  }
0x269: {  	[tilespmem:v2+s8+$0x0] =	vst.idx.msk vm1, v3  }
0x26a: {  	v2 =	vld [tilespmem:$0x4A0];
	_ =	sdelay $0x4  }
0x26b: {  	vm1 =	vge.s32 v2, v1;
	vm2 =	vlt.s32 v2, v11  }
0x26c: {  	v2 =	vsub.s32 v2, v1;
	vm1 =	vmand vm1, vm2  }
0x26d: {  	v2 =	vnsel vm1, $0x0, v2;
	_ =	sdelay $0x3  }
0x26e: {  	v3 =	vor.u32 $0x4A0, v0  }
0x26f: {  	[tilespmem:v2+s9+$0x0] =	vst.idx.msk vm1, v3  }
0x270: {  	v2 =	vshll.u32 v2, $0x7;
	v3 =	vld [tilespmem:$0xCA0];
	_ =	sdelay $0x4  }
0x271: {  	[tilespmem:v2+s8+$0x0] =	vst.idx.msk vm1, v3  }
0x272: {  	v2 =	vld [tilespmem:$0x4B0];
	_ =	sdelay $0x4  }
0x273: {  	vm1 =	vge.s32 v2, v1;
	vm2 =	vlt.s32 v2, v11  }
0x274: {  	v2 =	vsub.s32 v2, v1;
	vm1 =	vmand vm1, vm2  }
0x275: {  	v2 =	vnsel vm1, $0x0, v2;
	_ =	sdelay $0x3  }
0x276: {  	v3 =	vor.u32 $0x4B0, v0  }
0x277: {  	[tilespmem:v2+s9+$0x0] =	vst.idx.msk vm1, v3  }
0x278: {  	v2 =	vshll.u32 v2, $0x7;
	v3 =	vld [tilespmem:$0xCB0];
	_ =	sdelay $0x4  }
0x279: {  	[tilespmem:v2+s8+$0x0] =	vst.idx.msk vm1, v3  }
0x27a: {  	v2 =	vld [tilespmem:$0x4C0];
	_ =	sdelay $0x4  }
0x27b: {  	vm1 =	vge.s32 v2, v1;
	vm2 =	vlt.s32 v2, v11  }
0x27c: {  	v2 =	vsub.s32 v2, v1;
	vm1 =	vmand vm1, vm2  }
0x27d: {  	v2 =	vnsel vm1, $0x0, v2;
	_ =	sdelay $0x3  }
0x27e: {  	v3 =	vor.u32 $0x4C0, v0  }
0x27f: {  	[tilespmem:v2+s9+$0x0] =	vst.idx.msk vm1, v3  }
0x280: {  	v2 =	vshll.u32 v2, $0x7;
	v3 =	vld [tilespmem:$0xCC0];
	_ =	sdelay $0x4  }
0x281: {  	[tilespmem:v2+s8+$0x0] =	vst.idx.msk vm1, v3  }
0x282: {  	v2 =	vld [tilespmem:$0x4D0];
	_ =	sdelay $0x4  }
0x283: {  	vm1 =	vge.s32 v2, v1;
	vm2 =	vlt.s32 v2, v11  }
0x284: {  	v2 =	vsub.s32 v2, v1;
	vm1 =	vmand vm1, vm2  }
0x285: {  	v2 =	vnsel vm1, $0x0, v2;
	_ =	sdelay $0x3  }
0x286: {  	v3 =	vor.u32 $0x4D0, v0  }
0x287: {  	[tilespmem:v2+s9+$0x0] =	vst.idx.msk vm1, v3  }
0x288: {  	v2 =	vshll.u32 v2, $0x7;
	v3 =	vld [tilespmem:$0xCD0];
	_ =	sdelay $0x4  }
0x289: {  	[tilespmem:v2+s8+$0x0] =	vst.idx.msk vm1, v3  }
0x28a: {  	v2 =	vld [tilespmem:$0x4E0];
	_ =	sdelay $0x4  }
0x28b: {  	vm1 =	vge.s32 v2, v1;
	vm2 =	vlt.s32 v2, v11  }
0x28c: {  	v2 =	vsub.s32 v2, v1;
	vm1 =	vmand vm1, vm2  }
0x28d: {  	v2 =	vnsel vm1, $0x0, v2;
	_ =	sdelay $0x3  }
0x28e: {  	v3 =	vor.u32 $0x4E0, v0  }
0x28f: {  	[tilespmem:v2+s9+$0x0] =	vst.idx.msk vm1, v3  }
0x290: {  	v2 =	vshll.u32 v2, $0x7;
	v3 =	vld [tilespmem:$0xCE0];
	_ =	sdelay $0x4  }
0x291: {  	[tilespmem:v2+s8+$0x0] =	vst.idx.msk vm1, v3  }
0x292: {  	v2 =	vld [tilespmem:$0x4F0];
	_ =	sdelay $0x4  }
0x293: {  	vm1 =	vge.s32 v2, v1;
	vm2 =	vlt.s32 v2, v11  }
0x294: {  	v2 =	vsub.s32 v2, v1;
	vm1 =	vmand vm1, vm2  }
0x295: {  	v2 =	vnsel vm1, $0x0, v2;
	_ =	sdelay $0x3  }
0x296: {  	v3 =	vor.u32 $0x4F0, v0  }
0x297: {  	[tilespmem:v2+s9+$0x0] =	vst.idx.msk vm1, v3  }
0x298: {  	v2 =	vshll.u32 v2, $0x7;
	v3 =	vld [tilespmem:$0xCF0];
	_ =	sdelay $0x4  }
0x299: {  	[tilespmem:v2+s8+$0x0] =	vst.idx.msk vm1, v3  }
0x29a: {  	v2 =	vld [tilespmem:$0x500];
	_ =	sdelay $0x4  }
0x29b: {  	vm1 =	vge.s32 v2, v1;
	vm2 =	vlt.s32 v2, v11  }
0x29c: {  	v2 =	vsub.s32 v2, v1;
	vm1 =	vmand vm1, vm2  }
0x29d: {  	v2 =	vnsel vm1, $0x0, v2;
	_ =	sdelay $0x3  }
0x29e: {  	v3 =	vor.u32 $0x500, v0  }
0x29f: {  	[tilespmem:v2+s9+$0x0] =	vst.idx.msk vm1, v3  }
0x2a0: {  	v2 =	vshll.u32 v2, $0x7;
	v3 =	vld [tilespmem:$0xD00];
	_ =	sdelay $0x4  }
0x2a1: {  	[tilespmem:v2+s8+$0x0] =	vst.idx.msk vm1, v3  }
0x2a2: {  	v2 =	vld [tilespmem:$0x510];
	_ =	sdelay $0x4  }
0x2a3: {  	vm1 =	vge.s32 v2, v1;
	vm2 =	vlt.s32 v2, v11  }
0x2a4: {  	v2 =	vsub.s32 v2, v1;
	vm1 =	vmand vm1, vm2  }
0x2a5: {  	v2 =	vnsel vm1, $0x0, v2;
	_ =	sdelay $0x3  }
0x2a6: {  	v3 =	vor.u32 $0x510, v0  }
0x2a7: {  	[tilespmem:v2+s9+$0x0] =	vst.idx.msk vm1, v3  }
0x2a8: {  	v2 =	vshll.u32 v2, $0x7;
	v3 =	vld [tilespmem:$0xD10];
	_ =	sdelay $0x4  }
0x2a9: {  	[tilespmem:v2+s8+$0x0] =	vst.idx.msk vm1, v3  }
0x2aa: {  	v2 =	vld [tilespmem:$0x520];
	_ =	sdelay $0x4  }
0x2ab: {  	vm1 =	vge.s32 v2, v1;
	vm2 =	vlt.s32 v2, v11  }
0x2ac: {  	v2 =	vsub.s32 v2, v1;
	vm1 =	vmand vm1, vm2  }
0x2ad: {  	v2 =	vnsel vm1, $0x0, v2;
	_ =	sdelay $0x3  }
0x2ae: {  	v3 =	vor.u32 $0x520, v0  }
0x2af: {  	[tilespmem:v2+s9+$0x0] =	vst.idx.msk vm1, v3  }
0x2b0: {  	v2 =	vshll.u32 v2, $0x7;
	v3 =	vld [tilespmem:$0xD20];
	_ =	sdelay $0x4  }
0x2b1: {  	[tilespmem:v2+s8+$0x0] =	vst.idx.msk vm1, v3  }
0x2b2: {  	v2 =	vld [tilespmem:$0x530];
	_ =	sdelay $0x4  }
0x2b3: {  	vm1 =	vge.s32 v2, v1;
	vm2 =	vlt.s32 v2, v11  }
0x2b4: {  	v2 =	vsub.s32 v2, v1;
	vm1 =	vmand vm1, vm2  }
0x2b5: {  	v2 =	vnsel vm1, $0x0, v2;
	_ =	sdelay $0x3  }
0x2b6: {  	v3 =	vor.u32 $0x530, v0  }
0x2b7: {  	[tilespmem:v2+s9+$0x0] =	vst.idx.msk vm1, v3  }
0x2b8: {  	v2 =	vshll.u32 v2, $0x7;
	v3 =	vld [tilespmem:$0xD30];
	_ =	sdelay $0x4  }
0x2b9: {  	[tilespmem:v2+s8+$0x0] =	vst.idx.msk vm1, v3  }
0x2ba: {  	v2 =	vld [tilespmem:$0x540];
	_ =	sdelay $0x4  }
0x2bb: {  	vm1 =	vge.s32 v2, v1;
	vm2 =	vlt.s32 v2, v11  }
0x2bc: {  	v2 =	vsub.s32 v2, v1;
	vm1 =	vmand vm1, vm2  }
0x2bd: {  	v2 =	vnsel vm1, $0x0, v2;
	_ =	sdelay $0x3  }
0x2be: {  	v3 =	vor.u32 $0x540, v0  }
0x2bf: {  	[tilespmem:v2+s9+$0x0] =	vst.idx.msk vm1, v3  }
0x2c0: {  	v2 =	vshll.u32 v2, $0x7;
	v3 =	vld [tilespmem:$0xD40];
	_ =	sdelay $0x4  }
0x2c1: {  	[tilespmem:v2+s8+$0x0] =	vst.idx.msk vm1, v3  }
0x2c2: {  	v2 =	vld [tilespmem:$0x550];
	_ =	sdelay $0x4  }
0x2c3: {  	vm1 =	vge.s32 v2, v1;
	vm2 =	vlt.s32 v2, v11  }
0x2c4: {  	v2 =	vsub.s32 v2, v1;
	vm1 =	vmand vm1, vm2  }
0x2c5: {  	v2 =	vnsel vm1, $0x0, v2;
	_ =	sdelay $0x3  }
0x2c6: {  	v3 =	vor.u32 $0x550, v0  }
0x2c7: {  	[tilespmem:v2+s9+$0x0] =	vst.idx.msk vm1, v3  }
0x2c8: {  	v2 =	vshll.u32 v2, $0x7;
	v3 =	vld [tilespmem:$0xD50];
	_ =	sdelay $0x4  }
0x2c9: {  	[tilespmem:v2+s8+$0x0] =	vst.idx.msk vm1, v3  }
0x2ca: {  	v2 =	vld [tilespmem:$0x560];
	_ =	sdelay $0x4  }
0x2cb: {  	vm1 =	vge.s32 v2, v1;
	vm2 =	vlt.s32 v2, v11  }
0x2cc: {  	v2 =	vsub.s32 v2, v1;
	vm1 =	vmand vm1, vm2  }
0x2cd: {  	v2 =	vnsel vm1, $0x0, v2;
	_ =	sdelay $0x3  }
0x2ce: {  	v3 =	vor.u32 $0x560, v0  }
0x2cf: {  	[tilespmem:v2+s9+$0x0] =	vst.idx.msk vm1, v3  }
0x2d0: {  	v2 =	vshll.u32 v2, $0x7;
	v3 =	vld [tilespmem:$0xD60];
	_ =	sdelay $0x4  }
0x2d1: {  	[tilespmem:v2+s8+$0x0] =	vst.idx.msk vm1, v3  }
0x2d2: {  	v2 =	vld [tilespmem:$0x570];
	_ =	sdelay $0x4  }
0x2d3: {  	vm1 =	vge.s32 v2, v1;
	vm2 =	vlt.s32 v2, v11  }
0x2d4: {  	v2 =	vsub.s32 v2, v1;
	vm1 =	vmand vm1, vm2  }
0x2d5: {  	v2 =	vnsel vm1, $0x0, v2;
	_ =	sdelay $0x3  }
0x2d6: {  	v3 =	vor.u32 $0x570, v0  }
0x2d7: {  	[tilespmem:v2+s9+$0x0] =	vst.idx.msk vm1, v3  }
0x2d8: {  	v2 =	vshll.u32 v2, $0x7;
	v3 =	vld [tilespmem:$0xD70];
	_ =	sdelay $0x4  }
0x2d9: {  	[tilespmem:v2+s8+$0x0] =	vst.idx.msk vm1, v3  }
0x2da: {  	v2 =	vld [tilespmem:$0x580];
	_ =	sdelay $0x4  }
0x2db: {  	vm1 =	vge.s32 v2, v1;
	vm2 =	vlt.s32 v2, v11  }
0x2dc: {  	v2 =	vsub.s32 v2, v1;
	vm1 =	vmand vm1, vm2  }
0x2dd: {  	v2 =	vnsel vm1, $0x0, v2;
	_ =	sdelay $0x3  }
0x2de: {  	v3 =	vor.u32 $0x580, v0  }
0x2df: {  	[tilespmem:v2+s9+$0x0] =	vst.idx.msk vm1, v3  }
0x2e0: {  	v2 =	vshll.u32 v2, $0x7;
	v3 =	vld [tilespmem:$0xD80];
	_ =	sdelay $0x4  }
0x2e1: {  	[tilespmem:v2+s8+$0x0] =	vst.idx.msk vm1, v3  }
0x2e2: {  	v2 =	vld [tilespmem:$0x590];
	_ =	sdelay $0x4  }
0x2e3: {  	vm1 =	vge.s32 v2, v1;
	vm2 =	vlt.s32 v2, v11  }
0x2e4: {  	v2 =	vsub.s32 v2, v1;
	vm1 =	vmand vm1, vm2  }
0x2e5: {  	v2 =	vnsel vm1, $0x0, v2;
	_ =	sdelay $0x3  }
0x2e6: {  	v3 =	vor.u32 $0x590, v0  }
0x2e7: {  	[tilespmem:v2+s9+$0x0] =	vst.idx.msk vm1, v3  }
0x2e8: {  	v2 =	vshll.u32 v2, $0x7;
	v3 =	vld [tilespmem:$0xD90];
	_ =	sdelay $0x4  }
0x2e9: {  	[tilespmem:v2+s8+$0x0] =	vst.idx.msk vm1, v3  }
0x2ea: {  	v2 =	vld [tilespmem:$0x5A0];
	_ =	sdelay $0x4  }
0x2eb: {  	vm1 =	vge.s32 v2, v1;
	vm2 =	vlt.s32 v2, v11  }
0x2ec: {  	v2 =	vsub.s32 v2, v1;
	vm1 =	vmand vm1, vm2  }
0x2ed: {  	v2 =	vnsel vm1, $0x0, v2;
	_ =	sdelay $0x3  }
0x2ee: {  	v3 =	vor.u32 $0x5A0, v0  }
0x2ef: {  	[tilespmem:v2+s9+$0x0] =	vst.idx.msk vm1, v3  }
0x2f0: {  	v2 =	vshll.u32 v2, $0x7;
	v3 =	vld [tilespmem:$0xDA0];
	_ =	sdelay $0x4  }
0x2f1: {  	[tilespmem:v2+s8+$0x0] =	vst.idx.msk vm1, v3  }
0x2f2: {  	v2 =	vld [tilespmem:$0x5B0];
	_ =	sdelay $0x4  }
0x2f3: {  	vm1 =	vge.s32 v2, v1;
	vm2 =	vlt.s32 v2, v11  }
0x2f4: {  	v2 =	vsub.s32 v2, v1;
	vm1 =	vmand vm1, vm2  }
0x2f5: {  	v2 =	vnsel vm1, $0x0, v2;
	_ =	sdelay $0x3  }
0x2f6: {  	v3 =	vor.u32 $0x5B0, v0  }
0x2f7: {  	[tilespmem:v2+s9+$0x0] =	vst.idx.msk vm1, v3  }
0x2f8: {  	v2 =	vshll.u32 v2, $0x7;
	v3 =	vld [tilespmem:$0xDB0];
	_ =	sdelay $0x4  }
0x2f9: {  	[tilespmem:v2+s8+$0x0] =	vst.idx.msk vm1, v3  }
0x2fa: {  	v2 =	vld [tilespmem:$0x5C0];
	_ =	sdelay $0x4  }
0x2fb: {  	vm1 =	vge.s32 v2, v1;
	vm2 =	vlt.s32 v2, v11  }
0x2fc: {  	v2 =	vsub.s32 v2, v1;
	vm1 =	vmand vm1, vm2  }
0x2fd: {  	v2 =	vnsel vm1, $0x0, v2;
	_ =	sdelay $0x3  }
0x2fe: {  	v3 =	vor.u32 $0x5C0, v0  }
0x2ff: {  	[tilespmem:v2+s9+$0x0] =	vst.idx.msk vm1, v3  }
0x300: {  	v2 =	vshll.u32 v2, $0x7;
	v3 =	vld [tilespmem:$0xDC0];
	_ =	sdelay $0x4  }
0x301: {  	[tilespmem:v2+s8+$0x0] =	vst.idx.msk vm1, v3  }
0x302: {  	v2 =	vld [tilespmem:$0x5D0];
	_ =	sdelay $0x4  }
0x303: {  	vm1 =	vge.s32 v2, v1;
	vm2 =	vlt.s32 v2, v11  }
0x304: {  	v2 =	vsub.s32 v2, v1;
	vm1 =	vmand vm1, vm2  }
0x305: {  	v2 =	vnsel vm1, $0x0, v2;
	_ =	sdelay $0x3  }
0x306: {  	v3 =	vor.u32 $0x5D0, v0  }
0x307: {  	[tilespmem:v2+s9+$0x0] =	vst.idx.msk vm1, v3  }
0x308: {  	v2 =	vshll.u32 v2, $0x7;
	v3 =	vld [tilespmem:$0xDD0];
	_ =	sdelay $0x4  }
0x309: {  	[tilespmem:v2+s8+$0x0] =	vst.idx.msk vm1, v3  }
0x30a: {  	v2 =	vld [tilespmem:$0x5E0];
	_ =	sdelay $0x4  }
0x30b: {  	vm1 =	vge.s32 v2, v1;
	vm2 =	vlt.s32 v2, v11  }
0x30c: {  	v2 =	vsub.s32 v2, v1;
	vm1 =	vmand vm1, vm2  }
0x30d: {  	v2 =	vnsel vm1, $0x0, v2;
	_ =	sdelay $0x3  }
0x30e: {  	v3 =	vor.u32 $0x5E0, v0  }
0x30f: {  	[tilespmem:v2+s9+$0x0] =	vst.idx.msk vm1, v3  }
0x310: {  	v2 =	vshll.u32 v2, $0x7;
	v3 =	vld [tilespmem:$0xDE0];
	_ =	sdelay $0x4  }
0x311: {  	[tilespmem:v2+s8+$0x0] =	vst.idx.msk vm1, v3  }
0x312: {  	v2 =	vld [tilespmem:$0x5F0];
	_ =	sdelay $0x4  }
0x313: {  	vm1 =	vge.s32 v2, v1;
	vm2 =	vlt.s32 v2, v11  }
0x314: {  	v2 =	vsub.s32 v2, v1;
	vm1 =	vmand vm1, vm2  }
0x315: {  	v2 =	vnsel vm1, $0x0, v2;
	_ =	sdelay $0x3  }
0x316: {  	v3 =	vor.u32 $0x5F0, v0  }
0x317: {  	[tilespmem:v2+s9+$0x0] =	vst.idx.msk vm1, v3  }
0x318: {  	v2 =	vshll.u32 v2, $0x7;
	v3 =	vld [tilespmem:$0xDF0];
	_ =	sdelay $0x4  }
0x319: {  	[tilespmem:v2+s8+$0x0] =	vst.idx.msk vm1, v3  }
0x31a: {  	v2 =	vld [tilespmem:$0x600];
	_ =	sdelay $0x4  }
0x31b: {  	vm1 =	vge.s32 v2, v1;
	vm2 =	vlt.s32 v2, v11  }
0x31c: {  	v2 =	vsub.s32 v2, v1;
	vm1 =	vmand vm1, vm2  }
0x31d: {  	v2 =	vnsel vm1, $0x0, v2;
	_ =	sdelay $0x3  }
0x31e: {  	v3 =	vor.u32 $0x600, v0  }
0x31f: {  	[tilespmem:v2+s9+$0x0] =	vst.idx.msk vm1, v3  }
0x320: {  	v2 =	vshll.u32 v2, $0x7;
	v3 =	vld [tilespmem:$0xE00];
	_ =	sdelay $0x4  }
0x321: {  	[tilespmem:v2+s8+$0x0] =	vst.idx.msk vm1, v3  }
0x322: {  	v2 =	vld [tilespmem:$0x610];
	_ =	sdelay $0x4  }
0x323: {  	vm1 =	vge.s32 v2, v1;
	vm2 =	vlt.s32 v2, v11  }
0x324: {  	v2 =	vsub.s32 v2, v1;
	vm1 =	vmand vm1, vm2  }
0x325: {  	v2 =	vnsel vm1, $0x0, v2;
	_ =	sdelay $0x3  }
0x326: {  	v3 =	vor.u32 $0x610, v0  }
0x327: {  	[tilespmem:v2+s9+$0x0] =	vst.idx.msk vm1, v3  }
0x328: {  	v2 =	vshll.u32 v2, $0x7;
	v3 =	vld [tilespmem:$0xE10];
	_ =	sdelay $0x4  }
0x329: {  	[tilespmem:v2+s8+$0x0] =	vst.idx.msk vm1, v3  }
0x32a: {  	v2 =	vld [tilespmem:$0x620];
	_ =	sdelay $0x4  }
0x32b: {  	vm1 =	vge.s32 v2, v1;
	vm2 =	vlt.s32 v2, v11  }
0x32c: {  	v2 =	vsub.s32 v2, v1;
	vm1 =	vmand vm1, vm2  }
0x32d: {  	v2 =	vnsel vm1, $0x0, v2;
	_ =	sdelay $0x3  }
0x32e: {  	v3 =	vor.u32 $0x620, v0  }
0x32f: {  	[tilespmem:v2+s9+$0x0] =	vst.idx.msk vm1, v3  }
0x330: {  	v2 =	vshll.u32 v2, $0x7;
	v3 =	vld [tilespmem:$0xE20];
	_ =	sdelay $0x4  }
0x331: {  	[tilespmem:v2+s8+$0x0] =	vst.idx.msk vm1, v3  }
0x332: {  	v2 =	vld [tilespmem:$0x630];
	_ =	sdelay $0x4  }
0x333: {  	vm1 =	vge.s32 v2, v1;
	vm2 =	vlt.s32 v2, v11  }
0x334: {  	v2 =	vsub.s32 v2, v1;
	vm1 =	vmand vm1, vm2  }
0x335: {  	v2 =	vnsel vm1, $0x0, v2;
	_ =	sdelay $0x3  }
0x336: {  	v3 =	vor.u32 $0x630, v0  }
0x337: {  	[tilespmem:v2+s9+$0x0] =	vst.idx.msk vm1, v3  }
0x338: {  	v2 =	vshll.u32 v2, $0x7;
	v3 =	vld [tilespmem:$0xE30];
	_ =	sdelay $0x4  }
0x339: {  	[tilespmem:v2+s8+$0x0] =	vst.idx.msk vm1, v3  }
0x33a: {  	v2 =	vld [tilespmem:$0x640];
	_ =	sdelay $0x4  }
0x33b: {  	vm1 =	vge.s32 v2, v1;
	vm2 =	vlt.s32 v2, v11  }
0x33c: {  	v2 =	vsub.s32 v2, v1;
	vm1 =	vmand vm1, vm2  }
0x33d: {  	v2 =	vnsel vm1, $0x0, v2;
	_ =	sdelay $0x3  }
0x33e: {  	v3 =	vor.u32 $0x640, v0  }
0x33f: {  	[tilespmem:v2+s9+$0x0] =	vst.idx.msk vm1, v3  }
0x340: {  	v2 =	vshll.u32 v2, $0x7;
	v3 =	vld [tilespmem:$0xE40];
	_ =	sdelay $0x4  }
0x341: {  	[tilespmem:v2+s8+$0x0] =	vst.idx.msk vm1, v3  }
0x342: {  	v2 =	vld [tilespmem:$0x650];
	_ =	sdelay $0x4  }
0x343: {  	vm1 =	vge.s32 v2, v1;
	vm2 =	vlt.s32 v2, v11  }
0x344: {  	v2 =	vsub.s32 v2, v1;
	vm1 =	vmand vm1, vm2  }
0x345: {  	v2 =	vnsel vm1, $0x0, v2;
	_ =	sdelay $0x3  }
0x346: {  	v3 =	vor.u32 $0x650, v0  }
0x347: {  	[tilespmem:v2+s9+$0x0] =	vst.idx.msk vm1, v3  }
0x348: {  	v2 =	vshll.u32 v2, $0x7;
	v3 =	vld [tilespmem:$0xE50];
	_ =	sdelay $0x4  }
0x349: {  	[tilespmem:v2+s8+$0x0] =	vst.idx.msk vm1, v3  }
0x34a: {  	v2 =	vld [tilespmem:$0x660];
	_ =	sdelay $0x4  }
0x34b: {  	vm1 =	vge.s32 v2, v1;
	vm2 =	vlt.s32 v2, v11  }
0x34c: {  	v2 =	vsub.s32 v2, v1;
	vm1 =	vmand vm1, vm2  }
0x34d: {  	v2 =	vnsel vm1, $0x0, v2;
	_ =	sdelay $0x3  }
0x34e: {  	v3 =	vor.u32 $0x660, v0  }
0x34f: {  	[tilespmem:v2+s9+$0x0] =	vst.idx.msk vm1, v3  }
0x350: {  	v2 =	vshll.u32 v2, $0x7;
	v3 =	vld [tilespmem:$0xE60];
	_ =	sdelay $0x4  }
0x351: {  	[tilespmem:v2+s8+$0x0] =	vst.idx.msk vm1, v3  }
0x352: {  	v2 =	vld [tilespmem:$0x670];
	_ =	sdelay $0x4  }
0x353: {  	vm1 =	vge.s32 v2, v1;
	vm2 =	vlt.s32 v2, v11  }
0x354: {  	v2 =	vsub.s32 v2, v1;
	vm1 =	vmand vm1, vm2  }
0x355: {  	v2 =	vnsel vm1, $0x0, v2;
	_ =	sdelay $0x3  }
0x356: {  	v3 =	vor.u32 $0x670, v0  }
0x357: {  	[tilespmem:v2+s9+$0x0] =	vst.idx.msk vm1, v3  }
0x358: {  	v2 =	vshll.u32 v2, $0x7;
	v3 =	vld [tilespmem:$0xE70];
	_ =	sdelay $0x4  }
0x359: {  	[tilespmem:v2+s8+$0x0] =	vst.idx.msk vm1, v3  }
0x35a: {  	v2 =	vld [tilespmem:$0x680];
	_ =	sdelay $0x4  }
0x35b: {  	vm1 =	vge.s32 v2, v1;
	vm2 =	vlt.s32 v2, v11  }
0x35c: {  	v2 =	vsub.s32 v2, v1;
	vm1 =	vmand vm1, vm2  }
0x35d: {  	v2 =	vnsel vm1, $0x0, v2;
	_ =	sdelay $0x3  }
0x35e: {  	v3 =	vor.u32 $0x680, v0  }
0x35f: {  	[tilespmem:v2+s9+$0x0] =	vst.idx.msk vm1, v3  }
0x360: {  	v2 =	vshll.u32 v2, $0x7;
	v3 =	vld [tilespmem:$0xE80];
	_ =	sdelay $0x4  }
0x361: {  	[tilespmem:v2+s8+$0x0] =	vst.idx.msk vm1, v3  }
0x362: {  	v2 =	vld [tilespmem:$0x690];
	_ =	sdelay $0x4  }
0x363: {  	vm1 =	vge.s32 v2, v1;
	vm2 =	vlt.s32 v2, v11  }
0x364: {  	v2 =	vsub.s32 v2, v1;
	vm1 =	vmand vm1, vm2  }
0x365: {  	v2 =	vnsel vm1, $0x0, v2;
	_ =	sdelay $0x3  }
0x366: {  	v3 =	vor.u32 $0x690, v0  }
0x367: {  	[tilespmem:v2+s9+$0x0] =	vst.idx.msk vm1, v3  }
0x368: {  	v2 =	vshll.u32 v2, $0x7;
	v3 =	vld [tilespmem:$0xE90];
	_ =	sdelay $0x4  }
0x369: {  	[tilespmem:v2+s8+$0x0] =	vst.idx.msk vm1, v3  }
0x36a: {  	v2 =	vld [tilespmem:$0x6A0];
	_ =	sdelay $0x4  }
0x36b: {  	vm1 =	vge.s32 v2, v1;
	vm2 =	vlt.s32 v2, v11  }
0x36c: {  	v2 =	vsub.s32 v2, v1;
	vm1 =	vmand vm1, vm2  }
0x36d: {  	v2 =	vnsel vm1, $0x0, v2;
	_ =	sdelay $0x3  }
0x36e: {  	v3 =	vor.u32 $0x6A0, v0  }
0x36f: {  	[tilespmem:v2+s9+$0x0] =	vst.idx.msk vm1, v3  }
0x370: {  	v2 =	vshll.u32 v2, $0x7;
	v3 =	vld [tilespmem:$0xEA0];
	_ =	sdelay $0x4  }
0x371: {  	[tilespmem:v2+s8+$0x0] =	vst.idx.msk vm1, v3  }
0x372: {  	v2 =	vld [tilespmem:$0x6B0];
	_ =	sdelay $0x4  }
0x373: {  	vm1 =	vge.s32 v2, v1;
	vm2 =	vlt.s32 v2, v11  }
0x374: {  	v2 =	vsub.s32 v2, v1;
	vm1 =	vmand vm1, vm2  }
0x375: {  	v2 =	vnsel vm1, $0x0, v2;
	_ =	sdelay $0x3  }
0x376: {  	v3 =	vor.u32 $0x6B0, v0  }
0x377: {  	[tilespmem:v2+s9+$0x0] =	vst.idx.msk vm1, v3  }
0x378: {  	v2 =	vshll.u32 v2, $0x7;
	v3 =	vld [tilespmem:$0xEB0];
	_ =	sdelay $0x4  }
0x379: {  	[tilespmem:v2+s8+$0x0] =	vst.idx.msk vm1, v3  }
0x37a: {  	v2 =	vld [tilespmem:$0x6C0];
	_ =	sdelay $0x4  }
0x37b: {  	vm1 =	vge.s32 v2, v1;
	vm2 =	vlt.s32 v2, v11  }
0x37c: {  	v2 =	vsub.s32 v2, v1;
	vm1 =	vmand vm1, vm2  }
0x37d: {  	v2 =	vnsel vm1, $0x0, v2;
	_ =	sdelay $0x3  }
0x37e: {  	v3 =	vor.u32 $0x6C0, v0  }
0x37f: {  	[tilespmem:v2+s9+$0x0] =	vst.idx.msk vm1, v3  }
0x380: {  	v2 =	vshll.u32 v2, $0x7;
	v3 =	vld [tilespmem:$0xEC0];
	_ =	sdelay $0x4  }
0x381: {  	[tilespmem:v2+s8+$0x0] =	vst.idx.msk vm1, v3  }
0x382: {  	v2 =	vld [tilespmem:$0x6D0];
	_ =	sdelay $0x4  }
0x383: {  	vm1 =	vge.s32 v2, v1;
	vm2 =	vlt.s32 v2, v11  }
0x384: {  	v2 =	vsub.s32 v2, v1;
	vm1 =	vmand vm1, vm2  }
0x385: {  	v2 =	vnsel vm1, $0x0, v2;
	_ =	sdelay $0x3  }
0x386: {  	v3 =	vor.u32 $0x6D0, v0  }
0x387: {  	[tilespmem:v2+s9+$0x0] =	vst.idx.msk vm1, v3  }
0x388: {  	v2 =	vshll.u32 v2, $0x7;
	v3 =	vld [tilespmem:$0xED0];
	_ =	sdelay $0x4  }
0x389: {  	[tilespmem:v2+s8+$0x0] =	vst.idx.msk vm1, v3  }
0x38a: {  	v2 =	vld [tilespmem:$0x6E0];
	_ =	sdelay $0x4  }
0x38b: {  	vm1 =	vge.s32 v2, v1;
	vm2 =	vlt.s32 v2, v11  }
0x38c: {  	v2 =	vsub.s32 v2, v1;
	vm1 =	vmand vm1, vm2  }
0x38d: {  	v2 =	vnsel vm1, $0x0, v2;
	_ =	sdelay $0x3  }
0x38e: {  	v3 =	vor.u32 $0x6E0, v0  }
0x38f: {  	[tilespmem:v2+s9+$0x0] =	vst.idx.msk vm1, v3  }
0x390: {  	v2 =	vshll.u32 v2, $0x7;
	v3 =	vld [tilespmem:$0xEE0];
	_ =	sdelay $0x4  }
0x391: {  	[tilespmem:v2+s8+$0x0] =	vst.idx.msk vm1, v3  }
0x392: {  	v2 =	vld [tilespmem:$0x6F0];
	_ =	sdelay $0x4  }
0x393: {  	vm1 =	vge.s32 v2, v1;
	vm2 =	vlt.s32 v2, v11  }
0x394: {  	v2 =	vsub.s32 v2, v1;
	vm1 =	vmand vm1, vm2  }
0x395: {  	v2 =	vnsel vm1, $0x0, v2;
	_ =	sdelay $0x3  }
0x396: {  	v3 =	vor.u32 $0x6F0, v0  }
0x397: {  	[tilespmem:v2+s9+$0x0] =	vst.idx.msk vm1, v3  }
0x398: {  	v2 =	vshll.u32 v2, $0x7;
	v3 =	vld [tilespmem:$0xEF0];
	_ =	sdelay $0x4  }
0x399: {  	[tilespmem:v2+s8+$0x0] =	vst.idx.msk vm1, v3  }
0x39a: {  	v2 =	vld [tilespmem:$0x700];
	_ =	sdelay $0x4  }
0x39b: {  	vm1 =	vge.s32 v2, v1;
	vm2 =	vlt.s32 v2, v11  }
0x39c: {  	v2 =	vsub.s32 v2, v1;
	vm1 =	vmand vm1, vm2  }
0x39d: {  	v2 =	vnsel vm1, $0x0, v2;
	_ =	sdelay $0x3  }
0x39e: {  	v3 =	vor.u32 $0x700, v0  }
0x39f: {  	[tilespmem:v2+s9+$0x0] =	vst.idx.msk vm1, v3  }
0x3a0: {  	v2 =	vshll.u32 v2, $0x7;
	v3 =	vld [tilespmem:$0xF00];
	_ =	sdelay $0x4  }
0x3a1: {  	[tilespmem:v2+s8+$0x0] =	vst.idx.msk vm1, v3  }
0x3a2: {  	v2 =	vld [tilespmem:$0x710];
	_ =	sdelay $0x4  }
0x3a3: {  	vm1 =	vge.s32 v2, v1;
	vm2 =	vlt.s32 v2, v11  }
0x3a4: {  	v2 =	vsub.s32 v2, v1;
	vm1 =	vmand vm1, vm2  }
0x3a5: {  	v2 =	vnsel vm1, $0x0, v2;
	_ =	sdelay $0x3  }
0x3a6: {  	v3 =	vor.u32 $0x710, v0  }
0x3a7: {  	[tilespmem:v2+s9+$0x0] =	vst.idx.msk vm1, v3  }
0x3a8: {  	v2 =	vshll.u32 v2, $0x7;
	v3 =	vld [tilespmem:$0xF10];
	_ =	sdelay $0x4  }
0x3a9: {  	[tilespmem:v2+s8+$0x0] =	vst.idx.msk vm1, v3  }
0x3aa: {  	v2 =	vld [tilespmem:$0x720];
	_ =	sdelay $0x4  }
0x3ab: {  	vm1 =	vge.s32 v2, v1;
	vm2 =	vlt.s32 v2, v11  }
0x3ac: {  	v2 =	vsub.s32 v2, v1;
	vm1 =	vmand vm1, vm2  }
0x3ad: {  	v2 =	vnsel vm1, $0x0, v2;
	_ =	sdelay $0x3  }
0x3ae: {  	v3 =	vor.u32 $0x720, v0  }
0x3af: {  	[tilespmem:v2+s9+$0x0] =	vst.idx.msk vm1, v3  }
0x3b0: {  	v2 =	vshll.u32 v2, $0x7;
	v3 =	vld [tilespmem:$0xF20];
	_ =	sdelay $0x4  }
0x3b1: {  	[tilespmem:v2+s8+$0x0] =	vst.idx.msk vm1, v3  }
0x3b2: {  	v2 =	vld [tilespmem:$0x730];
	_ =	sdelay $0x4  }
0x3b3: {  	vm1 =	vge.s32 v2, v1;
	vm2 =	vlt.s32 v2, v11  }
0x3b4: {  	v2 =	vsub.s32 v2, v1;
	vm1 =	vmand vm1, vm2  }
0x3b5: {  	v2 =	vnsel vm1, $0x0, v2;
	_ =	sdelay $0x3  }
0x3b6: {  	v3 =	vor.u32 $0x730, v0  }
0x3b7: {  	[tilespmem:v2+s9+$0x0] =	vst.idx.msk vm1, v3  }
0x3b8: {  	v2 =	vshll.u32 v2, $0x7;
	v3 =	vld [tilespmem:$0xF30];
	_ =	sdelay $0x4  }
0x3b9: {  	[tilespmem:v2+s8+$0x0] =	vst.idx.msk vm1, v3  }
0x3ba: {  	v2 =	vld [tilespmem:$0x740];
	_ =	sdelay $0x4  }
0x3bb: {  	vm1 =	vge.s32 v2, v1;
	vm2 =	vlt.s32 v2, v11  }
0x3bc: {  	v2 =	vsub.s32 v2, v1;
	vm1 =	vmand vm1, vm2  }
0x3bd: {  	v2 =	vnsel vm1, $0x0, v2;
	_ =	sdelay $0x3  }
0x3be: {  	v3 =	vor.u32 $0x740, v0  }
0x3bf: {  	[tilespmem:v2+s9+$0x0] =	vst.idx.msk vm1, v3  }
0x3c0: {  	v2 =	vshll.u32 v2, $0x7;
	v3 =	vld [tilespmem:$0xF40];
	_ =	sdelay $0x4  }
0x3c1: {  	[tilespmem:v2+s8+$0x0] =	vst.idx.msk vm1, v3  }
0x3c2: {  	v2 =	vld [tilespmem:$0x750];
	_ =	sdelay $0x4  }
0x3c3: {  	vm1 =	vge.s32 v2, v1;
	vm2 =	vlt.s32 v2, v11  }
0x3c4: {  	v2 =	vsub.s32 v2, v1;
	vm1 =	vmand vm1, vm2  }
0x3c5: {  	v2 =	vnsel vm1, $0x0, v2;
	_ =	sdelay $0x3  }
0x3c6: {  	v3 =	vor.u32 $0x750, v0  }
0x3c7: {  	[tilespmem:v2+s9+$0x0] =	vst.idx.msk vm1, v3  }
0x3c8: {  	v2 =	vshll.u32 v2, $0x7;
	v3 =	vld [tilespmem:$0xF50];
	_ =	sdelay $0x4  }
0x3c9: {  	[tilespmem:v2+s8+$0x0] =	vst.idx.msk vm1, v3  }
0x3ca: {  	v2 =	vld [tilespmem:$0x760];
	_ =	sdelay $0x4  }
0x3cb: {  	vm1 =	vge.s32 v2, v1;
	vm2 =	vlt.s32 v2, v11  }
0x3cc: {  	v2 =	vsub.s32 v2, v1;
	vm1 =	vmand vm1, vm2  }
0x3cd: {  	v2 =	vnsel vm1, $0x0, v2;
	_ =	sdelay $0x3  }
0x3ce: {  	v3 =	vor.u32 $0x760, v0  }
0x3cf: {  	[tilespmem:v2+s9+$0x0] =	vst.idx.msk vm1, v3  }
0x3d0: {  	v2 =	vshll.u32 v2, $0x7;
	v3 =	vld [tilespmem:$0xF60];
	_ =	sdelay $0x4  }
0x3d1: {  	[tilespmem:v2+s8+$0x0] =	vst.idx.msk vm1, v3  }
0x3d2: {  	v2 =	vld [tilespmem:$0x770];
	_ =	sdelay $0x4  }
0x3d3: {  	vm1 =	vge.s32 v2, v1;
	vm2 =	vlt.s32 v2, v11  }
0x3d4: {  	v2 =	vsub.s32 v2, v1;
	vm1 =	vmand vm1, vm2  }
0x3d5: {  	v2 =	vnsel vm1, $0x0, v2;
	_ =	sdelay $0x3  }
0x3d6: {  	v3 =	vor.u32 $0x770, v0  }
0x3d7: {  	[tilespmem:v2+s9+$0x0] =	vst.idx.msk vm1, v3  }
0x3d8: {  	v2 =	vshll.u32 v2, $0x7;
	v3 =	vld [tilespmem:$0xF70];
	_ =	sdelay $0x4  }
0x3d9: {  	[tilespmem:v2+s8+$0x0] =	vst.idx.msk vm1, v3  }
0x3da: {  	v2 =	vld [tilespmem:$0x780];
	_ =	sdelay $0x4  }
0x3db: {  	vm1 =	vge.s32 v2, v1;
	vm2 =	vlt.s32 v2, v11  }
0x3dc: {  	v2 =	vsub.s32 v2, v1;
	vm1 =	vmand vm1, vm2  }
0x3dd: {  	v2 =	vnsel vm1, $0x0, v2;
	_ =	sdelay $0x3  }
0x3de: {  	v3 =	vor.u32 $0x780, v0  }
0x3df: {  	[tilespmem:v2+s9+$0x0] =	vst.idx.msk vm1, v3  }
0x3e0: {  	v2 =	vshll.u32 v2, $0x7;
	v3 =	vld [tilespmem:$0xF80];
	_ =	sdelay $0x4  }
0x3e1: {  	[tilespmem:v2+s8+$0x0] =	vst.idx.msk vm1, v3  }
0x3e2: {  	v2 =	vld [tilespmem:$0x790];
	_ =	sdelay $0x4  }
0x3e3: {  	vm1 =	vge.s32 v2, v1;
	vm2 =	vlt.s32 v2, v11  }
0x3e4: {  	v2 =	vsub.s32 v2, v1;
	vm1 =	vmand vm1, vm2  }
0x3e5: {  	v2 =	vnsel vm1, $0x0, v2;
	_ =	sdelay $0x3  }
0x3e6: {  	v3 =	vor.u32 $0x790, v0  }
0x3e7: {  	[tilespmem:v2+s9+$0x0] =	vst.idx.msk vm1, v3  }
0x3e8: {  	v2 =	vshll.u32 v2, $0x7;
	v3 =	vld [tilespmem:$0xF90];
	_ =	sdelay $0x4  }
0x3e9: {  	[tilespmem:v2+s8+$0x0] =	vst.idx.msk vm1, v3  }
0x3ea: {  	v2 =	vld [tilespmem:$0x7A0];
	_ =	sdelay $0x4  }
0x3eb: {  	vm1 =	vge.s32 v2, v1;
	vm2 =	vlt.s32 v2, v11  }
0x3ec: {  	v2 =	vsub.s32 v2, v1;
	vm1 =	vmand vm1, vm2  }
0x3ed: {  	v2 =	vnsel vm1, $0x0, v2;
	_ =	sdelay $0x3  }
0x3ee: {  	v3 =	vor.u32 $0x7A0, v0  }
0x3ef: {  	[tilespmem:v2+s9+$0x0] =	vst.idx.msk vm1, v3  }
0x3f0: {  	v2 =	vshll.u32 v2, $0x7;
	v3 =	vld [tilespmem:$0xFA0];
	_ =	sdelay $0x4  }
0x3f1: {  	[tilespmem:v2+s8+$0x0] =	vst.idx.msk vm1, v3  }
0x3f2: {  	v2 =	vld [tilespmem:$0x7B0];
	_ =	sdelay $0x4  }
0x3f3: {  	vm1 =	vge.s32 v2, v1;
	vm2 =	vlt.s32 v2, v11  }
0x3f4: {  	v2 =	vsub.s32 v2, v1;
	vm1 =	vmand vm1, vm2  }
0x3f5: {  	v2 =	vnsel vm1, $0x0, v2;
	_ =	sdelay $0x3  }
0x3f6: {  	v3 =	vor.u32 $0x7B0, v0  }
0x3f7: {  	[tilespmem:v2+s9+$0x0] =	vst.idx.msk vm1, v3  }
0x3f8: {  	v2 =	vshll.u32 v2, $0x7;
	v3 =	vld [tilespmem:$0xFB0];
	_ =	sdelay $0x4  }
0x3f9: {  	[tilespmem:v2+s8+$0x0] =	vst.idx.msk vm1, v3  }
0x3fa: {  	v2 =	vld [tilespmem:$0x7C0];
	_ =	sdelay $0x4  }
0x3fb: {  	vm1 =	vge.s32 v2, v1;
	vm2 =	vlt.s32 v2, v11  }
0x3fc: {  	v2 =	vsub.s32 v2, v1;
	vm1 =	vmand vm1, vm2  }
0x3fd: {  	v2 =	vnsel vm1, $0x0, v2;
	_ =	sdelay $0x3  }
0x3fe: {  	v3 =	vor.u32 $0x7C0, v0  }
0x3ff: {  	[tilespmem:v2+s9+$0x0] =	vst.idx.msk vm1, v3  }
0x400: {  	v2 =	vshll.u32 v2, $0x7;
	v3 =	vld [tilespmem:$0xFC0];
	_ =	sdelay $0x4  }
0x401: {  	[tilespmem:v2+s8+$0x0] =	vst.idx.msk vm1, v3  }
0x402: {  	v2 =	vld [tilespmem:$0x7D0];
	_ =	sdelay $0x4  }
0x403: {  	vm1 =	vge.s32 v2, v1;
	vm2 =	vlt.s32 v2, v11  }
0x404: {  	v2 =	vsub.s32 v2, v1;
	vm1 =	vmand vm1, vm2  }
0x405: {  	v2 =	vnsel vm1, $0x0, v2;
	_ =	sdelay $0x3  }
0x406: {  	v3 =	vor.u32 $0x7D0, v0  }
0x407: {  	[tilespmem:v2+s9+$0x0] =	vst.idx.msk vm1, v3  }
0x408: {  	v2 =	vshll.u32 v2, $0x7;
	v3 =	vld [tilespmem:$0xFD0];
	_ =	sdelay $0x4  }
0x409: {  	[tilespmem:v2+s8+$0x0] =	vst.idx.msk vm1, v3  }
0x40a: {  	v2 =	vld [tilespmem:$0x7E0];
	_ =	sdelay $0x4  }
0x40b: {  	vm1 =	vge.s32 v2, v1;
	vm2 =	vlt.s32 v2, v11  }
0x40c: {  	v2 =	vsub.s32 v2, v1;
	vm1 =	vmand vm1, vm2  }
0x40d: {  	v2 =	vnsel vm1, $0x0, v2;
	_ =	sdelay $0x3  }
0x40e: {  	v3 =	vor.u32 $0x7E0, v0  }
0x40f: {  	[tilespmem:v2+s9+$0x0] =	vst.idx.msk vm1, v3  }
0x410: {  	v2 =	vshll.u32 v2, $0x7;
	v3 =	vld [tilespmem:$0xFE0];
	_ =	sdelay $0x4  }
0x411: {  	[tilespmem:v2+s8+$0x0] =	vst.idx.msk vm1, v3  }
0x412: {  	v2 =	vld [tilespmem:$0x7F0];
	_ =	sdelay $0x4  }
0x413: {  	vm1 =	vge.s32 v2, v1;
	vm2 =	vlt.s32 v2, v11  }
0x414: {  	v2 =	vsub.s32 v2, v1;
	vm1 =	vmand vm1, vm2  }
0x415: {  	v2 =	vnsel vm1, $0x0, v2;
	_ =	sdelay $0x3  }
0x416: {  	v3 =	vor.u32 $0x7F0, v0  }
0x417: {  	[tilespmem:v2+s9+$0x0] =	vst.idx.msk vm1, v3  }
0x418: {  	v2 =	vshll.u32 v2, $0x7;
	v3 =	vld [tilespmem:$0xFF0];
	_ =	sdelay $0x4  }
0x419: {  	[tilespmem:v2+s8+$0x0] =	vst.idx.msk vm1, v3  }
0x41a: {  	v2 =	vld [tilespmem:$0x1000];
	_ =	sdelay $0x4  }
0x41b: {  	v3 =	vshrl.u32 v2, $0x3  }
0x41c: {  	v3 =	vmul.u32 $0x30, v3  }
0x41d: {  	v2 =	vand.u32 $0x7, v2  }
0x41e: {  	v5 =	vor.u32 v2, v3;
	v3 =	vand.u32 $0x7, v0;
	v2 =	vshrl.u32 v0, $0x3  }
0x41f: {  	v4 =	vperm.xlane v5, v3;
	v2 =	vmul.u32 $0x8, v2;
	_ =	sdelay $0x1  }
0x420: {  	v6 =	vadd.s32 v2, v4;
	_ =	sdelay $0x2  }
0x421: {  	v4 =	vor.u32 $0x8, v0  }
0x422: {  	v5 =	vperm.xlane v5, v4  }
0x423: {  	[tilespmem:s10], [sflag:$0x1] =	stream.indirect_vreg.gather [hbm4b:s1+s3], $0x80, v6, vm0, $0xb8;
	[tilespmem:$0x1D080] =	vst v63  }
0x424: {  	s0 =	rddreg [dreg:$0xa];
	v5 =	vadd.s32 v2, v5  }
0x425: {  	[tilespmem:s0], [sflag:$0x1] =	stream.indirect_vreg.gather [hbm4b:s4+s3], $0x80, v6, vm0, $0xb8;
	[tilespmem:$0x1D080] =	vst v63  }
0x426: {  	s11 =	rddreg [dreg:$0xb]  }
0x427: {  	[tilespmem:s11], [sflag:$0x1] =	stream.indirect_vreg.gather [hbm4b:s5+s3], $0x80, v6, vm0, $0xb8;
	[tilespmem:$0x1D080] =	vst v63  }
0x428: {  	s0 =	rddreg [dreg:$0xc]  }
0x429: {  	[tilespmem:s0], [sflag:$0x1] =	stream.indirect_vreg.gather [hbm4b:s1+s3], $0x80, v5, vm0, $0xb8;
	[tilespmem:$0x1D080] =	vst v63  }
0x42a: {  	s11 =	rddreg [dreg:$0xd]  }
0x42b: {  	[tilespmem:s11], [sflag:$0x1] =	stream.indirect_vreg.gather [hbm4b:s4+s3], $0x80, v5, vm0, $0xb8;
	[tilespmem:$0x1D080] =	vst v63  }
0x42c: {  	s0 =	rddreg [dreg:$0xe]  }
0x42d: {  	[tilespmem:s0], [sflag:$0x1] =	stream.indirect_vreg.gather [hbm4b:s5+s3], $0x80, v5, vm0, $0xb8;
	[tilespmem:$0x1D080] =	vst v63  }
0x42e: {  	v5 =	vld [tilespmem:$0x1010];
	_ =	sdelay $0x4  }
0x42f: {  	v6 =	vshrl.u32 v5, $0x3  }
0x430: {  	v6 =	vmul.u32 $0x30, v6  }
0x431: {  	v5 =	vand.u32 $0x7, v5  }
0x432: {  	v5 =	vor.u32 v5, v6  }
0x433: {  	v6 =	vperm.xlane v5, v3;
	_ =	sdelay $0x1  }
0x434: {  	v6 =	vadd.s32 v2, v6;
	_ =	sdelay $0x3  }
0x435: {  	s0 =	rddreg [dreg:$0xf];
	v5 =	vperm.xlane v5, v4  }
0x436: {  	[tilespmem:s0], [sflag:$0x1] =	stream.indirect_vreg.gather [hbm4b:s1+s3], $0x80, v6, vm0, $0xb8;
	[tilespmem:$0x1D080] =	vst v63  }
0x437: {  	s11 =	rddreg [dreg:$0x10];
	v5 =	vadd.s32 v2, v5  }
0x438: {  	[tilespmem:s11], [sflag:$0x1] =	stream.indirect_vreg.gather [hbm4b:s4+s3], $0x80, v6, vm0, $0xb8;
	[tilespmem:$0x1D080] =	vst v63  }
0x439: {  	s0 =	rddreg [dreg:$0x11]  }
0x43a: {  	[tilespmem:s0], [sflag:$0x1] =	stream.indirect_vreg.gather [hbm4b:s5+s3], $0x80, v6, vm0, $0xb8;
	[tilespmem:$0x1D080] =	vst v63  }
0x43b: {  	s11 =	rddreg [dreg:$0x12]  }
0x43c: {  	[tilespmem:s11], [sflag:$0x1] =	stream.indirect_vreg.gather [hbm4b:s1+s3], $0x80, v5, vm0, $0xb8;
	[tilespmem:$0x1D080] =	vst v63  }
0x43d: {  	s0 =	rddreg [dreg:$0x13]  }
0x43e: {  	[tilespmem:s0], [sflag:$0x1] =	stream.indirect_vreg.gather [hbm4b:s4+s3], $0x80, v5, vm0, $0xb8;
	[tilespmem:$0x1D080] =	vst v63  }
0x43f: {  	s11 =	rddreg [dreg:$0x14]  }
0x440: {  	[tilespmem:s11], [sflag:$0x1] =	stream.indirect_vreg.gather [hbm4b:s5+s3], $0x80, v5, vm0, $0xb8;
	[tilespmem:$0x1D080] =	vst v63  }
0x441: {  	v5 =	vld [tilespmem:$0x1020];
	_ =	sdelay $0x4  }
0x442: {  	v6 =	vshrl.u32 v5, $0x3  }
0x443: {  	v6 =	vmul.u32 $0x30, v6  }
0x444: {  	v5 =	vand.u32 $0x7, v5  }
0x445: {  	v5 =	vor.u32 v5, v6  }
0x446: {  	v6 =	vperm.xlane v5, v3;
	_ =	sdelay $0x1  }
0x447: {  	v6 =	vadd.s32 v2, v6;
	_ =	sdelay $0x3  }
0x448: {  	s0 =	rddreg [dreg:$0x15];
	v5 =	vperm.xlane v5, v4  }
0x449: {  	[tilespmem:s0], [sflag:$0x1] =	stream.indirect_vreg.gather [hbm4b:s1+s3], $0x80, v6, vm0, $0xb8;
	[tilespmem:$0x1D080] =	vst v63  }
0x44a: {  	s11 =	rddreg [dreg:$0x16];
	v5 =	vadd.s32 v2, v5  }
0x44b: {  	[tilespmem:s11], [sflag:$0x1] =	stream.indirect_vreg.gather [hbm4b:s4+s3], $0x80, v6, vm0, $0xb8;
	[tilespmem:$0x1D080] =	vst v63  }
0x44c: {  	s0 =	rddreg [dreg:$0x17]  }
0x44d: {  	[tilespmem:s0], [sflag:$0x1] =	stream.indirect_vreg.gather [hbm4b:s5+s3], $0x80, v6, vm0, $0xb8;
	[tilespmem:$0x1D080] =	vst v63  }
0x44e: {  	s11 =	rddreg [dreg:$0x18]  }
0x44f: {  	[tilespmem:s11], [sflag:$0x1] =	stream.indirect_vreg.gather [hbm4b:s1+s3], $0x80, v5, vm0, $0xb8;
	[tilespmem:$0x1D080] =	vst v63  }
0x450: {  	s0 =	rddreg [dreg:$0x19]  }
0x451: {  	[tilespmem:s0], [sflag:$0x1] =	stream.indirect_vreg.gather [hbm4b:s4+s3], $0x80, v5, vm0, $0xb8;
	[tilespmem:$0x1D080] =	vst v63  }
0x452: {  	s11 =	rddreg [dreg:$0x1a]  }
0x453: {  	[tilespmem:s11], [sflag:$0x1] =	stream.indirect_vreg.gather [hbm4b:s5+s3], $0x80, v5, vm0, $0xb8;
	[tilespmem:$0x1D080] =	vst v63  }
0x454: {  	v5 =	vld [tilespmem:$0x1030];
	_ =	sdelay $0x4  }
0x455: {  	v6 =	vshrl.u32 v5, $0x3  }
0x456: {  	v6 =	vmul.u32 $0x30, v6  }
0x457: {  	v5 =	vand.u32 $0x7, v5  }
0x458: {  	v5 =	vor.u32 v5, v6  }
0x459: {  	v6 =	vperm.xlane v5, v3;
	_ =	sdelay $0x1  }
0x45a: {  	v6 =	vadd.s32 v2, v6;
	_ =	sdelay $0x2  }
0x45b: {  	s0 =	rddreg [dreg:$0x1b]  }
0x45c: {  	s11 =	rddreg [dreg:$0x1c];
	v5 =	vperm.xlane v5, v4  }
0x45d: {  	[tilespmem:s0], [sflag:$0x1] =	stream.indirect_vreg.gather [hbm4b:s1+s3], $0x80, v6, vm0, $0xb8;
	[tilespmem:$0x1D080] =	vst v63  }
0x45e: {  	v5 =	vadd.s32 v2, v5;
	s0 =	rddreg [dreg:$0x1d]  }
0x45f: {  	[tilespmem:s11], [sflag:$0x1] =	stream.indirect_vreg.gather [hbm4b:s4+s3], $0x80, v6, vm0, $0xb8;
	[tilespmem:$0x1D080] =	vst v63  }
0x460: {  	s11 =	rddreg [dreg:$0x1e]  }
0x461: {  	[tilespmem:s0], [sflag:$0x1] =	stream.indirect_vreg.gather [hbm4b:s5+s3], $0x80, v6, vm0, $0xb8;
	[tilespmem:$0x1D080] =	vst v63  }
0x462: {  	s0 =	rddreg [dreg:$0x1f]  }
0x463: {  	[tilespmem:s11], [sflag:$0x1] =	stream.indirect_vreg.gather [hbm4b:s1+s3], $0x80, v5, vm0, $0xb8;
	[tilespmem:$0x1D080] =	vst v63  }
0x464: {  	s11 =	sld [smem:$0x7F9]  }
0x465: {  	[tilespmem:s0], [sflag:$0x1] =	stream.indirect_vreg.gather [hbm4b:s4+s3], $0x80, v5, vm0, $0xb8;
	[tilespmem:$0x1D080] =	vst v63  }
0x466: {  	_ = 	snop  }
0x467: {  	[tilespmem:s11], [sflag:$0x1] =	stream.indirect_vreg.gather [hbm4b:s5+s3], $0x80, v5, vm0, $0xb8;
	[tilespmem:$0x1D080] =	vst v63  }
0x468: {  	v5 =	vld [tilespmem:$0x1040];
	_ =	sdelay $0x4  }
0x469: {  	v6 =	vshrl.u32 v5, $0x3  }
0x46a: {  	v6 =	vmul.u32 $0x30, v6  }
0x46b: {  	v5 =	vand.u32 $0x7, v5  }
0x46c: {  	v5 =	vor.u32 v5, v6  }
0x46d: {  	v6 =	vperm.xlane v5, v3;
	_ =	sdelay $0x1  }
0x46e: {  	v6 =	vadd.s32 v2, v6;
	_ =	sdelay $0x1  }
0x46f: {  	s0 =	sld [smem:$0x7FA];
	_ =	sdelay $0x1  }
0x470: {  	s11 =	sld [smem:$0x7FB];
	v5 =	vperm.xlane v5, v4  }
0x471: {  	[tilespmem:s0], [sflag:$0x1] =	stream.indirect_vreg.gather [hbm4b:s1+s3], $0x80, v6, vm0, $0xb8;
	[tilespmem:$0x1D080] =	vst v63  }
0x472: {  	v5 =	vadd.s32 v2, v5;
	s0 =	sld [smem:$0x7FC]  }
0x473: {  	[tilespmem:s11], [sflag:$0x1] =	stream.indirect_vreg.gather [hbm4b:s4+s3], $0x80, v6, vm0, $0xb8;
	[tilespmem:$0x1D080] =	vst v63  }
0x474: {  	s11 =	sld [smem:$0x7FD]  }
0x475: {  	[tilespmem:s0], [sflag:$0x1] =	stream.indirect_vreg.gather [hbm4b:s5+s3], $0x80, v6, vm0, $0xb8;
	[tilespmem:$0x1D080] =	vst v63  }
0x476: {  	_ = 	snop  }
0x477: {  	[tilespmem:s11], [sflag:$0x1] =	stream.indirect_vreg.gather [hbm4b:s1+s3], $0x80, v5, vm0, $0xb8;
	[tilespmem:$0x1D080] =	vst v63  }
0x478: {  	s11 =	simm.s32 $0x13080  }
0x479: {  	[tilespmem:s11], [sflag:$0x1] =	stream.indirect_vreg.gather [hbm4b:s4+s3], $0x80, v5, vm0, $0xb8;
	[tilespmem:$0x1D080] =	vst v63  }
0x47a: {  	_ = 	snop  }
0x47b: {  	[tilespmem:s12], [sflag:$0x1] =	stream.indirect_vreg.gather [hbm4b:s5+s3], $0x80, v5, vm0, $0xb8;
	[tilespmem:$0x1D080] =	vst v63  }
0x47c: {  	v5 =	vld [tilespmem:$0x1050];
	_ =	sdelay $0x4  }
0x47d: {  	v6 =	vshrl.u32 v5, $0x3  }
0x47e: {  	v6 =	vmul.u32 $0x30, v6  }
0x47f: {  	v5 =	vand.u32 $0x7, v5  }
0x480: {  	v5 =	vor.u32 v5, v6  }
0x481: {  	v6 =	vperm.xlane v5, v3;
	_ =	sdelay $0x1  }
0x482: {  	v6 =	vadd.s32 v2, v6;
	_ =	sdelay $0x3  }
0x483: {  	v5 =	vperm.xlane v5, v4  }
0x484: {  	[tilespmem:s13], [sflag:$0x1] =	stream.indirect_vreg.gather [hbm4b:s1+s3], $0x80, v6, vm0, $0xb8;
	[tilespmem:$0x1D080] =	vst v63  }
0x485: {  	v5 =	vadd.s32 v2, v5  }
0x486: {  	[tilespmem:s14], [sflag:$0x1] =	stream.indirect_vreg.gather [hbm4b:s4+s3], $0x80, v6, vm0, $0xb8;
	[tilespmem:$0x1D080] =	vst v63  }
0x487: {  	_ = 	snop  }
0x488: {  	[tilespmem:s15], [sflag:$0x1] =	stream.indirect_vreg.gather [hbm4b:s5+s3], $0x80, v6, vm0, $0xb8;
	[tilespmem:$0x1D080] =	vst v63  }
0x489: {  	_ = 	snop  }
0x48a: {  	[tilespmem:s16], [sflag:$0x1] =	stream.indirect_vreg.gather [hbm4b:s1+s3], $0x80, v5, vm0, $0xb8;
	[tilespmem:$0x1D080] =	vst v63  }
0x48b: {  	_ = 	snop  }
0x48c: {  	[tilespmem:s17], [sflag:$0x1] =	stream.indirect_vreg.gather [hbm4b:s4+s3], $0x80, v5, vm0, $0xb8;
	[tilespmem:$0x1D080] =	vst v63  }
0x48d: {  	_ = 	snop  }
0x48e: {  	[tilespmem:s18], [sflag:$0x1] =	stream.indirect_vreg.gather [hbm4b:s5+s3], $0x80, v5, vm0, $0xb8;
	[tilespmem:$0x1D080] =	vst v63  }
0x48f: {  	v5 =	vld [tilespmem:$0x1060];
	_ =	sdelay $0x4  }
0x490: {  	v6 =	vshrl.u32 v5, $0x3  }
0x491: {  	v6 =	vmul.u32 $0x30, v6  }
0x492: {  	v5 =	vand.u32 $0x7, v5  }
0x493: {  	v5 =	vor.u32 v5, v6  }
0x494: {  	v6 =	vperm.xlane v5, v3;
	_ =	sdelay $0x1  }
0x495: {  	v6 =	vadd.s32 v2, v6;
	_ =	sdelay $0x3  }
0x496: {  	v5 =	vperm.xlane v5, v4  }
0x497: {  	[tilespmem:s19], [sflag:$0x1] =	stream.indirect_vreg.gather [hbm4b:s1+s3], $0x80, v6, vm0, $0xb8;
	[tilespmem:$0x1D080] =	vst v63  }
0x498: {  	v5 =	vadd.s32 v2, v5  }
0x499: {  	[tilespmem:s20], [sflag:$0x1] =	stream.indirect_vreg.gather [hbm4b:s4+s3], $0x80, v6, vm0, $0xb8;
	[tilespmem:$0x1D080] =	vst v63  }
0x49a: {  	_ = 	snop  }
0x49b: {  	[tilespmem:s21], [sflag:$0x1] =	stream.indirect_vreg.gather [hbm4b:s5+s3], $0x80, v6, vm0, $0xb8;
	[tilespmem:$0x1D080] =	vst v63  }
0x49c: {  	_ = 	snop  }
0x49d: {  	[tilespmem:s22], [sflag:$0x1] =	stream.indirect_vreg.gather [hbm4b:s1+s3], $0x80, v5, vm0, $0xb8;
	[tilespmem:$0x1D080] =	vst v63  }
0x49e: {  	_ = 	snop  }
0x49f: {  	[tilespmem:s23], [sflag:$0x1] =	stream.indirect_vreg.gather [hbm4b:s4+s3], $0x80, v5, vm0, $0xb8;
	[tilespmem:$0x1D080] =	vst v63  }
0x4a0: {  	_ = 	snop  }
0x4a1: {  	[tilespmem:s24], [sflag:$0x1] =	stream.indirect_vreg.gather [hbm4b:s5+s3], $0x80, v5, vm0, $0xb8;
	[tilespmem:$0x1D080] =	vst v63  }
0x4a2: {  	v5 =	vld [tilespmem:$0x1070];
	_ =	sdelay $0x4  }
0x4a3: {  	v6 =	vshrl.u32 v5, $0x3  }
0x4a4: {  	v6 =	vmul.u32 $0x30, v6  }
0x4a5: {  	v5 =	vand.u32 $0x7, v5  }
0x4a6: {  	v5 =	vor.u32 v5, v6  }
0x4a7: {  	v3 =	vperm.xlane v5, v3;
	_ =	sdelay $0x1  }
0x4a8: {  	v3 =	vadd.s32 v2, v3;
	_ =	sdelay $0x3  }
0x4a9: {  	v4 =	vperm.xlane v5, v4  }
0x4aa: {  	[tilespmem:s25], [sflag:$0x1] =	stream.indirect_vreg.gather [hbm4b:s1+s3], $0x80, v3, vm0, $0xb8;
	[tilespmem:$0x1D080] =	vst v63  }
0x4ab: {  	v2 =	vadd.s32 v2, v4  }
0x4ac: {  	[tilespmem:s26], [sflag:$0x1] =	stream.indirect_vreg.gather [hbm4b:s4+s3], $0x80, v3, vm0, $0xb8;
	[tilespmem:$0x1D080] =	vst v63  }
0x4ad: {  	_ = 	snop  }
0x4ae: {  	[tilespmem:s28], [sflag:$0x1] =	stream.indirect_vreg.gather [hbm4b:s5+s3], $0x80, v3, vm0, $0xb8;
	[tilespmem:$0x1D080] =	vst v63  }
0x4af: {  	_ = 	snop  }
0x4b0: {  	[tilespmem:s29], [sflag:$0x1] =	stream.indirect_vreg.gather [hbm4b:s1+s3], $0x80, v2, vm0, $0xb8;
	[tilespmem:$0x1D080] =	vst v63  }
0x4b1: {  	_ = 	snop  }
0x4b2: {  	[tilespmem:s30], [sflag:$0x1] =	stream.indirect_vreg.gather [hbm4b:s4+s3], $0x80, v2, vm0, $0xb8;
	[tilespmem:$0x1D080] =	vst v63  }
0x4b3: {  	_ = 	snop  }
0x4b4: {  	[tilespmem:s31], [sflag:$0x1] =	stream.indirect_vreg.gather [hbm4b:s5+s3], $0x80, v2, vm0, $0xb8;
	[tilespmem:$0x1D080] =	vst v63  }
0x4b5: {  	_ =	swait.ge [sflag:s2], $0x18000  }
0x4b6: {  	[sflag:s2] =	ssyncset.done $0x0  }
0x4b7: {  	s11 =	rddreg [dreg:$0x7];
	[sflag:s2] =	ssyncadd.s32 $0xFFFE8000  }
0x4b8: {  	[hbm4b:s11+s3] =	stream.linear.scatter [tilespmem:s10], [sflag:$0x2], $0x18000, $0x38;
	[tilespmem:$0x1D080] =	vst v63  }
0x4b9: {  	_ =	swait.ge [sflag:s7], $0x18000  }
0x4ba: {  	p0 =	sne.s32 s6, $0x1;
	[sflag:s7] =	ssyncset.done $0x0  }
.Ltmp0:
0x4bb: {  	s11 =	rddreg [dreg:$0x8];
	[sflag:s7] =	ssyncadd.s32 $0xFFFE8000;
	(pc) =	sbr.rel @p0 .LBB2_1-.Ltmp0, $4  }
0x4bc: {  	[hbm4b:s11+s3] =	stream.linear.scatter [tilespmem:s8], [sflag:$0x2], $0x4000, $0x38;
	[tilespmem:$0x1D080] =	vst v63  }
0x4bd: {  	_ =	swait.ge [sflag:s7], $0x4000  }
0x4be: {  	[sflag:s7] =	ssyncset.done $0x0  }
0x4bf: {  	s6 =	sadd.s32 $0xFFFFFFFF, s6;
	[sflag:s7] =	ssyncadd.s32 $0xFFFFC000  }
0x4c0: {  	_ =	sfence.sel $0x180000  }
0x4c1: {  	[bflag:$0x0] =	sbarrier.arrive $0xFFFF  }
0x4c2: {  	_ =	strace $0x90000047  }
0x4c3: {  	s0 =	stileid.u32;
	[bflag:$0x2] =	sbarrier.arrive $0xFFFF  }
0x4c4: {  	p0 =	sne.s32 s0, $0x0;
	s0 =	rddreg [dreg:$0x4]  }
0x4c5: {  	s0 =	sadd.s32 @!p0 $0x100000, s0  }
0x4c6: {  	[sflag:s0] =	ssyncadd.tile.s32 @!p0 $0x1;
	_ =	shalt  }
.Lfunc_end2:
_tile_overlayer_lowered:
.L_overlay_start_2:
0x4c7: {  	(tag) =	ssettag $0x2  }
0x4c8: {  	s0 =	rddreg [dreg:$0x0];
	s2 =	stileid.u32  }
0x4c9: {  	s1 =	rddreg [dreg:$0x1];
	p0 =	sne.s32 s2, $0x0  }
0x4ca: {  	s3 =	rddreg [dreg:$0x2];
	[bflag:$0x3] =	sbarrier.arrive $0xFFFF;
	s2 =	simm.s32 @!p0 $0x1C02  }
0x4cb: {  	[timem:s3], [sflag:s2] =	dma.local @!p0 [hbm:s0], s1  }
0x4cc: {  	s0 =	simm.s32 @!p0 $0x2  }
0x4cd: {  	_ =	swait.ge @!p0 [sflag:s0], s1  }
0x4ce: {  	s1 =	ssub.s32 @!p0 $0x0, s1;
	[sflag:s0] =	ssyncset.done @!p0 $0x0  }
0x4cf: {  	[sflag:s0] =	ssyncadd.s32 @!p0 s1  }
0x4d0: {  	[bflag:$0x3] =	sbarrier.arrive $0xFFFF  }
0x4d1: {  	_ =	shalt  }

// kernel: kernel.9.cloned.1.call-start
scs
__scs_entry_jumppad:
0x0: {  	(pc) =	sbr.rel $0x88, $3  }
0x1: {  	(tag) =	ssettag $0x0;
	lr =	simm.s32 $0x1  }
0x2: {  	[smem:$0x3F9C] =	sst lr;
	_ =	strace $0xD0000000  }
0x3: {  	_ = 	snop  }
0x4: {  	_ = 	snop  }
0x5: {  	_ = 	snop  }
0x6: {  	_ = 	snop  }
0x7: {  	_ = 	snop  }
__scs_overlays_trampoline_lowered:
0x8: {  	[smem:$0x3FAB] =	sst s0  }
0x9: {  	[smem:$0x3FAC] =	sst s1  }
0xa: {  	[smem:$0x3FAD] =	sst s2  }
0xb: {  	[smem:$0x3FAE] =	sst s3  }
0xc: {  	[smem:$0x3FAF] =	sst s4  }
0xd: {  	[smem:$0x3FB0] =	sst s5  }
0xe: {  	[smem:$0x3FB1] =	sst s6  }
0xf: {  	[smem:$0x3FB2] =	sst s7  }
0x10: {  	[smem:$0x3FB3] =	sst s8  }
0x11: {  	[smem:$0x3FB4] =	sst s9;
	s0 =	simm.s32 @!p0 $0x0  }
0x12: {  	s1 =	sld [smem:$0x3F9A];
	s0 =	simm.s32 @p0 $0x1  }
0x13: {  	[smem:$0x3FB5] =	sst s0;
	s0 =	simm.s32 @!p1 $0x0  }
0x14: {  	s2 =	sld [smem:$0x3F99];
	s0 =	simm.s32 @p1 $0x1  }
0x15: {  	[smem:$0x3FB6] =	sst s0;
	s0 =	simm.s32 @!p2 $0x0  }
0x16: {  	s3 =	sld [smem:$0x3FDB];
	s0 =	simm.s32 @p2 $0x1  }
0x17: {  	s4 =	simm.s32 $0x1BF5;
	[smem:$0x3FB8] =	sst s0  }
0x18: {  	s0 =	sld [smem:$0x3F9B];
	_ =	swait.ge [sflag:s4], $0x0  }
0x19: {  	s7 =	sld [smem:$0x3F9C]  }
0x1a: {  	s8 =	sadd.s32 $0xFFFFE003, lr  }
0x1b: {  	s9 =	sadd.s32 $0xFFFFFEF7, lr;
	s5 =	simm.s32 $0xFFFFFFFF;
	p2 =	slt.u32 s8, $0xFFFFF086  }
0x1c: {  	p1 =	slt.u32 s9, $0xF7A;
	s5 =	simm.s32 @!p2 $0x0  }
0x1d: {  	s5 =	simm.s32 @p1 $0x1;
	p0 =	seq.s32 s7, s2  }
0x1e: {  	s7 =	smul.u32 @!p0 $0xF7A, s2;
	p2 =	seq.s32 @!p0 s5, $0x0  }
0x1f: {  	s9 =	smul.u32 $0xF7A, s1;
	s8 =	simm.s32 @!p0 $0x1BF5;
	p2 =	por !p2, p0  }
0x20: {  	[sflag:s8] =	ssyncset.s32 @!p0 $0xFFFFF086;
	s6 =	sadd.s32 @!p0 s3, s7;
	s7 =	simm.s32 @!p0 $0x108  }
0x21: {  	s3 =	sadd.s32 s3, s9;
	s6 =	sadd.s32 @!p0 $0x88, s6;
	s7 =	simm.s32 @p2 $0x1082  }
0x22: {  	[simem:s7], [sflag:s8] =	dma.local @!p0 [hbm:s6], $0xF7A  }
0x23: {  	s9 =	sor.u32 $0xD0000000, s2;
	s6 =	simm.s32 $0x108;
	_ =	swait.ge @!p0 [sflag:s8], $0x0  }
0x24: {  	s3 =	sadd.s32 $0x88, s3;
	s6 =	simm.s32 @!p1 $0x1082;
	[sflag:s4] =	ssyncset.s32 $0xFFFFF086  }
0x25: {  	[simem:s6], [sflag:s4] =	dma.local [hbm:s3], $0xF7A  }
0x26: {  	[smem:$0x3F9C] =	sst s1;
	(tag) =	ssettag s2;
	_ =	strace s9  }
0x27: {  	s1 =	sld [smem:$0x3FAC]  }
0x28: {  	s2 =	sld [smem:$0x3FAD]  }
0x29: {  	s4 =	sld [smem:$0x3FAF]  }
0x2a: {  	p0 =	seq.s32 s5, $0x0;
	s5 =	sld [smem:$0x3FB0]  }
0x2b: {  	s6 =	sld [smem:$0x3FB1]  }
0x2c: {  	s7 =	sld [smem:$0x3FB2]  }
0x2d: {  	s3 =	simm.s32 $0x108;
	s8 =	sld [smem:$0x3FB3]  }
0x2e: {  	s3 =	simm.s32 @!p0 $0x1082;
	s9 =	sld [smem:$0x3FB4]  }
0x2f: {  	lr =	sadd.s32 s0, s3;
	s0 =	sld [smem:$0x3FAB]  }
0x30: {  	s3 =	sld [smem:$0x3FAE]  }
0x31: {  	[smem:$0x3FB7] =	sst s10  }
0x32: {  	s10 =	sld [smem:$0x3FB5];
	_ =	sdelay $0x3  }
0x33: {  	p0 =	seq.s32 s10, $0x1;
	s10 =	sld [smem:$0x3FB7];
	_ =	sdelay $0x3  }
0x34: {  	[smem:$0x3FB7] =	sst s10  }
0x35: {  	s10 =	sld [smem:$0x3FB6];
	_ =	sdelay $0x3  }
0x36: {  	p1 =	seq.s32 s10, $0x1;
	s10 =	sld [smem:$0x3FB7];
	_ =	sdelay $0x3  }
0x37: {  	[smem:$0x3FB7] =	sst s10  }
0x38: {  	s10 =	sld [smem:$0x3FB8]  }
0x39: {  	_ = 	snop;
	(pc) =	sbr.ind lr, $3  }
0x3a: {  	_ = 	snop  }
0x3b: {  	_ = 	snop  }
0x3c: {  	p2 =	seq.s32 s10, $0x1;
	s10 =	sld [smem:$0x3FB7]  }
0x3d: {  	_ =	shalt  }
0x3e: {  	_ =	shalt  }
0x3f: {  	_ =	shalt  }
0x40: {  	_ =	shalt  }
0x41: {  	_ =	shalt  }
0x42: {  	_ =	shalt  }
0x43: {  	_ =	shalt  }
0x44: {  	_ =	shalt  }
0x45: {  	_ =	shalt  }
0x46: {  	_ =	shalt  }
0x47: {  	_ =	shalt  }
0x48: {  	_ =	shalt  }
0x49: {  	_ =	shalt  }
0x4a: {  	_ =	shalt  }
0x4b: {  	_ =	shalt  }
0x4c: {  	_ =	shalt  }
0x4d: {  	_ =	shalt  }
0x4e: {  	_ =	shalt  }
0x4f: {  	_ =	shalt  }
0x50: {  	_ =	shalt  }
0x51: {  	_ =	shalt  }
0x52: {  	_ =	shalt  }
0x53: {  	_ =	shalt  }
0x54: {  	_ =	shalt  }
0x55: {  	_ =	shalt  }
0x56: {  	_ =	shalt  }
0x57: {  	_ =	shalt  }
0x58: {  	_ =	shalt  }
0x59: {  	_ =	shalt  }
0x5a: {  	_ =	shalt  }
0x5b: {  	_ =	shalt  }
0x5c: {  	_ =	shalt  }
0x5d: {  	_ =	shalt  }
0x5e: {  	_ =	shalt  }
0x5f: {  	_ =	shalt  }
0x60: {  	_ =	shalt  }
0x61: {  	_ =	shalt  }
0x62: {  	_ =	shalt  }
0x63: {  	_ =	shalt  }
0x64: {  	_ =	shalt  }
0x65: {  	_ =	shalt  }
0x66: {  	_ =	shalt  }
0x67: {  	_ =	shalt  }
0x68: {  	_ =	shalt  }
0x69: {  	_ =	shalt  }
0x6a: {  	_ =	shalt  }
0x6b: {  	_ =	shalt  }
0x6c: {  	_ =	shalt  }
0x6d: {  	_ =	shalt  }
0x6e: {  	_ =	shalt  }
0x6f: {  	_ =	shalt  }
0x70: {  	_ =	shalt  }
0x71: {  	_ =	shalt  }
0x72: {  	_ =	shalt  }
0x73: {  	_ =	shalt  }
0x74: {  	_ =	shalt  }
0x75: {  	_ =	shalt  }
0x76: {  	_ =	shalt  }
0x77: {  	_ =	shalt  }
0x78: {  	_ =	shalt  }
0x79: {  	_ =	shalt  }
0x7a: {  	_ =	shalt  }
0x7b: {  	_ =	shalt  }
0x7c: {  	_ =	shalt  }
0x7d: {  	_ =	shalt  }
0x7e: {  	_ =	shalt  }
0x7f: {  	_ =	shalt  }
0x80: {  	_ =	shalt  }
0x81: {  	_ =	shalt  }
0x82: {  	_ =	shalt  }
0x83: {  	_ =	shalt  }
0x84: {  	_ =	shalt  }
0x85: {  	_ =	shalt  }
0x86: {  	_ =	shalt  }
0x87: {  	_ =	shalt  }
.Lfunc_end0:
.L_simem_size_0:
called_computation.1_lowered:
.L_overlay_start_0:
0x88: {  	s2 =	sld [smem:$0x3FD9]  }
0x89: {  	s3 =	sld [smem:$0x3FFE];
	_ =	sdelay $0x1  }
0x8a: {  	s1 =	srdreg.scid  }
0x8b: {  	s0 =	sand.u32 $0x1, s1  }
0x8c: {  	s17 =	sshll.u32 s0, $0xA;
	s2 =	sadd.s32 s3, s2  }
0x8d: {  	s2 =	sadd.s32 s2, s17  }
0x8e: {  	[smem:$0x3FC3] =	sst s2  }
0x8f: {  	_ = 	snop  }
0x90: {  	s2 =	sld [smem:$0x3FD0];
	(tm) =	ssettm $0x1  }
0x91: {  	s18 =	sld [smem:$0x3FFB];
	_ =	sdelay $0x3  }
0x92: {  	_ =	strace s18  }
0x93: {  	s3 =	sld [smem:$0x3FFC];
	_ =	sdelay $0x3  }
0x94: {  	_ =	strace s3  }
0x95: {  	s3 =	sld [smem:$0x3FFD];
	_ =	sdelay $0x3  }
0x96: {  	_ =	strace s3  }
0x97: {  	_ =	strace $0x8FFFFFFF  }
0x98: {  	s19 =	sld [smem:$0x3FDB];
	_ =	sdelay $0x1  }
0x99: {  	s4 =	simm.s32 $_scs_section_size  }
0x9a: {  	s5 =	simm.s32 $_size__tile_overlayer_lowered;
	s6 =	simm.s32 $_tile_overlayer_lowered  }
0x9b: {  	s22 =	simm.s32 $0x1BFF;
	s21 =	sshll.u32 s6, $0x1;
	s3 =	sadd.s32 s4, s19  }
0x9c: {  	s7 =	simm.s32 $0x0;
	s20 =	sshll.u32 s5, $0x1;
	s5 =	sadd.s32 s21, s3  }
0x9d: {  	[timem:s7], [sflag:s22] =	dma.local [hbm:s5], s20  }
0x9e: {  	_ =	swait.ge [sflag:s22], s20  }
0x9f: {  	s4 =	ssub.s32 $0x0, s20;
	[sflag:s22] =	ssyncset.done $0x0  }
0xa0: {  	[sflag:s22] =	ssyncadd.s32 s4;
	_ =	sdelay $0x1  }
0xa1: {  	s23 =	simm.s32 $0x1B8B  }
0xa2: {  	_ =	swait.ge [sflag:s23], $0x1  }
0xa3: {  	[sflag:s23] =	ssyncset.done $0x0  }
0xa4: {  	s25 =	simm.s32 $0x1B8E;
	s24 =	sld [smem:$0x3FFE];
	[sflag:s23] =	ssyncadd.s32 $0xFFFFFFFF  }
0xa5: {  	s26 =	simm.s32 $execute0_lowered;
	[smem:$0x3FD2] =	sst s25  }
0xa6: {  	s5 =	sshll.u32 s26, $0x1;
	_ =	strace $0x80000049;
	[dreg:$0x1] =	wrdreg $0xFFFFFFFF  }
0xa7: {  	s28 =	simm.s32 $_size_execute0_lowered;
	s3 =	sadd.s32 s3, s5;
	[dreg:$0x0] =	wrdreg $0x0  }
0xa8: {  	s5 =	sshll.u32 s28, $0x1;
	[dreg:$0x2] =	wrdreg s3  }
0xa9: {  	[dreg:$0x3] =	wrdreg s5  }
0xaa: {  	[dreg:$0x4] =	wrdreg $0xC0  }
0xab: {  	_ =	task [dreg:s7], $0x5FFFF  }
0xac: {  	[dreg:$0x1] =	wrdreg $0xFFFFFFFF  }
0xad: {  	[dreg:$0x0] =	wrdreg $0x60  }
0xae: {  	[dreg:$0x2] =	wrdreg s24  }
0xaf: {  	[dreg:$0x3] =	wrdreg s2  }
0xb0: {  	[dreg:$0x4] =	wrdreg $0x9  }
0xb1: {  	_ =	task.clear_ibuf [dreg:s7], $0x5FFFF;
	_ =	strace $0x90000049  }
0xb2: {  	s29 =	simm.s32 $0x9;
	_ =	strace $0x8000004B  }
0xb3: {  	_ =	swait.ge [sflag:s29], $0x1  }
0xb4: {  	[sflag:s29] =	ssyncadd.s32 $0xFFFFFFFF  }
0xb5: {  	_ =	strace $0x9000004B  }
0xb6: {  	_ =	sfence  }
0xb7: {  	s30 =	sld [smem:$0x0];
	_ =	sdelay $0x2  }
0xb8: {  	s31 =	sshll.u32 s1, $0xD;
	s1 =	sshrl.u32 s1, $0x2  }
0xb9: {  	s3 =	sand.u32 $0x4000, s31;
	s1 =	sadd.s32 s1, s30  }
0xba: {  	s0 =	sor.u32 s3, s0;
	s1 =	sshll.u32 s1, $0x11  }
0xbb: {  	s0 =	sor.u32 s1, s0  }
0xbc: {  	s0 =	sadd.s32 $0x8F2B, s0  }
0xbd: {  	[sflag:s0] =	ssyncadd.remote.s32 $0x1  }
0xbe: {  	_ =	sfence.sel $0xFFFF  }
0xbf: {  	[dreg:$0x0] =	wrdreg $0xFFFFFFFF;
	(pc) =	sbr.abs _section_cstart, $3  }
0xc0: {  	[dreg:$0x1] =	wrdreg $0xFFFFFFFF  }
0xc1: {  	_ =	task.clear_ibuf [dreg:s7], $0x2FFFF;
	_ =	strace $0x9FFFFFFF  }
0xc2: {  	(tm) =	ssettm $0x7FFFFFFF  }
0xc3: {  	_ =	shalt  }
tec
execute0_lowered:
.L_overlay_start_1:
0x0: {  	(tag) =	ssettag $0x1  }
0x1: {  	s0 =	rddreg [dreg:$0x0]  }
0x2: {  	s5 =	rddreg [dreg:$0x1];
	s3 =	srdreg.scid  }
0x3: {  	s2 =	simm.s32 $0x0;
	s1 =	stileid.u32;
	s26 =	simm.s32 $0x880  }
0x4: {  	s10 =	simm.s32 $0x1880;
	s11 =	simm.s32 $0x2080;
	s12 =	simm.s32 $0x2880  }
0x5: {  	s13 =	simm.s32 $0x3080;
	s14 =	simm.s32 $0x3880;
	s15 =	simm.s32 $0x4080  }
0x6: {  	s16 =	simm.s32 $0x4880;
	s17 =	simm.s32 $0x5080;
	s18 =	simm.s32 $0x5880  }
0x7: {  	s19 =	simm.s32 $0x6080;
	s20 =	simm.s32 $0x6880;
	s21 =	simm.s32 $0x7080  }
0x8: {  	s22 =	simm.s32 $0x7880;
	s28 =	simm.s32 $0xA080;
	s29 =	simm.s32 $0xA880  }
0x9: {  	s30 =	simm.s32 $0xB080;
	s31 =	simm.s32 $0xB880;
	s3 =	sand.u32 $0x1, s3  }
0xa: {  	[smem:$0x7FF] =	sst s2;
	s4 =	sshll.u32 s1, $0x4;
	s6 =	sshll.u32 s3, $0x3  }
0xb: {  	_ =	strace $0x8000004A;
	s23 =	ssub.s32 $0x2, s3;
	s3 =	sadd.s32 $0x1600, s0  }
0xc: {  	[dreg:$0x5] =	wrdreg s26;
	s26 =	simm.s32 $0x9880;
	s4 =	sor.u32 s6, s4  }
0xd: {  	s8 =	sshrl.u32 s23, $0x1;
	s7 =	sadd.s32 s4, s0;
	s9 =	smul.u32 $0x300, s4  }
0xe: {  	s6 =	ssub.s32 s23, s8;
	s4 =	sadd.s32 $0x1700, s0;
	s8 =	simm.s32 $0x80  }
0xf: {  	s23 =	simm.s32 $0x8080;
	s24 =	sadd.s32 $0x1400, s7;
	s6 =	smax.u32 s6, $0x1  }
0x10: {  	v2 =	vlaneseq.u32;
	s7 =	simm.s32 $0x2;
	[dreg:$0x3] =	wrdreg s24;
	s25 =	sadd.s32 s5, s9  }
0x11: {  	vm0 =	vmmov $0xffff;
	v1 =	vshrl.u32 v2, $0x3;
	s5 =	sadd.s32 $0x1800, s0;
	s9 =	simm.s32 $0x1080;
	s24 =	simm.s32 $0x8880  }
0x12: {  	v0 =	vand.u32 $0x7, v2;
	v2 =	vor.u32 $0x8, v2;
	v1 =	vmul.u32 $0x8, v1;
	s0 =	simm.s32 $0x1;
	[dreg:$0x4] =	wrdreg s25;
	s25 =	simm.s32 $0x9080  }
.LBB2_1:
0x13: {  	s1 =	rddreg [dreg:$0x3]  }
0x14: {  	[tilespmem:s2], [sflag:$0x2] =	stream.linear.gather [hbm4b:s1+s2], $0x40, $0x38;
	[tilespmem:$0xC080] =	vst v63  }
0x15: {  	_ =	swait.ge [sflag:s7], $0x40  }
0x16: {  	[sflag:s7] =	ssyncset.done $0x0  }
0x17: {  	[sflag:s7] =	ssyncadd.s32 $0xFFFFFFC0  }
0x18: {  	v3 =	vld [tilespmem:$0x0];
	_ =	sdelay $0x4  }
0x19: {  	v4 =	vshrl.u32 v3, $0x3  }
0x1a: {  	v4 =	vmul.u32 $0x30, v4  }
0x1b: {  	v3 =	vand.u32 $0x7, v3  }
0x1c: {  	v3 =	vor.u32 v3, v4  }
0x1d: {  	v4 =	vperm.xlane v3, v0;
	_ =	sdelay $0x1  }
0x1e: {  	v4 =	vadd.s32 v1, v4;
	_ =	sdelay $0x3  }
0x1f: {  	v3 =	vperm.xlane v3, v2  }
0x20: {  	[tilespmem:s8], [sflag:$0x1] =	stream.indirect_vreg.gather [hbm4b:s3+s2], $0x80, v4, vm0, $0xb8;
	[tilespmem:$0xC080] =	vst v63  }
0x21: {  	s1 =	rddreg [dreg:$0x5];
	v3 =	vadd.s32 v1, v3  }
0x22: {  	[tilespmem:s1], [sflag:$0x1] =	stream.indirect_vreg.gather [hbm4b:s4+s2], $0x80, v4, vm0, $0xb8;
	[tilespmem:$0xC080] =	vst v63  }
0x23: {  	_ = 	snop  }
0x24: {  	[tilespmem:s9], [sflag:$0x1] =	stream.indirect_vreg.gather [hbm4b:s5+s2], $0x80, v4, vm0, $0xb8;
	[tilespmem:$0xC080] =	vst v63  }
0x25: {  	_ = 	snop  }
0x26: {  	[tilespmem:s10], [sflag:$0x1] =	stream.indirect_vreg.gather [hbm4b:s3+s2], $0x80, v3, vm0, $0xb8;
	[tilespmem:$0xC080] =	vst v63  }
0x27: {  	_ = 	snop  }
0x28: {  	[tilespmem:s11], [sflag:$0x1] =	stream.indirect_vreg.gather [hbm4b:s4+s2], $0x80, v3, vm0, $0xb8;
	[tilespmem:$0xC080] =	vst v63  }
0x29: {  	_ = 	snop  }
0x2a: {  	[tilespmem:s12], [sflag:$0x1] =	stream.indirect_vreg.gather [hbm4b:s5+s2], $0x80, v3, vm0, $0xb8;
	[tilespmem:$0xC080] =	vst v63  }
0x2b: {  	v3 =	vld [tilespmem:$0x10];
	_ =	sdelay $0x4  }
0x2c: {  	v61 =	vshrl.u32 v3, $0x3  }
0x2d: {  	v4 =	vmul.u32 $0x30, v61  }
0x2e: {  	v3 =	vand.u32 $0x7, v3  }
0x2f: {  	v3 =	vor.u32 v3, v4  }
0x30: {  	v4 =	vperm.xlane v3, v0;
	_ =	sdelay $0x1  }
0x31: {  	v4 =	vadd.s32 v1, v4;
	_ =	sdelay $0x3  }
0x32: {  	v3 =	vperm.xlane v3, v2  }
0x33: {  	[tilespmem:s13], [sflag:$0x1] =	stream.indirect_vreg.gather [hbm4b:s3+s2], $0x80, v4, vm0, $0xb8;
	[tilespmem:$0xC080] =	vst v63  }
0x34: {  	v3 =	vadd.s32 v1, v3  }
0x35: {  	[tilespmem:s14], [sflag:$0x1] =	stream.indirect_vreg.gather [hbm4b:s4+s2], $0x80, v4, vm0, $0xb8;
	[tilespmem:$0xC080] =	vst v63  }
0x36: {  	_ = 	snop  }
0x37: {  	[tilespmem:s15], [sflag:$0x1] =	stream.indirect_vreg.gather [hbm4b:s5+s2], $0x80, v4, vm0, $0xb8;
	[tilespmem:$0xC080] =	vst v63  }
0x38: {  	_ = 	snop  }
0x39: {  	[tilespmem:s16], [sflag:$0x1] =	stream.indirect_vreg.gather [hbm4b:s3+s2], $0x80, v3, vm0, $0xb8;
	[tilespmem:$0xC080] =	vst v63  }
0x3a: {  	_ = 	snop  }
0x3b: {  	[tilespmem:s17], [sflag:$0x1] =	stream.indirect_vreg.gather [hbm4b:s4+s2], $0x80, v3, vm0, $0xb8;
	[tilespmem:$0xC080] =	vst v63  }
0x3c: {  	_ = 	snop  }
0x3d: {  	[tilespmem:s18], [sflag:$0x1] =	stream.indirect_vreg.gather [hbm4b:s5+s2], $0x80, v3, vm0, $0xb8;
	[tilespmem:$0xC080] =	vst v63  }
0x3e: {  	v3 =	vld [tilespmem:$0x20];
	_ =	sdelay $0x4  }
0x3f: {  	v62 =	vshrl.u32 v3, $0x3  }
0x40: {  	v4 =	vmul.u32 $0x30, v62  }
0x41: {  	v3 =	vand.u32 $0x7, v3  }
0x42: {  	v3 =	vor.u32 v3, v4  }
0x43: {  	v4 =	vperm.xlane v3, v0;
	_ =	sdelay $0x1  }
0x44: {  	v4 =	vadd.s32 v1, v4;
	_ =	sdelay $0x3  }
0x45: {  	v3 =	vperm.xlane v3, v2  }
0x46: {  	[tilespmem:s19], [sflag:$0x1] =	stream.indirect_vreg.gather [hbm4b:s3+s2], $0x80, v4, vm0, $0xb8;
	[tilespmem:$0xC080] =	vst v63  }
0x47: {  	v3 =	vadd.s32 v1, v3  }
0x48: {  	[tilespmem:s20], [sflag:$0x1] =	stream.indirect_vreg.gather [hbm4b:s4+s2], $0x80, v4, vm0, $0xb8;
	[tilespmem:$0xC080] =	vst v63  }
0x49: {  	_ = 	snop  }
0x4a: {  	[tilespmem:s21], [sflag:$0x1] =	stream.indirect_vreg.gather [hbm4b:s5+s2], $0x80, v4, vm0, $0xb8;
	[tilespmem:$0xC080] =	vst v63  }
0x4b: {  	_ = 	snop  }
0x4c: {  	[tilespmem:s22], [sflag:$0x1] =	stream.indirect_vreg.gather [hbm4b:s3+s2], $0x80, v3, vm0, $0xb8;
	[tilespmem:$0xC080] =	vst v63  }
0x4d: {  	_ = 	snop  }
0x4e: {  	[tilespmem:s23], [sflag:$0x1] =	stream.indirect_vreg.gather [hbm4b:s4+s2], $0x80, v3, vm0, $0xb8;
	[tilespmem:$0xC080] =	vst v63  }
0x4f: {  	_ = 	snop  }
0x50: {  	[tilespmem:s24], [sflag:$0x1] =	stream.indirect_vreg.gather [hbm4b:s5+s2], $0x80, v3, vm0, $0xb8;
	[tilespmem:$0xC080] =	vst v63  }
0x51: {  	v3 =	vld [tilespmem:$0x30];
	_ =	sdelay $0x4  }
0x52: {  	v63 =	vshrl.u32 v3, $0x3  }
0x53: {  	v4 =	vmul.u32 $0x30, v63  }
0x54: {  	v3 =	vand.u32 $0x7, v3  }
0x55: {  	v3 =	vor.u32 v3, v4  }
0x56: {  	v4 =	vperm.xlane v3, v0;
	_ =	sdelay $0x1  }
0x57: {  	v4 =	vadd.s32 v1, v4;
	_ =	sdelay $0x3  }
0x58: {  	v3 =	vperm.xlane v3, v2  }
0x59: {  	[tilespmem:s25], [sflag:$0x1] =	stream.indirect_vreg.gather [hbm4b:s3+s2], $0x80, v4, vm0, $0xb8;
	[tilespmem:$0xC080] =	vst v63  }
0x5a: {  	v3 =	vadd.s32 v1, v3  }
0x5b: {  	[tilespmem:s26], [sflag:$0x1] =	stream.indirect_vreg.gather [hbm4b:s4+s2], $0x80, v4, vm0, $0xb8;
	[tilespmem:$0xC080] =	vst v63  }
0x5c: {  	_ = 	snop  }
0x5d: {  	[tilespmem:s28], [sflag:$0x1] =	stream.indirect_vreg.gather [hbm4b:s5+s2], $0x80, v4, vm0, $0xb8;
	[tilespmem:$0xC080] =	vst v63  }
0x5e: {  	_ = 	snop  }
0x5f: {  	[tilespmem:s29], [sflag:$0x1] =	stream.indirect_vreg.gather [hbm4b:s3+s2], $0x80, v3, vm0, $0xb8;
	[tilespmem:$0xC080] =	vst v63  }
0x60: {  	_ = 	snop  }
0x61: {  	[tilespmem:s30], [sflag:$0x1] =	stream.indirect_vreg.gather [hbm4b:s4+s2], $0x80, v3, vm0, $0xb8;
	[tilespmem:$0xC080] =	vst v63  }
0x62: {  	_ = 	snop  }
0x63: {  	[tilespmem:s31], [sflag:$0x1] =	stream.indirect_vreg.gather [hbm4b:s5+s2], $0x80, v3, vm0, $0xb8;
	[tilespmem:$0xC080] =	vst v63  }
0x64: {  	_ =	swait.ge [sflag:s0], $0xC000  }
0x65: {  	p0 =	sne.s32 s6, $0x1;
	[sflag:s0] =	ssyncset.done $0x0  }
.Ltmp0:
0x66: {  	s1 =	rddreg [dreg:$0x4];
	[sflag:s0] =	ssyncadd.s32 $0xFFFF4000;
	(pc) =	sbr.rel @p0 .LBB2_1-.Ltmp0, $4  }
0x67: {  	[hbm4b:s1+s2] =	stream.linear.scatter [tilespmem:s8], [sflag:$0x2], $0xC000, $0x38;
	[tilespmem:$0xC080] =	vst v63  }
0x68: {  	_ =	swait.ge [sflag:s7], $0xC000  }
0x69: {  	[sflag:s7] =	ssyncset.done $0x0  }
0x6a: {  	s6 =	sadd.s32 $0xFFFFFFFF, s6;
	[sflag:s7] =	ssyncadd.s32 $0xFFFF4000  }
0x6b: {  	_ =	sfence.sel $0x180000  }
0x6c: {  	[bflag:$0x0] =	sbarrier.arrive $0xFFFF  }
0x6d: {  	_ =	strace $0x9000004A  }
0x6e: {  	s0 =	stileid.u32;
	[bflag:$0x2] =	sbarrier.arrive $0xFFFF  }
0x6f: {  	p0 =	sne.s32 s0, $0x0;
	s0 =	rddreg [dreg:$0x2]  }
0x70: {  	s0 =	sadd.s32 @!p0 $0x100000, s0  }
0x71: {  	[sflag:s0] =	ssyncadd.tile.s32 @!p0 $0x1;
	_ =	shalt  }
.Lfunc_end2:
_tile_overlayer_lowered:
.L_overlay_start_2:
0x72: {  	(tag) =	ssettag $0x2  }
0x73: {  	s0 =	rddreg [dreg:$0x0];
	s2 =	stileid.u32  }
0x74: {  	s1 =	rddreg [dreg:$0x1];
	p0 =	sne.s32 s2, $0x0  }
0x75: {  	s3 =	rddreg [dreg:$0x2];
	[bflag:$0x3] =	sbarrier.arrive $0xFFFF;
	s2 =	simm.s32 @!p0 $0x1C02  }
0x76: {  	[timem:s3], [sflag:s2] =	dma.local @!p0 [hbm:s0], s1  }
0x77: {  	s0 =	simm.s32 @!p0 $0x2  }
0x78: {  	_ =	swait.ge @!p0 [sflag:s0], s1  }
0x79: {  	s1 =	ssub.s32 @!p0 $0x0, s1;
	[sflag:s0] =	ssyncset.done @!p0 $0x0  }
0x7a: {  	[sflag:s0] =	ssyncadd.s32 @!p0 s1  }
0x7b: {  	[bflag:$0x3] =	sbarrier.arrive $0xFFFF  }
0x7c: {  	_ =	shalt  }

</sc_bundles>
